<compile_context>
chip_gen: v7x
topology: tpu7x:2x2x1
jax: 0.10.2.dev20260603
libtpu: 0.0.44.dev20260713+nightly
codegen_flags: <defaults>
</compile_context>

<pallas_src>
import jax
import jax.numpy as jnp
from jax import lax
from jax.experimental import pallas as pl
from jax.experimental.pallas import tpu as pltpu
from jax.experimental.pallas import tpu_sc as plsc

BATCH = 1024
MAX_LENGTH = 200
BL = BATCH * MAX_LENGTH
D_OUT = 306
D_SMALL = 50
WORD = 128
LANES = 16
NC, NS = 2, 16
NW = NC * NS
PER_W = BL // NW
CHUNK = 80
ITERS = PER_W // CHUNK
NBUF = 2


def _full(val):
    return jnp.full((LANES,), val, dtype=jnp.int32)


def _sc_body(pos1_h, pos2_h, path_h, chk_h, sem_h,
             p1t_h, p2t_h, ptht_h, word_h,
             out_h,
             p1t_v, p2t_v, ptht_v,
             i1_v, i2_v, ip_v, ic_v, is_v,
             cbuf, sbuf, asml, abuf,
             idx_sem0, idx_sem1, gat_sem0, gat_sem1, out_sem0, out_sem1):
    wid = lax.axis_index("s") * NC + lax.axis_index("c")
    idx_hs = (pos1_h, pos2_h, path_h, chk_h, sem_h)
    idx_vs = (i1_v, i2_v, ip_v, ic_v, is_v)
    idx_sem = (idx_sem0, idx_sem1)
    gat_sem = (gat_sem0, gat_sem1)
    out_sem = (out_sem0, out_sem1)

    pltpu.sync_copy(p1t_h, p1t_v)
    pltpu.sync_copy(p2t_h, p2t_v)
    pltpu.sync_copy(ptht_h, ptht_v)

    lane = lax.iota(jnp.int32, LANES)

    def fire_idx(s, t):
        base = wid * PER_W + t * CHUNK
        for h, v in zip(idx_hs, idx_vs):
            pltpu.async_copy(h.at[pl.ds(base, CHUNK)], v.at[s], idx_sem[s])

    def drain_idx(s):
        for h, v in zip(idx_hs, idx_vs):
            pltpu.make_async_copy(h.at[pl.ds(0, CHUNK)], v.at[s], idx_sem[s]).wait()

    def out_copy(s, base):
        return (abuf.at[s], out_h.at[pl.ds(base, CHUNK)], out_sem[s])

    fire_idx(0, 0)
    fire_idx(1, 1)

    def fire_gathers(s):
        pltpu.async_copy(word_h.at[ic_v.at[s]], cbuf.at[s], gat_sem[s])
        pltpu.async_copy(word_h.at[is_v.at[s]], sbuf.at[s], gat_sem[s])

    def drain_gathers(s):
        pltpu.make_async_copy(word_h.at[ic_v.at[s]], cbuf.at[s], gat_sem[s]).wait()
        pltpu.make_async_copy(word_h.at[is_v.at[s]], sbuf.at[s], gat_sem[s]).wait()

    def smalls(s):
        @plsc.parallel_loop(0, CHUNK // LANES, step=1)
        def rows_body(r16):
            rows = (r16 * LANES + lane) * D_SMALL
            p1i = i1_v[s, pl.ds(r16 * LANES, LANES)] * 5
            p2i = i2_v[s, pl.ds(r16 * LANES, LANES)] * 5
            ppi = ip_v[s, pl.ds(r16 * LANES, LANES)] * 40
            for f in range(5):
                v = plsc.load_gather(p1t_v, [p1i + f])
                plsc.store_scatter(asml, [rows + f], v)
            for f in range(5):
                v = plsc.load_gather(p2t_v, [p2i + f])
                plsc.store_scatter(asml, [rows + (5 + f)], v)
            for f in range(40):
                v = plsc.load_gather(ptht_v, [ppi + f])
                plsc.store_scatter(asml, [rows + (10 + f)], v)

    small_plan = ((0, 0), (16, 16), (32, 32), (34, 34))
    word_plan = (
        (0, 0), (16, 16), (32, 32), (48, 48), (62, 62),
        (78, 78), (94, 94), (110, 110), (112, 112),
    )

    def copies(s):
        @plsc.parallel_loop(0, CHUNK, step=1, unroll=2)
        def copy_body(r):
            so = r * D_SMALL
            for d, w in small_plan:
                abuf[s, r, pl.ds(d, LANES)] = asml[pl.ds(so + w, LANES)]
            for d, w in word_plan:
                abuf[s, r, pl.ds(D_SMALL + d, LANES)] = cbuf[s, r, pl.ds(w, LANES)]
            for d, w in word_plan:
                abuf[s, r, pl.ds(D_SMALL + WORD + d, LANES)] = sbuf[s, r, pl.ds(w, LANES)]

    drain_idx(0)
    fire_gathers(0)
    smalls(0)

    def step(g, s):
        t = g * NBUF + s
        base = wid * PER_W + t * CHUNK
        sp = 1 - s
        drain_gathers(s)

        @pl.when(t + 1 < ITERS)
        def _():
            drain_idx(sp)
            fire_gathers(sp)

        @pl.when(g >= 1)
        def _():
            pltpu.make_async_copy(*out_copy(s, 0)).wait()

        copies(s)
        pltpu.async_copy(*out_copy(s, base))

        @pl.when(t + 1 < ITERS)
        def _():
            smalls(sp)

        @pl.when(t + NBUF < ITERS)
        def _():
            fire_idx(s, t + NBUF)

    def pair_body(g, carry):
        for s in range(NBUF):
            step(g, s)
        return carry

    lax.fori_loop(0, ITERS // NBUF, pair_body, 0, unroll=False)

    pltpu.make_async_copy(*out_copy(0, 0)).wait()
    pltpu.make_async_copy(*out_copy(1, 0)).wait()


@jax.jit
def _run(pos1, pos2, path, chunks, semantics,
         pos1_table, pos2_table, path_table, word_table):
    mesh = plsc.VectorSubcoreMesh(
        core_axis_name="c", subcore_axis_name="s",
        num_cores=NC, num_subcores=NS)
    f = pl.kernel(
        _sc_body,
        out_type=jax.ShapeDtypeStruct((BL, D_OUT), jnp.float32),
        mesh=mesh,
        scratch_types=[
            pltpu.VMEM((400 * 5,), jnp.float32),
            pltpu.VMEM((400 * 5,), jnp.float32),
            pltpu.VMEM((400 * 40,), jnp.float32),
            pltpu.VMEM((NBUF, CHUNK), jnp.int32),
            pltpu.VMEM((NBUF, CHUNK), jnp.int32),
            pltpu.VMEM((NBUF, CHUNK), jnp.int32),
            pltpu.VMEM((NBUF, CHUNK), jnp.int32),
            pltpu.VMEM((NBUF, CHUNK), jnp.int32),
            pltpu.VMEM((NBUF, CHUNK, WORD), jnp.float32),
            pltpu.VMEM((NBUF, CHUNK, WORD), jnp.float32),
            pltpu.VMEM((CHUNK * D_SMALL + LANES,), jnp.float32),
            pltpu.VMEM((NBUF, CHUNK, D_OUT), jnp.float32),
            pltpu.SemaphoreType.DMA,
            pltpu.SemaphoreType.DMA,
            pltpu.SemaphoreType.DMA,
            pltpu.SemaphoreType.DMA,
            pltpu.SemaphoreType.DMA,
            pltpu.SemaphoreType.DMA,
        ],
        compiler_params=pltpu.CompilerParams(
            use_tc_tiling_on_sc=True, needs_layout_passes=False),
        name="bert_embed_concat_sc",
    )
    return f(pos1, pos2, path, chunks, semantics,
             pos1_table, pos2_table, path_table, word_table)


def kernel(token, att_mask, pos1, pos2, path, chunks, semantics,
           pos1_table, pos2_table, path_table, word_table):
    del token, att_mask
    out = _run(pos1.reshape(BL), pos2.reshape(BL), path.reshape(BL),
               chunks.reshape(BL), semantics.reshape(BL),
               pos1_table.reshape(-1), pos2_table.reshape(-1),
               path_table.reshape(-1), word_table)
    return out.reshape(BATCH, MAX_LENGTH, D_OUT)

# --- scband reference (transcript-rebuilt; emitter-appended) ---
"""Pipeline reference for scband-bertencoder-83021717832394 (READ-ONLY COPY).

The authoritative reference and input builder live on the scoring server;
editing this copy changes nothing except your own understanding.
"""

import jax, jax.numpy as jnp
import numpy as np

VOCAB = 100000
WORD_SIZE = 128
MAX_LENGTH = 200
POS_VOCAB = 2 * MAX_LENGTH  # 400
BATCH = 1024


def setup_inputs(seed: int = 0) -> dict:
    key = jax.random.key(seed)
    ks = jax.random.split(key, 16)
    token = jax.random.randint(ks[0], (BATCH, MAX_LENGTH), 0, VOCAB, dtype=jnp.int32)
    att_mask = jnp.ones((BATCH, MAX_LENGTH), dtype=jnp.int32)
    pos1 = jax.random.randint(ks[1], (BATCH, MAX_LENGTH), 0, POS_VOCAB, dtype=jnp.int32)
    pos2 = jax.random.randint(ks[2], (BATCH, MAX_LENGTH), 0, POS_VOCAB, dtype=jnp.int32)
    path = jax.random.randint(ks[3], (BATCH, MAX_LENGTH), 0, POS_VOCAB, dtype=jnp.int32)
    chunks = jax.random.randint(ks[4], (BATCH, MAX_LENGTH), 0, VOCAB, dtype=jnp.int32)
    semantics = jax.random.randint(ks[5], (BATCH, MAX_LENGTH), 0, VOCAB, dtype=jnp.int32)
    # Learned embedding tables (padding_idx=0 -> zero row, as in nn.Embedding(padding_idx=0))
    pos1_table = jax.random.normal(ks[6], (POS_VOCAB, 5), dtype=jnp.float32)
    pos1_table = pos1_table.at[0].set(0.0)
    pos2_table = jax.random.normal(ks[7], (POS_VOCAB, 5), dtype=jnp.float32)
    pos2_table = pos2_table.at[0].set(0.0)
    path_table = jax.random.normal(ks[8], (POS_VOCAB, 40), dtype=jnp.float32)
    path_table = path_table.at[0].set(0.0)
    word_table = jax.random.normal(ks[9], (VOCAB, WORD_SIZE), dtype=jnp.float32) / np.sqrt(WORD_SIZE)
    return {
        "token": token,
        "att_mask": att_mask,
        "pos1": pos1,
        "pos2": pos2,
        "path": path,
        "chunks": chunks,
        "semantics": semantics,
        "pos1_table": pos1_table,
        "pos2_table": pos2_table,
        "path_table": path_table,
        "word_table": word_table,
    }


def reference(token, att_mask, pos1, pos2, path, chunks, semantics,
              pos1_table, pos2_table, path_table, word_table):
    # Faithful translation of the embedding-lookup computation in forward():
    #   pos1 = self.pos1_embedding(pos1)
    #   pos2 = self.pos2_embedding(pos2)
    #   path = self.path_embedding(path)
    #   chunks = self.word_embedding(chunks)
    #   semantics = self.word_embedding(semantics)  (e_semantics=True)
    # NOTE: the original forward references an undefined `x`; we return the
    # concatenation of all computed embedding lookups along the feature dim
    # so the module has a well-defined output covering every lookup op.
    p1 = jnp.take(pos1_table, pos1, axis=0)      # [B, L, 5]
    p2 = jnp.take(pos2_table, pos2, axis=0)      # [B, L, 5]
    pth = jnp.take(path_table, path, axis=0)     # [B, L, 40]
    chk = jnp.take(word_table, chunks, axis=0)   # [B, L, 128]
    sem = jnp.take(word_table, semantics, axis=0)  # [B, L, 128]
    return jnp.concatenate([p1, p2, pth, chk, sem], axis=-1)  # [B, L, 306]

if __name__ == "__main__":
    import jax
    _d = setup_inputs()
    print(jax.jit(kernel)(*tuple(_d.values())))

</pallas_src>

<mosaic_0001>
#map = affine_map<(d0, d1) -> (0)>
#map1 = affine_map<(d0, d1) -> (0, 0)>
module attributes {stable_mosaic.version = 14 : i64} {
  func.func @bert_embed_concat_sc(%arg0: i32, %arg1: i32, %arg2: memref<204800xi32, #tpu.memory_space<hbm>>, %arg3: memref<204800xi32, #tpu.memory_space<hbm>>, %arg4: memref<204800xi32, #tpu.memory_space<hbm>>, %arg5: memref<204800xi32, #tpu.memory_space<hbm>>, %arg6: memref<204800xi32, #tpu.memory_space<hbm>>, %arg7: memref<2000xf32, #tpu.memory_space<hbm>>, %arg8: memref<2000xf32, #tpu.memory_space<hbm>>, %arg9: memref<16000xf32, #tpu.memory_space<hbm>>, %arg10: memref<100000x128xf32, #tpu.memory_space<hbm>>, %arg11: memref<204800x306xf32, #tpu.memory_space<hbm>>, %arg12: memref<2000xf32, #tpu.memory_space<vmem>>, %arg13: memref<2000xf32, #tpu.memory_space<vmem>>, %arg14: memref<16000xf32, #tpu.memory_space<vmem>>, %arg15: memref<2x80xi32, #tpu.memory_space<vmem>>, %arg16: memref<2x80xi32, #tpu.memory_space<vmem>>, %arg17: memref<2x80xi32, #tpu.memory_space<vmem>>, %arg18: memref<2x80xi32, #tpu.memory_space<vmem>>, %arg19: memref<2x80xi32, #tpu.memory_space<vmem>>, %arg20: memref<2x80x128xf32, #tpu.memory_space<vmem>>, %arg21: memref<2x80x128xf32, #tpu.memory_space<vmem>>, %arg22: memref<4016xf32, #tpu.memory_space<vmem>>, %arg23: memref<2x80x306xf32, #tpu.memory_space<vmem>>, %arg24: memref<!tpu.dma_semaphore, #tpu.memory_space<semaphore_mem>>, %arg25: memref<!tpu.dma_semaphore, #tpu.memory_space<semaphore_mem>>, %arg26: memref<!tpu.dma_semaphore, #tpu.memory_space<semaphore_mem>>, %arg27: memref<!tpu.dma_semaphore, #tpu.memory_space<semaphore_mem>>, %arg28: memref<!tpu.dma_semaphore, #tpu.memory_space<semaphore_mem>>, %arg29: memref<!tpu.dma_semaphore, #tpu.memory_space<semaphore_mem>>) attributes {dimension_semantics = [#tpu.dimension_semantics<core_parallel>, #tpu.dimension_semantics<subcore_parallel>], iteration_bounds = array<i64: 2, 16>, scalar_prefetch = 0 : i64, scratch_operands = 18 : i64, tpu.core_type = #tpu.core_type<sc_vector_subcore>, window_params = [{transform_indices = #map}, {transform_indices = #map}, {transform_indices = #map}, {transform_indices = #map}, {transform_indices = #map}, {transform_indices = #map}, {transform_indices = #map}, {transform_indices = #map}, {transform_indices = #map1}, {transform_indices = #map1}]} {
    %mul3A = arith.constant 2 : i32
    %mul3A_0 = arith.muli %arg1, %mul3A : i32
    %add3A = arith.addi %mul3A_0, %arg0 : i32
    "tpu.region"() ({
      %run_scoped3A = tpu.sem_alloc : memref<!tpu.dma_semaphore, #tpu.memory_space<semaphore_mem>>
      tpu.enqueue_dma source(%arg7 : memref<2000xf32, #tpu.memory_space<hbm>>) target(%arg12 : memref<2000xf32, #tpu.memory_space<vmem>>) target_semaphore(%run_scoped3A : memref<!tpu.dma_semaphore, #tpu.memory_space<semaphore_mem>>)
      tpu.wait_dma2 semaphore(%run_scoped3A : memref<!tpu.dma_semaphore, #tpu.memory_space<semaphore_mem>>) src(%arg7 : memref<2000xf32, #tpu.memory_space<hbm>>) dst(%arg12 : memref<2000xf32, #tpu.memory_space<vmem>>)
      tpu.yield
    }) : () -> ()
    "tpu.region"() ({
      %run_scoped3A = tpu.sem_alloc : memref<!tpu.dma_semaphore, #tpu.memory_space<semaphore_mem>>
      tpu.enqueue_dma source(%arg8 : memref<2000xf32, #tpu.memory_space<hbm>>) target(%arg13 : memref<2000xf32, #tpu.memory_space<vmem>>) target_semaphore(%run_scoped3A : memref<!tpu.dma_semaphore, #tpu.memory_space<semaphore_mem>>)
      tpu.wait_dma2 semaphore(%run_scoped3A : memref<!tpu.dma_semaphore, #tpu.memory_space<semaphore_mem>>) src(%arg8 : memref<2000xf32, #tpu.memory_space<hbm>>) dst(%arg13 : memref<2000xf32, #tpu.memory_space<vmem>>)
      tpu.yield
    }) : () -> ()
    "tpu.region"() ({
      %run_scoped3A = tpu.sem_alloc : memref<!tpu.dma_semaphore, #tpu.memory_space<semaphore_mem>>
      tpu.enqueue_dma source(%arg9 : memref<16000xf32, #tpu.memory_space<hbm>>) target(%arg14 : memref<16000xf32, #tpu.memory_space<vmem>>) target_semaphore(%run_scoped3A : memref<!tpu.dma_semaphore, #tpu.memory_space<semaphore_mem>>)
      tpu.wait_dma2 semaphore(%run_scoped3A : memref<!tpu.dma_semaphore, #tpu.memory_space<semaphore_mem>>) src(%arg9 : memref<16000xf32, #tpu.memory_space<hbm>>) dst(%arg14 : memref<16000xf32, #tpu.memory_space<vmem>>)
      tpu.yield
    }) : () -> ()
    %iota3A = tpu.iota {dimensions = array<i32: 0>} : vector<16xi32>
    %mul3A_1 = arith.constant 6400 : i32
    %mul3A_2 = arith.muli %add3A, %mul3A_1 : i32
    %add3A_3 = arith.constant 0 : i32
    %add3A_4 = arith.addi %mul3A_2, %add3A_3 : i32
    %dma_start3A = arith.constant 0 : i32
    %dma_start3A_5 = arith.constant 0 : i32
    %dma_start3A_6 = tpu.memref_slice %arg15[%dma_start3A, %dma_start3A_5] : memref<2x80xi32, #tpu.memory_space<vmem>> -> memref<1x80xi32, #tpu.memory_space<vmem>>
    %dma_start3A_7 = tpu.memref_squeeze %dma_start3A_6 : memref<1x80xi32, #tpu.memory_space<vmem>> -> memref<80xi32, #tpu.memory_space<vmem>>
    %dma_start3A_8 = tpu.memref_slice %arg2[%add3A_4] : memref<204800xi32, #tpu.memory_space<hbm>> -> memref<80xi32, #tpu.memory_space<hbm>>
    %dma_start3A_9 = arith.constant 0 : i32
    %dma_start3A_10 = tpu.memref_slice %arg15[%dma_start3A, %dma_start3A_9] : memref<2x80xi32, #tpu.memory_space<vmem>> -> memref<1x80xi32, #tpu.memory_space<vmem>>
    %dma_start3A_11 = tpu.memref_squeeze %dma_start3A_10 : memref<1x80xi32, #tpu.memory_space<vmem>> -> memref<80xi32, #tpu.memory_space<vmem>>
    %dma_start3A_12 = tpu.memref_slice %arg2[%add3A_4] : memref<204800xi32, #tpu.memory_space<hbm>> -> memref<80xi32, #tpu.memory_space<hbm>>
    tpu.enqueue_dma source(%dma_start3A_12 : memref<80xi32, #tpu.memory_space<hbm>>) target(%dma_start3A_11 : memref<80xi32, #tpu.memory_space<vmem>>) target_semaphore(%arg24 : memref<!tpu.dma_semaphore, #tpu.memory_space<semaphore_mem>>)
    %dma_start3A_13 = arith.constant 0 : i32
    %dma_start3A_14 = arith.constant 0 : i32
    %dma_start3A_15 = tpu.memref_slice %arg16[%dma_start3A_13, %dma_start3A_14] : memref<2x80xi32, #tpu.memory_space<vmem>> -> memref<1x80xi32, #tpu.memory_space<vmem>>
    %dma_start3A_16 = tpu.memref_squeeze %dma_start3A_15 : memref<1x80xi32, #tpu.memory_space<vmem>> -> memref<80xi32, #tpu.memory_space<vmem>>
    %dma_start3A_17 = tpu.memref_slice %arg3[%add3A_4] : memref<204800xi32, #tpu.memory_space<hbm>> -> memref<80xi32, #tpu.memory_space<hbm>>
    %dma_start3A_18 = arith.constant 0 : i32
    %dma_start3A_19 = tpu.memref_slice %arg16[%dma_start3A_13, %dma_start3A_18] : memref<2x80xi32, #tpu.memory_space<vmem>> -> memref<1x80xi32, #tpu.memory_space<vmem>>
    %dma_start3A_20 = tpu.memref_squeeze %dma_start3A_19 : memref<1x80xi32, #tpu.memory_space<vmem>> -> memref<80xi32, #tpu.memory_space<vmem>>
    %dma_start3A_21 = tpu.memref_slice %arg3[%add3A_4] : memref<204800xi32, #tpu.memory_space<hbm>> -> memref<80xi32, #tpu.memory_space<hbm>>
    tpu.enqueue_dma source(%dma_start3A_21 : memref<80xi32, #tpu.memory_space<hbm>>) target(%dma_start3A_20 : memref<80xi32, #tpu.memory_space<vmem>>) target_semaphore(%arg24 : memref<!tpu.dma_semaphore, #tpu.memory_space<semaphore_mem>>)
    %dma_start3A_22 = arith.constant 0 : i32
    %dma_start3A_23 = arith.constant 0 : i32
    %dma_start3A_24 = tpu.memref_slice %arg17[%dma_start3A_22, %dma_start3A_23] : memref<2x80xi32, #tpu.memory_space<vmem>> -> memref<1x80xi32, #tpu.memory_space<vmem>>
    %dma_start3A_25 = tpu.memref_squeeze %dma_start3A_24 : memref<1x80xi32, #tpu.memory_space<vmem>> -> memref<80xi32, #tpu.memory_space<vmem>>
    %dma_start3A_26 = tpu.memref_slice %arg4[%add3A_4] : memref<204800xi32, #tpu.memory_space<hbm>> -> memref<80xi32, #tpu.memory_space<hbm>>
    %dma_start3A_27 = arith.constant 0 : i32
    %dma_start3A_28 = tpu.memref_slice %arg17[%dma_start3A_22, %dma_start3A_27] : memref<2x80xi32, #tpu.memory_space<vmem>> -> memref<1x80xi32, #tpu.memory_space<vmem>>
    %dma_start3A_29 = tpu.memref_squeeze %dma_start3A_28 : memref<1x80xi32, #tpu.memory_space<vmem>> -> memref<80xi32, #tpu.memory_space<vmem>>
    %dma_start3A_30 = tpu.memref_slice %arg4[%add3A_4] : memref<204800xi32, #tpu.memory_space<hbm>> -> memref<80xi32, #tpu.memory_space<hbm>>
    tpu.enqueue_dma source(%dma_start3A_30 : memref<80xi32, #tpu.memory_space<hbm>>) target(%dma_start3A_29 : memref<80xi32, #tpu.memory_space<vmem>>) target_semaphore(%arg24 : memref<!tpu.dma_semaphore, #tpu.memory_space<semaphore_mem>>)
    %dma_start3A_31 = arith.constant 0 : i32
    %dma_start3A_32 = arith.constant 0 : i32
    %dma_start3A_33 = tpu.memref_slice %arg18[%dma_start3A_31, %dma_start3A_32] : memref<2x80xi32, #tpu.memory_space<vmem>> -> memref<1x80xi32, #tpu.memory_space<vmem>>
    %dma_start3A_34 = tpu.memref_squeeze %dma_start3A_33 : memref<1x80xi32, #tpu.memory_space<vmem>> -> memref<80xi32, #tpu.memory_space<vmem>>
    %dma_start3A_35 = tpu.memref_slice %arg5[%add3A_4] : memref<204800xi32, #tpu.memory_space<hbm>> -> memref<80xi32, #tpu.memory_space<hbm>>
    %dma_start3A_36 = arith.constant 0 : i32
    %dma_start3A_37 = tpu.memref_slice %arg18[%dma_start3A_31, %dma_start3A_36] : memref<2x80xi32, #tpu.memory_space<vmem>> -> memref<1x80xi32, #tpu.memory_space<vmem>>
    %dma_start3A_38 = tpu.memref_squeeze %dma_start3A_37 : memref<1x80xi32, #tpu.memory_space<vmem>> -> memref<80xi32, #tpu.memory_space<vmem>>
    %dma_start3A_39 = tpu.memref_slice %arg5[%add3A_4] : memref<204800xi32, #tpu.memory_space<hbm>> -> memref<80xi32, #tpu.memory_space<hbm>>
    tpu.enqueue_dma source(%dma_start3A_39 : memref<80xi32, #tpu.memory_space<hbm>>) target(%dma_start3A_38 : memref<80xi32, #tpu.memory_space<vmem>>) target_semaphore(%arg24 : memref<!tpu.dma_semaphore, #tpu.memory_space<semaphore_mem>>)
    %dma_start3A_40 = arith.constant 0 : i32
    %dma_start3A_41 = arith.constant 0 : i32
    %dma_start3A_42 = tpu.memref_slice %arg19[%dma_start3A_40, %dma_start3A_41] : memref<2x80xi32, #tpu.memory_space<vmem>> -> memref<1x80xi32, #tpu.memory_space<vmem>>
    %dma_start3A_43 = tpu.memref_squeeze %dma_start3A_42 : memref<1x80xi32, #tpu.memory_space<vmem>> -> memref<80xi32, #tpu.memory_space<vmem>>
    %dma_start3A_44 = tpu.memref_slice %arg6[%add3A_4] : memref<204800xi32, #tpu.memory_space<hbm>> -> memref<80xi32, #tpu.memory_space<hbm>>
    %dma_start3A_45 = arith.constant 0 : i32
    %dma_start3A_46 = tpu.memref_slice %arg19[%dma_start3A_40, %dma_start3A_45] : memref<2x80xi32, #tpu.memory_space<vmem>> -> memref<1x80xi32, #tpu.memory_space<vmem>>
    %dma_start3A_47 = tpu.memref_squeeze %dma_start3A_46 : memref<1x80xi32, #tpu.memory_space<vmem>> -> memref<80xi32, #tpu.memory_space<vmem>>
    %dma_start3A_48 = tpu.memref_slice %arg6[%add3A_4] : memref<204800xi32, #tpu.memory_space<hbm>> -> memref<80xi32, #tpu.memory_space<hbm>>
    tpu.enqueue_dma source(%dma_start3A_48 : memref<80xi32, #tpu.memory_space<hbm>>) target(%dma_start3A_47 : memref<80xi32, #tpu.memory_space<vmem>>) target_semaphore(%arg24 : memref<!tpu.dma_semaphore, #tpu.memory_space<semaphore_mem>>)
    %mul3A_49 = arith.constant 6400 : i32
    %mul3A_50 = arith.muli %add3A, %mul3A_49 : i32
    %add3A_51 = arith.constant 80 : i32
    %add3A_52 = arith.addi %mul3A_50, %add3A_51 : i32
    %dma_start3A_53 = arith.constant 1 : i32
    %dma_start3A_54 = arith.constant 0 : i32
    %dma_start3A_55 = tpu.memref_slice %arg15[%dma_start3A_53, %dma_start3A_54] : memref<2x80xi32, #tpu.memory_space<vmem>> -> memref<1x80xi32, #tpu.memory_space<vmem>>
    %dma_start3A_56 = tpu.memref_squeeze %dma_start3A_55 : memref<1x80xi32, #tpu.memory_space<vmem>> -> memref<80xi32, #tpu.memory_space<vmem>>
    %dma_start3A_57 = tpu.memref_slice %arg2[%add3A_52] : memref<204800xi32, #tpu.memory_space<hbm>> -> memref<80xi32, #tpu.memory_space<hbm>>
    %dma_start3A_58 = arith.constant 0 : i32
    %dma_start3A_59 = tpu.memref_slice %arg15[%dma_start3A_53, %dma_start3A_58] : memref<2x80xi32, #tpu.memory_space<vmem>> -> memref<1x80xi32, #tpu.memory_space<vmem>>
    %dma_start3A_60 = tpu.memref_squeeze %dma_start3A_59 : memref<1x80xi32, #tpu.memory_space<vmem>> -> memref<80xi32, #tpu.memory_space<vmem>>
    %dma_start3A_61 = tpu.memref_slice %arg2[%add3A_52] : memref<204800xi32, #tpu.memory_space<hbm>> -> memref<80xi32, #tpu.memory_space<hbm>>
    tpu.enqueue_dma source(%dma_start3A_61 : memref<80xi32, #tpu.memory_space<hbm>>) target(%dma_start3A_60 : memref<80xi32, #tpu.memory_space<vmem>>) target_semaphore(%arg25 : memref<!tpu.dma_semaphore, #tpu.memory_space<semaphore_mem>>)
    %dma_start3A_62 = arith.constant 1 : i32
    %dma_start3A_63 = arith.constant 0 : i32
    %dma_start3A_64 = tpu.memref_slice %arg16[%dma_start3A_62, %dma_start3A_63] : memref<2x80xi32, #tpu.memory_space<vmem>> -> memref<1x80xi32, #tpu.memory_space<vmem>>
    %dma_start3A_65 = tpu.memref_squeeze %dma_start3A_64 : memref<1x80xi32, #tpu.memory_space<vmem>> -> memref<80xi32, #tpu.memory_space<vmem>>
    %dma_start3A_66 = tpu.memref_slice %arg3[%add3A_52] : memref<204800xi32, #tpu.memory_space<hbm>> -> memref<80xi32, #tpu.memory_space<hbm>>
    %dma_start3A_67 = arith.constant 0 : i32
    %dma_start3A_68 = tpu.memref_slice %arg16[%dma_start3A_62, %dma_start3A_67] : memref<2x80xi32, #tpu.memory_space<vmem>> -> memref<1x80xi32, #tpu.memory_space<vmem>>
    %dma_start3A_69 = tpu.memref_squeeze %dma_start3A_68 : memref<1x80xi32, #tpu.memory_space<vmem>> -> memref<80xi32, #tpu.memory_space<vmem>>
    %dma_start3A_70 = tpu.memref_slice %arg3[%add3A_52] : memref<204800xi32, #tpu.memory_space<hbm>> -> memref<80xi32, #tpu.memory_space<hbm>>
    tpu.enqueue_dma source(%dma_start3A_70 : memref<80xi32, #tpu.memory_space<hbm>>) target(%dma_start3A_69 : memref<80xi32, #tpu.memory_space<vmem>>) target_semaphore(%arg25 : memref<!tpu.dma_semaphore, #tpu.memory_space<semaphore_mem>>)
    %dma_start3A_71 = arith.constant 1 : i32
    %dma_start3A_72 = arith.constant 0 : i32
    %dma_start3A_73 = tpu.memref_slice %arg17[%dma_start3A_71, %dma_start3A_72] : memref<2x80xi32, #tpu.memory_space<vmem>> -> memref<1x80xi32, #tpu.memory_space<vmem>>
    %dma_start3A_74 = tpu.memref_squeeze %dma_start3A_73 : memref<1x80xi32, #tpu.memory_space<vmem>> -> memref<80xi32, #tpu.memory_space<vmem>>
    %dma_start3A_75 = tpu.memref_slice %arg4[%add3A_52] : memref<204800xi32, #tpu.memory_space<hbm>> -> memref<80xi32, #tpu.memory_space<hbm>>
    %dma_start3A_76 = arith.constant 0 : i32
    %dma_start3A_77 = tpu.memref_slice %arg17[%dma_start3A_71, %dma_start3A_76] : memref<2x80xi32, #tpu.memory_space<vmem>> -> memref<1x80xi32, #tpu.memory_space<vmem>>
    %dma_start3A_78 = tpu.memref_squeeze %dma_start3A_77 : memref<1x80xi32, #tpu.memory_space<vmem>> -> memref<80xi32, #tpu.memory_space<vmem>>
    %dma_start3A_79 = tpu.memref_slice %arg4[%add3A_52] : memref<204800xi32, #tpu.memory_space<hbm>> -> memref<80xi32, #tpu.memory_space<hbm>>
    tpu.enqueue_dma source(%dma_start3A_79 : memref<80xi32, #tpu.memory_space<hbm>>) target(%dma_start3A_78 : memref<80xi32, #tpu.memory_space<vmem>>) target_semaphore(%arg25 : memref<!tpu.dma_semaphore, #tpu.memory_space<semaphore_mem>>)
    %dma_start3A_80 = arith.constant 1 : i32
    %dma_start3A_81 = arith.constant 0 : i32
    %dma_start3A_82 = tpu.memref_slice %arg18[%dma_start3A_80, %dma_start3A_81] : memref<2x80xi32, #tpu.memory_space<vmem>> -> memref<1x80xi32, #tpu.memory_space<vmem>>
    %dma_start3A_83 = tpu.memref_squeeze %dma_start3A_82 : memref<1x80xi32, #tpu.memory_space<vmem>> -> memref<80xi32, #tpu.memory_space<vmem>>
    %dma_start3A_84 = tpu.memref_slice %arg5[%add3A_52] : memref<204800xi32, #tpu.memory_space<hbm>> -> memref<80xi32, #tpu.memory_space<hbm>>
    %dma_start3A_85 = arith.constant 0 : i32
    %dma_start3A_86 = tpu.memref_slice %arg18[%dma_start3A_80, %dma_start3A_85] : memref<2x80xi32, #tpu.memory_space<vmem>> -> memref<1x80xi32, #tpu.memory_space<vmem>>
    %dma_start3A_87 = tpu.memref_squeeze %dma_start3A_86 : memref<1x80xi32, #tpu.memory_space<vmem>> -> memref<80xi32, #tpu.memory_space<vmem>>
    %dma_start3A_88 = tpu.memref_slice %arg5[%add3A_52] : memref<204800xi32, #tpu.memory_space<hbm>> -> memref<80xi32, #tpu.memory_space<hbm>>
    tpu.enqueue_dma source(%dma_start3A_88 : memref<80xi32, #tpu.memory_space<hbm>>) target(%dma_start3A_87 : memref<80xi32, #tpu.memory_space<vmem>>) target_semaphore(%arg25 : memref<!tpu.dma_semaphore, #tpu.memory_space<semaphore_mem>>)
    %dma_start3A_89 = arith.constant 1 : i32
    %dma_start3A_90 = arith.constant 0 : i32
    %dma_start3A_91 = tpu.memref_slice %arg19[%dma_start3A_89, %dma_start3A_90] : memref<2x80xi32, #tpu.memory_space<vmem>> -> memref<1x80xi32, #tpu.memory_space<vmem>>
    %dma_start3A_92 = tpu.memref_squeeze %dma_start3A_91 : memref<1x80xi32, #tpu.memory_space<vmem>> -> memref<80xi32, #tpu.memory_space<vmem>>
    %dma_start3A_93 = tpu.memref_slice %arg6[%add3A_52] : memref<204800xi32, #tpu.memory_space<hbm>> -> memref<80xi32, #tpu.memory_space<hbm>>
    %dma_start3A_94 = arith.constant 0 : i32
    %dma_start3A_95 = tpu.memref_slice %arg19[%dma_start3A_89, %dma_start3A_94] : memref<2x80xi32, #tpu.memory_space<vmem>> -> memref<1x80xi32, #tpu.memory_space<vmem>>
    %dma_start3A_96 = tpu.memref_squeeze %dma_start3A_95 : memref<1x80xi32, #tpu.memory_space<vmem>> -> memref<80xi32, #tpu.memory_space<vmem>>
    %dma_start3A_97 = tpu.memref_slice %arg6[%add3A_52] : memref<204800xi32, #tpu.memory_space<hbm>> -> memref<80xi32, #tpu.memory_space<hbm>>
    tpu.enqueue_dma source(%dma_start3A_97 : memref<80xi32, #tpu.memory_space<hbm>>) target(%dma_start3A_96 : memref<80xi32, #tpu.memory_space<vmem>>) target_semaphore(%arg25 : memref<!tpu.dma_semaphore, #tpu.memory_space<semaphore_mem>>)
    %dma_wait3A = arith.constant 0 : i32
    %dma_wait3A_98 = arith.constant 0 : i32
    %dma_wait3A_99 = tpu.memref_slice %arg15[%dma_wait3A, %dma_wait3A_98] : memref<2x80xi32, #tpu.memory_space<vmem>> -> memref<1x80xi32, #tpu.memory_space<vmem>>
    %dma_wait3A_100 = tpu.memref_squeeze %dma_wait3A_99 : memref<1x80xi32, #tpu.memory_space<vmem>> -> memref<80xi32, #tpu.memory_space<vmem>>
    %dma_wait3A_101 = arith.constant 0 : i32
    %dma_wait3A_102 = tpu.memref_slice %arg2[%dma_wait3A_101] : memref<204800xi32, #tpu.memory_space<hbm>> -> memref<80xi32, #tpu.memory_space<hbm>>
    %dma_wait3A_103 = arith.constant 0 : i32
    %dma_wait3A_104 = tpu.memref_slice %arg15[%dma_wait3A, %dma_wait3A_103] : memref<2x80xi32, #tpu.memory_space<vmem>> -> memref<1x80xi32, #tpu.memory_space<vmem>>
    %dma_wait3A_105 = tpu.memref_squeeze %dma_wait3A_104 : memref<1x80xi32, #tpu.memory_space<vmem>> -> memref<80xi32, #tpu.memory_space<vmem>>
    %dma_wait3A_106 = arith.constant 0 : i32
    %dma_wait3A_107 = tpu.memref_slice %arg2[%dma_wait3A_106] : memref<204800xi32, #tpu.memory_space<hbm>> -> memref<80xi32, #tpu.memory_space<hbm>>
    tpu.wait_dma2 semaphore(%arg24 : memref<!tpu.dma_semaphore, #tpu.memory_space<semaphore_mem>>) src(%dma_wait3A_107 : memref<80xi32, #tpu.memory_space<hbm>>) dst(%dma_wait3A_105 : memref<80xi32, #tpu.memory_space<vmem>>)
    %dma_wait3A_108 = arith.constant 0 : i32
    %dma_wait3A_109 = arith.constant 0 : i32
    %dma_wait3A_110 = tpu.memref_slice %arg16[%dma_wait3A_108, %dma_wait3A_109] : memref<2x80xi32, #tpu.memory_space<vmem>> -> memref<1x80xi32, #tpu.memory_space<vmem>>
    %dma_wait3A_111 = tpu.memref_squeeze %dma_wait3A_110 : memref<1x80xi32, #tpu.memory_space<vmem>> -> memref<80xi32, #tpu.memory_space<vmem>>
    %dma_wait3A_112 = arith.constant 0 : i32
    %dma_wait3A_113 = tpu.memref_slice %arg3[%dma_wait3A_112] : memref<204800xi32, #tpu.memory_space<hbm>> -> memref<80xi32, #tpu.memory_space<hbm>>
    %dma_wait3A_114 = arith.constant 0 : i32
    %dma_wait3A_115 = tpu.memref_slice %arg16[%dma_wait3A_108, %dma_wait3A_114] : memref<2x80xi32, #tpu.memory_space<vmem>> -> memref<1x80xi32, #tpu.memory_space<vmem>>
    %dma_wait3A_116 = tpu.memref_squeeze %dma_wait3A_115 : memref<1x80xi32, #tpu.memory_space<vmem>> -> memref<80xi32, #tpu.memory_space<vmem>>
    %dma_wait3A_117 = arith.constant 0 : i32
    %dma_wait3A_118 = tpu.memref_slice %arg3[%dma_wait3A_117] : memref<204800xi32, #tpu.memory_space<hbm>> -> memref<80xi32, #tpu.memory_space<hbm>>
    tpu.wait_dma2 semaphore(%arg24 : memref<!tpu.dma_semaphore, #tpu.memory_space<semaphore_mem>>) src(%dma_wait3A_118 : memref<80xi32, #tpu.memory_space<hbm>>) dst(%dma_wait3A_116 : memref<80xi32, #tpu.memory_space<vmem>>)
    %dma_wait3A_119 = arith.constant 0 : i32
    %dma_wait3A_120 = arith.constant 0 : i32
    %dma_wait3A_121 = tpu.memref_slice %arg17[%dma_wait3A_119, %dma_wait3A_120] : memref<2x80xi32, #tpu.memory_space<vmem>> -> memref<1x80xi32, #tpu.memory_space<vmem>>
    %dma_wait3A_122 = tpu.memref_squeeze %dma_wait3A_121 : memref<1x80xi32, #tpu.memory_space<vmem>> -> memref<80xi32, #tpu.memory_space<vmem>>
    %dma_wait3A_123 = arith.constant 0 : i32
    %dma_wait3A_124 = tpu.memref_slice %arg4[%dma_wait3A_123] : memref<204800xi32, #tpu.memory_space<hbm>> -> memref<80xi32, #tpu.memory_space<hbm>>
    %dma_wait3A_125 = arith.constant 0 : i32
    %dma_wait3A_126 = tpu.memref_slice %arg17[%dma_wait3A_119, %dma_wait3A_125] : memref<2x80xi32, #tpu.memory_space<vmem>> -> memref<1x80xi32, #tpu.memory_space<vmem>>
    %dma_wait3A_127 = tpu.memref_squeeze %dma_wait3A_126 : memref<1x80xi32, #tpu.memory_space<vmem>> -> memref<80xi32, #tpu.memory_space<vmem>>
    %dma_wait3A_128 = arith.constant 0 : i32
    %dma_wait3A_129 = tpu.memref_slice %arg4[%dma_wait3A_128] : memref<204800xi32, #tpu.memory_space<hbm>> -> memref<80xi32, #tpu.memory_space<hbm>>
    tpu.wait_dma2 semaphore(%arg24 : memref<!tpu.dma_semaphore, #tpu.memory_space<semaphore_mem>>) src(%dma_wait3A_129 : memref<80xi32, #tpu.memory_space<hbm>>) dst(%dma_wait3A_127 : memref<80xi32, #tpu.memory_space<vmem>>)
    %dma_wait3A_130 = arith.constant 0 : i32
    %dma_wait3A_131 = arith.constant 0 : i32
    %dma_wait3A_132 = tpu.memref_slice %arg18[%dma_wait3A_130, %dma_wait3A_131] : memref<2x80xi32, #tpu.memory_space<vmem>> -> memref<1x80xi32, #tpu.memory_space<vmem>>
    %dma_wait3A_133 = tpu.memref_squeeze %dma_wait3A_132 : memref<1x80xi32, #tpu.memory_space<vmem>> -> memref<80xi32, #tpu.memory_space<vmem>>
    %dma_wait3A_134 = arith.constant 0 : i32
    %dma_wait3A_135 = tpu.memref_slice %arg5[%dma_wait3A_134] : memref<204800xi32, #tpu.memory_space<hbm>> -> memref<80xi32, #tpu.memory_space<hbm>>
    %dma_wait3A_136 = arith.constant 0 : i32
    %dma_wait3A_137 = tpu.memref_slice %arg18[%dma_wait3A_130, %dma_wait3A_136] : memref<2x80xi32, #tpu.memory_space<vmem>> -> memref<1x80xi32, #tpu.memory_space<vmem>>
    %dma_wait3A_138 = tpu.memref_squeeze %dma_wait3A_137 : memref<1x80xi32, #tpu.memory_space<vmem>> -> memref<80xi32, #tpu.memory_space<vmem>>
    %dma_wait3A_139 = arith.constant 0 : i32
    %dma_wait3A_140 = tpu.memref_slice %arg5[%dma_wait3A_139] : memref<204800xi32, #tpu.memory_space<hbm>> -> memref<80xi32, #tpu.memory_space<hbm>>
    tpu.wait_dma2 semaphore(%arg24 : memref<!tpu.dma_semaphore, #tpu.memory_space<semaphore_mem>>) src(%dma_wait3A_140 : memref<80xi32, #tpu.memory_space<hbm>>) dst(%dma_wait3A_138 : memref<80xi32, #tpu.memory_space<vmem>>)
    %dma_wait3A_141 = arith.constant 0 : i32
    %dma_wait3A_142 = arith.constant 0 : i32
    %dma_wait3A_143 = tpu.memref_slice %arg19[%dma_wait3A_141, %dma_wait3A_142] : memref<2x80xi32, #tpu.memory_space<vmem>> -> memref<1x80xi32, #tpu.memory_space<vmem>>
    %dma_wait3A_144 = tpu.memref_squeeze %dma_wait3A_143 : memref<1x80xi32, #tpu.memory_space<vmem>> -> memref<80xi32, #tpu.memory_space<vmem>>
    %dma_wait3A_145 = arith.constant 0 : i32
    %dma_wait3A_146 = tpu.memref_slice %arg6[%dma_wait3A_145] : memref<204800xi32, #tpu.memory_space<hbm>> -> memref<80xi32, #tpu.memory_space<hbm>>
    %dma_wait3A_147 = arith.constant 0 : i32
    %dma_wait3A_148 = tpu.memref_slice %arg19[%dma_wait3A_141, %dma_wait3A_147] : memref<2x80xi32, #tpu.memory_space<vmem>> -> memref<1x80xi32, #tpu.memory_space<vmem>>
    %dma_wait3A_149 = tpu.memref_squeeze %dma_wait3A_148 : memref<1x80xi32, #tpu.memory_space<vmem>> -> memref<80xi32, #tpu.memory_space<vmem>>
    %dma_wait3A_150 = arith.constant 0 : i32
    %dma_wait3A_151 = tpu.memref_slice %arg6[%dma_wait3A_150] : memref<204800xi32, #tpu.memory_space<hbm>> -> memref<80xi32, #tpu.memory_space<hbm>>
    tpu.wait_dma2 semaphore(%arg24 : memref<!tpu.dma_semaphore, #tpu.memory_space<semaphore_mem>>) src(%dma_wait3A_151 : memref<80xi32, #tpu.memory_space<hbm>>) dst(%dma_wait3A_149 : memref<80xi32, #tpu.memory_space<vmem>>)
    %dma_start3A_152 = arith.constant 0 : i32
    %dma_start3A_153 = arith.constant 0 : i32
    %dma_start3A_154 = arith.constant 0 : i32
    %dma_start3A_155 = arith.constant 0 : i32
    %dma_start3A_156 = tpu.memref_slice %arg20[%dma_start3A_153, %dma_start3A_154, %dma_start3A_155] : memref<2x80x128xf32, #tpu.memory_space<vmem>> -> memref<1x80x128xf32, #tpu.memory_space<vmem>>
    %dma_start3A_157 = tpu.memref_squeeze %dma_start3A_156 : memref<1x80x128xf32, #tpu.memory_space<vmem>> -> memref<80x128xf32, #tpu.memory_space<vmem>>
    %dma_start3A_158 = arith.constant 0 : i32
    %dma_start3A_159 = tpu.memref_slice %arg18[%dma_start3A_152, %dma_start3A_158] : memref<2x80xi32, #tpu.memory_space<vmem>> -> memref<1x80xi32, #tpu.memory_space<vmem>>
    %dma_start3A_160 = tpu.memref_squeeze %dma_start3A_159 : memref<1x80xi32, #tpu.memory_space<vmem>> -> memref<80xi32, #tpu.memory_space<vmem>>
    %dma_start3A_161 = arith.constant 0 : i32
    %dma_start3A_162 = arith.constant 0 : i32
    %dma_start3A_163 = tpu.memref_slice %arg10[%dma_start3A_161, %dma_start3A_162] : memref<100000x128xf32, #tpu.memory_space<hbm>> -> memref<100000x128xf32, #tpu.memory_space<hbm>>
    tpu.enqueue_indirect_dma source(%dma_start3A_163 : memref<100000x128xf32, #tpu.memory_space<hbm>>) target(%dma_start3A_157 : memref<80x128xf32, #tpu.memory_space<vmem>>) offsets(%dma_start3A_160 : memref<80xi32, #tpu.memory_space<vmem>>) semaphore(%arg26 : memref<!tpu.dma_semaphore, #tpu.memory_space<semaphore_mem>>)
    %dma_start3A_164 = arith.constant 0 : i32
    %dma_start3A_165 = arith.constant 0 : i32
    %dma_start3A_166 = arith.constant 0 : i32
    %dma_start3A_167 = arith.constant 0 : i32
    %dma_start3A_168 = tpu.memref_slice %arg21[%dma_start3A_165, %dma_start3A_166, %dma_start3A_167] : memref<2x80x128xf32, #tpu.memory_space<vmem>> -> memref<1x80x128xf32, #tpu.memory_space<vmem>>
    %dma_start3A_169 = tpu.memref_squeeze %dma_start3A_168 : memref<1x80x128xf32, #tpu.memory_space<vmem>> -> memref<80x128xf32, #tpu.memory_space<vmem>>
    %dma_start3A_170 = arith.constant 0 : i32
    %dma_start3A_171 = tpu.memref_slice %arg19[%dma_start3A_164, %dma_start3A_170] : memref<2x80xi32, #tpu.memory_space<vmem>> -> memref<1x80xi32, #tpu.memory_space<vmem>>
    %dma_start3A_172 = tpu.memref_squeeze %dma_start3A_171 : memref<1x80xi32, #tpu.memory_space<vmem>> -> memref<80xi32, #tpu.memory_space<vmem>>
    %dma_start3A_173 = arith.constant 0 : i32
    %dma_start3A_174 = arith.constant 0 : i32
    %dma_start3A_175 = tpu.memref_slice %arg10[%dma_start3A_173, %dma_start3A_174] : memref<100000x128xf32, #tpu.memory_space<hbm>> -> memref<100000x128xf32, #tpu.memory_space<hbm>>
    tpu.enqueue_indirect_dma source(%dma_start3A_175 : memref<100000x128xf32, #tpu.memory_space<hbm>>) target(%dma_start3A_169 : memref<80x128xf32, #tpu.memory_space<vmem>>) offsets(%dma_start3A_172 : memref<80xi32, #tpu.memory_space<vmem>>) semaphore(%arg26 : memref<!tpu.dma_semaphore, #tpu.memory_space<semaphore_mem>>)
    %parallel_loop3A = arith.constant 0 : i32
    %parallel_loop3A_176 = arith.constant 5 : i32
    %parallel_loop3A_177 = arith.constant 1 : i32
    scf.for %parallel_loop3A_213 = %parallel_loop3A to %parallel_loop3A_176 step %parallel_loop3A_177  : i32 {
      %parallel_loop3A_214 = arith.constant 16 : i32
      %parallel_loop3A_215 = arith.muli %parallel_loop3A_213, %parallel_loop3A_214 : i32
      %parallel_loop3A_216 = vector.broadcast %parallel_loop3A_215 : i32 to vector<16xi32>
      %parallel_loop3A_217 = arith.addi %parallel_loop3A_216, %iota3A : vector<16xi32>
      %parallel_loop3A_218 = arith.constant 50 : i32
      %parallel_loop3A_219 = vector.broadcast %parallel_loop3A_218 : i32 to vector<16xi32>
      %parallel_loop3A_220 = arith.muli %parallel_loop3A_217, %parallel_loop3A_219 : vector<16xi32>
      %parallel_loop3A_221 = arith.constant 16 : i32
      %parallel_loop3A_222 = arith.muli %parallel_loop3A_213, %parallel_loop3A_221 : i32
      %parallel_loop3A_223 = arith.constant 0 : i32
      %parallel_loop3A_224 = arith.index_cast %parallel_loop3A_223 : i32 to index
      %parallel_loop3A_225 = arith.index_cast %parallel_loop3A_222 : i32 to index
      %parallel_loop3A_226 = tpu.vector_load %arg15[%parallel_loop3A_224, %parallel_loop3A_225] {strides = array<i32>} : memref<2x80xi32, #tpu.memory_space<vmem>>, vector<16xi32>,
      %parallel_loop3A_227 = arith.constant 5 : i32
      %parallel_loop3A_228 = vector.broadcast %parallel_loop3A_227 : i32 to vector<16xi32>
      %parallel_loop3A_229 = arith.muli %parallel_loop3A_226, %parallel_loop3A_228 : vector<16xi32>
      %parallel_loop3A_230 = arith.constant 16 : i32
      %parallel_loop3A_231 = arith.muli %parallel_loop3A_213, %parallel_loop3A_230 : i32
      %parallel_loop3A_232 = arith.constant 0 : i32
      %parallel_loop3A_233 = arith.index_cast %parallel_loop3A_232 : i32 to index
      %parallel_loop3A_234 = arith.index_cast %parallel_loop3A_231 : i32 to index
      %parallel_loop3A_235 = tpu.vector_load %arg16[%parallel_loop3A_233, %parallel_loop3A_234] {strides = array<i32>} : memref<2x80xi32, #tpu.memory_space<vmem>>, vector<16xi32>,
      %parallel_loop3A_236 = arith.constant 5 : i32
      %parallel_loop3A_237 = vector.broadcast %parallel_loop3A_236 : i32 to vector<16xi32>
      %parallel_loop3A_238 = arith.muli %parallel_loop3A_235, %parallel_loop3A_237 : vector<16xi32>
      %parallel_loop3A_239 = arith.constant 16 : i32
      %parallel_loop3A_240 = arith.muli %parallel_loop3A_213, %parallel_loop3A_239 : i32
      %parallel_loop3A_241 = arith.constant 0 : i32
      %parallel_loop3A_242 = arith.index_cast %parallel_loop3A_241 : i32 to index
      %parallel_loop3A_243 = arith.index_cast %parallel_loop3A_240 : i32 to index
      %parallel_loop3A_244 = tpu.vector_load %arg17[%parallel_loop3A_242, %parallel_loop3A_243] {strides = array<i32>} : memref<2x80xi32, #tpu.memory_space<vmem>>, vector<16xi32>,
      %parallel_loop3A_245 = arith.constant 40 : i32
      %parallel_loop3A_246 = vector.broadcast %parallel_loop3A_245 : i32 to vector<16xi32>
      %parallel_loop3A_247 = arith.muli %parallel_loop3A_244, %parallel_loop3A_246 : vector<16xi32>
      %parallel_loop3A_248 = arith.constant 0 : i32
      %parallel_loop3A_249 = vector.broadcast %parallel_loop3A_248 : i32 to vector<16xi32>
      %parallel_loop3A_250 = arith.addi %parallel_loop3A_229, %parallel_loop3A_249 : vector<16xi32>
      %parallel_loop3A_251 = tpu.vector_load_idx %arg12[%parallel_loop3A_250] : memref<2000xf32, #tpu.memory_space<vmem>>[vector<16xi32>], vector<16xf32>,
      %parallel_loop3A_252 = arith.constant 0 : i32
      %parallel_loop3A_253 = vector.broadcast %parallel_loop3A_252 : i32 to vector<16xi32>
      %parallel_loop3A_254 = arith.addi %parallel_loop3A_220, %parallel_loop3A_253 : vector<16xi32>
      tpu.vector_store_idx %arg22[%parallel_loop3A_254], %parallel_loop3A_251 : memref<4016xf32, #tpu.memory_space<vmem>>[vector<16xi32>], vector<16xf32>,
      %parallel_loop3A_255 = arith.constant 1 : i32
      %parallel_loop3A_256 = vector.broadcast %parallel_loop3A_255 : i32 to vector<16xi32>
      %parallel_loop3A_257 = arith.addi %parallel_loop3A_229, %parallel_loop3A_256 : vector<16xi32>
      %parallel_loop3A_258 = tpu.vector_load_idx %arg12[%parallel_loop3A_257] : memref<2000xf32, #tpu.memory_space<vmem>>[vector<16xi32>], vector<16xf32>,
      %parallel_loop3A_259 = arith.constant 1 : i32
      %parallel_loop3A_260 = vector.broadcast %parallel_loop3A_259 : i32 to vector<16xi32>
      %parallel_loop3A_261 = arith.addi %parallel_loop3A_220, %parallel_loop3A_260 : vector<16xi32>
      tpu.vector_store_idx %arg22[%parallel_loop3A_261], %parallel_loop3A_258 : memref<4016xf32, #tpu.memory_space<vmem>>[vector<16xi32>], vector<16xf32>,
      %parallel_loop3A_262 = arith.constant 2 : i32
      %parallel_loop3A_263 = vector.broadcast %parallel_loop3A_262 : i32 to vector<16xi32>
      %parallel_loop3A_264 = arith.addi %parallel_loop3A_229, %parallel_loop3A_263 : vector<16xi32>
      %parallel_loop3A_265 = tpu.vector_load_idx %arg12[%parallel_loop3A_264] : memref<2000xf32, #tpu.memory_space<vmem>>[vector<16xi32>], vector<16xf32>,
      %parallel_loop3A_266 = arith.constant 2 : i32
      %parallel_loop3A_267 = vector.broadcast %parallel_loop3A_266 : i32 to vector<16xi32>
      %parallel_loop3A_268 = arith.addi %parallel_loop3A_220, %parallel_loop3A_267 : vector<16xi32>
      tpu.vector_store_idx %arg22[%parallel_loop3A_268], %parallel_loop3A_265 : memref<4016xf32, #tpu.memory_space<vmem>>[vector<16xi32>], vector<16xf32>,
      %parallel_loop3A_269 = arith.constant 3 : i32
      %parallel_loop3A_270 = vector.broadcast %parallel_loop3A_269 : i32 to vector<16xi32>
      %parallel_loop3A_271 = arith.addi %parallel_loop3A_229, %parallel_loop3A_270 : vector<16xi32>
      %parallel_loop3A_272 = tpu.vector_load_idx %arg12[%parallel_loop3A_271] : memref<2000xf32, #tpu.memory_space<vmem>>[vector<16xi32>], vector<16xf32>,
      %parallel_loop3A_273 = arith.constant 3 : i32
      %parallel_loop3A_274 = vector.broadcast %parallel_loop3A_273 : i32 to vector<16xi32>
      %parallel_loop3A_275 = arith.addi %parallel_loop3A_220, %parallel_loop3A_274 : vector<16xi32>
      tpu.vector_store_idx %arg22[%parallel_loop3A_275], %parallel_loop3A_272 : memref<4016xf32, #tpu.memory_space<vmem>>[vector<16xi32>], vector<16xf32>,
      %parallel_loop3A_276 = arith.constant 4 : i32
      %parallel_loop3A_277 = vector.broadcast %parallel_loop3A_276 : i32 to vector<16xi32>
      %parallel_loop3A_278 = arith.addi %parallel_loop3A_229, %parallel_loop3A_277 : vector<16xi32>
      %parallel_loop3A_279 = tpu.vector_load_idx %arg12[%parallel_loop3A_278] : memref<2000xf32, #tpu.memory_space<vmem>>[vector<16xi32>], vector<16xf32>,
      %parallel_loop3A_280 = arith.constant 4 : i32
      %parallel_loop3A_281 = vector.broadcast %parallel_loop3A_280 : i32 to vector<16xi32>
      %parallel_loop3A_282 = arith.addi %parallel_loop3A_220, %parallel_loop3A_281 : vector<16xi32>
      tpu.vector_store_idx %arg22[%parallel_loop3A_282], %parallel_loop3A_279 : memref<4016xf32, #tpu.memory_space<vmem>>[vector<16xi32>], vector<16xf32>,
      %parallel_loop3A_283 = arith.constant 0 : i32
      %parallel_loop3A_284 = vector.broadcast %parallel_loop3A_283 : i32 to vector<16xi32>
      %parallel_loop3A_285 = arith.addi %parallel_loop3A_238, %parallel_loop3A_284 : vector<16xi32>
      %parallel_loop3A_286 = tpu.vector_load_idx %arg13[%parallel_loop3A_285] : memref<2000xf32, #tpu.memory_space<vmem>>[vector<16xi32>], vector<16xf32>,
      %parallel_loop3A_287 = arith.constant 5 : i32
      %parallel_loop3A_288 = vector.broadcast %parallel_loop3A_287 : i32 to vector<16xi32>
      %parallel_loop3A_289 = arith.addi %parallel_loop3A_220, %parallel_loop3A_288 : vector<16xi32>
      tpu.vector_store_idx %arg22[%parallel_loop3A_289], %parallel_loop3A_286 : memref<4016xf32, #tpu.memory_space<vmem>>[vector<16xi32>], vector<16xf32>,
      %parallel_loop3A_290 = arith.constant 1 : i32
      %parallel_loop3A_291 = vector.broadcast %parallel_loop3A_290 : i32 to vector<16xi32>
      %parallel_loop3A_292 = arith.addi %parallel_loop3A_238, %parallel_loop3A_291 : vector<16xi32>
      %parallel_loop3A_293 = tpu.vector_load_idx %arg13[%parallel_loop3A_292] : memref<2000xf32, #tpu.memory_space<vmem>>[vector<16xi32>], vector<16xf32>,
      %parallel_loop3A_294 = arith.constant 6 : i32
      %parallel_loop3A_295 = vector.broadcast %parallel_loop3A_294 : i32 to vector<16xi32>
      %parallel_loop3A_296 = arith.addi %parallel_loop3A_220, %parallel_loop3A_295 : vector<16xi32>
      tpu.vector_store_idx %arg22[%parallel_loop3A_296], %parallel_loop3A_293 : memref<4016xf32, #tpu.memory_space<vmem>>[vector<16xi32>], vector<16xf32>,
      %parallel_loop3A_297 = arith.constant 2 : i32
      %parallel_loop3A_298 = vector.broadcast %parallel_loop3A_297 : i32 to vector<16xi32>
      %parallel_loop3A_299 = arith.addi %parallel_loop3A_238, %parallel_loop3A_298 : vector<16xi32>
      %parallel_loop3A_300 = tpu.vector_load_idx %arg13[%parallel_loop3A_299] : memref<2000xf32, #tpu.memory_space<vmem>>[vector<16xi32>], vector<16xf32>,
      %parallel_loop3A_301 = arith.constant 7 : i32
      %parallel_loop3A_302 = vector.broadcast %parallel_loop3A_301 : i32 to vector<16xi32>
      %parallel_loop3A_303 = arith.addi %parallel_loop3A_220, %parallel_loop3A_302 : vector<16xi32>
      tpu.vector_store_idx %arg22[%parallel_loop3A_303], %parallel_loop3A_300 : memref<4016xf32, #tpu.memory_space<vmem>>[vector<16xi32>], vector<16xf32>,
      %parallel_loop3A_304 = arith.constant 3 : i32
      %parallel_loop3A_305 = vector.broadcast %parallel_loop3A_304 : i32 to vector<16xi32>
      %parallel_loop3A_306 = arith.addi %parallel_loop3A_238, %parallel_loop3A_305 : vector<16xi32>
      %parallel_loop3A_307 = tpu.vector_load_idx %arg13[%parallel_loop3A_306] : memref<2000xf32, #tpu.memory_space<vmem>>[vector<16xi32>], vector<16xf32>,
      %parallel_loop3A_308 = arith.constant 8 : i32
      %parallel_loop3A_309 = vector.broadcast %parallel_loop3A_308 : i32 to vector<16xi32>
      %parallel_loop3A_310 = arith.addi %parallel_loop3A_220, %parallel_loop3A_309 : vector<16xi32>
      tpu.vector_store_idx %arg22[%parallel_loop3A_310], %parallel_loop3A_307 : memref<4016xf32, #tpu.memory_space<vmem>>[vector<16xi32>], vector<16xf32>,
      %parallel_loop3A_311 = arith.constant 4 : i32
      %parallel_loop3A_312 = vector.broadcast %parallel_loop3A_311 : i32 to vector<16xi32>
      %parallel_loop3A_313 = arith.addi %parallel_loop3A_238, %parallel_loop3A_312 : vector<16xi32>
      %parallel_loop3A_314 = tpu.vector_load_idx %arg13[%parallel_loop3A_313] : memref<2000xf32, #tpu.memory_space<vmem>>[vector<16xi32>], vector<16xf32>,
      %parallel_loop3A_315 = arith.constant 9 : i32
      %parallel_loop3A_316 = vector.broadcast %parallel_loop3A_315 : i32 to vector<16xi32>
      %parallel_loop3A_317 = arith.addi %parallel_loop3A_220, %parallel_loop3A_316 : vector<16xi32>
      tpu.vector_store_idx %arg22[%parallel_loop3A_317], %parallel_loop3A_314 : memref<4016xf32, #tpu.memory_space<vmem>>[vector<16xi32>], vector<16xf32>,
      %parallel_loop3A_318 = arith.constant 0 : i32
      %parallel_loop3A_319 = vector.broadcast %parallel_loop3A_318 : i32 to vector<16xi32>
      %parallel_loop3A_320 = arith.addi %parallel_loop3A_247, %parallel_loop3A_319 : vector<16xi32>
      %parallel_loop3A_321 = tpu.vector_load_idx %arg14[%parallel_loop3A_320] : memref<16000xf32, #tpu.memory_space<vmem>>[vector<16xi32>], vector<16xf32>,
      %parallel_loop3A_322 = arith.constant 10 : i32
      %parallel_loop3A_323 = vector.broadcast %parallel_loop3A_322 : i32 to vector<16xi32>
      %parallel_loop3A_324 = arith.addi %parallel_loop3A_220, %parallel_loop3A_323 : vector<16xi32>
      tpu.vector_store_idx %arg22[%parallel_loop3A_324], %parallel_loop3A_321 : memref<4016xf32, #tpu.memory_space<vmem>>[vector<16xi32>], vector<16xf32>,
      %parallel_loop3A_325 = arith.constant 1 : i32
      %parallel_loop3A_326 = vector.broadcast %parallel_loop3A_325 : i32 to vector<16xi32>
      %parallel_loop3A_327 = arith.addi %parallel_loop3A_247, %parallel_loop3A_326 : vector<16xi32>
      %parallel_loop3A_328 = tpu.vector_load_idx %arg14[%parallel_loop3A_327] : memref<16000xf32, #tpu.memory_space<vmem>>[vector<16xi32>], vector<16xf32>,
      %parallel_loop3A_329 = arith.constant 11 : i32
      %parallel_loop3A_330 = vector.broadcast %parallel_loop3A_329 : i32 to vector<16xi32>
      %parallel_loop3A_331 = arith.addi %parallel_loop3A_220, %parallel_loop3A_330 : vector<16xi32>
      tpu.vector_store_idx %arg22[%parallel_loop3A_331], %parallel_loop3A_328 : memref<4016xf32, #tpu.memory_space<vmem>>[vector<16xi32>], vector<16xf32>,
      %parallel_loop3A_332 = arith.constant 2 : i32
      %parallel_loop3A_333 = vector.broadcast %parallel_loop3A_332 : i32 to vector<16xi32>
      %parallel_loop3A_334 = arith.addi %parallel_loop3A_247, %parallel_loop3A_333 : vector<16xi32>
      %parallel_loop3A_335 = tpu.vector_load_idx %arg14[%parallel_loop3A_334] : memref<16000xf32, #tpu.memory_space<vmem>>[vector<16xi32>], vector<16xf32>,
      %parallel_loop3A_336 = arith.constant 12 : i32
      %parallel_loop3A_337 = vector.broadcast %parallel_loop3A_336 : i32 to vector<16xi32>
      %parallel_loop3A_338 = arith.addi %parallel_loop3A_220, %parallel_loop3A_337 : vector<16xi32>
      tpu.vector_store_idx %arg22[%parallel_loop3A_338], %parallel_loop3A_335 : memref<4016xf32, #tpu.memory_space<vmem>>[vector<16xi32>], vector<16xf32>,
      %parallel_loop3A_339 = arith.constant 3 : i32
      %parallel_loop3A_340 = vector.broadcast %parallel_loop3A_339 : i32 to vector<16xi32>
      %parallel_loop3A_341 = arith.addi %parallel_loop3A_247, %parallel_loop3A_340 : vector<16xi32>
      %parallel_loop3A_342 = tpu.vector_load_idx %arg14[%parallel_loop3A_341] : memref<16000xf32, #tpu.memory_space<vmem>>[vector<16xi32>], vector<16xf32>,
      %parallel_loop3A_343 = arith.constant 13 : i32
      %parallel_loop3A_344 = vector.broadcast %parallel_loop3A_343 : i32 to vector<16xi32>
      %parallel_loop3A_345 = arith.addi %parallel_loop3A_220, %parallel_loop3A_344 : vector<16xi32>
      tpu.vector_store_idx %arg22[%parallel_loop3A_345], %parallel_loop3A_342 : memref<4016xf32, #tpu.memory_space<vmem>>[vector<16xi32>], vector<16xf32>,
      %parallel_loop3A_346 = arith.constant 4 : i32
      %parallel_loop3A_347 = vector.broadcast %parallel_loop3A_346 : i32 to vector<16xi32>
      %parallel_loop3A_348 = arith.addi %parallel_loop3A_247, %parallel_loop3A_347 : vector<16xi32>
      %parallel_loop3A_349 = tpu.vector_load_idx %arg14[%parallel_loop3A_348] : memref<16000xf32, #tpu.memory_space<vmem>>[vector<16xi32>], vector<16xf32>,
      %parallel_loop3A_350 = arith.constant 14 : i32
      %parallel_loop3A_351 = vector.broadcast %parallel_loop3A_350 : i32 to vector<16xi32>
      %parallel_loop3A_352 = arith.addi %parallel_loop3A_220, %parallel_loop3A_351 : vector<16xi32>
      tpu.vector_store_idx %arg22[%parallel_loop3A_352], %parallel_loop3A_349 : memref<4016xf32, #tpu.memory_space<vmem>>[vector<16xi32>], vector<16xf32>,
      %parallel_loop3A_353 = arith.constant 5 : i32
      %parallel_loop3A_354 = vector.broadcast %parallel_loop3A_353 : i32 to vector<16xi32>
      %parallel_loop3A_355 = arith.addi %parallel_loop3A_247, %parallel_loop3A_354 : vector<16xi32>
      %parallel_loop3A_356 = tpu.vector_load_idx %arg14[%parallel_loop3A_355] : memref<16000xf32, #tpu.memory_space<vmem>>[vector<16xi32>], vector<16xf32>,
      %parallel_loop3A_357 = arith.constant 15 : i32
      %parallel_loop3A_358 = vector.broadcast %parallel_loop3A_357 : i32 to vector<16xi32>
      %parallel_loop3A_359 = arith.addi %parallel_loop3A_220, %parallel_loop3A_358 : vector<16xi32>
      tpu.vector_store_idx %arg22[%parallel_loop3A_359], %parallel_loop3A_356 : memref<4016xf32, #tpu.memory_space<vmem>>[vector<16xi32>], vector<16xf32>,
      %parallel_loop3A_360 = arith.constant 6 : i32
      %parallel_loop3A_361 = vector.broadcast %parallel_loop3A_360 : i32 to vector<16xi32>
      %parallel_loop3A_362 = arith.addi %parallel_loop3A_247, %parallel_loop3A_361 : vector<16xi32>
      %parallel_loop3A_363 = tpu.vector_load_idx %arg14[%parallel_loop3A_362] : memref<16000xf32, #tpu.memory_space<vmem>>[vector<16xi32>], vector<16xf32>,
      %parallel_loop3A_364 = arith.constant 16 : i32
      %parallel_loop3A_365 = vector.broadcast %parallel_loop3A_364 : i32 to vector<16xi32>
      %parallel_loop3A_366 = arith.addi %parallel_loop3A_220, %parallel_loop3A_365 : vector<16xi32>
      tpu.vector_store_idx %arg22[%parallel_loop3A_366], %parallel_loop3A_363 : memref<4016xf32, #tpu.memory_space<vmem>>[vector<16xi32>], vector<16xf32>,
      %parallel_loop3A_367 = arith.constant 7 : i32
      %parallel_loop3A_368 = vector.broadcast %parallel_loop3A_367 : i32 to vector<16xi32>
      %parallel_loop3A_369 = arith.addi %parallel_loop3A_247, %parallel_loop3A_368 : vector<16xi32>
      %parallel_loop3A_370 = tpu.vector_load_idx %arg14[%parallel_loop3A_369] : memref<16000xf32, #tpu.memory_space<vmem>>[vector<16xi32>], vector<16xf32>,
      %parallel_loop3A_371 = arith.constant 17 : i32
      %parallel_loop3A_372 = vector.broadcast %parallel_loop3A_371 : i32 to vector<16xi32>
      %parallel_loop3A_373 = arith.addi %parallel_loop3A_220, %parallel_loop3A_372 : vector<16xi32>
      tpu.vector_store_idx %arg22[%parallel_loop3A_373], %parallel_loop3A_370 : memref<4016xf32, #tpu.memory_space<vmem>>[vector<16xi32>], vector<16xf32>,
      %parallel_loop3A_374 = arith.constant 8 : i32
      %parallel_loop3A_375 = vector.broadcast %parallel_loop3A_374 : i32 to vector<16xi32>
      %parallel_loop3A_376 = arith.addi %parallel_loop3A_247, %parallel_loop3A_375 : vector<16xi32>
      %parallel_loop3A_377 = tpu.vector_load_idx %arg14[%parallel_loop3A_376] : memref<16000xf32, #tpu.memory_space<vmem>>[vector<16xi32>], vector<16xf32>,
      %parallel_loop3A_378 = arith.constant 18 : i32
      %parallel_loop3A_379 = vector.broadcast %parallel_loop3A_378 : i32 to vector<16xi32>
      %parallel_loop3A_380 = arith.addi %parallel_loop3A_220, %parallel_loop3A_379 : vector<16xi32>
      tpu.vector_store_idx %arg22[%parallel_loop3A_380], %parallel_loop3A_377 : memref<4016xf32, #tpu.memory_space<vmem>>[vector<16xi32>], vector<16xf32>,
      %parallel_loop3A_381 = arith.constant 9 : i32
      %parallel_loop3A_382 = vector.broadcast %parallel_loop3A_381 : i32 to vector<16xi32>
      %parallel_loop3A_383 = arith.addi %parallel_loop3A_247, %parallel_loop3A_382 : vector<16xi32>
      %parallel_loop3A_384 = tpu.vector_load_idx %arg14[%parallel_loop3A_383] : memref<16000xf32, #tpu.memory_space<vmem>>[vector<16xi32>], vector<16xf32>,
      %parallel_loop3A_385 = arith.constant 19 : i32
      %parallel_loop3A_386 = vector.broadcast %parallel_loop3A_385 : i32 to vector<16xi32>
      %parallel_loop3A_387 = arith.addi %parallel_loop3A_220, %parallel_loop3A_386 : vector<16xi32>
      tpu.vector_store_idx %arg22[%parallel_loop3A_387], %parallel_loop3A_384 : memref<4016xf32, #tpu.memory_space<vmem>>[vector<16xi32>], vector<16xf32>,
      %parallel_loop3A_388 = arith.constant 10 : i32
      %parallel_loop3A_389 = vector.broadcast %parallel_loop3A_388 : i32 to vector<16xi32>
      %parallel_loop3A_390 = arith.addi %parallel_loop3A_247, %parallel_loop3A_389 : vector<16xi32>
      %parallel_loop3A_391 = tpu.vector_load_idx %arg14[%parallel_loop3A_390] : memref<16000xf32, #tpu.memory_space<vmem>>[vector<16xi32>], vector<16xf32>,
      %parallel_loop3A_392 = arith.constant 20 : i32
      %parallel_loop3A_393 = vector.broadcast %parallel_loop3A_392 : i32 to vector<16xi32>
      %parallel_loop3A_394 = arith.addi %parallel_loop3A_220, %parallel_loop3A_393 : vector<16xi32>
      tpu.vector_store_idx %arg22[%parallel_loop3A_394], %parallel_loop3A_391 : memref<4016xf32, #tpu.memory_space<vmem>>[vector<16xi32>], vector<16xf32>,
      %parallel_loop3A_395 = arith.constant 11 : i32
      %parallel_loop3A_396 = vector.broadcast %parallel_loop3A_395 : i32 to vector<16xi32>
      %parallel_loop3A_397 = arith.addi %parallel_loop3A_247, %parallel_loop3A_396 : vector<16xi32>
      %parallel_loop3A_398 = tpu.vector_load_idx %arg14[%parallel_loop3A_397] : memref<16000xf32, #tpu.memory_space<vmem>>[vector<16xi32>], vector<16xf32>,
      %parallel_loop3A_399 = arith.constant 21 : i32
      %parallel_loop3A_400 = vector.broadcast %parallel_loop3A_399 : i32 to vector<16xi32>
      %parallel_loop3A_401 = arith.addi %parallel_loop3A_220, %parallel_loop3A_400 : vector<16xi32>
      tpu.vector_store_idx %arg22[%parallel_loop3A_401], %parallel_loop3A_398 : memref<4016xf32, #tpu.memory_space<vmem>>[vector<16xi32>], vector<16xf32>,
      %parallel_loop3A_402 = arith.constant 12 : i32
      %parallel_loop3A_403 = vector.broadcast %parallel_loop3A_402 : i32 to vector<16xi32>
      %parallel_loop3A_404 = arith.addi %parallel_loop3A_247, %parallel_loop3A_403 : vector<16xi32>
      %parallel_loop3A_405 = tpu.vector_load_idx %arg14[%parallel_loop3A_404] : memref<16000xf32, #tpu.memory_space<vmem>>[vector<16xi32>], vector<16xf32>,
      %parallel_loop3A_406 = arith.constant 22 : i32
      %parallel_loop3A_407 = vector.broadcast %parallel_loop3A_406 : i32 to vector<16xi32>
      %parallel_loop3A_408 = arith.addi %parallel_loop3A_220, %parallel_loop3A_407 : vector<16xi32>
      tpu.vector_store_idx %arg22[%parallel_loop3A_408], %parallel_loop3A_405 : memref<4016xf32, #tpu.memory_space<vmem>>[vector<16xi32>], vector<16xf32>,
      %parallel_loop3A_409 = arith.constant 13 : i32
      %parallel_loop3A_410 = vector.broadcast %parallel_loop3A_409 : i32 to vector<16xi32>
      %parallel_loop3A_411 = arith.addi %parallel_loop3A_247, %parallel_loop3A_410 : vector<16xi32>
      %parallel_loop3A_412 = tpu.vector_load_idx %arg14[%parallel_loop3A_411] : memref<16000xf32, #tpu.memory_space<vmem>>[vector<16xi32>], vector<16xf32>,
      %parallel_loop3A_413 = arith.constant 23 : i32
      %parallel_loop3A_414 = vector.broadcast %parallel_loop3A_413 : i32 to vector<16xi32>
      %parallel_loop3A_415 = arith.addi %parallel_loop3A_220, %parallel_loop3A_414 : vector<16xi32>
      tpu.vector_store_idx %arg22[%parallel_loop3A_415], %parallel_loop3A_412 : memref<4016xf32, #tpu.memory_space<vmem>>[vector<16xi32>], vector<16xf32>,
      %parallel_loop3A_416 = arith.constant 14 : i32
      %parallel_loop3A_417 = vector.broadcast %parallel_loop3A_416 : i32 to vector<16xi32>
      %parallel_loop3A_418 = arith.addi %parallel_loop3A_247, %parallel_loop3A_417 : vector<16xi32>
      %parallel_loop3A_419 = tpu.vector_load_idx %arg14[%parallel_loop3A_418] : memref<16000xf32, #tpu.memory_space<vmem>>[vector<16xi32>], vector<16xf32>,
      %parallel_loop3A_420 = arith.constant 24 : i32
      %parallel_loop3A_421 = vector.broadcast %parallel_loop3A_420 : i32 to vector<16xi32>
      %parallel_loop3A_422 = arith.addi %parallel_loop3A_220, %parallel_loop3A_421 : vector<16xi32>
      tpu.vector_store_idx %arg22[%parallel_loop3A_422], %parallel_loop3A_419 : memref<4016xf32, #tpu.memory_space<vmem>>[vector<16xi32>], vector<16xf32>,
      %parallel_loop3A_423 = arith.constant 15 : i32
      %parallel_loop3A_424 = vector.broadcast %parallel_loop3A_423 : i32 to vector<16xi32>
      %parallel_loop3A_425 = arith.addi %parallel_loop3A_247, %parallel_loop3A_424 : vector<16xi32>
      %parallel_loop3A_426 = tpu.vector_load_idx %arg14[%parallel_loop3A_425] : memref<16000xf32, #tpu.memory_space<vmem>>[vector<16xi32>], vector<16xf32>,
      %parallel_loop3A_427 = arith.constant 25 : i32
      %parallel_loop3A_428 = vector.broadcast %parallel_loop3A_427 : i32 to vector<16xi32>
      %parallel_loop3A_429 = arith.addi %parallel_loop3A_220, %parallel_loop3A_428 : vector<16xi32>
      tpu.vector_store_idx %arg22[%parallel_loop3A_429], %parallel_loop3A_426 : memref<4016xf32, #tpu.memory_space<vmem>>[vector<16xi32>], vector<16xf32>,
      %parallel_loop3A_430 = arith.constant 16 : i32
      %parallel_loop3A_431 = vector.broadcast %parallel_loop3A_430 : i32 to vector<16xi32>
      %parallel_loop3A_432 = arith.addi %parallel_loop3A_247, %parallel_loop3A_431 : vector<16xi32>
      %parallel_loop3A_433 = tpu.vector_load_idx %arg14[%parallel_loop3A_432] : memref<16000xf32, #tpu.memory_space<vmem>>[vector<16xi32>], vector<16xf32>,
      %parallel_loop3A_434 = arith.constant 26 : i32
      %parallel_loop3A_435 = vector.broadcast %parallel_loop3A_434 : i32 to vector<16xi32>
      %parallel_loop3A_436 = arith.addi %parallel_loop3A_220, %parallel_loop3A_435 : vector<16xi32>
      tpu.vector_store_idx %arg22[%parallel_loop3A_436], %parallel_loop3A_433 : memref<4016xf32, #tpu.memory_space<vmem>>[vector<16xi32>], vector<16xf32>,
      %parallel_loop3A_437 = arith.constant 17 : i32
      %parallel_loop3A_438 = vector.broadcast %parallel_loop3A_437 : i32 to vector<16xi32>
      %parallel_loop3A_439 = arith.addi %parallel_loop3A_247, %parallel_loop3A_438 : vector<16xi32>
      %parallel_loop3A_440 = tpu.vector_load_idx %arg14[%parallel_loop3A_439] : memref<16000xf32, #tpu.memory_space<vmem>>[vector<16xi32>], vector<16xf32>,
      %parallel_loop3A_441 = arith.constant 27 : i32
      %parallel_loop3A_442 = vector.broadcast %parallel_loop3A_441 : i32 to vector<16xi32>
      %parallel_loop3A_443 = arith.addi %parallel_loop3A_220, %parallel_loop3A_442 : vector<16xi32>
      tpu.vector_store_idx %arg22[%parallel_loop3A_443], %parallel_loop3A_440 : memref<4016xf32, #tpu.memory_space<vmem>>[vector<16xi32>], vector<16xf32>,
      %parallel_loop3A_444 = arith.constant 18 : i32
      %parallel_loop3A_445 = vector.broadcast %parallel_loop3A_444 : i32 to vector<16xi32>
      %parallel_loop3A_446 = arith.addi %parallel_loop3A_247, %parallel_loop3A_445 : vector<16xi32>
      %parallel_loop3A_447 = tpu.vector_load_idx %arg14[%parallel_loop3A_446] : memref<16000xf32, #tpu.memory_space<vmem>>[vector<16xi32>], vector<16xf32>,
      %parallel_loop3A_448 = arith.constant 28 : i32
      %parallel_loop3A_449 = vector.broadcast %parallel_loop3A_448 : i32 to vector<16xi32>
      %parallel_loop3A_450 = arith.addi %parallel_loop3A_220, %parallel_loop3A_449 : vector<16xi32>
      tpu.vector_store_idx %arg22[%parallel_loop3A_450], %parallel_loop3A_447 : memref<4016xf32, #tpu.memory_space<vmem>>[vector<16xi32>], vector<16xf32>,
      %parallel_loop3A_451 = arith.constant 19 : i32
      %parallel_loop3A_452 = vector.broadcast %parallel_loop3A_451 : i32 to vector<16xi32>
      %parallel_loop3A_453 = arith.addi %parallel_loop3A_247, %parallel_loop3A_452 : vector<16xi32>
      %parallel_loop3A_454 = tpu.vector_load_idx %arg14[%parallel_loop3A_453] : memref<16000xf32, #tpu.memory_space<vmem>>[vector<16xi32>], vector<16xf32>,
      %parallel_loop3A_455 = arith.constant 29 : i32
      %parallel_loop3A_456 = vector.broadcast %parallel_loop3A_455 : i32 to vector<16xi32>
      %parallel_loop3A_457 = arith.addi %parallel_loop3A_220, %parallel_loop3A_456 : vector<16xi32>
      tpu.vector_store_idx %arg22[%parallel_loop3A_457], %parallel_loop3A_454 : memref<4016xf32, #tpu.memory_space<vmem>>[vector<16xi32>], vector<16xf32>,
      %parallel_loop3A_458 = arith.constant 20 : i32
      %parallel_loop3A_459 = vector.broadcast %parallel_loop3A_458 : i32 to vector<16xi32>
      %parallel_loop3A_460 = arith.addi %parallel_loop3A_247, %parallel_loop3A_459 : vector<16xi32>
      %parallel_loop3A_461 = tpu.vector_load_idx %arg14[%parallel_loop3A_460] : memref<16000xf32, #tpu.memory_space<vmem>>[vector<16xi32>], vector<16xf32>,
      %parallel_loop3A_462 = arith.constant 30 : i32
      %parallel_loop3A_463 = vector.broadcast %parallel_loop3A_462 : i32 to vector<16xi32>
      %parallel_loop3A_464 = arith.addi %parallel_loop3A_220, %parallel_loop3A_463 : vector<16xi32>
      tpu.vector_store_idx %arg22[%parallel_loop3A_464], %parallel_loop3A_461 : memref<4016xf32, #tpu.memory_space<vmem>>[vector<16xi32>], vector<16xf32>,
      %parallel_loop3A_465 = arith.constant 21 : i32
      %parallel_loop3A_466 = vector.broadcast %parallel_loop3A_465 : i32 to vector<16xi32>
      %parallel_loop3A_467 = arith.addi %parallel_loop3A_247, %parallel_loop3A_466 : vector<16xi32>
      %parallel_loop3A_468 = tpu.vector_load_idx %arg14[%parallel_loop3A_467] : memref<16000xf32, #tpu.memory_space<vmem>>[vector<16xi32>], vector<16xf32>,
      %parallel_loop3A_469 = arith.constant 31 : i32
      %parallel_loop3A_470 = vector.broadcast %parallel_loop3A_469 : i32 to vector<16xi32>
      %parallel_loop3A_471 = arith.addi %parallel_loop3A_220, %parallel_loop3A_470 : vector<16xi32>
      tpu.vector_store_idx %arg22[%parallel_loop3A_471], %parallel_loop3A_468 : memref<4016xf32, #tpu.memory_space<vmem>>[vector<16xi32>], vector<16xf32>,
      %parallel_loop3A_472 = arith.constant 22 : i32
      %parallel_loop3A_473 = vector.broadcast %parallel_loop3A_472 : i32 to vector<16xi32>
      %parallel_loop3A_474 = arith.addi %parallel_loop3A_247, %parallel_loop3A_473 : vector<16xi32>
      %parallel_loop3A_475 = tpu.vector_load_idx %arg14[%parallel_loop3A_474] : memref<16000xf32, #tpu.memory_space<vmem>>[vector<16xi32>], vector<16xf32>,
      %parallel_loop3A_476 = arith.constant 32 : i32
      %parallel_loop3A_477 = vector.broadcast %parallel_loop3A_476 : i32 to vector<16xi32>
      %parallel_loop3A_478 = arith.addi %parallel_loop3A_220, %parallel_loop3A_477 : vector<16xi32>
      tpu.vector_store_idx %arg22[%parallel_loop3A_478], %parallel_loop3A_475 : memref<4016xf32, #tpu.memory_space<vmem>>[vector<16xi32>], vector<16xf32>,
      %parallel_loop3A_479 = arith.constant 23 : i32
      %parallel_loop3A_480 = vector.broadcast %parallel_loop3A_479 : i32 to vector<16xi32>
      %parallel_loop3A_481 = arith.addi %parallel_loop3A_247, %parallel_loop3A_480 : vector<16xi32>
      %parallel_loop3A_482 = tpu.vector_load_idx %arg14[%parallel_loop3A_481] : memref<16000xf32, #tpu.memory_space<vmem>>[vector<16xi32>], vector<16xf32>,
      %parallel_loop3A_483 = arith.constant 33 : i32
      %parallel_loop3A_484 = vector.broadcast %parallel_loop3A_483 : i32 to vector<16xi32>
      %parallel_loop3A_485 = arith.addi %parallel_loop3A_220, %parallel_loop3A_484 : vector<16xi32>
      tpu.vector_store_idx %arg22[%parallel_loop3A_485], %parallel_loop3A_482 : memref<4016xf32, #tpu.memory_space<vmem>>[vector<16xi32>], vector<16xf32>,
      %parallel_loop3A_486 = arith.constant 24 : i32
      %parallel_loop3A_487 = vector.broadcast %parallel_loop3A_486 : i32 to vector<16xi32>
      %parallel_loop3A_488 = arith.addi %parallel_loop3A_247, %parallel_loop3A_487 : vector<16xi32>
      %parallel_loop3A_489 = tpu.vector_load_idx %arg14[%parallel_loop3A_488] : memref<16000xf32, #tpu.memory_space<vmem>>[vector<16xi32>], vector<16xf32>,
      %parallel_loop3A_490 = arith.constant 34 : i32
      %parallel_loop3A_491 = vector.broadcast %parallel_loop3A_490 : i32 to vector<16xi32>
      %parallel_loop3A_492 = arith.addi %parallel_loop3A_220, %parallel_loop3A_491 : vector<16xi32>
      tpu.vector_store_idx %arg22[%parallel_loop3A_492], %parallel_loop3A_489 : memref<4016xf32, #tpu.memory_space<vmem>>[vector<16xi32>], vector<16xf32>,
      %parallel_loop3A_493 = arith.constant 25 : i32
      %parallel_loop3A_494 = vector.broadcast %parallel_loop3A_493 : i32 to vector<16xi32>
      %parallel_loop3A_495 = arith.addi %parallel_loop3A_247, %parallel_loop3A_494 : vector<16xi32>
      %parallel_loop3A_496 = tpu.vector_load_idx %arg14[%parallel_loop3A_495] : memref<16000xf32, #tpu.memory_space<vmem>>[vector<16xi32>], vector<16xf32>,
      %parallel_loop3A_497 = arith.constant 35 : i32
      %parallel_loop3A_498 = vector.broadcast %parallel_loop3A_497 : i32 to vector<16xi32>
      %parallel_loop3A_499 = arith.addi %parallel_loop3A_220, %parallel_loop3A_498 : vector<16xi32>
      tpu.vector_store_idx %arg22[%parallel_loop3A_499], %parallel_loop3A_496 : memref<4016xf32, #tpu.memory_space<vmem>>[vector<16xi32>], vector<16xf32>,
      %parallel_loop3A_500 = arith.constant 26 : i32
      %parallel_loop3A_501 = vector.broadcast %parallel_loop3A_500 : i32 to vector<16xi32>
      %parallel_loop3A_502 = arith.addi %parallel_loop3A_247, %parallel_loop3A_501 : vector<16xi32>
      %parallel_loop3A_503 = tpu.vector_load_idx %arg14[%parallel_loop3A_502] : memref<16000xf32, #tpu.memory_space<vmem>>[vector<16xi32>], vector<16xf32>,
      %parallel_loop3A_504 = arith.constant 36 : i32
      %parallel_loop3A_505 = vector.broadcast %parallel_loop3A_504 : i32 to vector<16xi32>
      %parallel_loop3A_506 = arith.addi %parallel_loop3A_220, %parallel_loop3A_505 : vector<16xi32>
      tpu.vector_store_idx %arg22[%parallel_loop3A_506], %parallel_loop3A_503 : memref<4016xf32, #tpu.memory_space<vmem>>[vector<16xi32>], vector<16xf32>,
      %parallel_loop3A_507 = arith.constant 27 : i32
      %parallel_loop3A_508 = vector.broadcast %parallel_loop3A_507 : i32 to vector<16xi32>
      %parallel_loop3A_509 = arith.addi %parallel_loop3A_247, %parallel_loop3A_508 : vector<16xi32>
      %parallel_loop3A_510 = tpu.vector_load_idx %arg14[%parallel_loop3A_509] : memref<16000xf32, #tpu.memory_space<vmem>>[vector<16xi32>], vector<16xf32>,
      %parallel_loop3A_511 = arith.constant 37 : i32
      %parallel_loop3A_512 = vector.broadcast %parallel_loop3A_511 : i32 to vector<16xi32>
      %parallel_loop3A_513 = arith.addi %parallel_loop3A_220, %parallel_loop3A_512 : vector<16xi32>
      tpu.vector_store_idx %arg22[%parallel_loop3A_513], %parallel_loop3A_510 : memref<4016xf32, #tpu.memory_space<vmem>>[vector<16xi32>], vector<16xf32>,
      %parallel_loop3A_514 = arith.constant 28 : i32
      %parallel_loop3A_515 = vector.broadcast %parallel_loop3A_514 : i32 to vector<16xi32>
      %parallel_loop3A_516 = arith.addi %parallel_loop3A_247, %parallel_loop3A_515 : vector<16xi32>
      %parallel_loop3A_517 = tpu.vector_load_idx %arg14[%parallel_loop3A_516] : memref<16000xf32, #tpu.memory_space<vmem>>[vector<16xi32>], vector<16xf32>,
      %parallel_loop3A_518 = arith.constant 38 : i32
      %parallel_loop3A_519 = vector.broadcast %parallel_loop3A_518 : i32 to vector<16xi32>
      %parallel_loop3A_520 = arith.addi %parallel_loop3A_220, %parallel_loop3A_519 : vector<16xi32>
      tpu.vector_store_idx %arg22[%parallel_loop3A_520], %parallel_loop3A_517 : memref<4016xf32, #tpu.memory_space<vmem>>[vector<16xi32>], vector<16xf32>,
      %parallel_loop3A_521 = arith.constant 29 : i32
      %parallel_loop3A_522 = vector.broadcast %parallel_loop3A_521 : i32 to vector<16xi32>
      %parallel_loop3A_523 = arith.addi %parallel_loop3A_247, %parallel_loop3A_522 : vector<16xi32>
      %parallel_loop3A_524 = tpu.vector_load_idx %arg14[%parallel_loop3A_523] : memref<16000xf32, #tpu.memory_space<vmem>>[vector<16xi32>], vector<16xf32>,
      %parallel_loop3A_525 = arith.constant 39 : i32
      %parallel_loop3A_526 = vector.broadcast %parallel_loop3A_525 : i32 to vector<16xi32>
      %parallel_loop3A_527 = arith.addi %parallel_loop3A_220, %parallel_loop3A_526 : vector<16xi32>
      tpu.vector_store_idx %arg22[%parallel_loop3A_527], %parallel_loop3A_524 : memref<4016xf32, #tpu.memory_space<vmem>>[vector<16xi32>], vector<16xf32>,
      %parallel_loop3A_528 = arith.constant 30 : i32
      %parallel_loop3A_529 = vector.broadcast %parallel_loop3A_528 : i32 to vector<16xi32>
      %parallel_loop3A_530 = arith.addi %parallel_loop3A_247, %parallel_loop3A_529 : vector<16xi32>
      %parallel_loop3A_531 = tpu.vector_load_idx %arg14[%parallel_loop3A_530] : memref<16000xf32, #tpu.memory_space<vmem>>[vector<16xi32>], vector<16xf32>,
      %parallel_loop3A_532 = arith.constant 40 : i32
      %parallel_loop3A_533 = vector.broadcast %parallel_loop3A_532 : i32 to vector<16xi32>
      %parallel_loop3A_534 = arith.addi %parallel_loop3A_220, %parallel_loop3A_533 : vector<16xi32>
      tpu.vector_store_idx %arg22[%parallel_loop3A_534], %parallel_loop3A_531 : memref<4016xf32, #tpu.memory_space<vmem>>[vector<16xi32>], vector<16xf32>,
      %parallel_loop3A_535 = arith.constant 31 : i32
      %parallel_loop3A_536 = vector.broadcast %parallel_loop3A_535 : i32 to vector<16xi32>
      %parallel_loop3A_537 = arith.addi %parallel_loop3A_247, %parallel_loop3A_536 : vector<16xi32>
      %parallel_loop3A_538 = tpu.vector_load_idx %arg14[%parallel_loop3A_537] : memref<16000xf32, #tpu.memory_space<vmem>>[vector<16xi32>], vector<16xf32>,
      %parallel_loop3A_539 = arith.constant 41 : i32
      %parallel_loop3A_540 = vector.broadcast %parallel_loop3A_539 : i32 to vector<16xi32>
      %parallel_loop3A_541 = arith.addi %parallel_loop3A_220, %parallel_loop3A_540 : vector<16xi32>
      tpu.vector_store_idx %arg22[%parallel_loop3A_541], %parallel_loop3A_538 : memref<4016xf32, #tpu.memory_space<vmem>>[vector<16xi32>], vector<16xf32>,
      %parallel_loop3A_542 = arith.constant 32 : i32
      %parallel_loop3A_543 = vector.broadcast %parallel_loop3A_542 : i32 to vector<16xi32>
      %parallel_loop3A_544 = arith.addi %parallel_loop3A_247, %parallel_loop3A_543 : vector<16xi32>
      %parallel_loop3A_545 = tpu.vector_load_idx %arg14[%parallel_loop3A_544] : memref<16000xf32, #tpu.memory_space<vmem>>[vector<16xi32>], vector<16xf32>,
      %parallel_loop3A_546 = arith.constant 42 : i32
      %parallel_loop3A_547 = vector.broadcast %parallel_loop3A_546 : i32 to vector<16xi32>
      %parallel_loop3A_548 = arith.addi %parallel_loop3A_220, %parallel_loop3A_547 : vector<16xi32>
      tpu.vector_store_idx %arg22[%parallel_loop3A_548], %parallel_loop3A_545 : memref<4016xf32, #tpu.memory_space<vmem>>[vector<16xi32>], vector<16xf32>,
      %parallel_loop3A_549 = arith.constant 33 : i32
      %parallel_loop3A_550 = vector.broadcast %parallel_loop3A_549 : i32 to vector<16xi32>
      %parallel_loop3A_551 = arith.addi %parallel_loop3A_247, %parallel_loop3A_550 : vector<16xi32>
      %parallel_loop3A_552 = tpu.vector_load_idx %arg14[%parallel_loop3A_551] : memref<16000xf32, #tpu.memory_space<vmem>>[vector<16xi32>], vector<16xf32>,
      %parallel_loop3A_553 = arith.constant 43 : i32
      %parallel_loop3A_554 = vector.broadcast %parallel_loop3A_553 : i32 to vector<16xi32>
      %parallel_loop3A_555 = arith.addi %parallel_loop3A_220, %parallel_loop3A_554 : vector<16xi32>
      tpu.vector_store_idx %arg22[%parallel_loop3A_555], %parallel_loop3A_552 : memref<4016xf32, #tpu.memory_space<vmem>>[vector<16xi32>], vector<16xf32>,
      %parallel_loop3A_556 = arith.constant 34 : i32
      %parallel_loop3A_557 = vector.broadcast %parallel_loop3A_556 : i32 to vector<16xi32>
      %parallel_loop3A_558 = arith.addi %parallel_loop3A_247, %parallel_loop3A_557 : vector<16xi32>
      %parallel_loop3A_559 = tpu.vector_load_idx %arg14[%parallel_loop3A_558] : memref<16000xf32, #tpu.memory_space<vmem>>[vector<16xi32>], vector<16xf32>,
      %parallel_loop3A_560 = arith.constant 44 : i32
      %parallel_loop3A_561 = vector.broadcast %parallel_loop3A_560 : i32 to vector<16xi32>
      %parallel_loop3A_562 = arith.addi %parallel_loop3A_220, %parallel_loop3A_561 : vector<16xi32>
      tpu.vector_store_idx %arg22[%parallel_loop3A_562], %parallel_loop3A_559 : memref<4016xf32, #tpu.memory_space<vmem>>[vector<16xi32>], vector<16xf32>,
      %parallel_loop3A_563 = arith.constant 35 : i32
      %parallel_loop3A_564 = vector.broadcast %parallel_loop3A_563 : i32 to vector<16xi32>
      %parallel_loop3A_565 = arith.addi %parallel_loop3A_247, %parallel_loop3A_564 : vector<16xi32>
      %parallel_loop3A_566 = tpu.vector_load_idx %arg14[%parallel_loop3A_565] : memref<16000xf32, #tpu.memory_space<vmem>>[vector<16xi32>], vector<16xf32>,
      %parallel_loop3A_567 = arith.constant 45 : i32
      %parallel_loop3A_568 = vector.broadcast %parallel_loop3A_567 : i32 to vector<16xi32>
      %parallel_loop3A_569 = arith.addi %parallel_loop3A_220, %parallel_loop3A_568 : vector<16xi32>
      tpu.vector_store_idx %arg22[%parallel_loop3A_569], %parallel_loop3A_566 : memref<4016xf32, #tpu.memory_space<vmem>>[vector<16xi32>], vector<16xf32>,
      %parallel_loop3A_570 = arith.constant 36 : i32
      %parallel_loop3A_571 = vector.broadcast %parallel_loop3A_570 : i32 to vector<16xi32>
      %parallel_loop3A_572 = arith.addi %parallel_loop3A_247, %parallel_loop3A_571 : vector<16xi32>
      %parallel_loop3A_573 = tpu.vector_load_idx %arg14[%parallel_loop3A_572] : memref<16000xf32, #tpu.memory_space<vmem>>[vector<16xi32>], vector<16xf32>,
      %parallel_loop3A_574 = arith.constant 46 : i32
      %parallel_loop3A_575 = vector.broadcast %parallel_loop3A_574 : i32 to vector<16xi32>
      %parallel_loop3A_576 = arith.addi %parallel_loop3A_220, %parallel_loop3A_575 : vector<16xi32>
      tpu.vector_store_idx %arg22[%parallel_loop3A_576], %parallel_loop3A_573 : memref<4016xf32, #tpu.memory_space<vmem>>[vector<16xi32>], vector<16xf32>,
      %parallel_loop3A_577 = arith.constant 37 : i32
      %parallel_loop3A_578 = vector.broadcast %parallel_loop3A_577 : i32 to vector<16xi32>
      %parallel_loop3A_579 = arith.addi %parallel_loop3A_247, %parallel_loop3A_578 : vector<16xi32>
      %parallel_loop3A_580 = tpu.vector_load_idx %arg14[%parallel_loop3A_579] : memref<16000xf32, #tpu.memory_space<vmem>>[vector<16xi32>], vector<16xf32>,
      %parallel_loop3A_581 = arith.constant 47 : i32
      %parallel_loop3A_582 = vector.broadcast %parallel_loop3A_581 : i32 to vector<16xi32>
      %parallel_loop3A_583 = arith.addi %parallel_loop3A_220, %parallel_loop3A_582 : vector<16xi32>
      tpu.vector_store_idx %arg22[%parallel_loop3A_583], %parallel_loop3A_580 : memref<4016xf32, #tpu.memory_space<vmem>>[vector<16xi32>], vector<16xf32>,
      %parallel_loop3A_584 = arith.constant 38 : i32
      %parallel_loop3A_585 = vector.broadcast %parallel_loop3A_584 : i32 to vector<16xi32>
      %parallel_loop3A_586 = arith.addi %parallel_loop3A_247, %parallel_loop3A_585 : vector<16xi32>
      %parallel_loop3A_587 = tpu.vector_load_idx %arg14[%parallel_loop3A_586] : memref<16000xf32, #tpu.memory_space<vmem>>[vector<16xi32>], vector<16xf32>,
      %parallel_loop3A_588 = arith.constant 48 : i32
      %parallel_loop3A_589 = vector.broadcast %parallel_loop3A_588 : i32 to vector<16xi32>
      %parallel_loop3A_590 = arith.addi %parallel_loop3A_220, %parallel_loop3A_589 : vector<16xi32>
      tpu.vector_store_idx %arg22[%parallel_loop3A_590], %parallel_loop3A_587 : memref<4016xf32, #tpu.memory_space<vmem>>[vector<16xi32>], vector<16xf32>,
      %parallel_loop3A_591 = arith.constant 39 : i32
      %parallel_loop3A_592 = vector.broadcast %parallel_loop3A_591 : i32 to vector<16xi32>
      %parallel_loop3A_593 = arith.addi %parallel_loop3A_247, %parallel_loop3A_592 : vector<16xi32>
      %parallel_loop3A_594 = tpu.vector_load_idx %arg14[%parallel_loop3A_593] : memref<16000xf32, #tpu.memory_space<vmem>>[vector<16xi32>], vector<16xf32>,
      %parallel_loop3A_595 = arith.constant 49 : i32
      %parallel_loop3A_596 = vector.broadcast %parallel_loop3A_595 : i32 to vector<16xi32>
      %parallel_loop3A_597 = arith.addi %parallel_loop3A_220, %parallel_loop3A_596 : vector<16xi32>
      tpu.vector_store_idx %arg22[%parallel_loop3A_597], %parallel_loop3A_594 : memref<4016xf32, #tpu.memory_space<vmem>>[vector<16xi32>], vector<16xf32>,
    } {sc.loop_unroll_factor = 1 : i64, sc.parallel_access}
    %scan3A = arith.constant 0 : i32
    %scan3A_178 = arith.constant 0 : i32
    %scan3A_179 = arith.constant 40 : i32
    %scan3A_180 = arith.addi %scan3A_178, %scan3A_179 : i32
    %scan3A_181 = arith.constant 1 : i32
    scf.for %scan3A_213 = %scan3A_178 to %scan3A_180 step %scan3A_181  : i32 {
      %mul3A_214 = arith.constant 2 : i32
      %mul3A_215 = arith.muli %scan3A_213, %mul3A_214 : i32
      %add3A_216 = arith.constant 0 : i32
      %add3A_217 = arith.addi %mul3A_215, %add3A_216 : i32
      %mul3A_218 = arith.constant 6400 : i32
      %mul3A_219 = arith.muli %add3A, %mul3A_218 : i32
      %mul3A_220 = arith.constant 80 : i32
      %mul3A_221 = arith.muli %add3A_217, %mul3A_220 : i32
      %add3A_222 = arith.addi %mul3A_219, %mul3A_221 : i32
      %dma_wait3A_223 = arith.constant 0 : i32
      %dma_wait3A_224 = arith.constant 0 : i32
      %dma_wait3A_225 = arith.constant 0 : i32
      %dma_wait3A_226 = arith.constant 0 : i32
      %dma_wait3A_227 = tpu.memref_slice %arg20[%dma_wait3A_224, %dma_wait3A_225, %dma_wait3A_226] : memref<2x80x128xf32, #tpu.memory_space<vmem>> -> memref<1x80x128xf32, #tpu.memory_space<vmem>>
      %dma_wait3A_228 = tpu.memref_squeeze %dma_wait3A_227 : memref<1x80x128xf32, #tpu.memory_space<vmem>> -> memref<80x128xf32, #tpu.memory_space<vmem>>
      %dma_wait3A_229 = arith.constant 0 : i32
      %dma_wait3A_230 = tpu.memref_slice %arg18[%dma_wait3A_223, %dma_wait3A_229] : memref<2x80xi32, #tpu.memory_space<vmem>> -> memref<1x80xi32, #tpu.memory_space<vmem>>
      %dma_wait3A_231 = tpu.memref_squeeze %dma_wait3A_230 : memref<1x80xi32, #tpu.memory_space<vmem>> -> memref<80xi32, #tpu.memory_space<vmem>>
      %dma_wait3A_232 = arith.constant 0 : i32
      %dma_wait3A_233 = arith.constant 0 : i32
      %dma_wait3A_234 = tpu.memref_slice %arg10[%dma_wait3A_232, %dma_wait3A_233] : memref<100000x128xf32, #tpu.memory_space<hbm>> -> memref<100000x128xf32, #tpu.memory_space<hbm>>
      tpu.wait_indirect_dma semaphore(%arg26 : memref<!tpu.dma_semaphore, #tpu.memory_space<semaphore_mem>>) src(%dma_wait3A_234 : memref<100000x128xf32, #tpu.memory_space<hbm>>) dst(%dma_wait3A_228 : memref<80x128xf32, #tpu.memory_space<vmem>>)
      %dma_wait3A_235 = arith.constant 0 : i32
      %dma_wait3A_236 = arith.constant 0 : i32
      %dma_wait3A_237 = arith.constant 0 : i32
      %dma_wait3A_238 = arith.constant 0 : i32
      %dma_wait3A_239 = tpu.memref_slice %arg21[%dma_wait3A_236, %dma_wait3A_237, %dma_wait3A_238] : memref<2x80x128xf32, #tpu.memory_space<vmem>> -> memref<1x80x128xf32, #tpu.memory_space<vmem>>
      %dma_wait3A_240 = tpu.memref_squeeze %dma_wait3A_239 : memref<1x80x128xf32, #tpu.memory_space<vmem>> -> memref<80x128xf32, #tpu.memory_space<vmem>>
      %dma_wait3A_241 = arith.constant 0 : i32
      %dma_wait3A_242 = tpu.memref_slice %arg19[%dma_wait3A_235, %dma_wait3A_241] : memref<2x80xi32, #tpu.memory_space<vmem>> -> memref<1x80xi32, #tpu.memory_space<vmem>>
      %dma_wait3A_243 = tpu.memref_squeeze %dma_wait3A_242 : memref<1x80xi32, #tpu.memory_space<vmem>> -> memref<80xi32, #tpu.memory_space<vmem>>
      %dma_wait3A_244 = arith.constant 0 : i32
      %dma_wait3A_245 = arith.constant 0 : i32
      %dma_wait3A_246 = tpu.memref_slice %arg10[%dma_wait3A_244, %dma_wait3A_245] : memref<100000x128xf32, #tpu.memory_space<hbm>> -> memref<100000x128xf32, #tpu.memory_space<hbm>>
      tpu.wait_indirect_dma semaphore(%arg26 : memref<!tpu.dma_semaphore, #tpu.memory_space<semaphore_mem>>) src(%dma_wait3A_246 : memref<100000x128xf32, #tpu.memory_space<hbm>>) dst(%dma_wait3A_240 : memref<80x128xf32, #tpu.memory_space<vmem>>)
      %add3A_247 = arith.constant 1 : i32
      %add3A_248 = arith.addi %add3A_217, %add3A_247 : i32
      %lt3A = arith.constant 80 : i32
      %lt3A_249 = arith.cmpi slt, %add3A_248, %lt3A : i32
      %convert_element_type3A = arith.extui %lt3A_249 : i1 to i32
      %cond3A = arith.constant 0 : i32
      %cond3A_250 = arith.cmpi ne, %convert_element_type3A, %cond3A : i32
      scf.if %cond3A_250 {
        %dma_wait3A_360 = arith.constant 1 : i32
        %dma_wait3A_361 = arith.constant 0 : i32
        %dma_wait3A_362 = tpu.memref_slice %arg15[%dma_wait3A_360, %dma_wait3A_361] : memref<2x80xi32, #tpu.memory_space<vmem>> -> memref<1x80xi32, #tpu.memory_space<vmem>>
        %dma_wait3A_363 = tpu.memref_squeeze %dma_wait3A_362 : memref<1x80xi32, #tpu.memory_space<vmem>> -> memref<80xi32, #tpu.memory_space<vmem>>
        %dma_wait3A_364 = arith.constant 0 : i32
        %dma_wait3A_365 = tpu.memref_slice %arg2[%dma_wait3A_364] : memref<204800xi32, #tpu.memory_space<hbm>> -> memref<80xi32, #tpu.memory_space<hbm>>
        %dma_wait3A_366 = arith.constant 0 : i32
        %dma_wait3A_367 = tpu.memref_slice %arg15[%dma_wait3A_360, %dma_wait3A_366] : memref<2x80xi32, #tpu.memory_space<vmem>> -> memref<1x80xi32, #tpu.memory_space<vmem>>
        %dma_wait3A_368 = tpu.memref_squeeze %dma_wait3A_367 : memref<1x80xi32, #tpu.memory_space<vmem>> -> memref<80xi32, #tpu.memory_space<vmem>>
        %dma_wait3A_369 = arith.constant 0 : i32
        %dma_wait3A_370 = tpu.memref_slice %arg2[%dma_wait3A_369] : memref<204800xi32, #tpu.memory_space<hbm>> -> memref<80xi32, #tpu.memory_space<hbm>>
        tpu.wait_dma2 semaphore(%arg25 : memref<!tpu.dma_semaphore, #tpu.memory_space<semaphore_mem>>) src(%dma_wait3A_370 : memref<80xi32, #tpu.memory_space<hbm>>) dst(%dma_wait3A_368 : memref<80xi32, #tpu.memory_space<vmem>>)
        %dma_wait3A_371 = arith.constant 1 : i32
        %dma_wait3A_372 = arith.constant 0 : i32
        %dma_wait3A_373 = tpu.memref_slice %arg16[%dma_wait3A_371, %dma_wait3A_372] : memref<2x80xi32, #tpu.memory_space<vmem>> -> memref<1x80xi32, #tpu.memory_space<vmem>>
        %dma_wait3A_374 = tpu.memref_squeeze %dma_wait3A_373 : memref<1x80xi32, #tpu.memory_space<vmem>> -> memref<80xi32, #tpu.memory_space<vmem>>
        %dma_wait3A_375 = arith.constant 0 : i32
        %dma_wait3A_376 = tpu.memref_slice %arg3[%dma_wait3A_375] : memref<204800xi32, #tpu.memory_space<hbm>> -> memref<80xi32, #tpu.memory_space<hbm>>
        %dma_wait3A_377 = arith.constant 0 : i32
        %dma_wait3A_378 = tpu.memref_slice %arg16[%dma_wait3A_371, %dma_wait3A_377] : memref<2x80xi32, #tpu.memory_space<vmem>> -> memref<1x80xi32, #tpu.memory_space<vmem>>
        %dma_wait3A_379 = tpu.memref_squeeze %dma_wait3A_378 : memref<1x80xi32, #tpu.memory_space<vmem>> -> memref<80xi32, #tpu.memory_space<vmem>>
        %dma_wait3A_380 = arith.constant 0 : i32
        %dma_wait3A_381 = tpu.memref_slice %arg3[%dma_wait3A_380] : memref<204800xi32, #tpu.memory_space<hbm>> -> memref<80xi32, #tpu.memory_space<hbm>>
        tpu.wait_dma2 semaphore(%arg25 : memref<!tpu.dma_semaphore, #tpu.memory_space<semaphore_mem>>) src(%dma_wait3A_381 : memref<80xi32, #tpu.memory_space<hbm>>) dst(%dma_wait3A_379 : memref<80xi32, #tpu.memory_space<vmem>>)
        %dma_wait3A_382 = arith.constant 1 : i32
        %dma_wait3A_383 = arith.constant 0 : i32
        %dma_wait3A_384 = tpu.memref_slice %arg17[%dma_wait3A_382, %dma_wait3A_383] : memref<2x80xi32, #tpu.memory_space<vmem>> -> memref<1x80xi32, #tpu.memory_space<vmem>>
        %dma_wait3A_385 = tpu.memref_squeeze %dma_wait3A_384 : memref<1x80xi32, #tpu.memory_space<vmem>> -> memref<80xi32, #tpu.memory_space<vmem>>
        %dma_wait3A_386 = arith.constant 0 : i32
        %dma_wait3A_387 = tpu.memref_slice %arg4[%dma_wait3A_386] : memref<204800xi32, #tpu.memory_space<hbm>> -> memref<80xi32, #tpu.memory_space<hbm>>
        %dma_wait3A_388 = arith.constant 0 : i32
        %dma_wait3A_389 = tpu.memref_slice %arg17[%dma_wait3A_382, %dma_wait3A_388] : memref<2x80xi32, #tpu.memory_space<vmem>> -> memref<1x80xi32, #tpu.memory_space<vmem>>
        %dma_wait3A_390 = tpu.memref_squeeze %dma_wait3A_389 : memref<1x80xi32, #tpu.memory_space<vmem>> -> memref<80xi32, #tpu.memory_space<vmem>>
        %dma_wait3A_391 = arith.constant 0 : i32
        %dma_wait3A_392 = tpu.memref_slice %arg4[%dma_wait3A_391] : memref<204800xi32, #tpu.memory_space<hbm>> -> memref<80xi32, #tpu.memory_space<hbm>>
        tpu.wait_dma2 semaphore(%arg25 : memref<!tpu.dma_semaphore, #tpu.memory_space<semaphore_mem>>) src(%dma_wait3A_392 : memref<80xi32, #tpu.memory_space<hbm>>) dst(%dma_wait3A_390 : memref<80xi32, #tpu.memory_space<vmem>>)
        %dma_wait3A_393 = arith.constant 1 : i32
        %dma_wait3A_394 = arith.constant 0 : i32
        %dma_wait3A_395 = tpu.memref_slice %arg18[%dma_wait3A_393, %dma_wait3A_394] : memref<2x80xi32, #tpu.memory_space<vmem>> -> memref<1x80xi32, #tpu.memory_space<vmem>>
        %dma_wait3A_396 = tpu.memref_squeeze %dma_wait3A_395 : memref<1x80xi32, #tpu.memory_space<vmem>> -> memref<80xi32, #tpu.memory_space<vmem>>
        %dma_wait3A_397 = arith.constant 0 : i32
        %dma_wait3A_398 = tpu.memref_slice %arg5[%dma_wait3A_397] : memref<204800xi32, #tpu.memory_space<hbm>> -> memref<80xi32, #tpu.memory_space<hbm>>
        %dma_wait3A_399 = arith.constant 0 : i32
        %dma_wait3A_400 = tpu.memref_slice %arg18[%dma_wait3A_393, %dma_wait3A_399] : memref<2x80xi32, #tpu.memory_space<vmem>> -> memref<1x80xi32, #tpu.memory_space<vmem>>
        %dma_wait3A_401 = tpu.memref_squeeze %dma_wait3A_400 : memref<1x80xi32, #tpu.memory_space<vmem>> -> memref<80xi32, #tpu.memory_space<vmem>>
        %dma_wait3A_402 = arith.constant 0 : i32
        %dma_wait3A_403 = tpu.memref_slice %arg5[%dma_wait3A_402] : memref<204800xi32, #tpu.memory_space<hbm>> -> memref<80xi32, #tpu.memory_space<hbm>>
        tpu.wait_dma2 semaphore(%arg25 : memref<!tpu.dma_semaphore, #tpu.memory_space<semaphore_mem>>) src(%dma_wait3A_403 : memref<80xi32, #tpu.memory_space<hbm>>) dst(%dma_wait3A_401 : memref<80xi32, #tpu.memory_space<vmem>>)
        %dma_wait3A_404 = arith.constant 1 : i32
        %dma_wait3A_405 = arith.constant 0 : i32
        %dma_wait3A_406 = tpu.memref_slice %arg19[%dma_wait3A_404, %dma_wait3A_405] : memref<2x80xi32, #tpu.memory_space<vmem>> -> memref<1x80xi32, #tpu.memory_space<vmem>>
        %dma_wait3A_407 = tpu.memref_squeeze %dma_wait3A_406 : memref<1x80xi32, #tpu.memory_space<vmem>> -> memref<80xi32, #tpu.memory_space<vmem>>
        %dma_wait3A_408 = arith.constant 0 : i32
        %dma_wait3A_409 = tpu.memref_slice %arg6[%dma_wait3A_408] : memref<204800xi32, #tpu.memory_space<hbm>> -> memref<80xi32, #tpu.memory_space<hbm>>
        %dma_wait3A_410 = arith.constant 0 : i32
        %dma_wait3A_411 = tpu.memref_slice %arg19[%dma_wait3A_404, %dma_wait3A_410] : memref<2x80xi32, #tpu.memory_space<vmem>> -> memref<1x80xi32, #tpu.memory_space<vmem>>
        %dma_wait3A_412 = tpu.memref_squeeze %dma_wait3A_411 : memref<1x80xi32, #tpu.memory_space<vmem>> -> memref<80xi32, #tpu.memory_space<vmem>>
        %dma_wait3A_413 = arith.constant 0 : i32
        %dma_wait3A_414 = tpu.memref_slice %arg6[%dma_wait3A_413] : memref<204800xi32, #tpu.memory_space<hbm>> -> memref<80xi32, #tpu.memory_space<hbm>>
        tpu.wait_dma2 semaphore(%arg25 : memref<!tpu.dma_semaphore, #tpu.memory_space<semaphore_mem>>) src(%dma_wait3A_414 : memref<80xi32, #tpu.memory_space<hbm>>) dst(%dma_wait3A_412 : memref<80xi32, #tpu.memory_space<vmem>>)
        %dma_start3A_415 = arith.constant 1 : i32
        %dma_start3A_416 = arith.constant 1 : i32
        %dma_start3A_417 = arith.constant 0 : i32
        %dma_start3A_418 = arith.constant 0 : i32
        %dma_start3A_419 = tpu.memref_slice %arg20[%dma_start3A_416, %dma_start3A_417, %dma_start3A_418] : memref<2x80x128xf32, #tpu.memory_space<vmem>> -> memref<1x80x128xf32, #tpu.memory_space<vmem>>
        %dma_start3A_420 = tpu.memref_squeeze %dma_start3A_419 : memref<1x80x128xf32, #tpu.memory_space<vmem>> -> memref<80x128xf32, #tpu.memory_space<vmem>>
        %dma_start3A_421 = arith.constant 0 : i32
        %dma_start3A_422 = tpu.memref_slice %arg18[%dma_start3A_415, %dma_start3A_421] : memref<2x80xi32, #tpu.memory_space<vmem>> -> memref<1x80xi32, #tpu.memory_space<vmem>>
        %dma_start3A_423 = tpu.memref_squeeze %dma_start3A_422 : memref<1x80xi32, #tpu.memory_space<vmem>> -> memref<80xi32, #tpu.memory_space<vmem>>
        %dma_start3A_424 = arith.constant 0 : i32
        %dma_start3A_425 = arith.constant 0 : i32
        %dma_start3A_426 = tpu.memref_slice %arg10[%dma_start3A_424, %dma_start3A_425] : memref<100000x128xf32, #tpu.memory_space<hbm>> -> memref<100000x128xf32, #tpu.memory_space<hbm>>
        tpu.enqueue_indirect_dma source(%dma_start3A_426 : memref<100000x128xf32, #tpu.memory_space<hbm>>) target(%dma_start3A_420 : memref<80x128xf32, #tpu.memory_space<vmem>>) offsets(%dma_start3A_423 : memref<80xi32, #tpu.memory_space<vmem>>) semaphore(%arg27 : memref<!tpu.dma_semaphore, #tpu.memory_space<semaphore_mem>>)
        %dma_start3A_427 = arith.constant 1 : i32
        %dma_start3A_428 = arith.constant 1 : i32
        %dma_start3A_429 = arith.constant 0 : i32
        %dma_start3A_430 = arith.constant 0 : i32
        %dma_start3A_431 = tpu.memref_slice %arg21[%dma_start3A_428, %dma_start3A_429, %dma_start3A_430] : memref<2x80x128xf32, #tpu.memory_space<vmem>> -> memref<1x80x128xf32, #tpu.memory_space<vmem>>
        %dma_start3A_432 = tpu.memref_squeeze %dma_start3A_431 : memref<1x80x128xf32, #tpu.memory_space<vmem>> -> memref<80x128xf32, #tpu.memory_space<vmem>>
        %dma_start3A_433 = arith.constant 0 : i32
        %dma_start3A_434 = tpu.memref_slice %arg19[%dma_start3A_427, %dma_start3A_433] : memref<2x80xi32, #tpu.memory_space<vmem>> -> memref<1x80xi32, #tpu.memory_space<vmem>>
        %dma_start3A_435 = tpu.memref_squeeze %dma_start3A_434 : memref<1x80xi32, #tpu.memory_space<vmem>> -> memref<80xi32, #tpu.memory_space<vmem>>
        %dma_start3A_436 = arith.constant 0 : i32
        %dma_start3A_437 = arith.constant 0 : i32
        %dma_start3A_438 = tpu.memref_slice %arg10[%dma_start3A_436, %dma_start3A_437] : memref<100000x128xf32, #tpu.memory_space<hbm>> -> memref<100000x128xf32, #tpu.memory_space<hbm>>
        tpu.enqueue_indirect_dma source(%dma_start3A_438 : memref<100000x128xf32, #tpu.memory_space<hbm>>) target(%dma_start3A_432 : memref<80x128xf32, #tpu.memory_space<vmem>>) offsets(%dma_start3A_435 : memref<80xi32, #tpu.memory_space<vmem>>) semaphore(%arg27 : memref<!tpu.dma_semaphore, #tpu.memory_space<semaphore_mem>>)
      } else {
      }
      %ge3A = arith.constant 1 : i32
      %ge3A_251 = arith.cmpi sge, %scan3A_213, %ge3A : i32
      %convert_element_type3A_252 = arith.extui %ge3A_251 : i1 to i32
      %cond3A_253 = arith.constant 0 : i32
      %cond3A_254 = arith.cmpi ne, %convert_element_type3A_252, %cond3A_253 : i32
      scf.if %cond3A_254 {
        %dma_wait3A_360 = arith.constant 0 : i32
        %dma_wait3A_361 = arith.constant 0 : i32
        %dma_wait3A_362 = arith.constant 0 : i32
        %dma_wait3A_363 = tpu.memref_slice %arg23[%dma_wait3A_360, %dma_wait3A_361, %dma_wait3A_362] : memref<2x80x306xf32, #tpu.memory_space<vmem>> -> memref<1x80x306xf32, #tpu.memory_space<vmem>>
        %dma_wait3A_364 = tpu.memref_squeeze %dma_wait3A_363 : memref<1x80x306xf32, #tpu.memory_space<vmem>> -> memref<80x306xf32, #tpu.memory_space<vmem>>
        %dma_wait3A_365 = arith.constant 0 : i32
        %dma_wait3A_366 = arith.constant 0 : i32
        %dma_wait3A_367 = tpu.memref_slice %arg11[%dma_wait3A_365, %dma_wait3A_366] : memref<204800x306xf32, #tpu.memory_space<hbm>> -> memref<80x306xf32, #tpu.memory_space<hbm>>
        %dma_wait3A_368 = arith.constant 0 : i32
        %dma_wait3A_369 = arith.constant 0 : i32
        %dma_wait3A_370 = tpu.memref_slice %arg11[%dma_wait3A_368, %dma_wait3A_369] : memref<204800x306xf32, #tpu.memory_space<hbm>> -> memref<80x306xf32, #tpu.memory_space<hbm>>
        %dma_wait3A_371 = arith.constant 0 : i32
        %dma_wait3A_372 = arith.constant 0 : i32
        %dma_wait3A_373 = tpu.memref_slice %arg23[%dma_wait3A_360, %dma_wait3A_371, %dma_wait3A_372] : memref<2x80x306xf32, #tpu.memory_space<vmem>> -> memref<1x80x306xf32, #tpu.memory_space<vmem>>
        %dma_wait3A_374 = tpu.memref_squeeze %dma_wait3A_373 : memref<1x80x306xf32, #tpu.memory_space<vmem>> -> memref<80x306xf32, #tpu.memory_space<vmem>>
        tpu.wait_dma2 semaphore(%arg28 : memref<!tpu.dma_semaphore, #tpu.memory_space<semaphore_mem>>) src(%dma_wait3A_374 : memref<80x306xf32, #tpu.memory_space<vmem>>) dst(%dma_wait3A_370 : memref<80x306xf32, #tpu.memory_space<hbm>>)
      } else {
      }
      %parallel_loop3A_255 = arith.constant 0 : i32
      %parallel_loop3A_256 = arith.constant 80 : i32
      %parallel_loop3A_257 = arith.constant 1 : i32
      scf.for %parallel_loop3A_360 = %parallel_loop3A_255 to %parallel_loop3A_256 step %parallel_loop3A_257  : i32 {
        %parallel_loop3A_361 = arith.constant 50 : i32
        %parallel_loop3A_362 = arith.muli %parallel_loop3A_360, %parallel_loop3A_361 : i32
        %parallel_loop3A_363 = arith.constant 0 : i32
        %parallel_loop3A_364 = arith.addi %parallel_loop3A_362, %parallel_loop3A_363 : i32
        %parallel_loop3A_365 = arith.index_cast %parallel_loop3A_364 : i32 to index
        %parallel_loop3A_366 = tpu.vector_load %arg22[%parallel_loop3A_365] {strides = array<i32>} : memref<4016xf32, #tpu.memory_space<vmem>>, vector<16xf32>,
        %parallel_loop3A_367 = arith.constant 0 : i32
        %parallel_loop3A_368 = arith.index_cast %parallel_loop3A_367 : i32 to index
        %parallel_loop3A_369 = arith.index_cast %parallel_loop3A_360 : i32 to index
        %parallel_loop3A_370 = arith.constant 0 : index
        %parallel_loop3A_371 = tpu.vector_load %arg23[%parallel_loop3A_368, %parallel_loop3A_369, %parallel_loop3A_370] {strides = array<i32>} : memref<2x80x306xf32, #tpu.memory_space<vmem>>, vector<16xf32>,
        tpu.vector_store %arg23[%parallel_loop3A_368, %parallel_loop3A_369, %parallel_loop3A_370], %parallel_loop3A_366 {strides = array<i32>} : memref<2x80x306xf32, #tpu.memory_space<vmem>>, vector<16xf32>,
        %parallel_loop3A_372 = arith.constant 16 : i32
        %parallel_loop3A_373 = arith.addi %parallel_loop3A_362, %parallel_loop3A_372 : i32
        %parallel_loop3A_374 = arith.index_cast %parallel_loop3A_373 : i32 to index
        %parallel_loop3A_375 = tpu.vector_load %arg22[%parallel_loop3A_374] {strides = array<i32>} : memref<4016xf32, #tpu.memory_space<vmem>>, vector<16xf32>,
        %parallel_loop3A_376 = arith.constant 0 : i32
        %parallel_loop3A_377 = arith.index_cast %parallel_loop3A_376 : i32 to index
        %parallel_loop3A_378 = arith.index_cast %parallel_loop3A_360 : i32 to index
        %parallel_loop3A_379 = arith.constant 16 : index
        %parallel_loop3A_380 = tpu.vector_load %arg23[%parallel_loop3A_377, %parallel_loop3A_378, %parallel_loop3A_379] {strides = array<i32>} : memref<2x80x306xf32, #tpu.memory_space<vmem>>, vector<16xf32>,
        tpu.vector_store %arg23[%parallel_loop3A_377, %parallel_loop3A_378, %parallel_loop3A_379], %parallel_loop3A_375 {strides = array<i32>} : memref<2x80x306xf32, #tpu.memory_space<vmem>>, vector<16xf32>,
        %parallel_loop3A_381 = arith.constant 32 : i32
        %parallel_loop3A_382 = arith.addi %parallel_loop3A_362, %parallel_loop3A_381 : i32
        %parallel_loop3A_383 = arith.index_cast %parallel_loop3A_382 : i32 to index
        %parallel_loop3A_384 = tpu.vector_load %arg22[%parallel_loop3A_383] {strides = array<i32>} : memref<4016xf32, #tpu.memory_space<vmem>>, vector<16xf32>,
        %parallel_loop3A_385 = arith.constant 0 : i32
        %parallel_loop3A_386 = arith.index_cast %parallel_loop3A_385 : i32 to index
        %parallel_loop3A_387 = arith.index_cast %parallel_loop3A_360 : i32 to index
        %parallel_loop3A_388 = arith.constant 32 : index
        %parallel_loop3A_389 = tpu.vector_load %arg23[%parallel_loop3A_386, %parallel_loop3A_387, %parallel_loop3A_388] {strides = array<i32>} : memref<2x80x306xf32, #tpu.memory_space<vmem>>, vector<16xf32>,
        tpu.vector_store %arg23[%parallel_loop3A_386, %parallel_loop3A_387, %parallel_loop3A_388], %parallel_loop3A_384 {strides = array<i32>} : memref<2x80x306xf32, #tpu.memory_space<vmem>>, vector<16xf32>,
        %parallel_loop3A_390 = arith.constant 34 : i32
        %parallel_loop3A_391 = arith.addi %parallel_loop3A_362, %parallel_loop3A_390 : i32
        %parallel_loop3A_392 = arith.index_cast %parallel_loop3A_391 : i32 to index
        %parallel_loop3A_393 = tpu.vector_load %arg22[%parallel_loop3A_392] {strides = array<i32>} : memref<4016xf32, #tpu.memory_space<vmem>>, vector<16xf32>,
        %parallel_loop3A_394 = arith.constant 0 : i32
        %parallel_loop3A_395 = arith.index_cast %parallel_loop3A_394 : i32 to index
        %parallel_loop3A_396 = arith.index_cast %parallel_loop3A_360 : i32 to index
        %parallel_loop3A_397 = arith.constant 34 : index
        %parallel_loop3A_398 = tpu.vector_load %arg23[%parallel_loop3A_395, %parallel_loop3A_396, %parallel_loop3A_397] {strides = array<i32>} : memref<2x80x306xf32, #tpu.memory_space<vmem>>, vector<16xf32>,
        tpu.vector_store %arg23[%parallel_loop3A_395, %parallel_loop3A_396, %parallel_loop3A_397], %parallel_loop3A_393 {strides = array<i32>} : memref<2x80x306xf32, #tpu.memory_space<vmem>>, vector<16xf32>,
        %parallel_loop3A_399 = arith.constant 0 : i32
        %parallel_loop3A_400 = arith.index_cast %parallel_loop3A_399 : i32 to index
        %parallel_loop3A_401 = arith.index_cast %parallel_loop3A_360 : i32 to index
        %parallel_loop3A_402 = arith.constant 0 : index
        %parallel_loop3A_403 = tpu.vector_load %arg20[%parallel_loop3A_400, %parallel_loop3A_401, %parallel_loop3A_402] {strides = array<i32>} : memref<2x80x128xf32, #tpu.memory_space<vmem>>, vector<16xf32>,
        %parallel_loop3A_404 = arith.constant 0 : i32
        %parallel_loop3A_405 = arith.index_cast %parallel_loop3A_404 : i32 to index
        %parallel_loop3A_406 = arith.index_cast %parallel_loop3A_360 : i32 to index
        %parallel_loop3A_407 = arith.constant 50 : index
        %parallel_loop3A_408 = tpu.vector_load %arg23[%parallel_loop3A_405, %parallel_loop3A_406, %parallel_loop3A_407] {strides = array<i32>} : memref<2x80x306xf32, #tpu.memory_space<vmem>>, vector<16xf32>,
        tpu.vector_store %arg23[%parallel_loop3A_405, %parallel_loop3A_406, %parallel_loop3A_407], %parallel_loop3A_403 {strides = array<i32>} : memref<2x80x306xf32, #tpu.memory_space<vmem>>, vector<16xf32>,
        %parallel_loop3A_409 = arith.constant 0 : i32
        %parallel_loop3A_410 = arith.index_cast %parallel_loop3A_409 : i32 to index
        %parallel_loop3A_411 = arith.index_cast %parallel_loop3A_360 : i32 to index
        %parallel_loop3A_412 = arith.constant 16 : index
        %parallel_loop3A_413 = tpu.vector_load %arg20[%parallel_loop3A_410, %parallel_loop3A_411, %parallel_loop3A_412] {strides = array<i32>} : memref<2x80x128xf32, #tpu.memory_space<vmem>>, vector<16xf32>,
        %parallel_loop3A_414 = arith.constant 0 : i32
        %parallel_loop3A_415 = arith.index_cast %parallel_loop3A_414 : i32 to index
        %parallel_loop3A_416 = arith.index_cast %parallel_loop3A_360 : i32 to index
        %parallel_loop3A_417 = arith.constant 66 : index
        %parallel_loop3A_418 = tpu.vector_load %arg23[%parallel_loop3A_415, %parallel_loop3A_416, %parallel_loop3A_417] {strides = array<i32>} : memref<2x80x306xf32, #tpu.memory_space<vmem>>, vector<16xf32>,
        tpu.vector_store %arg23[%parallel_loop3A_415, %parallel_loop3A_416, %parallel_loop3A_417], %parallel_loop3A_413 {strides = array<i32>} : memref<2x80x306xf32, #tpu.memory_space<vmem>>, vector<16xf32>,
        %parallel_loop3A_419 = arith.constant 0 : i32
        %parallel_loop3A_420 = arith.index_cast %parallel_loop3A_419 : i32 to index
        %parallel_loop3A_421 = arith.index_cast %parallel_loop3A_360 : i32 to index
        %parallel_loop3A_422 = arith.constant 32 : index
        %parallel_loop3A_423 = tpu.vector_load %arg20[%parallel_loop3A_420, %parallel_loop3A_421, %parallel_loop3A_422] {strides = array<i32>} : memref<2x80x128xf32, #tpu.memory_space<vmem>>, vector<16xf32>,
        %parallel_loop3A_424 = arith.constant 0 : i32
        %parallel_loop3A_425 = arith.index_cast %parallel_loop3A_424 : i32 to index
        %parallel_loop3A_426 = arith.index_cast %parallel_loop3A_360 : i32 to index
        %parallel_loop3A_427 = arith.constant 82 : index
        %parallel_loop3A_428 = tpu.vector_load %arg23[%parallel_loop3A_425, %parallel_loop3A_426, %parallel_loop3A_427] {strides = array<i32>} : memref<2x80x306xf32, #tpu.memory_space<vmem>>, vector<16xf32>,
        tpu.vector_store %arg23[%parallel_loop3A_425, %parallel_loop3A_426, %parallel_loop3A_427], %parallel_loop3A_423 {strides = array<i32>} : memref<2x80x306xf32, #tpu.memory_space<vmem>>, vector<16xf32>,
        %parallel_loop3A_429 = arith.constant 0 : i32
        %parallel_loop3A_430 = arith.index_cast %parallel_loop3A_429 : i32 to index
        %parallel_loop3A_431 = arith.index_cast %parallel_loop3A_360 : i32 to index
        %parallel_loop3A_432 = arith.constant 48 : index
        %parallel_loop3A_433 = tpu.vector_load %arg20[%parallel_loop3A_430, %parallel_loop3A_431, %parallel_loop3A_432] {strides = array<i32>} : memref<2x80x128xf32, #tpu.memory_space<vmem>>, vector<16xf32>,
        %parallel_loop3A_434 = arith.constant 0 : i32
        %parallel_loop3A_435 = arith.index_cast %parallel_loop3A_434 : i32 to index
        %parallel_loop3A_436 = arith.index_cast %parallel_loop3A_360 : i32 to index
        %parallel_loop3A_437 = arith.constant 98 : index
        %parallel_loop3A_438 = tpu.vector_load %arg23[%parallel_loop3A_435, %parallel_loop3A_436, %parallel_loop3A_437] {strides = array<i32>} : memref<2x80x306xf32, #tpu.memory_space<vmem>>, vector<16xf32>,
        tpu.vector_store %arg23[%parallel_loop3A_435, %parallel_loop3A_436, %parallel_loop3A_437], %parallel_loop3A_433 {strides = array<i32>} : memref<2x80x306xf32, #tpu.memory_space<vmem>>, vector<16xf32>,
        %parallel_loop3A_439 = arith.constant 0 : i32
        %parallel_loop3A_440 = arith.index_cast %parallel_loop3A_439 : i32 to index
        %parallel_loop3A_441 = arith.index_cast %parallel_loop3A_360 : i32 to index
        %parallel_loop3A_442 = arith.constant 62 : index
        %parallel_loop3A_443 = tpu.vector_load %arg20[%parallel_loop3A_440, %parallel_loop3A_441, %parallel_loop3A_442] {strides = array<i32>} : memref<2x80x128xf32, #tpu.memory_space<vmem>>, vector<16xf32>,
        %parallel_loop3A_444 = arith.constant 0 : i32
        %parallel_loop3A_445 = arith.index_cast %parallel_loop3A_444 : i32 to index
        %parallel_loop3A_446 = arith.index_cast %parallel_loop3A_360 : i32 to index
        %parallel_loop3A_447 = arith.constant 112 : index
        %parallel_loop3A_448 = tpu.vector_load %arg23[%parallel_loop3A_445, %parallel_loop3A_446, %parallel_loop3A_447] {strides = array<i32>} : memref<2x80x306xf32, #tpu.memory_space<vmem>>, vector<16xf32>,
        tpu.vector_store %arg23[%parallel_loop3A_445, %parallel_loop3A_446, %parallel_loop3A_447], %parallel_loop3A_443 {strides = array<i32>} : memref<2x80x306xf32, #tpu.memory_space<vmem>>, vector<16xf32>,
        %parallel_loop3A_449 = arith.constant 0 : i32
        %parallel_loop3A_450 = arith.index_cast %parallel_loop3A_449 : i32 to index
        %parallel_loop3A_451 = arith.index_cast %parallel_loop3A_360 : i32 to index
        %parallel_loop3A_452 = arith.constant 78 : index
        %parallel_loop3A_453 = tpu.vector_load %arg20[%parallel_loop3A_450, %parallel_loop3A_451, %parallel_loop3A_452] {strides = array<i32>} : memref<2x80x128xf32, #tpu.memory_space<vmem>>, vector<16xf32>,
        %parallel_loop3A_454 = arith.constant 0 : i32
        %parallel_loop3A_455 = arith.index_cast %parallel_loop3A_454 : i32 to index
        %parallel_loop3A_456 = arith.index_cast %parallel_loop3A_360 : i32 to index
        %parallel_loop3A_457 = arith.constant 128 : index
        %parallel_loop3A_458 = tpu.vector_load %arg23[%parallel_loop3A_455, %parallel_loop3A_456, %parallel_loop3A_457] {strides = array<i32>} : memref<2x80x306xf32, #tpu.memory_space<vmem>>, vector<16xf32>,
        tpu.vector_store %arg23[%parallel_loop3A_455, %parallel_loop3A_456, %parallel_loop3A_457], %parallel_loop3A_453 {strides = array<i32>} : memref<2x80x306xf32, #tpu.memory_space<vmem>>, vector<16xf32>,
        %parallel_loop3A_459 = arith.constant 0 : i32
        %parallel_loop3A_460 = arith.index_cast %parallel_loop3A_459 : i32 to index
        %parallel_loop3A_461 = arith.index_cast %parallel_loop3A_360 : i32 to index
        %parallel_loop3A_462 = arith.constant 94 : index
        %parallel_loop3A_463 = tpu.vector_load %arg20[%parallel_loop3A_460, %parallel_loop3A_461, %parallel_loop3A_462] {strides = array<i32>} : memref<2x80x128xf32, #tpu.memory_space<vmem>>, vector<16xf32>,
        %parallel_loop3A_464 = arith.constant 0 : i32
        %parallel_loop3A_465 = arith.index_cast %parallel_loop3A_464 : i32 to index
        %parallel_loop3A_466 = arith.index_cast %parallel_loop3A_360 : i32 to index
        %parallel_loop3A_467 = arith.constant 144 : index
        %parallel_loop3A_468 = tpu.vector_load %arg23[%parallel_loop3A_465, %parallel_loop3A_466, %parallel_loop3A_467] {strides = array<i32>} : memref<2x80x306xf32, #tpu.memory_space<vmem>>, vector<16xf32>,
        tpu.vector_store %arg23[%parallel_loop3A_465, %parallel_loop3A_466, %parallel_loop3A_467], %parallel_loop3A_463 {strides = array<i32>} : memref<2x80x306xf32, #tpu.memory_space<vmem>>, vector<16xf32>,
        %parallel_loop3A_469 = arith.constant 0 : i32
        %parallel_loop3A_470 = arith.index_cast %parallel_loop3A_469 : i32 to index
        %parallel_loop3A_471 = arith.index_cast %parallel_loop3A_360 : i32 to index
        %parallel_loop3A_472 = arith.constant 110 : index
        %parallel_loop3A_473 = tpu.vector_load %arg20[%parallel_loop3A_470, %parallel_loop3A_471, %parallel_loop3A_472] {strides = array<i32>} : memref<2x80x128xf32, #tpu.memory_space<vmem>>, vector<16xf32>,
        %parallel_loop3A_474 = arith.constant 0 : i32
        %parallel_loop3A_475 = arith.index_cast %parallel_loop3A_474 : i32 to index
        %parallel_loop3A_476 = arith.index_cast %parallel_loop3A_360 : i32 to index
        %parallel_loop3A_477 = arith.constant 160 : index
        %parallel_loop3A_478 = tpu.vector_load %arg23[%parallel_loop3A_475, %parallel_loop3A_476, %parallel_loop3A_477] {strides = array<i32>} : memref<2x80x306xf32, #tpu.memory_space<vmem>>, vector<16xf32>,
        tpu.vector_store %arg23[%parallel_loop3A_475, %parallel_loop3A_476, %parallel_loop3A_477], %parallel_loop3A_473 {strides = array<i32>} : memref<2x80x306xf32, #tpu.memory_space<vmem>>, vector<16xf32>,
        %parallel_loop3A_479 = arith.constant 0 : i32
        %parallel_loop3A_480 = arith.index_cast %parallel_loop3A_479 : i32 to index
        %parallel_loop3A_481 = arith.index_cast %parallel_loop3A_360 : i32 to index
        %parallel_loop3A_482 = arith.constant 112 : index
        %parallel_loop3A_483 = tpu.vector_load %arg20[%parallel_loop3A_480, %parallel_loop3A_481, %parallel_loop3A_482] {strides = array<i32>} : memref<2x80x128xf32, #tpu.memory_space<vmem>>, vector<16xf32>,
        %parallel_loop3A_484 = arith.constant 0 : i32
        %parallel_loop3A_485 = arith.index_cast %parallel_loop3A_484 : i32 to index
        %parallel_loop3A_486 = arith.index_cast %parallel_loop3A_360 : i32 to index
        %parallel_loop3A_487 = arith.constant 162 : index
        %parallel_loop3A_488 = tpu.vector_load %arg23[%parallel_loop3A_485, %parallel_loop3A_486, %parallel_loop3A_487] {strides = array<i32>} : memref<2x80x306xf32, #tpu.memory_space<vmem>>, vector<16xf32>,
        tpu.vector_store %arg23[%parallel_loop3A_485, %parallel_loop3A_486, %parallel_loop3A_487], %parallel_loop3A_483 {strides = array<i32>} : memref<2x80x306xf32, #tpu.memory_space<vmem>>, vector<16xf32>,
        %parallel_loop3A_489 = arith.constant 0 : i32
        %parallel_loop3A_490 = arith.index_cast %parallel_loop3A_489 : i32 to index
        %parallel_loop3A_491 = arith.index_cast %parallel_loop3A_360 : i32 to index
        %parallel_loop3A_492 = arith.constant 0 : index
        %parallel_loop3A_493 = tpu.vector_load %arg21[%parallel_loop3A_490, %parallel_loop3A_491, %parallel_loop3A_492] {strides = array<i32>} : memref<2x80x128xf32, #tpu.memory_space<vmem>>, vector<16xf32>,
        %parallel_loop3A_494 = arith.constant 0 : i32
        %parallel_loop3A_495 = arith.index_cast %parallel_loop3A_494 : i32 to index
        %parallel_loop3A_496 = arith.index_cast %parallel_loop3A_360 : i32 to index
        %parallel_loop3A_497 = arith.constant 178 : index
        %parallel_loop3A_498 = tpu.vector_load %arg23[%parallel_loop3A_495, %parallel_loop3A_496, %parallel_loop3A_497] {strides = array<i32>} : memref<2x80x306xf32, #tpu.memory_space<vmem>>, vector<16xf32>,
        tpu.vector_store %arg23[%parallel_loop3A_495, %parallel_loop3A_496, %parallel_loop3A_497], %parallel_loop3A_493 {strides = array<i32>} : memref<2x80x306xf32, #tpu.memory_space<vmem>>, vector<16xf32>,
        %parallel_loop3A_499 = arith.constant 0 : i32
        %parallel_loop3A_500 = arith.index_cast %parallel_loop3A_499 : i32 to index
        %parallel_loop3A_501 = arith.index_cast %parallel_loop3A_360 : i32 to index
        %parallel_loop3A_502 = arith.constant 16 : index
        %parallel_loop3A_503 = tpu.vector_load %arg21[%parallel_loop3A_500, %parallel_loop3A_501, %parallel_loop3A_502] {strides = array<i32>} : memref<2x80x128xf32, #tpu.memory_space<vmem>>, vector<16xf32>,
        %parallel_loop3A_504 = arith.constant 0 : i32
        %parallel_loop3A_505 = arith.index_cast %parallel_loop3A_504 : i32 to index
        %parallel_loop3A_506 = arith.index_cast %parallel_loop3A_360 : i32 to index
        %parallel_loop3A_507 = arith.constant 194 : index
        %parallel_loop3A_508 = tpu.vector_load %arg23[%parallel_loop3A_505, %parallel_loop3A_506, %parallel_loop3A_507] {strides = array<i32>} : memref<2x80x306xf32, #tpu.memory_space<vmem>>, vector<16xf32>,
        tpu.vector_store %arg23[%parallel_loop3A_505, %parallel_loop3A_506, %parallel_loop3A_507], %parallel_loop3A_503 {strides = array<i32>} : memref<2x80x306xf32, #tpu.memory_space<vmem>>, vector<16xf32>,
        %parallel_loop3A_509 = arith.constant 0 : i32
        %parallel_loop3A_510 = arith.index_cast %parallel_loop3A_509 : i32 to index
        %parallel_loop3A_511 = arith.index_cast %parallel_loop3A_360 : i32 to index
        %parallel_loop3A_512 = arith.constant 32 : index
        %parallel_loop3A_513 = tpu.vector_load %arg21[%parallel_loop3A_510, %parallel_loop3A_511, %parallel_loop3A_512] {strides = array<i32>} : memref<2x80x128xf32, #tpu.memory_space<vmem>>, vector<16xf32>,
        %parallel_loop3A_514 = arith.constant 0 : i32
        %parallel_loop3A_515 = arith.index_cast %parallel_loop3A_514 : i32 to index
        %parallel_loop3A_516 = arith.index_cast %parallel_loop3A_360 : i32 to index
        %parallel_loop3A_517 = arith.constant 210 : index
        %parallel_loop3A_518 = tpu.vector_load %arg23[%parallel_loop3A_515, %parallel_loop3A_516, %parallel_loop3A_517] {strides = array<i32>} : memref<2x80x306xf32, #tpu.memory_space<vmem>>, vector<16xf32>,
        tpu.vector_store %arg23[%parallel_loop3A_515, %parallel_loop3A_516, %parallel_loop3A_517], %parallel_loop3A_513 {strides = array<i32>} : memref<2x80x306xf32, #tpu.memory_space<vmem>>, vector<16xf32>,
        %parallel_loop3A_519 = arith.constant 0 : i32
        %parallel_loop3A_520 = arith.index_cast %parallel_loop3A_519 : i32 to index
        %parallel_loop3A_521 = arith.index_cast %parallel_loop3A_360 : i32 to index
        %parallel_loop3A_522 = arith.constant 48 : index
        %parallel_loop3A_523 = tpu.vector_load %arg21[%parallel_loop3A_520, %parallel_loop3A_521, %parallel_loop3A_522] {strides = array<i32>} : memref<2x80x128xf32, #tpu.memory_space<vmem>>, vector<16xf32>,
        %parallel_loop3A_524 = arith.constant 0 : i32
        %parallel_loop3A_525 = arith.index_cast %parallel_loop3A_524 : i32 to index
        %parallel_loop3A_526 = arith.index_cast %parallel_loop3A_360 : i32 to index
        %parallel_loop3A_527 = arith.constant 226 : index
        %parallel_loop3A_528 = tpu.vector_load %arg23[%parallel_loop3A_525, %parallel_loop3A_526, %parallel_loop3A_527] {strides = array<i32>} : memref<2x80x306xf32, #tpu.memory_space<vmem>>, vector<16xf32>,
        tpu.vector_store %arg23[%parallel_loop3A_525, %parallel_loop3A_526, %parallel_loop3A_527], %parallel_loop3A_523 {strides = array<i32>} : memref<2x80x306xf32, #tpu.memory_space<vmem>>, vector<16xf32>,
        %parallel_loop3A_529 = arith.constant 0 : i32
        %parallel_loop3A_530 = arith.index_cast %parallel_loop3A_529 : i32 to index
        %parallel_loop3A_531 = arith.index_cast %parallel_loop3A_360 : i32 to index
        %parallel_loop3A_532 = arith.constant 62 : index
        %parallel_loop3A_533 = tpu.vector_load %arg21[%parallel_loop3A_530, %parallel_loop3A_531, %parallel_loop3A_532] {strides = array<i32>} : memref<2x80x128xf32, #tpu.memory_space<vmem>>, vector<16xf32>,
        %parallel_loop3A_534 = arith.constant 0 : i32
        %parallel_loop3A_535 = arith.index_cast %parallel_loop3A_534 : i32 to index
        %parallel_loop3A_536 = arith.index_cast %parallel_loop3A_360 : i32 to index
        %parallel_loop3A_537 = arith.constant 240 : index
        %parallel_loop3A_538 = tpu.vector_load %arg23[%parallel_loop3A_535, %parallel_loop3A_536, %parallel_loop3A_537] {strides = array<i32>} : memref<2x80x306xf32, #tpu.memory_space<vmem>>, vector<16xf32>,
        tpu.vector_store %arg23[%parallel_loop3A_535, %parallel_loop3A_536, %parallel_loop3A_537], %parallel_loop3A_533 {strides = array<i32>} : memref<2x80x306xf32, #tpu.memory_space<vmem>>, vector<16xf32>,
        %parallel_loop3A_539 = arith.constant 0 : i32
        %parallel_loop3A_540 = arith.index_cast %parallel_loop3A_539 : i32 to index
        %parallel_loop3A_541 = arith.index_cast %parallel_loop3A_360 : i32 to index
        %parallel_loop3A_542 = arith.constant 78 : index
        %parallel_loop3A_543 = tpu.vector_load %arg21[%parallel_loop3A_540, %parallel_loop3A_541, %parallel_loop3A_542] {strides = array<i32>} : memref<2x80x128xf32, #tpu.memory_space<vmem>>, vector<16xf32>,
        %parallel_loop3A_544 = arith.constant 0 : i32
        %parallel_loop3A_545 = arith.index_cast %parallel_loop3A_544 : i32 to index
        %parallel_loop3A_546 = arith.index_cast %parallel_loop3A_360 : i32 to index
        %parallel_loop3A_547 = arith.constant 256 : index
        %parallel_loop3A_548 = tpu.vector_load %arg23[%parallel_loop3A_545, %parallel_loop3A_546, %parallel_loop3A_547] {strides = array<i32>} : memref<2x80x306xf32, #tpu.memory_space<vmem>>, vector<16xf32>,
        tpu.vector_store %arg23[%parallel_loop3A_545, %parallel_loop3A_546, %parallel_loop3A_547], %parallel_loop3A_543 {strides = array<i32>} : memref<2x80x306xf32, #tpu.memory_space<vmem>>, vector<16xf32>,
        %parallel_loop3A_549 = arith.constant 0 : i32
        %parallel_loop3A_550 = arith.index_cast %parallel_loop3A_549 : i32 to index
        %parallel_loop3A_551 = arith.index_cast %parallel_loop3A_360 : i32 to index
        %parallel_loop3A_552 = arith.constant 94 : index
        %parallel_loop3A_553 = tpu.vector_load %arg21[%parallel_loop3A_550, %parallel_loop3A_551, %parallel_loop3A_552] {strides = array<i32>} : memref<2x80x128xf32, #tpu.memory_space<vmem>>, vector<16xf32>,
        %parallel_loop3A_554 = arith.constant 0 : i32
        %parallel_loop3A_555 = arith.index_cast %parallel_loop3A_554 : i32 to index
        %parallel_loop3A_556 = arith.index_cast %parallel_loop3A_360 : i32 to index
        %parallel_loop3A_557 = arith.constant 272 : index
        %parallel_loop3A_558 = tpu.vector_load %arg23[%parallel_loop3A_555, %parallel_loop3A_556, %parallel_loop3A_557] {strides = array<i32>} : memref<2x80x306xf32, #tpu.memory_space<vmem>>, vector<16xf32>,
        tpu.vector_store %arg23[%parallel_loop3A_555, %parallel_loop3A_556, %parallel_loop3A_557], %parallel_loop3A_553 {strides = array<i32>} : memref<2x80x306xf32, #tpu.memory_space<vmem>>, vector<16xf32>,
        %parallel_loop3A_559 = arith.constant 0 : i32
        %parallel_loop3A_560 = arith.index_cast %parallel_loop3A_559 : i32 to index
        %parallel_loop3A_561 = arith.index_cast %parallel_loop3A_360 : i32 to index
        %parallel_loop3A_562 = arith.constant 110 : index
        %parallel_loop3A_563 = tpu.vector_load %arg21[%parallel_loop3A_560, %parallel_loop3A_561, %parallel_loop3A_562] {strides = array<i32>} : memref<2x80x128xf32, #tpu.memory_space<vmem>>, vector<16xf32>,
        %parallel_loop3A_564 = arith.constant 0 : i32
        %parallel_loop3A_565 = arith.index_cast %parallel_loop3A_564 : i32 to index
        %parallel_loop3A_566 = arith.index_cast %parallel_loop3A_360 : i32 to index
        %parallel_loop3A_567 = arith.constant 288 : index
        %parallel_loop3A_568 = tpu.vector_load %arg23[%parallel_loop3A_565, %parallel_loop3A_566, %parallel_loop3A_567] {strides = array<i32>} : memref<2x80x306xf32, #tpu.memory_space<vmem>>, vector<16xf32>,
        tpu.vector_store %arg23[%parallel_loop3A_565, %parallel_loop3A_566, %parallel_loop3A_567], %parallel_loop3A_563 {strides = array<i32>} : memref<2x80x306xf32, #tpu.memory_space<vmem>>, vector<16xf32>,
        %parallel_loop3A_569 = arith.constant 0 : i32
        %parallel_loop3A_570 = arith.index_cast %parallel_loop3A_569 : i32 to index
        %parallel_loop3A_571 = arith.index_cast %parallel_loop3A_360 : i32 to index
        %parallel_loop3A_572 = arith.constant 112 : index
        %parallel_loop3A_573 = tpu.vector_load %arg21[%parallel_loop3A_570, %parallel_loop3A_571, %parallel_loop3A_572] {strides = array<i32>} : memref<2x80x128xf32, #tpu.memory_space<vmem>>, vector<16xf32>,
        %parallel_loop3A_574 = arith.constant 0 : i32
        %parallel_loop3A_575 = arith.index_cast %parallel_loop3A_574 : i32 to index
        %parallel_loop3A_576 = arith.index_cast %parallel_loop3A_360 : i32 to index
        %parallel_loop3A_577 = arith.constant 290 : index
        %parallel_loop3A_578 = tpu.vector_load %arg23[%parallel_loop3A_575, %parallel_loop3A_576, %parallel_loop3A_577] {strides = array<i32>} : memref<2x80x306xf32, #tpu.memory_space<vmem>>, vector<16xf32>,
        tpu.vector_store %arg23[%parallel_loop3A_575, %parallel_loop3A_576, %parallel_loop3A_577], %parallel_loop3A_573 {strides = array<i32>} : memref<2x80x306xf32, #tpu.memory_space<vmem>>, vector<16xf32>,
      } {sc.loop_unroll_factor = 2 : i64, sc.parallel_access}
      %dma_start3A_258 = arith.constant 0 : i32
      %dma_start3A_259 = arith.constant 0 : i32
      %dma_start3A_260 = arith.constant 0 : i32
      %dma_start3A_261 = tpu.memref_slice %arg23[%dma_start3A_258, %dma_start3A_259, %dma_start3A_260] : memref<2x80x306xf32, #tpu.memory_space<vmem>> -> memref<1x80x306xf32, #tpu.memory_space<vmem>>
      %dma_start3A_262 = tpu.memref_squeeze %dma_start3A_261 : memref<1x80x306xf32, #tpu.memory_space<vmem>> -> memref<80x306xf32, #tpu.memory_space<vmem>>
      %dma_start3A_263 = arith.constant 0 : i32
      %dma_start3A_264 = tpu.memref_slice %arg11[%add3A_222, %dma_start3A_263] : memref<204800x306xf32, #tpu.memory_space<hbm>> -> memref<80x306xf32, #tpu.memory_space<hbm>>
      %dma_start3A_265 = arith.constant 0 : i32
      %dma_start3A_266 = tpu.memref_slice %arg11[%add3A_222, %dma_start3A_265] : memref<204800x306xf32, #tpu.memory_space<hbm>> -> memref<80x306xf32, #tpu.memory_space<hbm>>
      %dma_start3A_267 = arith.constant 0 : i32
      %dma_start3A_268 = arith.constant 0 : i32
      %dma_start3A_269 = tpu.memref_slice %arg23[%dma_start3A_258, %dma_start3A_267, %dma_start3A_268] : memref<2x80x306xf32, #tpu.memory_space<vmem>> -> memref<1x80x306xf32, #tpu.memory_space<vmem>>
      %dma_start3A_270 = tpu.memref_squeeze %dma_start3A_269 : memref<1x80x306xf32, #tpu.memory_space<vmem>> -> memref<80x306xf32, #tpu.memory_space<vmem>>
      tpu.enqueue_dma source(%dma_start3A_270 : memref<80x306xf32, #tpu.memory_space<vmem>>) target(%dma_start3A_266 : memref<80x306xf32, #tpu.memory_space<hbm>>) target_semaphore(%arg28 : memref<!tpu.dma_semaphore, #tpu.memory_space<semaphore_mem>>)
      %add3A_271 = arith.constant 1 : i32
      %add3A_272 = arith.addi %add3A_217, %add3A_271 : i32
      %lt3A_273 = arith.constant 80 : i32
      %lt3A_274 = arith.cmpi slt, %add3A_272, %lt3A_273 : i32
      %convert_element_type3A_275 = arith.extui %lt3A_274 : i1 to i32
      %cond3A_276 = arith.constant 0 : i32
      %cond3A_277 = arith.cmpi ne, %convert_element_type3A_275, %cond3A_276 : i32
      scf.if %cond3A_277 {
        %parallel_loop3A_360 = arith.constant 0 : i32
        %parallel_loop3A_361 = arith.constant 5 : i32
        %parallel_loop3A_362 = arith.constant 1 : i32
        scf.for %parallel_loop3A_363 = %parallel_loop3A_360 to %parallel_loop3A_361 step %parallel_loop3A_362  : i32 {
          %parallel_loop3A_364 = arith.constant 16 : i32
          %parallel_loop3A_365 = arith.muli %parallel_loop3A_363, %parallel_loop3A_364 : i32
          %parallel_loop3A_366 = vector.broadcast %parallel_loop3A_365 : i32 to vector<16xi32>
          %parallel_loop3A_367 = arith.addi %parallel_loop3A_366, %iota3A : vector<16xi32>
          %parallel_loop3A_368 = arith.constant 50 : i32
          %parallel_loop3A_369 = vector.broadcast %parallel_loop3A_368 : i32 to vector<16xi32>
          %parallel_loop3A_370 = arith.muli %parallel_loop3A_367, %parallel_loop3A_369 : vector<16xi32>
          %parallel_loop3A_371 = arith.constant 16 : i32
          %parallel_loop3A_372 = arith.muli %parallel_loop3A_363, %parallel_loop3A_371 : i32
          %parallel_loop3A_373 = arith.constant 1 : i32
          %parallel_loop3A_374 = arith.index_cast %parallel_loop3A_373 : i32 to index
          %parallel_loop3A_375 = arith.index_cast %parallel_loop3A_372 : i32 to index
          %parallel_loop3A_376 = tpu.vector_load %arg15[%parallel_loop3A_374, %parallel_loop3A_375] {strides = array<i32>} : memref<2x80xi32, #tpu.memory_space<vmem>>, vector<16xi32>,
          %parallel_loop3A_377 = arith.constant 5 : i32
          %parallel_loop3A_378 = vector.broadcast %parallel_loop3A_377 : i32 to vector<16xi32>
          %parallel_loop3A_379 = arith.muli %parallel_loop3A_376, %parallel_loop3A_378 : vector<16xi32>
          %parallel_loop3A_380 = arith.constant 16 : i32
          %parallel_loop3A_381 = arith.muli %parallel_loop3A_363, %parallel_loop3A_380 : i32
          %parallel_loop3A_382 = arith.constant 1 : i32
          %parallel_loop3A_383 = arith.index_cast %parallel_loop3A_382 : i32 to index
          %parallel_loop3A_384 = arith.index_cast %parallel_loop3A_381 : i32 to index
          %parallel_loop3A_385 = tpu.vector_load %arg16[%parallel_loop3A_383, %parallel_loop3A_384] {strides = array<i32>} : memref<2x80xi32, #tpu.memory_space<vmem>>, vector<16xi32>,
          %parallel_loop3A_386 = arith.constant 5 : i32
          %parallel_loop3A_387 = vector.broadcast %parallel_loop3A_386 : i32 to vector<16xi32>
          %parallel_loop3A_388 = arith.muli %parallel_loop3A_385, %parallel_loop3A_387 : vector<16xi32>
          %parallel_loop3A_389 = arith.constant 16 : i32
          %parallel_loop3A_390 = arith.muli %parallel_loop3A_363, %parallel_loop3A_389 : i32
          %parallel_loop3A_391 = arith.constant 1 : i32
          %parallel_loop3A_392 = arith.index_cast %parallel_loop3A_391 : i32 to index
          %parallel_loop3A_393 = arith.index_cast %parallel_loop3A_390 : i32 to index
          %parallel_loop3A_394 = tpu.vector_load %arg17[%parallel_loop3A_392, %parallel_loop3A_393] {strides = array<i32>} : memref<2x80xi32, #tpu.memory_space<vmem>>, vector<16xi32>,
          %parallel_loop3A_395 = arith.constant 40 : i32
          %parallel_loop3A_396 = vector.broadcast %parallel_loop3A_395 : i32 to vector<16xi32>
          %parallel_loop3A_397 = arith.muli %parallel_loop3A_394, %parallel_loop3A_396 : vector<16xi32>
          %parallel_loop3A_398 = arith.constant 0 : i32
          %parallel_loop3A_399 = vector.broadcast %parallel_loop3A_398 : i32 to vector<16xi32>
          %parallel_loop3A_400 = arith.addi %parallel_loop3A_379, %parallel_loop3A_399 : vector<16xi32>
          %parallel_loop3A_401 = tpu.vector_load_idx %arg12[%parallel_loop3A_400] : memref<2000xf32, #tpu.memory_space<vmem>>[vector<16xi32>], vector<16xf32>,
          %parallel_loop3A_402 = arith.constant 0 : i32
          %parallel_loop3A_403 = vector.broadcast %parallel_loop3A_402 : i32 to vector<16xi32>
          %parallel_loop3A_404 = arith.addi %parallel_loop3A_370, %parallel_loop3A_403 : vector<16xi32>
          tpu.vector_store_idx %arg22[%parallel_loop3A_404], %parallel_loop3A_401 : memref<4016xf32, #tpu.memory_space<vmem>>[vector<16xi32>], vector<16xf32>,
          %parallel_loop3A_405 = arith.constant 1 : i32
          %parallel_loop3A_406 = vector.broadcast %parallel_loop3A_405 : i32 to vector<16xi32>
          %parallel_loop3A_407 = arith.addi %parallel_loop3A_379, %parallel_loop3A_406 : vector<16xi32>
          %parallel_loop3A_408 = tpu.vector_load_idx %arg12[%parallel_loop3A_407] : memref<2000xf32, #tpu.memory_space<vmem>>[vector<16xi32>], vector<16xf32>,
          %parallel_loop3A_409 = arith.constant 1 : i32
          %parallel_loop3A_410 = vector.broadcast %parallel_loop3A_409 : i32 to vector<16xi32>
          %parallel_loop3A_411 = arith.addi %parallel_loop3A_370, %parallel_loop3A_410 : vector<16xi32>
          tpu.vector_store_idx %arg22[%parallel_loop3A_411], %parallel_loop3A_408 : memref<4016xf32, #tpu.memory_space<vmem>>[vector<16xi32>], vector<16xf32>,
          %parallel_loop3A_412 = arith.constant 2 : i32
          %parallel_loop3A_413 = vector.broadcast %parallel_loop3A_412 : i32 to vector<16xi32>
          %parallel_loop3A_414 = arith.addi %parallel_loop3A_379, %parallel_loop3A_413 : vector<16xi32>
          %parallel_loop3A_415 = tpu.vector_load_idx %arg12[%parallel_loop3A_414] : memref<2000xf32, #tpu.memory_space<vmem>>[vector<16xi32>], vector<16xf32>,
          %parallel_loop3A_416 = arith.constant 2 : i32
          %parallel_loop3A_417 = vector.broadcast %parallel_loop3A_416 : i32 to vector<16xi32>
          %parallel_loop3A_418 = arith.addi %parallel_loop3A_370, %parallel_loop3A_417 : vector<16xi32>
          tpu.vector_store_idx %arg22[%parallel_loop3A_418], %parallel_loop3A_415 : memref<4016xf32, #tpu.memory_space<vmem>>[vector<16xi32>], vector<16xf32>,
          %parallel_loop3A_419 = arith.constant 3 : i32
          %parallel_loop3A_420 = vector.broadcast %parallel_loop3A_419 : i32 to vector<16xi32>
          %parallel_loop3A_421 = arith.addi %parallel_loop3A_379, %parallel_loop3A_420 : vector<16xi32>
          %parallel_loop3A_422 = tpu.vector_load_idx %arg12[%parallel_loop3A_421] : memref<2000xf32, #tpu.memory_space<vmem>>[vector<16xi32>], vector<16xf32>,
          %parallel_loop3A_423 = arith.constant 3 : i32
          %parallel_loop3A_424 = vector.broadcast %parallel_loop3A_423 : i32 to vector<16xi32>
          %parallel_loop3A_425 = arith.addi %parallel_loop3A_370, %parallel_loop3A_424 : vector<16xi32>
          tpu.vector_store_idx %arg22[%parallel_loop3A_425], %parallel_loop3A_422 : memref<4016xf32, #tpu.memory_space<vmem>>[vector<16xi32>], vector<16xf32>,
          %parallel_loop3A_426 = arith.constant 4 : i32
          %parallel_loop3A_427 = vector.broadcast %parallel_loop3A_426 : i32 to vector<16xi32>
          %parallel_loop3A_428 = arith.addi %parallel_loop3A_379, %parallel_loop3A_427 : vector<16xi32>
          %parallel_loop3A_429 = tpu.vector_load_idx %arg12[%parallel_loop3A_428] : memref<2000xf32, #tpu.memory_space<vmem>>[vector<16xi32>], vector<16xf32>,
          %parallel_loop3A_430 = arith.constant 4 : i32
          %parallel_loop3A_431 = vector.broadcast %parallel_loop3A_430 : i32 to vector<16xi32>
          %parallel_loop3A_432 = arith.addi %parallel_loop3A_370, %parallel_loop3A_431 : vector<16xi32>
          tpu.vector_store_idx %arg22[%parallel_loop3A_432], %parallel_loop3A_429 : memref<4016xf32, #tpu.memory_space<vmem>>[vector<16xi32>], vector<16xf32>,
          %parallel_loop3A_433 = arith.constant 0 : i32
          %parallel_loop3A_434 = vector.broadcast %parallel_loop3A_433 : i32 to vector<16xi32>
          %parallel_loop3A_435 = arith.addi %parallel_loop3A_388, %parallel_loop3A_434 : vector<16xi32>
          %parallel_loop3A_436 = tpu.vector_load_idx %arg13[%parallel_loop3A_435] : memref<2000xf32, #tpu.memory_space<vmem>>[vector<16xi32>], vector<16xf32>,
          %parallel_loop3A_437 = arith.constant 5 : i32
          %parallel_loop3A_438 = vector.broadcast %parallel_loop3A_437 : i32 to vector<16xi32>
          %parallel_loop3A_439 = arith.addi %parallel_loop3A_370, %parallel_loop3A_438 : vector<16xi32>
          tpu.vector_store_idx %arg22[%parallel_loop3A_439], %parallel_loop3A_436 : memref<4016xf32, #tpu.memory_space<vmem>>[vector<16xi32>], vector<16xf32>,
          %parallel_loop3A_440 = arith.constant 1 : i32
          %parallel_loop3A_441 = vector.broadcast %parallel_loop3A_440 : i32 to vector<16xi32>
          %parallel_loop3A_442 = arith.addi %parallel_loop3A_388, %parallel_loop3A_441 : vector<16xi32>
          %parallel_loop3A_443 = tpu.vector_load_idx %arg13[%parallel_loop3A_442] : memref<2000xf32, #tpu.memory_space<vmem>>[vector<16xi32>], vector<16xf32>,
          %parallel_loop3A_444 = arith.constant 6 : i32
          %parallel_loop3A_445 = vector.broadcast %parallel_loop3A_444 : i32 to vector<16xi32>
          %parallel_loop3A_446 = arith.addi %parallel_loop3A_370, %parallel_loop3A_445 : vector<16xi32>
          tpu.vector_store_idx %arg22[%parallel_loop3A_446], %parallel_loop3A_443 : memref<4016xf32, #tpu.memory_space<vmem>>[vector<16xi32>], vector<16xf32>,
          %parallel_loop3A_447 = arith.constant 2 : i32
          %parallel_loop3A_448 = vector.broadcast %parallel_loop3A_447 : i32 to vector<16xi32>
          %parallel_loop3A_449 = arith.addi %parallel_loop3A_388, %parallel_loop3A_448 : vector<16xi32>
          %parallel_loop3A_450 = tpu.vector_load_idx %arg13[%parallel_loop3A_449] : memref<2000xf32, #tpu.memory_space<vmem>>[vector<16xi32>], vector<16xf32>,
          %parallel_loop3A_451 = arith.constant 7 : i32
          %parallel_loop3A_452 = vector.broadcast %parallel_loop3A_451 : i32 to vector<16xi32>
          %parallel_loop3A_453 = arith.addi %parallel_loop3A_370, %parallel_loop3A_452 : vector<16xi32>
          tpu.vector_store_idx %arg22[%parallel_loop3A_453], %parallel_loop3A_450 : memref<4016xf32, #tpu.memory_space<vmem>>[vector<16xi32>], vector<16xf32>,
          %parallel_loop3A_454 = arith.constant 3 : i32
          %parallel_loop3A_455 = vector.broadcast %parallel_loop3A_454 : i32 to vector<16xi32>
          %parallel_loop3A_456 = arith.addi %parallel_loop3A_388, %parallel_loop3A_455 : vector<16xi32>
          %parallel_loop3A_457 = tpu.vector_load_idx %arg13[%parallel_loop3A_456] : memref<2000xf32, #tpu.memory_space<vmem>>[vector<16xi32>], vector<16xf32>,
          %parallel_loop3A_458 = arith.constant 8 : i32
          %parallel_loop3A_459 = vector.broadcast %parallel_loop3A_458 : i32 to vector<16xi32>
          %parallel_loop3A_460 = arith.addi %parallel_loop3A_370, %parallel_loop3A_459 : vector<16xi32>
          tpu.vector_store_idx %arg22[%parallel_loop3A_460], %parallel_loop3A_457 : memref<4016xf32, #tpu.memory_space<vmem>>[vector<16xi32>], vector<16xf32>,
          %parallel_loop3A_461 = arith.constant 4 : i32
          %parallel_loop3A_462 = vector.broadcast %parallel_loop3A_461 : i32 to vector<16xi32>
          %parallel_loop3A_463 = arith.addi %parallel_loop3A_388, %parallel_loop3A_462 : vector<16xi32>
          %parallel_loop3A_464 = tpu.vector_load_idx %arg13[%parallel_loop3A_463] : memref<2000xf32, #tpu.memory_space<vmem>>[vector<16xi32>], vector<16xf32>,
          %parallel_loop3A_465 = arith.constant 9 : i32
          %parallel_loop3A_466 = vector.broadcast %parallel_loop3A_465 : i32 to vector<16xi32>
          %parallel_loop3A_467 = arith.addi %parallel_loop3A_370, %parallel_loop3A_466 : vector<16xi32>
          tpu.vector_store_idx %arg22[%parallel_loop3A_467], %parallel_loop3A_464 : memref<4016xf32, #tpu.memory_space<vmem>>[vector<16xi32>], vector<16xf32>,
          %parallel_loop3A_468 = arith.constant 0 : i32
          %parallel_loop3A_469 = vector.broadcast %parallel_loop3A_468 : i32 to vector<16xi32>
          %parallel_loop3A_470 = arith.addi %parallel_loop3A_397, %parallel_loop3A_469 : vector<16xi32>
          %parallel_loop3A_471 = tpu.vector_load_idx %arg14[%parallel_loop3A_470] : memref<16000xf32, #tpu.memory_space<vmem>>[vector<16xi32>], vector<16xf32>,
          %parallel_loop3A_472 = arith.constant 10 : i32
          %parallel_loop3A_473 = vector.broadcast %parallel_loop3A_472 : i32 to vector<16xi32>
          %parallel_loop3A_474 = arith.addi %parallel_loop3A_370, %parallel_loop3A_473 : vector<16xi32>
          tpu.vector_store_idx %arg22[%parallel_loop3A_474], %parallel_loop3A_471 : memref<4016xf32, #tpu.memory_space<vmem>>[vector<16xi32>], vector<16xf32>,
          %parallel_loop3A_475 = arith.constant 1 : i32
          %parallel_loop3A_476 = vector.broadcast %parallel_loop3A_475 : i32 to vector<16xi32>
          %parallel_loop3A_477 = arith.addi %parallel_loop3A_397, %parallel_loop3A_476 : vector<16xi32>
          %parallel_loop3A_478 = tpu.vector_load_idx %arg14[%parallel_loop3A_477] : memref<16000xf32, #tpu.memory_space<vmem>>[vector<16xi32>], vector<16xf32>,
          %parallel_loop3A_479 = arith.constant 11 : i32
          %parallel_loop3A_480 = vector.broadcast %parallel_loop3A_479 : i32 to vector<16xi32>
          %parallel_loop3A_481 = arith.addi %parallel_loop3A_370, %parallel_loop3A_480 : vector<16xi32>
          tpu.vector_store_idx %arg22[%parallel_loop3A_481], %parallel_loop3A_478 : memref<4016xf32, #tpu.memory_space<vmem>>[vector<16xi32>], vector<16xf32>,
          %parallel_loop3A_482 = arith.constant 2 : i32
          %parallel_loop3A_483 = vector.broadcast %parallel_loop3A_482 : i32 to vector<16xi32>
          %parallel_loop3A_484 = arith.addi %parallel_loop3A_397, %parallel_loop3A_483 : vector<16xi32>
          %parallel_loop3A_485 = tpu.vector_load_idx %arg14[%parallel_loop3A_484] : memref<16000xf32, #tpu.memory_space<vmem>>[vector<16xi32>], vector<16xf32>,
          %parallel_loop3A_486 = arith.constant 12 : i32
          %parallel_loop3A_487 = vector.broadcast %parallel_loop3A_486 : i32 to vector<16xi32>
          %parallel_loop3A_488 = arith.addi %parallel_loop3A_370, %parallel_loop3A_487 : vector<16xi32>
          tpu.vector_store_idx %arg22[%parallel_loop3A_488], %parallel_loop3A_485 : memref<4016xf32, #tpu.memory_space<vmem>>[vector<16xi32>], vector<16xf32>,
          %parallel_loop3A_489 = arith.constant 3 : i32
          %parallel_loop3A_490 = vector.broadcast %parallel_loop3A_489 : i32 to vector<16xi32>
          %parallel_loop3A_491 = arith.addi %parallel_loop3A_397, %parallel_loop3A_490 : vector<16xi32>
          %parallel_loop3A_492 = tpu.vector_load_idx %arg14[%parallel_loop3A_491] : memref<16000xf32, #tpu.memory_space<vmem>>[vector<16xi32>], vector<16xf32>,
          %parallel_loop3A_493 = arith.constant 13 : i32
          %parallel_loop3A_494 = vector.broadcast %parallel_loop3A_493 : i32 to vector<16xi32>
          %parallel_loop3A_495 = arith.addi %parallel_loop3A_370, %parallel_loop3A_494 : vector<16xi32>
          tpu.vector_store_idx %arg22[%parallel_loop3A_495], %parallel_loop3A_492 : memref<4016xf32, #tpu.memory_space<vmem>>[vector<16xi32>], vector<16xf32>,
          %parallel_loop3A_496 = arith.constant 4 : i32
          %parallel_loop3A_497 = vector.broadcast %parallel_loop3A_496 : i32 to vector<16xi32>
          %parallel_loop3A_498 = arith.addi %parallel_loop3A_397, %parallel_loop3A_497 : vector<16xi32>
          %parallel_loop3A_499 = tpu.vector_load_idx %arg14[%parallel_loop3A_498] : memref<16000xf32, #tpu.memory_space<vmem>>[vector<16xi32>], vector<16xf32>,
          %parallel_loop3A_500 = arith.constant 14 : i32
          %parallel_loop3A_501 = vector.broadcast %parallel_loop3A_500 : i32 to vector<16xi32>
          %parallel_loop3A_502 = arith.addi %parallel_loop3A_370, %parallel_loop3A_501 : vector<16xi32>
          tpu.vector_store_idx %arg22[%parallel_loop3A_502], %parallel_loop3A_499 : memref<4016xf32, #tpu.memory_space<vmem>>[vector<16xi32>], vector<16xf32>,
          %parallel_loop3A_503 = arith.constant 5 : i32
          %parallel_loop3A_504 = vector.broadcast %parallel_loop3A_503 : i32 to vector<16xi32>
          %parallel_loop3A_505 = arith.addi %parallel_loop3A_397, %parallel_loop3A_504 : vector<16xi32>
          %parallel_loop3A_506 = tpu.vector_load_idx %arg14[%parallel_loop3A_505] : memref<16000xf32, #tpu.memory_space<vmem>>[vector<16xi32>], vector<16xf32>,
          %parallel_loop3A_507 = arith.constant 15 : i32
          %parallel_loop3A_508 = vector.broadcast %parallel_loop3A_507 : i32 to vector<16xi32>
          %parallel_loop3A_509 = arith.addi %parallel_loop3A_370, %parallel_loop3A_508 : vector<16xi32>
          tpu.vector_store_idx %arg22[%parallel_loop3A_509], %parallel_loop3A_506 : memref<4016xf32, #tpu.memory_space<vmem>>[vector<16xi32>], vector<16xf32>,
          %parallel_loop3A_510 = arith.constant 6 : i32
          %parallel_loop3A_511 = vector.broadcast %parallel_loop3A_510 : i32 to vector<16xi32>
          %parallel_loop3A_512 = arith.addi %parallel_loop3A_397, %parallel_loop3A_511 : vector<16xi32>
          %parallel_loop3A_513 = tpu.vector_load_idx %arg14[%parallel_loop3A_512] : memref<16000xf32, #tpu.memory_space<vmem>>[vector<16xi32>], vector<16xf32>,
          %parallel_loop3A_514 = arith.constant 16 : i32
          %parallel_loop3A_515 = vector.broadcast %parallel_loop3A_514 : i32 to vector<16xi32>
          %parallel_loop3A_516 = arith.addi %parallel_loop3A_370, %parallel_loop3A_515 : vector<16xi32>
          tpu.vector_store_idx %arg22[%parallel_loop3A_516], %parallel_loop3A_513 : memref<4016xf32, #tpu.memory_space<vmem>>[vector<16xi32>], vector<16xf32>,
          %parallel_loop3A_517 = arith.constant 7 : i32
          %parallel_loop3A_518 = vector.broadcast %parallel_loop3A_517 : i32 to vector<16xi32>
          %parallel_loop3A_519 = arith.addi %parallel_loop3A_397, %parallel_loop3A_518 : vector<16xi32>
          %parallel_loop3A_520 = tpu.vector_load_idx %arg14[%parallel_loop3A_519] : memref<16000xf32, #tpu.memory_space<vmem>>[vector<16xi32>], vector<16xf32>,
          %parallel_loop3A_521 = arith.constant 17 : i32
          %parallel_loop3A_522 = vector.broadcast %parallel_loop3A_521 : i32 to vector<16xi32>
          %parallel_loop3A_523 = arith.addi %parallel_loop3A_370, %parallel_loop3A_522 : vector<16xi32>
          tpu.vector_store_idx %arg22[%parallel_loop3A_523], %parallel_loop3A_520 : memref<4016xf32, #tpu.memory_space<vmem>>[vector<16xi32>], vector<16xf32>,
          %parallel_loop3A_524 = arith.constant 8 : i32
          %parallel_loop3A_525 = vector.broadcast %parallel_loop3A_524 : i32 to vector<16xi32>
          %parallel_loop3A_526 = arith.addi %parallel_loop3A_397, %parallel_loop3A_525 : vector<16xi32>
          %parallel_loop3A_527 = tpu.vector_load_idx %arg14[%parallel_loop3A_526] : memref<16000xf32, #tpu.memory_space<vmem>>[vector<16xi32>], vector<16xf32>,
          %parallel_loop3A_528 = arith.constant 18 : i32
          %parallel_loop3A_529 = vector.broadcast %parallel_loop3A_528 : i32 to vector<16xi32>
          %parallel_loop3A_530 = arith.addi %parallel_loop3A_370, %parallel_loop3A_529 : vector<16xi32>
          tpu.vector_store_idx %arg22[%parallel_loop3A_530], %parallel_loop3A_527 : memref<4016xf32, #tpu.memory_space<vmem>>[vector<16xi32>], vector<16xf32>,
          %parallel_loop3A_531 = arith.constant 9 : i32
          %parallel_loop3A_532 = vector.broadcast %parallel_loop3A_531 : i32 to vector<16xi32>
          %parallel_loop3A_533 = arith.addi %parallel_loop3A_397, %parallel_loop3A_532 : vector<16xi32>
          %parallel_loop3A_534 = tpu.vector_load_idx %arg14[%parallel_loop3A_533] : memref<16000xf32, #tpu.memory_space<vmem>>[vector<16xi32>], vector<16xf32>,
          %parallel_loop3A_535 = arith.constant 19 : i32
          %parallel_loop3A_536 = vector.broadcast %parallel_loop3A_535 : i32 to vector<16xi32>
          %parallel_loop3A_537 = arith.addi %parallel_loop3A_370, %parallel_loop3A_536 : vector<16xi32>
          tpu.vector_store_idx %arg22[%parallel_loop3A_537], %parallel_loop3A_534 : memref<4016xf32, #tpu.memory_space<vmem>>[vector<16xi32>], vector<16xf32>,
          %parallel_loop3A_538 = arith.constant 10 : i32
          %parallel_loop3A_539 = vector.broadcast %parallel_loop3A_538 : i32 to vector<16xi32>
          %parallel_loop3A_540 = arith.addi %parallel_loop3A_397, %parallel_loop3A_539 : vector<16xi32>
          %parallel_loop3A_541 = tpu.vector_load_idx %arg14[%parallel_loop3A_540] : memref<16000xf32, #tpu.memory_space<vmem>>[vector<16xi32>], vector<16xf32>,
          %parallel_loop3A_542 = arith.constant 20 : i32
          %parallel_loop3A_543 = vector.broadcast %parallel_loop3A_542 : i32 to vector<16xi32>
          %parallel_loop3A_544 = arith.addi %parallel_loop3A_370, %parallel_loop3A_543 : vector<16xi32>
          tpu.vector_store_idx %arg22[%parallel_loop3A_544], %parallel_loop3A_541 : memref<4016xf32, #tpu.memory_space<vmem>>[vector<16xi32>], vector<16xf32>,
          %parallel_loop3A_545 = arith.constant 11 : i32
          %parallel_loop3A_546 = vector.broadcast %parallel_loop3A_545 : i32 to vector<16xi32>
          %parallel_loop3A_547 = arith.addi %parallel_loop3A_397, %parallel_loop3A_546 : vector<16xi32>
          %parallel_loop3A_548 = tpu.vector_load_idx %arg14[%parallel_loop3A_547] : memref<16000xf32, #tpu.memory_space<vmem>>[vector<16xi32>], vector<16xf32>,
          %parallel_loop3A_549 = arith.constant 21 : i32
          %parallel_loop3A_550 = vector.broadcast %parallel_loop3A_549 : i32 to vector<16xi32>
          %parallel_loop3A_551 = arith.addi %parallel_loop3A_370, %parallel_loop3A_550 : vector<16xi32>
          tpu.vector_store_idx %arg22[%parallel_loop3A_551], %parallel_loop3A_548 : memref<4016xf32, #tpu.memory_space<vmem>>[vector<16xi32>], vector<16xf32>,
          %parallel_loop3A_552 = arith.constant 12 : i32
          %parallel_loop3A_553 = vector.broadcast %parallel_loop3A_552 : i32 to vector<16xi32>
          %parallel_loop3A_554 = arith.addi %parallel_loop3A_397, %parallel_loop3A_553 : vector<16xi32>
          %parallel_loop3A_555 = tpu.vector_load_idx %arg14[%parallel_loop3A_554] : memref<16000xf32, #tpu.memory_space<vmem>>[vector<16xi32>], vector<16xf32>,
          %parallel_loop3A_556 = arith.constant 22 : i32
          %parallel_loop3A_557 = vector.broadcast %parallel_loop3A_556 : i32 to vector<16xi32>
          %parallel_loop3A_558 = arith.addi %parallel_loop3A_370, %parallel_loop3A_557 : vector<16xi32>
          tpu.vector_store_idx %arg22[%parallel_loop3A_558], %parallel_loop3A_555 : memref<4016xf32, #tpu.memory_space<vmem>>[vector<16xi32>], vector<16xf32>,
          %parallel_loop3A_559 = arith.constant 13 : i32
          %parallel_loop3A_560 = vector.broadcast %parallel_loop3A_559 : i32 to vector<16xi32>
          %parallel_loop3A_561 = arith.addi %parallel_loop3A_397, %parallel_loop3A_560 : vector<16xi32>
          %parallel_loop3A_562 = tpu.vector_load_idx %arg14[%parallel_loop3A_561] : memref<16000xf32, #tpu.memory_space<vmem>>[vector<16xi32>], vector<16xf32>,
          %parallel_loop3A_563 = arith.constant 23 : i32
          %parallel_loop3A_564 = vector.broadcast %parallel_loop3A_563 : i32 to vector<16xi32>
          %parallel_loop3A_565 = arith.addi %parallel_loop3A_370, %parallel_loop3A_564 : vector<16xi32>
          tpu.vector_store_idx %arg22[%parallel_loop3A_565], %parallel_loop3A_562 : memref<4016xf32, #tpu.memory_space<vmem>>[vector<16xi32>], vector<16xf32>,
          %parallel_loop3A_566 = arith.constant 14 : i32
          %parallel_loop3A_567 = vector.broadcast %parallel_loop3A_566 : i32 to vector<16xi32>
          %parallel_loop3A_568 = arith.addi %parallel_loop3A_397, %parallel_loop3A_567 : vector<16xi32>
          %parallel_loop3A_569 = tpu.vector_load_idx %arg14[%parallel_loop3A_568] : memref<16000xf32, #tpu.memory_space<vmem>>[vector<16xi32>], vector<16xf32>,
          %parallel_loop3A_570 = arith.constant 24 : i32
          %parallel_loop3A_571 = vector.broadcast %parallel_loop3A_570 : i32 to vector<16xi32>
          %parallel_loop3A_572 = arith.addi %parallel_loop3A_370, %parallel_loop3A_571 : vector<16xi32>
          tpu.vector_store_idx %arg22[%parallel_loop3A_572], %parallel_loop3A_569 : memref<4016xf32, #tpu.memory_space<vmem>>[vector<16xi32>], vector<16xf32>,
          %parallel_loop3A_573 = arith.constant 15 : i32
          %parallel_loop3A_574 = vector.broadcast %parallel_loop3A_573 : i32 to vector<16xi32>
          %parallel_loop3A_575 = arith.addi %parallel_loop3A_397, %parallel_loop3A_574 : vector<16xi32>
          %parallel_loop3A_576 = tpu.vector_load_idx %arg14[%parallel_loop3A_575] : memref<16000xf32, #tpu.memory_space<vmem>>[vector<16xi32>], vector<16xf32>,
          %parallel_loop3A_577 = arith.constant 25 : i32
          %parallel_loop3A_578 = vector.broadcast %parallel_loop3A_577 : i32 to vector<16xi32>
          %parallel_loop3A_579 = arith.addi %parallel_loop3A_370, %parallel_loop3A_578 : vector<16xi32>
          tpu.vector_store_idx %arg22[%parallel_loop3A_579], %parallel_loop3A_576 : memref<4016xf32, #tpu.memory_space<vmem>>[vector<16xi32>], vector<16xf32>,
          %parallel_loop3A_580 = arith.constant 16 : i32
          %parallel_loop3A_581 = vector.broadcast %parallel_loop3A_580 : i32 to vector<16xi32>
          %parallel_loop3A_582 = arith.addi %parallel_loop3A_397, %parallel_loop3A_581 : vector<16xi32>
          %parallel_loop3A_583 = tpu.vector_load_idx %arg14[%parallel_loop3A_582] : memref<16000xf32, #tpu.memory_space<vmem>>[vector<16xi32>], vector<16xf32>,
          %parallel_loop3A_584 = arith.constant 26 : i32
          %parallel_loop3A_585 = vector.broadcast %parallel_loop3A_584 : i32 to vector<16xi32>
          %parallel_loop3A_586 = arith.addi %parallel_loop3A_370, %parallel_loop3A_585 : vector<16xi32>
          tpu.vector_store_idx %arg22[%parallel_loop3A_586], %parallel_loop3A_583 : memref<4016xf32, #tpu.memory_space<vmem>>[vector<16xi32>], vector<16xf32>,
          %parallel_loop3A_587 = arith.constant 17 : i32
          %parallel_loop3A_588 = vector.broadcast %parallel_loop3A_587 : i32 to vector<16xi32>
          %parallel_loop3A_589 = arith.addi %parallel_loop3A_397, %parallel_loop3A_588 : vector<16xi32>
          %parallel_loop3A_590 = tpu.vector_load_idx %arg14[%parallel_loop3A_589] : memref<16000xf32, #tpu.memory_space<vmem>>[vector<16xi32>], vector<16xf32>,
          %parallel_loop3A_591 = arith.constant 27 : i32
          %parallel_loop3A_592 = vector.broadcast %parallel_loop3A_591 : i32 to vector<16xi32>
          %parallel_loop3A_593 = arith.addi %parallel_loop3A_370, %parallel_loop3A_592 : vector<16xi32>
          tpu.vector_store_idx %arg22[%parallel_loop3A_593], %parallel_loop3A_590 : memref<4016xf32, #tpu.memory_space<vmem>>[vector<16xi32>], vector<16xf32>,
          %parallel_loop3A_594 = arith.constant 18 : i32
          %parallel_loop3A_595 = vector.broadcast %parallel_loop3A_594 : i32 to vector<16xi32>
          %parallel_loop3A_596 = arith.addi %parallel_loop3A_397, %parallel_loop3A_595 : vector<16xi32>
          %parallel_loop3A_597 = tpu.vector_load_idx %arg14[%parallel_loop3A_596] : memref<16000xf32, #tpu.memory_space<vmem>>[vector<16xi32>], vector<16xf32>,
          %parallel_loop3A_598 = arith.constant 28 : i32
          %parallel_loop3A_599 = vector.broadcast %parallel_loop3A_598 : i32 to vector<16xi32>
          %parallel_loop3A_600 = arith.addi %parallel_loop3A_370, %parallel_loop3A_599 : vector<16xi32>
          tpu.vector_store_idx %arg22[%parallel_loop3A_600], %parallel_loop3A_597 : memref<4016xf32, #tpu.memory_space<vmem>>[vector<16xi32>], vector<16xf32>,
          %parallel_loop3A_601 = arith.constant 19 : i32
          %parallel_loop3A_602 = vector.broadcast %parallel_loop3A_601 : i32 to vector<16xi32>
          %parallel_loop3A_603 = arith.addi %parallel_loop3A_397, %parallel_loop3A_602 : vector<16xi32>
          %parallel_loop3A_604 = tpu.vector_load_idx %arg14[%parallel_loop3A_603] : memref<16000xf32, #tpu.memory_space<vmem>>[vector<16xi32>], vector<16xf32>,
          %parallel_loop3A_605 = arith.constant 29 : i32
          %parallel_loop3A_606 = vector.broadcast %parallel_loop3A_605 : i32 to vector<16xi32>
          %parallel_loop3A_607 = arith.addi %parallel_loop3A_370, %parallel_loop3A_606 : vector<16xi32>
          tpu.vector_store_idx %arg22[%parallel_loop3A_607], %parallel_loop3A_604 : memref<4016xf32, #tpu.memory_space<vmem>>[vector<16xi32>], vector<16xf32>,
          %parallel_loop3A_608 = arith.constant 20 : i32
          %parallel_loop3A_609 = vector.broadcast %parallel_loop3A_608 : i32 to vector<16xi32>
          %parallel_loop3A_610 = arith.addi %parallel_loop3A_397, %parallel_loop3A_609 : vector<16xi32>
          %parallel_loop3A_611 = tpu.vector_load_idx %arg14[%parallel_loop3A_610] : memref<16000xf32, #tpu.memory_space<vmem>>[vector<16xi32>], vector<16xf32>,
          %parallel_loop3A_612 = arith.constant 30 : i32
          %parallel_loop3A_613 = vector.broadcast %parallel_loop3A_612 : i32 to vector<16xi32>
          %parallel_loop3A_614 = arith.addi %parallel_loop3A_370, %parallel_loop3A_613 : vector<16xi32>
          tpu.vector_store_idx %arg22[%parallel_loop3A_614], %parallel_loop3A_611 : memref<4016xf32, #tpu.memory_space<vmem>>[vector<16xi32>], vector<16xf32>,
          %parallel_loop3A_615 = arith.constant 21 : i32
          %parallel_loop3A_616 = vector.broadcast %parallel_loop3A_615 : i32 to vector<16xi32>
          %parallel_loop3A_617 = arith.addi %parallel_loop3A_397, %parallel_loop3A_616 : vector<16xi32>
          %parallel_loop3A_618 = tpu.vector_load_idx %arg14[%parallel_loop3A_617] : memref<16000xf32, #tpu.memory_space<vmem>>[vector<16xi32>], vector<16xf32>,
          %parallel_loop3A_619 = arith.constant 31 : i32
          %parallel_loop3A_620 = vector.broadcast %parallel_loop3A_619 : i32 to vector<16xi32>
          %parallel_loop3A_621 = arith.addi %parallel_loop3A_370, %parallel_loop3A_620 : vector<16xi32>
          tpu.vector_store_idx %arg22[%parallel_loop3A_621], %parallel_loop3A_618 : memref<4016xf32, #tpu.memory_space<vmem>>[vector<16xi32>], vector<16xf32>,
          %parallel_loop3A_622 = arith.constant 22 : i32
          %parallel_loop3A_623 = vector.broadcast %parallel_loop3A_622 : i32 to vector<16xi32>
          %parallel_loop3A_624 = arith.addi %parallel_loop3A_397, %parallel_loop3A_623 : vector<16xi32>
          %parallel_loop3A_625 = tpu.vector_load_idx %arg14[%parallel_loop3A_624] : memref<16000xf32, #tpu.memory_space<vmem>>[vector<16xi32>], vector<16xf32>,
          %parallel_loop3A_626 = arith.constant 32 : i32
          %parallel_loop3A_627 = vector.broadcast %parallel_loop3A_626 : i32 to vector<16xi32>
          %parallel_loop3A_628 = arith.addi %parallel_loop3A_370, %parallel_loop3A_627 : vector<16xi32>
          tpu.vector_store_idx %arg22[%parallel_loop3A_628], %parallel_loop3A_625 : memref<4016xf32, #tpu.memory_space<vmem>>[vector<16xi32>], vector<16xf32>,
          %parallel_loop3A_629 = arith.constant 23 : i32
          %parallel_loop3A_630 = vector.broadcast %parallel_loop3A_629 : i32 to vector<16xi32>
          %parallel_loop3A_631 = arith.addi %parallel_loop3A_397, %parallel_loop3A_630 : vector<16xi32>
          %parallel_loop3A_632 = tpu.vector_load_idx %arg14[%parallel_loop3A_631] : memref<16000xf32, #tpu.memory_space<vmem>>[vector<16xi32>], vector<16xf32>,
          %parallel_loop3A_633 = arith.constant 33 : i32
          %parallel_loop3A_634 = vector.broadcast %parallel_loop3A_633 : i32 to vector<16xi32>
          %parallel_loop3A_635 = arith.addi %parallel_loop3A_370, %parallel_loop3A_634 : vector<16xi32>
          tpu.vector_store_idx %arg22[%parallel_loop3A_635], %parallel_loop3A_632 : memref<4016xf32, #tpu.memory_space<vmem>>[vector<16xi32>], vector<16xf32>,
          %parallel_loop3A_636 = arith.constant 24 : i32
          %parallel_loop3A_637 = vector.broadcast %parallel_loop3A_636 : i32 to vector<16xi32>
          %parallel_loop3A_638 = arith.addi %parallel_loop3A_397, %parallel_loop3A_637 : vector<16xi32>
          %parallel_loop3A_639 = tpu.vector_load_idx %arg14[%parallel_loop3A_638] : memref<16000xf32, #tpu.memory_space<vmem>>[vector<16xi32>], vector<16xf32>,
          %parallel_loop3A_640 = arith.constant 34 : i32
          %parallel_loop3A_641 = vector.broadcast %parallel_loop3A_640 : i32 to vector<16xi32>
          %parallel_loop3A_642 = arith.addi %parallel_loop3A_370, %parallel_loop3A_641 : vector<16xi32>
          tpu.vector_store_idx %arg22[%parallel_loop3A_642], %parallel_loop3A_639 : memref<4016xf32, #tpu.memory_space<vmem>>[vector<16xi32>], vector<16xf32>,
          %parallel_loop3A_643 = arith.constant 25 : i32
          %parallel_loop3A_644 = vector.broadcast %parallel_loop3A_643 : i32 to vector<16xi32>
          %parallel_loop3A_645 = arith.addi %parallel_loop3A_397, %parallel_loop3A_644 : vector<16xi32>
          %parallel_loop3A_646 = tpu.vector_load_idx %arg14[%parallel_loop3A_645] : memref<16000xf32, #tpu.memory_space<vmem>>[vector<16xi32>], vector<16xf32>,
          %parallel_loop3A_647 = arith.constant 35 : i32
          %parallel_loop3A_648 = vector.broadcast %parallel_loop3A_647 : i32 to vector<16xi32>
          %parallel_loop3A_649 = arith.addi %parallel_loop3A_370, %parallel_loop3A_648 : vector<16xi32>
          tpu.vector_store_idx %arg22[%parallel_loop3A_649], %parallel_loop3A_646 : memref<4016xf32, #tpu.memory_space<vmem>>[vector<16xi32>], vector<16xf32>,
          %parallel_loop3A_650 = arith.constant 26 : i32
          %parallel_loop3A_651 = vector.broadcast %parallel_loop3A_650 : i32 to vector<16xi32>
          %parallel_loop3A_652 = arith.addi %parallel_loop3A_397, %parallel_loop3A_651 : vector<16xi32>
          %parallel_loop3A_653 = tpu.vector_load_idx %arg14[%parallel_loop3A_652] : memref<16000xf32, #tpu.memory_space<vmem>>[vector<16xi32>], vector<16xf32>,
          %parallel_loop3A_654 = arith.constant 36 : i32
          %parallel_loop3A_655 = vector.broadcast %parallel_loop3A_654 : i32 to vector<16xi32>
          %parallel_loop3A_656 = arith.addi %parallel_loop3A_370, %parallel_loop3A_655 : vector<16xi32>
          tpu.vector_store_idx %arg22[%parallel_loop3A_656], %parallel_loop3A_653 : memref<4016xf32, #tpu.memory_space<vmem>>[vector<16xi32>], vector<16xf32>,
          %parallel_loop3A_657 = arith.constant 27 : i32
          %parallel_loop3A_658 = vector.broadcast %parallel_loop3A_657 : i32 to vector<16xi32>
          %parallel_loop3A_659 = arith.addi %parallel_loop3A_397, %parallel_loop3A_658 : vector<16xi32>
          %parallel_loop3A_660 = tpu.vector_load_idx %arg14[%parallel_loop3A_659] : memref<16000xf32, #tpu.memory_space<vmem>>[vector<16xi32>], vector<16xf32>,
          %parallel_loop3A_661 = arith.constant 37 : i32
          %parallel_loop3A_662 = vector.broadcast %parallel_loop3A_661 : i32 to vector<16xi32>
          %parallel_loop3A_663 = arith.addi %parallel_loop3A_370, %parallel_loop3A_662 : vector<16xi32>
          tpu.vector_store_idx %arg22[%parallel_loop3A_663], %parallel_loop3A_660 : memref<4016xf32, #tpu.memory_space<vmem>>[vector<16xi32>], vector<16xf32>,
          %parallel_loop3A_664 = arith.constant 28 : i32
          %parallel_loop3A_665 = vector.broadcast %parallel_loop3A_664 : i32 to vector<16xi32>
          %parallel_loop3A_666 = arith.addi %parallel_loop3A_397, %parallel_loop3A_665 : vector<16xi32>
          %parallel_loop3A_667 = tpu.vector_load_idx %arg14[%parallel_loop3A_666] : memref<16000xf32, #tpu.memory_space<vmem>>[vector<16xi32>], vector<16xf32>,
          %parallel_loop3A_668 = arith.constant 38 : i32
          %parallel_loop3A_669 = vector.broadcast %parallel_loop3A_668 : i32 to vector<16xi32>
          %parallel_loop3A_670 = arith.addi %parallel_loop3A_370, %parallel_loop3A_669 : vector<16xi32>
          tpu.vector_store_idx %arg22[%parallel_loop3A_670], %parallel_loop3A_667 : memref<4016xf32, #tpu.memory_space<vmem>>[vector<16xi32>], vector<16xf32>,
          %parallel_loop3A_671 = arith.constant 29 : i32
          %parallel_loop3A_672 = vector.broadcast %parallel_loop3A_671 : i32 to vector<16xi32>
          %parallel_loop3A_673 = arith.addi %parallel_loop3A_397, %parallel_loop3A_672 : vector<16xi32>
          %parallel_loop3A_674 = tpu.vector_load_idx %arg14[%parallel_loop3A_673] : memref<16000xf32, #tpu.memory_space<vmem>>[vector<16xi32>], vector<16xf32>,
          %parallel_loop3A_675 = arith.constant 39 : i32
          %parallel_loop3A_676 = vector.broadcast %parallel_loop3A_675 : i32 to vector<16xi32>
          %parallel_loop3A_677 = arith.addi %parallel_loop3A_370, %parallel_loop3A_676 : vector<16xi32>
          tpu.vector_store_idx %arg22[%parallel_loop3A_677], %parallel_loop3A_674 : memref<4016xf32, #tpu.memory_space<vmem>>[vector<16xi32>], vector<16xf32>,
          %parallel_loop3A_678 = arith.constant 30 : i32
          %parallel_loop3A_679 = vector.broadcast %parallel_loop3A_678 : i32 to vector<16xi32>
          %parallel_loop3A_680 = arith.addi %parallel_loop3A_397, %parallel_loop3A_679 : vector<16xi32>
          %parallel_loop3A_681 = tpu.vector_load_idx %arg14[%parallel_loop3A_680] : memref<16000xf32, #tpu.memory_space<vmem>>[vector<16xi32>], vector<16xf32>,
          %parallel_loop3A_682 = arith.constant 40 : i32
          %parallel_loop3A_683 = vector.broadcast %parallel_loop3A_682 : i32 to vector<16xi32>
          %parallel_loop3A_684 = arith.addi %parallel_loop3A_370, %parallel_loop3A_683 : vector<16xi32>
          tpu.vector_store_idx %arg22[%parallel_loop3A_684], %parallel_loop3A_681 : memref<4016xf32, #tpu.memory_space<vmem>>[vector<16xi32>], vector<16xf32>,
          %parallel_loop3A_685 = arith.constant 31 : i32
          %parallel_loop3A_686 = vector.broadcast %parallel_loop3A_685 : i32 to vector<16xi32>
          %parallel_loop3A_687 = arith.addi %parallel_loop3A_397, %parallel_loop3A_686 : vector<16xi32>
          %parallel_loop3A_688 = tpu.vector_load_idx %arg14[%parallel_loop3A_687] : memref<16000xf32, #tpu.memory_space<vmem>>[vector<16xi32>], vector<16xf32>,
          %parallel_loop3A_689 = arith.constant 41 : i32
          %parallel_loop3A_690 = vector.broadcast %parallel_loop3A_689 : i32 to vector<16xi32>
          %parallel_loop3A_691 = arith.addi %parallel_loop3A_370, %parallel_loop3A_690 : vector<16xi32>
          tpu.vector_store_idx %arg22[%parallel_loop3A_691], %parallel_loop3A_688 : memref<4016xf32, #tpu.memory_space<vmem>>[vector<16xi32>], vector<16xf32>,
          %parallel_loop3A_692 = arith.constant 32 : i32
          %parallel_loop3A_693 = vector.broadcast %parallel_loop3A_692 : i32 to vector<16xi32>
          %parallel_loop3A_694 = arith.addi %parallel_loop3A_397, %parallel_loop3A_693 : vector<16xi32>
          %parallel_loop3A_695 = tpu.vector_load_idx %arg14[%parallel_loop3A_694] : memref<16000xf32, #tpu.memory_space<vmem>>[vector<16xi32>], vector<16xf32>,
          %parallel_loop3A_696 = arith.constant 42 : i32
          %parallel_loop3A_697 = vector.broadcast %parallel_loop3A_696 : i32 to vector<16xi32>
          %parallel_loop3A_698 = arith.addi %parallel_loop3A_370, %parallel_loop3A_697 : vector<16xi32>
          tpu.vector_store_idx %arg22[%parallel_loop3A_698], %parallel_loop3A_695 : memref<4016xf32, #tpu.memory_space<vmem>>[vector<16xi32>], vector<16xf32>,
          %parallel_loop3A_699 = arith.constant 33 : i32
          %parallel_loop3A_700 = vector.broadcast %parallel_loop3A_699 : i32 to vector<16xi32>
          %parallel_loop3A_701 = arith.addi %parallel_loop3A_397, %parallel_loop3A_700 : vector<16xi32>
          %parallel_loop3A_702 = tpu.vector_load_idx %arg14[%parallel_loop3A_701] : memref<16000xf32, #tpu.memory_space<vmem>>[vector<16xi32>], vector<16xf32>,
          %parallel_loop3A_703 = arith.constant 43 : i32
          %parallel_loop3A_704 = vector.broadcast %parallel_loop3A_703 : i32 to vector<16xi32>
          %parallel_loop3A_705 = arith.addi %parallel_loop3A_370, %parallel_loop3A_704 : vector<16xi32>
          tpu.vector_store_idx %arg22[%parallel_loop3A_705], %parallel_loop3A_702 : memref<4016xf32, #tpu.memory_space<vmem>>[vector<16xi32>], vector<16xf32>,
          %parallel_loop3A_706 = arith.constant 34 : i32
          %parallel_loop3A_707 = vector.broadcast %parallel_loop3A_706 : i32 to vector<16xi32>
          %parallel_loop3A_708 = arith.addi %parallel_loop3A_397, %parallel_loop3A_707 : vector<16xi32>
          %parallel_loop3A_709 = tpu.vector_load_idx %arg14[%parallel_loop3A_708] : memref<16000xf32, #tpu.memory_space<vmem>>[vector<16xi32>], vector<16xf32>,
          %parallel_loop3A_710 = arith.constant 44 : i32
          %parallel_loop3A_711 = vector.broadcast %parallel_loop3A_710 : i32 to vector<16xi32>
          %parallel_loop3A_712 = arith.addi %parallel_loop3A_370, %parallel_loop3A_711 : vector<16xi32>
          tpu.vector_store_idx %arg22[%parallel_loop3A_712], %parallel_loop3A_709 : memref<4016xf32, #tpu.memory_space<vmem>>[vector<16xi32>], vector<16xf32>,
          %parallel_loop3A_713 = arith.constant 35 : i32
          %parallel_loop3A_714 = vector.broadcast %parallel_loop3A_713 : i32 to vector<16xi32>
          %parallel_loop3A_715 = arith.addi %parallel_loop3A_397, %parallel_loop3A_714 : vector<16xi32>
          %parallel_loop3A_716 = tpu.vector_load_idx %arg14[%parallel_loop3A_715] : memref<16000xf32, #tpu.memory_space<vmem>>[vector<16xi32>], vector<16xf32>,
          %parallel_loop3A_717 = arith.constant 45 : i32
          %parallel_loop3A_718 = vector.broadcast %parallel_loop3A_717 : i32 to vector<16xi32>
          %parallel_loop3A_719 = arith.addi %parallel_loop3A_370, %parallel_loop3A_718 : vector<16xi32>
          tpu.vector_store_idx %arg22[%parallel_loop3A_719], %parallel_loop3A_716 : memref<4016xf32, #tpu.memory_space<vmem>>[vector<16xi32>], vector<16xf32>,
          %parallel_loop3A_720 = arith.constant 36 : i32
          %parallel_loop3A_721 = vector.broadcast %parallel_loop3A_720 : i32 to vector<16xi32>
          %parallel_loop3A_722 = arith.addi %parallel_loop3A_397, %parallel_loop3A_721 : vector<16xi32>
          %parallel_loop3A_723 = tpu.vector_load_idx %arg14[%parallel_loop3A_722] : memref<16000xf32, #tpu.memory_space<vmem>>[vector<16xi32>], vector<16xf32>,
          %parallel_loop3A_724 = arith.constant 46 : i32
          %parallel_loop3A_725 = vector.broadcast %parallel_loop3A_724 : i32 to vector<16xi32>
          %parallel_loop3A_726 = arith.addi %parallel_loop3A_370, %parallel_loop3A_725 : vector<16xi32>
          tpu.vector_store_idx %arg22[%parallel_loop3A_726], %parallel_loop3A_723 : memref<4016xf32, #tpu.memory_space<vmem>>[vector<16xi32>], vector<16xf32>,
          %parallel_loop3A_727 = arith.constant 37 : i32
          %parallel_loop3A_728 = vector.broadcast %parallel_loop3A_727 : i32 to vector<16xi32>
          %parallel_loop3A_729 = arith.addi %parallel_loop3A_397, %parallel_loop3A_728 : vector<16xi32>
          %parallel_loop3A_730 = tpu.vector_load_idx %arg14[%parallel_loop3A_729] : memref<16000xf32, #tpu.memory_space<vmem>>[vector<16xi32>], vector<16xf32>,
          %parallel_loop3A_731 = arith.constant 47 : i32
          %parallel_loop3A_732 = vector.broadcast %parallel_loop3A_731 : i32 to vector<16xi32>
          %parallel_loop3A_733 = arith.addi %parallel_loop3A_370, %parallel_loop3A_732 : vector<16xi32>
          tpu.vector_store_idx %arg22[%parallel_loop3A_733], %parallel_loop3A_730 : memref<4016xf32, #tpu.memory_space<vmem>>[vector<16xi32>], vector<16xf32>,
          %parallel_loop3A_734 = arith.constant 38 : i32
          %parallel_loop3A_735 = vector.broadcast %parallel_loop3A_734 : i32 to vector<16xi32>
          %parallel_loop3A_736 = arith.addi %parallel_loop3A_397, %parallel_loop3A_735 : vector<16xi32>
          %parallel_loop3A_737 = tpu.vector_load_idx %arg14[%parallel_loop3A_736] : memref<16000xf32, #tpu.memory_space<vmem>>[vector<16xi32>], vector<16xf32>,
          %parallel_loop3A_738 = arith.constant 48 : i32
          %parallel_loop3A_739 = vector.broadcast %parallel_loop3A_738 : i32 to vector<16xi32>
          %parallel_loop3A_740 = arith.addi %parallel_loop3A_370, %parallel_loop3A_739 : vector<16xi32>
          tpu.vector_store_idx %arg22[%parallel_loop3A_740], %parallel_loop3A_737 : memref<4016xf32, #tpu.memory_space<vmem>>[vector<16xi32>], vector<16xf32>,
          %parallel_loop3A_741 = arith.constant 39 : i32
          %parallel_loop3A_742 = vector.broadcast %parallel_loop3A_741 : i32 to vector<16xi32>
          %parallel_loop3A_743 = arith.addi %parallel_loop3A_397, %parallel_loop3A_742 : vector<16xi32>
          %parallel_loop3A_744 = tpu.vector_load_idx %arg14[%parallel_loop3A_743] : memref<16000xf32, #tpu.memory_space<vmem>>[vector<16xi32>], vector<16xf32>,
          %parallel_loop3A_745 = arith.constant 49 : i32
          %parallel_loop3A_746 = vector.broadcast %parallel_loop3A_745 : i32 to vector<16xi32>
          %parallel_loop3A_747 = arith.addi %parallel_loop3A_370, %parallel_loop3A_746 : vector<16xi32>
          tpu.vector_store_idx %arg22[%parallel_loop3A_747], %parallel_loop3A_744 : memref<4016xf32, #tpu.memory_space<vmem>>[vector<16xi32>], vector<16xf32>,
        } {sc.loop_unroll_factor = 1 : i64, sc.parallel_access}
      } else {
      }
      %add3A_278 = arith.constant 2 : i32
      %add3A_279 = arith.addi %add3A_217, %add3A_278 : i32
      %lt3A_280 = arith.constant 80 : i32
      %lt3A_281 = arith.cmpi slt, %add3A_279, %lt3A_280 : i32
      %convert_element_type3A_282 = arith.extui %lt3A_281 : i1 to i32
      %cond3A_283 = arith.constant 0 : i32
      %cond3A_284 = arith.cmpi ne, %convert_element_type3A_282, %cond3A_283 : i32
      scf.if %cond3A_284 {
        %add3A_360 = arith.constant 2 : i32
        %add3A_361 = arith.addi %add3A_217, %add3A_360 : i32
        %mul3A_362 = arith.constant 6400 : i32
        %mul3A_363 = arith.muli %add3A, %mul3A_362 : i32
        %mul3A_364 = arith.constant 80 : i32
        %mul3A_365 = arith.muli %add3A_361, %mul3A_364 : i32
        %add3A_366 = arith.addi %mul3A_363, %mul3A_365 : i32
        %dma_start3A_367 = arith.constant 0 : i32
        %dma_start3A_368 = arith.constant 0 : i32
        %dma_start3A_369 = tpu.memref_slice %arg15[%dma_start3A_367, %dma_start3A_368] : memref<2x80xi32, #tpu.memory_space<vmem>> -> memref<1x80xi32, #tpu.memory_space<vmem>>
        %dma_start3A_370 = tpu.memref_squeeze %dma_start3A_369 : memref<1x80xi32, #tpu.memory_space<vmem>> -> memref<80xi32, #tpu.memory_space<vmem>>
        %dma_start3A_371 = tpu.memref_slice %arg2[%add3A_366] : memref<204800xi32, #tpu.memory_space<hbm>> -> memref<80xi32, #tpu.memory_space<hbm>>
        %dma_start3A_372 = arith.constant 0 : i32
        %dma_start3A_373 = tpu.memref_slice %arg15[%dma_start3A_367, %dma_start3A_372] : memref<2x80xi32, #tpu.memory_space<vmem>> -> memref<1x80xi32, #tpu.memory_space<vmem>>
        %dma_start3A_374 = tpu.memref_squeeze %dma_start3A_373 : memref<1x80xi32, #tpu.memory_space<vmem>> -> memref<80xi32, #tpu.memory_space<vmem>>
        %dma_start3A_375 = tpu.memref_slice %arg2[%add3A_366] : memref<204800xi32, #tpu.memory_space<hbm>> -> memref<80xi32, #tpu.memory_space<hbm>>
        tpu.enqueue_dma source(%dma_start3A_375 : memref<80xi32, #tpu.memory_space<hbm>>) target(%dma_start3A_374 : memref<80xi32, #tpu.memory_space<vmem>>) target_semaphore(%arg24 : memref<!tpu.dma_semaphore, #tpu.memory_space<semaphore_mem>>)
        %dma_start3A_376 = arith.constant 0 : i32
        %dma_start3A_377 = arith.constant 0 : i32
        %dma_start3A_378 = tpu.memref_slice %arg16[%dma_start3A_376, %dma_start3A_377] : memref<2x80xi32, #tpu.memory_space<vmem>> -> memref<1x80xi32, #tpu.memory_space<vmem>>
        %dma_start3A_379 = tpu.memref_squeeze %dma_start3A_378 : memref<1x80xi32, #tpu.memory_space<vmem>> -> memref<80xi32, #tpu.memory_space<vmem>>
        %dma_start3A_380 = tpu.memref_slice %arg3[%add3A_366] : memref<204800xi32, #tpu.memory_space<hbm>> -> memref<80xi32, #tpu.memory_space<hbm>>
        %dma_start3A_381 = arith.constant 0 : i32
        %dma_start3A_382 = tpu.memref_slice %arg16[%dma_start3A_376, %dma_start3A_381] : memref<2x80xi32, #tpu.memory_space<vmem>> -> memref<1x80xi32, #tpu.memory_space<vmem>>
        %dma_start3A_383 = tpu.memref_squeeze %dma_start3A_382 : memref<1x80xi32, #tpu.memory_space<vmem>> -> memref<80xi32, #tpu.memory_space<vmem>>
        %dma_start3A_384 = tpu.memref_slice %arg3[%add3A_366] : memref<204800xi32, #tpu.memory_space<hbm>> -> memref<80xi32, #tpu.memory_space<hbm>>
        tpu.enqueue_dma source(%dma_start3A_384 : memref<80xi32, #tpu.memory_space<hbm>>) target(%dma_start3A_383 : memref<80xi32, #tpu.memory_space<vmem>>) target_semaphore(%arg24 : memref<!tpu.dma_semaphore, #tpu.memory_space<semaphore_mem>>)
        %dma_start3A_385 = arith.constant 0 : i32
        %dma_start3A_386 = arith.constant 0 : i32
        %dma_start3A_387 = tpu.memref_slice %arg17[%dma_start3A_385, %dma_start3A_386] : memref<2x80xi32, #tpu.memory_space<vmem>> -> memref<1x80xi32, #tpu.memory_space<vmem>>
        %dma_start3A_388 = tpu.memref_squeeze %dma_start3A_387 : memref<1x80xi32, #tpu.memory_space<vmem>> -> memref<80xi32, #tpu.memory_space<vmem>>
        %dma_start3A_389 = tpu.memref_slice %arg4[%add3A_366] : memref<204800xi32, #tpu.memory_space<hbm>> -> memref<80xi32, #tpu.memory_space<hbm>>
        %dma_start3A_390 = arith.constant 0 : i32
        %dma_start3A_391 = tpu.memref_slice %arg17[%dma_start3A_385, %dma_start3A_390] : memref<2x80xi32, #tpu.memory_space<vmem>> -> memref<1x80xi32, #tpu.memory_space<vmem>>
        %dma_start3A_392 = tpu.memref_squeeze %dma_start3A_391 : memref<1x80xi32, #tpu.memory_space<vmem>> -> memref<80xi32, #tpu.memory_space<vmem>>
        %dma_start3A_393 = tpu.memref_slice %arg4[%add3A_366] : memref<204800xi32, #tpu.memory_space<hbm>> -> memref<80xi32, #tpu.memory_space<hbm>>
        tpu.enqueue_dma source(%dma_start3A_393 : memref<80xi32, #tpu.memory_space<hbm>>) target(%dma_start3A_392 : memref<80xi32, #tpu.memory_space<vmem>>) target_semaphore(%arg24 : memref<!tpu.dma_semaphore, #tpu.memory_space<semaphore_mem>>)
        %dma_start3A_394 = arith.constant 0 : i32
        %dma_start3A_395 = arith.constant 0 : i32
        %dma_start3A_396 = tpu.memref_slice %arg18[%dma_start3A_394, %dma_start3A_395] : memref<2x80xi32, #tpu.memory_space<vmem>> -> memref<1x80xi32, #tpu.memory_space<vmem>>
        %dma_start3A_397 = tpu.memref_squeeze %dma_start3A_396 : memref<1x80xi32, #tpu.memory_space<vmem>> -> memref<80xi32, #tpu.memory_space<vmem>>
        %dma_start3A_398 = tpu.memref_slice %arg5[%add3A_366] : memref<204800xi32, #tpu.memory_space<hbm>> -> memref<80xi32, #tpu.memory_space<hbm>>
        %dma_start3A_399 = arith.constant 0 : i32
        %dma_start3A_400 = tpu.memref_slice %arg18[%dma_start3A_394, %dma_start3A_399] : memref<2x80xi32, #tpu.memory_space<vmem>> -> memref<1x80xi32, #tpu.memory_space<vmem>>
        %dma_start3A_401 = tpu.memref_squeeze %dma_start3A_400 : memref<1x80xi32, #tpu.memory_space<vmem>> -> memref<80xi32, #tpu.memory_space<vmem>>
        %dma_start3A_402 = tpu.memref_slice %arg5[%add3A_366] : memref<204800xi32, #tpu.memory_space<hbm>> -> memref<80xi32, #tpu.memory_space<hbm>>
        tpu.enqueue_dma source(%dma_start3A_402 : memref<80xi32, #tpu.memory_space<hbm>>) target(%dma_start3A_401 : memref<80xi32, #tpu.memory_space<vmem>>) target_semaphore(%arg24 : memref<!tpu.dma_semaphore, #tpu.memory_space<semaphore_mem>>)
        %dma_start3A_403 = arith.constant 0 : i32
        %dma_start3A_404 = arith.constant 0 : i32
        %dma_start3A_405 = tpu.memref_slice %arg19[%dma_start3A_403, %dma_start3A_404] : memref<2x80xi32, #tpu.memory_space<vmem>> -> memref<1x80xi32, #tpu.memory_space<vmem>>
        %dma_start3A_406 = tpu.memref_squeeze %dma_start3A_405 : memref<1x80xi32, #tpu.memory_space<vmem>> -> memref<80xi32, #tpu.memory_space<vmem>>
        %dma_start3A_407 = tpu.memref_slice %arg6[%add3A_366] : memref<204800xi32, #tpu.memory_space<hbm>> -> memref<80xi32, #tpu.memory_space<hbm>>
        %dma_start3A_408 = arith.constant 0 : i32
        %dma_start3A_409 = tpu.memref_slice %arg19[%dma_start3A_403, %dma_start3A_408] : memref<2x80xi32, #tpu.memory_space<vmem>> -> memref<1x80xi32, #tpu.memory_space<vmem>>
        %dma_start3A_410 = tpu.memref_squeeze %dma_start3A_409 : memref<1x80xi32, #tpu.memory_space<vmem>> -> memref<80xi32, #tpu.memory_space<vmem>>
        %dma_start3A_411 = tpu.memref_slice %arg6[%add3A_366] : memref<204800xi32, #tpu.memory_space<hbm>> -> memref<80xi32, #tpu.memory_space<hbm>>
        tpu.enqueue_dma source(%dma_start3A_411 : memref<80xi32, #tpu.memory_space<hbm>>) target(%dma_start3A_410 : memref<80xi32, #tpu.memory_space<vmem>>) target_semaphore(%arg24 : memref<!tpu.dma_semaphore, #tpu.memory_space<semaphore_mem>>)
      } else {
      }
      %mul3A_285 = arith.constant 2 : i32
      %mul3A_286 = arith.muli %scan3A_213, %mul3A_285 : i32
      %add3A_287 = arith.constant 1 : i32
      %add3A_288 = arith.addi %mul3A_286, %add3A_287 : i32
      %mul3A_289 = arith.constant 6400 : i32
      %mul3A_290 = arith.muli %add3A, %mul3A_289 : i32
      %mul3A_291 = arith.constant 80 : i32
      %mul3A_292 = arith.muli %add3A_288, %mul3A_291 : i32
      %add3A_293 = arith.addi %mul3A_290, %mul3A_292 : i32
      %dma_wait3A_294 = arith.constant 1 : i32
      %dma_wait3A_295 = arith.constant 1 : i32
      %dma_wait3A_296 = arith.constant 0 : i32
      %dma_wait3A_297 = arith.constant 0 : i32
      %dma_wait3A_298 = tpu.memref_slice %arg20[%dma_wait3A_295, %dma_wait3A_296, %dma_wait3A_297] : memref<2x80x128xf32, #tpu.memory_space<vmem>> -> memref<1x80x128xf32, #tpu.memory_space<vmem>>
      %dma_wait3A_299 = tpu.memref_squeeze %dma_wait3A_298 : memref<1x80x128xf32, #tpu.memory_space<vmem>> -> memref<80x128xf32, #tpu.memory_space<vmem>>
      %dma_wait3A_300 = arith.constant 0 : i32
      %dma_wait3A_301 = tpu.memref_slice %arg18[%dma_wait3A_294, %dma_wait3A_300] : memref<2x80xi32, #tpu.memory_space<vmem>> -> memref<1x80xi32, #tpu.memory_space<vmem>>
      %dma_wait3A_302 = tpu.memref_squeeze %dma_wait3A_301 : memref<1x80xi32, #tpu.memory_space<vmem>> -> memref<80xi32, #tpu.memory_space<vmem>>
      %dma_wait3A_303 = arith.constant 0 : i32
      %dma_wait3A_304 = arith.constant 0 : i32
      %dma_wait3A_305 = tpu.memref_slice %arg10[%dma_wait3A_303, %dma_wait3A_304] : memref<100000x128xf32, #tpu.memory_space<hbm>> -> memref<100000x128xf32, #tpu.memory_space<hbm>>
      tpu.wait_indirect_dma semaphore(%arg27 : memref<!tpu.dma_semaphore, #tpu.memory_space<semaphore_mem>>) src(%dma_wait3A_305 : memref<100000x128xf32, #tpu.memory_space<hbm>>) dst(%dma_wait3A_299 : memref<80x128xf32, #tpu.memory_space<vmem>>)
      %dma_wait3A_306 = arith.constant 1 : i32
      %dma_wait3A_307 = arith.constant 1 : i32
      %dma_wait3A_308 = arith.constant 0 : i32
      %dma_wait3A_309 = arith.constant 0 : i32
      %dma_wait3A_310 = tpu.memref_slice %arg21[%dma_wait3A_307, %dma_wait3A_308, %dma_wait3A_309] : memref<2x80x128xf32, #tpu.memory_space<vmem>> -> memref<1x80x128xf32, #tpu.memory_space<vmem>>
      %dma_wait3A_311 = tpu.memref_squeeze %dma_wait3A_310 : memref<1x80x128xf32, #tpu.memory_space<vmem>> -> memref<80x128xf32, #tpu.memory_space<vmem>>
      %dma_wait3A_312 = arith.constant 0 : i32
      %dma_wait3A_313 = tpu.memref_slice %arg19[%dma_wait3A_306, %dma_wait3A_312] : memref<2x80xi32, #tpu.memory_space<vmem>> -> memref<1x80xi32, #tpu.memory_space<vmem>>
      %dma_wait3A_314 = tpu.memref_squeeze %dma_wait3A_313 : memref<1x80xi32, #tpu.memory_space<vmem>> -> memref<80xi32, #tpu.memory_space<vmem>>
      %dma_wait3A_315 = arith.constant 0 : i32
      %dma_wait3A_316 = arith.constant 0 : i32
      %dma_wait3A_317 = tpu.memref_slice %arg10[%dma_wait3A_315, %dma_wait3A_316] : memref<100000x128xf32, #tpu.memory_space<hbm>> -> memref<100000x128xf32, #tpu.memory_space<hbm>>
      tpu.wait_indirect_dma semaphore(%arg27 : memref<!tpu.dma_semaphore, #tpu.memory_space<semaphore_mem>>) src(%dma_wait3A_317 : memref<100000x128xf32, #tpu.memory_space<hbm>>) dst(%dma_wait3A_311 : memref<80x128xf32, #tpu.memory_space<vmem>>)
      %add3A_318 = arith.constant 1 : i32
      %add3A_319 = arith.addi %add3A_288, %add3A_318 : i32
      %lt3A_320 = arith.constant 80 : i32
      %lt3A_321 = arith.cmpi slt, %add3A_319, %lt3A_320 : i32
      %convert_element_type3A_322 = arith.extui %lt3A_321 : i1 to i32
      %cond3A_323 = arith.constant 0 : i32
      %cond3A_324 = arith.cmpi ne, %convert_element_type3A_322, %cond3A_323 : i32
      scf.if %cond3A_324 {
        %dma_wait3A_360 = arith.constant 0 : i32
        %dma_wait3A_361 = arith.constant 0 : i32
        %dma_wait3A_362 = tpu.memref_slice %arg15[%dma_wait3A_360, %dma_wait3A_361] : memref<2x80xi32, #tpu.memory_space<vmem>> -> memref<1x80xi32, #tpu.memory_space<vmem>>
        %dma_wait3A_363 = tpu.memref_squeeze %dma_wait3A_362 : memref<1x80xi32, #tpu.memory_space<vmem>> -> memref<80xi32, #tpu.memory_space<vmem>>
        %dma_wait3A_364 = arith.constant 0 : i32
        %dma_wait3A_365 = tpu.memref_slice %arg2[%dma_wait3A_364] : memref<204800xi32, #tpu.memory_space<hbm>> -> memref<80xi32, #tpu.memory_space<hbm>>
        %dma_wait3A_366 = arith.constant 0 : i32
        %dma_wait3A_367 = tpu.memref_slice %arg15[%dma_wait3A_360, %dma_wait3A_366] : memref<2x80xi32, #tpu.memory_space<vmem>> -> memref<1x80xi32, #tpu.memory_space<vmem>>
        %dma_wait3A_368 = tpu.memref_squeeze %dma_wait3A_367 : memref<1x80xi32, #tpu.memory_space<vmem>> -> memref<80xi32, #tpu.memory_space<vmem>>
        %dma_wait3A_369 = arith.constant 0 : i32
        %dma_wait3A_370 = tpu.memref_slice %arg2[%dma_wait3A_369] : memref<204800xi32, #tpu.memory_space<hbm>> -> memref<80xi32, #tpu.memory_space<hbm>>
        tpu.wait_dma2 semaphore(%arg24 : memref<!tpu.dma_semaphore, #tpu.memory_space<semaphore_mem>>) src(%dma_wait3A_370 : memref<80xi32, #tpu.memory_space<hbm>>) dst(%dma_wait3A_368 : memref<80xi32, #tpu.memory_space<vmem>>)
        %dma_wait3A_371 = arith.constant 0 : i32
        %dma_wait3A_372 = arith.constant 0 : i32
        %dma_wait3A_373 = tpu.memref_slice %arg16[%dma_wait3A_371, %dma_wait3A_372] : memref<2x80xi32, #tpu.memory_space<vmem>> -> memref<1x80xi32, #tpu.memory_space<vmem>>
        %dma_wait3A_374 = tpu.memref_squeeze %dma_wait3A_373 : memref<1x80xi32, #tpu.memory_space<vmem>> -> memref<80xi32, #tpu.memory_space<vmem>>
        %dma_wait3A_375 = arith.constant 0 : i32
        %dma_wait3A_376 = tpu.memref_slice %arg3[%dma_wait3A_375] : memref<204800xi32, #tpu.memory_space<hbm>> -> memref<80xi32, #tpu.memory_space<hbm>>
        %dma_wait3A_377 = arith.constant 0 : i32
        %dma_wait3A_378 = tpu.memref_slice %arg16[%dma_wait3A_371, %dma_wait3A_377] : memref<2x80xi32, #tpu.memory_space<vmem>> -> memref<1x80xi32, #tpu.memory_space<vmem>>
        %dma_wait3A_379 = tpu.memref_squeeze %dma_wait3A_378 : memref<1x80xi32, #tpu.memory_space<vmem>> -> memref<80xi32, #tpu.memory_space<vmem>>
        %dma_wait3A_380 = arith.constant 0 : i32
        %dma_wait3A_381 = tpu.memref_slice %arg3[%dma_wait3A_380] : memref<204800xi32, #tpu.memory_space<hbm>> -> memref<80xi32, #tpu.memory_space<hbm>>
        tpu.wait_dma2 semaphore(%arg24 : memref<!tpu.dma_semaphore, #tpu.memory_space<semaphore_mem>>) src(%dma_wait3A_381 : memref<80xi32, #tpu.memory_space<hbm>>) dst(%dma_wait3A_379 : memref<80xi32, #tpu.memory_space<vmem>>)
        %dma_wait3A_382 = arith.constant 0 : i32
        %dma_wait3A_383 = arith.constant 0 : i32
        %dma_wait3A_384 = tpu.memref_slice %arg17[%dma_wait3A_382, %dma_wait3A_383] : memref<2x80xi32, #tpu.memory_space<vmem>> -> memref<1x80xi32, #tpu.memory_space<vmem>>
        %dma_wait3A_385 = tpu.memref_squeeze %dma_wait3A_384 : memref<1x80xi32, #tpu.memory_space<vmem>> -> memref<80xi32, #tpu.memory_space<vmem>>
        %dma_wait3A_386 = arith.constant 0 : i32
        %dma_wait3A_387 = tpu.memref_slice %arg4[%dma_wait3A_386] : memref<204800xi32, #tpu.memory_space<hbm>> -> memref<80xi32, #tpu.memory_space<hbm>>
        %dma_wait3A_388 = arith.constant 0 : i32
        %dma_wait3A_389 = tpu.memref_slice %arg17[%dma_wait3A_382, %dma_wait3A_388] : memref<2x80xi32, #tpu.memory_space<vmem>> -> memref<1x80xi32, #tpu.memory_space<vmem>>
        %dma_wait3A_390 = tpu.memref_squeeze %dma_wait3A_389 : memref<1x80xi32, #tpu.memory_space<vmem>> -> memref<80xi32, #tpu.memory_space<vmem>>
        %dma_wait3A_391 = arith.constant 0 : i32
        %dma_wait3A_392 = tpu.memref_slice %arg4[%dma_wait3A_391] : memref<204800xi32, #tpu.memory_space<hbm>> -> memref<80xi32, #tpu.memory_space<hbm>>
        tpu.wait_dma2 semaphore(%arg24 : memref<!tpu.dma_semaphore, #tpu.memory_space<semaphore_mem>>) src(%dma_wait3A_392 : memref<80xi32, #tpu.memory_space<hbm>>) dst(%dma_wait3A_390 : memref<80xi32, #tpu.memory_space<vmem>>)
        %dma_wait3A_393 = arith.constant 0 : i32
        %dma_wait3A_394 = arith.constant 0 : i32
        %dma_wait3A_395 = tpu.memref_slice %arg18[%dma_wait3A_393, %dma_wait3A_394] : memref<2x80xi32, #tpu.memory_space<vmem>> -> memref<1x80xi32, #tpu.memory_space<vmem>>
        %dma_wait3A_396 = tpu.memref_squeeze %dma_wait3A_395 : memref<1x80xi32, #tpu.memory_space<vmem>> -> memref<80xi32, #tpu.memory_space<vmem>>
        %dma_wait3A_397 = arith.constant 0 : i32
        %dma_wait3A_398 = tpu.memref_slice %arg5[%dma_wait3A_397] : memref<204800xi32, #tpu.memory_space<hbm>> -> memref<80xi32, #tpu.memory_space<hbm>>
        %dma_wait3A_399 = arith.constant 0 : i32
        %dma_wait3A_400 = tpu.memref_slice %arg18[%dma_wait3A_393, %dma_wait3A_399] : memref<2x80xi32, #tpu.memory_space<vmem>> -> memref<1x80xi32, #tpu.memory_space<vmem>>
        %dma_wait3A_401 = tpu.memref_squeeze %dma_wait3A_400 : memref<1x80xi32, #tpu.memory_space<vmem>> -> memref<80xi32, #tpu.memory_space<vmem>>
        %dma_wait3A_402 = arith.constant 0 : i32
        %dma_wait3A_403 = tpu.memref_slice %arg5[%dma_wait3A_402] : memref<204800xi32, #tpu.memory_space<hbm>> -> memref<80xi32, #tpu.memory_space<hbm>>
        tpu.wait_dma2 semaphore(%arg24 : memref<!tpu.dma_semaphore, #tpu.memory_space<semaphore_mem>>) src(%dma_wait3A_403 : memref<80xi32, #tpu.memory_space<hbm>>) dst(%dma_wait3A_401 : memref<80xi32, #tpu.memory_space<vmem>>)
        %dma_wait3A_404 = arith.constant 0 : i32
        %dma_wait3A_405 = arith.constant 0 : i32
        %dma_wait3A_406 = tpu.memref_slice %arg19[%dma_wait3A_404, %dma_wait3A_405] : memref<2x80xi32, #tpu.memory_space<vmem>> -> memref<1x80xi32, #tpu.memory_space<vmem>>
        %dma_wait3A_407 = tpu.memref_squeeze %dma_wait3A_406 : memref<1x80xi32, #tpu.memory_space<vmem>> -> memref<80xi32, #tpu.memory_space<vmem>>
        %dma_wait3A_408 = arith.constant 0 : i32
        %dma_wait3A_409 = tpu.memref_slice %arg6[%dma_wait3A_408] : memref<204800xi32, #tpu.memory_space<hbm>> -> memref<80xi32, #tpu.memory_space<hbm>>
        %dma_wait3A_410 = arith.constant 0 : i32
        %dma_wait3A_411 = tpu.memref_slice %arg19[%dma_wait3A_404, %dma_wait3A_410] : memref<2x80xi32, #tpu.memory_space<vmem>> -> memref<1x80xi32, #tpu.memory_space<vmem>>
        %dma_wait3A_412 = tpu.memref_squeeze %dma_wait3A_411 : memref<1x80xi32, #tpu.memory_space<vmem>> -> memref<80xi32, #tpu.memory_space<vmem>>
        %dma_wait3A_413 = arith.constant 0 : i32
        %dma_wait3A_414 = tpu.memref_slice %arg6[%dma_wait3A_413] : memref<204800xi32, #tpu.memory_space<hbm>> -> memref<80xi32, #tpu.memory_space<hbm>>
        tpu.wait_dma2 semaphore(%arg24 : memref<!tpu.dma_semaphore, #tpu.memory_space<semaphore_mem>>) src(%dma_wait3A_414 : memref<80xi32, #tpu.memory_space<hbm>>) dst(%dma_wait3A_412 : memref<80xi32, #tpu.memory_space<vmem>>)
        %dma_start3A_415 = arith.constant 0 : i32
        %dma_start3A_416 = arith.constant 0 : i32
        %dma_start3A_417 = arith.constant 0 : i32
        %dma_start3A_418 = arith.constant 0 : i32
        %dma_start3A_419 = tpu.memref_slice %arg20[%dma_start3A_416, %dma_start3A_417, %dma_start3A_418] : memref<2x80x128xf32, #tpu.memory_space<vmem>> -> memref<1x80x128xf32, #tpu.memory_space<vmem>>
        %dma_start3A_420 = tpu.memref_squeeze %dma_start3A_419 : memref<1x80x128xf32, #tpu.memory_space<vmem>> -> memref<80x128xf32, #tpu.memory_space<vmem>>
        %dma_start3A_421 = arith.constant 0 : i32
        %dma_start3A_422 = tpu.memref_slice %arg18[%dma_start3A_415, %dma_start3A_421] : memref<2x80xi32, #tpu.memory_space<vmem>> -> memref<1x80xi32, #tpu.memory_space<vmem>>
        %dma_start3A_423 = tpu.memref_squeeze %dma_start3A_422 : memref<1x80xi32, #tpu.memory_space<vmem>> -> memref<80xi32, #tpu.memory_space<vmem>>
        %dma_start3A_424 = arith.constant 0 : i32
        %dma_start3A_425 = arith.constant 0 : i32
        %dma_start3A_426 = tpu.memref_slice %arg10[%dma_start3A_424, %dma_start3A_425] : memref<100000x128xf32, #tpu.memory_space<hbm>> -> memref<100000x128xf32, #tpu.memory_space<hbm>>
        tpu.enqueue_indirect_dma source(%dma_start3A_426 : memref<100000x128xf32, #tpu.memory_space<hbm>>) target(%dma_start3A_420 : memref<80x128xf32, #tpu.memory_space<vmem>>) offsets(%dma_start3A_423 : memref<80xi32, #tpu.memory_space<vmem>>) semaphore(%arg26 : memref<!tpu.dma_semaphore, #tpu.memory_space<semaphore_mem>>)
        %dma_start3A_427 = arith.constant 0 : i32
        %dma_start3A_428 = arith.constant 0 : i32
        %dma_start3A_429 = arith.constant 0 : i32
        %dma_start3A_430 = arith.constant 0 : i32
        %dma_start3A_431 = tpu.memref_slice %arg21[%dma_start3A_428, %dma_start3A_429, %dma_start3A_430] : memref<2x80x128xf32, #tpu.memory_space<vmem>> -> memref<1x80x128xf32, #tpu.memory_space<vmem>>
        %dma_start3A_432 = tpu.memref_squeeze %dma_start3A_431 : memref<1x80x128xf32, #tpu.memory_space<vmem>> -> memref<80x128xf32, #tpu.memory_space<vmem>>
        %dma_start3A_433 = arith.constant 0 : i32
        %dma_start3A_434 = tpu.memref_slice %arg19[%dma_start3A_427, %dma_start3A_433] : memref<2x80xi32, #tpu.memory_space<vmem>> -> memref<1x80xi32, #tpu.memory_space<vmem>>
        %dma_start3A_435 = tpu.memref_squeeze %dma_start3A_434 : memref<1x80xi32, #tpu.memory_space<vmem>> -> memref<80xi32, #tpu.memory_space<vmem>>
        %dma_start3A_436 = arith.constant 0 : i32
        %dma_start3A_437 = arith.constant 0 : i32
        %dma_start3A_438 = tpu.memref_slice %arg10[%dma_start3A_436, %dma_start3A_437] : memref<100000x128xf32, #tpu.memory_space<hbm>> -> memref<100000x128xf32, #tpu.memory_space<hbm>>
        tpu.enqueue_indirect_dma source(%dma_start3A_438 : memref<100000x128xf32, #tpu.memory_space<hbm>>) target(%dma_start3A_432 : memref<80x128xf32, #tpu.memory_space<vmem>>) offsets(%dma_start3A_435 : memref<80xi32, #tpu.memory_space<vmem>>) semaphore(%arg26 : memref<!tpu.dma_semaphore, #tpu.memory_space<semaphore_mem>>)
      } else {
      }
      %ge3A_325 = arith.constant 1 : i32
      %ge3A_326 = arith.cmpi sge, %scan3A_213, %ge3A_325 : i32
      %convert_element_type3A_327 = arith.extui %ge3A_326 : i1 to i32
      %cond3A_328 = arith.constant 0 : i32
      %cond3A_329 = arith.cmpi ne, %convert_element_type3A_327, %cond3A_328 : i32
      scf.if %cond3A_329 {
        %dma_wait3A_360 = arith.constant 1 : i32
        %dma_wait3A_361 = arith.constant 0 : i32
        %dma_wait3A_362 = arith.constant 0 : i32
        %dma_wait3A_363 = tpu.memref_slice %arg23[%dma_wait3A_360, %dma_wait3A_361, %dma_wait3A_362] : memref<2x80x306xf32, #tpu.memory_space<vmem>> -> memref<1x80x306xf32, #tpu.memory_space<vmem>>
        %dma_wait3A_364 = tpu.memref_squeeze %dma_wait3A_363 : memref<1x80x306xf32, #tpu.memory_space<vmem>> -> memref<80x306xf32, #tpu.memory_space<vmem>>
        %dma_wait3A_365 = arith.constant 0 : i32
        %dma_wait3A_366 = arith.constant 0 : i32
        %dma_wait3A_367 = tpu.memref_slice %arg11[%dma_wait3A_365, %dma_wait3A_366] : memref<204800x306xf32, #tpu.memory_space<hbm>> -> memref<80x306xf32, #tpu.memory_space<hbm>>
        %dma_wait3A_368 = arith.constant 0 : i32
        %dma_wait3A_369 = arith.constant 0 : i32
        %dma_wait3A_370 = tpu.memref_slice %arg11[%dma_wait3A_368, %dma_wait3A_369] : memref<204800x306xf32, #tpu.memory_space<hbm>> -> memref<80x306xf32, #tpu.memory_space<hbm>>
        %dma_wait3A_371 = arith.constant 0 : i32
        %dma_wait3A_372 = arith.constant 0 : i32
        %dma_wait3A_373 = tpu.memref_slice %arg23[%dma_wait3A_360, %dma_wait3A_371, %dma_wait3A_372] : memref<2x80x306xf32, #tpu.memory_space<vmem>> -> memref<1x80x306xf32, #tpu.memory_space<vmem>>
        %dma_wait3A_374 = tpu.memref_squeeze %dma_wait3A_373 : memref<1x80x306xf32, #tpu.memory_space<vmem>> -> memref<80x306xf32, #tpu.memory_space<vmem>>
        tpu.wait_dma2 semaphore(%arg29 : memref<!tpu.dma_semaphore, #tpu.memory_space<semaphore_mem>>) src(%dma_wait3A_374 : memref<80x306xf32, #tpu.memory_space<vmem>>) dst(%dma_wait3A_370 : memref<80x306xf32, #tpu.memory_space<hbm>>)
      } else {
      }
      %parallel_loop3A_330 = arith.constant 0 : i32
      %parallel_loop3A_331 = arith.constant 80 : i32
      %parallel_loop3A_332 = arith.constant 1 : i32
      scf.for %parallel_loop3A_360 = %parallel_loop3A_330 to %parallel_loop3A_331 step %parallel_loop3A_332  : i32 {
        %parallel_loop3A_361 = arith.constant 50 : i32
        %parallel_loop3A_362 = arith.muli %parallel_loop3A_360, %parallel_loop3A_361 : i32
        %parallel_loop3A_363 = arith.constant 0 : i32
        %parallel_loop3A_364 = arith.addi %parallel_loop3A_362, %parallel_loop3A_363 : i32
        %parallel_loop3A_365 = arith.index_cast %parallel_loop3A_364 : i32 to index
        %parallel_loop3A_366 = tpu.vector_load %arg22[%parallel_loop3A_365] {strides = array<i32>} : memref<4016xf32, #tpu.memory_space<vmem>>, vector<16xf32>,
        %parallel_loop3A_367 = arith.constant 1 : i32
        %parallel_loop3A_368 = arith.index_cast %parallel_loop3A_367 : i32 to index
        %parallel_loop3A_369 = arith.index_cast %parallel_loop3A_360 : i32 to index
        %parallel_loop3A_370 = arith.constant 0 : index
        %parallel_loop3A_371 = tpu.vector_load %arg23[%parallel_loop3A_368, %parallel_loop3A_369, %parallel_loop3A_370] {strides = array<i32>} : memref<2x80x306xf32, #tpu.memory_space<vmem>>, vector<16xf32>,
        tpu.vector_store %arg23[%parallel_loop3A_368, %parallel_loop3A_369, %parallel_loop3A_370], %parallel_loop3A_366 {strides = array<i32>} : memref<2x80x306xf32, #tpu.memory_space<vmem>>, vector<16xf32>,
        %parallel_loop3A_372 = arith.constant 16 : i32
        %parallel_loop3A_373 = arith.addi %parallel_loop3A_362, %parallel_loop3A_372 : i32
        %parallel_loop3A_374 = arith.index_cast %parallel_loop3A_373 : i32 to index
        %parallel_loop3A_375 = tpu.vector_load %arg22[%parallel_loop3A_374] {strides = array<i32>} : memref<4016xf32, #tpu.memory_space<vmem>>, vector<16xf32>,
        %parallel_loop3A_376 = arith.constant 1 : i32
        %parallel_loop3A_377 = arith.index_cast %parallel_loop3A_376 : i32 to index
        %parallel_loop3A_378 = arith.index_cast %parallel_loop3A_360 : i32 to index
        %parallel_loop3A_379 = arith.constant 16 : index
        %parallel_loop3A_380 = tpu.vector_load %arg23[%parallel_loop3A_377, %parallel_loop3A_378, %parallel_loop3A_379] {strides = array<i32>} : memref<2x80x306xf32, #tpu.memory_space<vmem>>, vector<16xf32>,
        tpu.vector_store %arg23[%parallel_loop3A_377, %parallel_loop3A_378, %parallel_loop3A_379], %parallel_loop3A_375 {strides = array<i32>} : memref<2x80x306xf32, #tpu.memory_space<vmem>>, vector<16xf32>,
        %parallel_loop3A_381 = arith.constant 32 : i32
        %parallel_loop3A_382 = arith.addi %parallel_loop3A_362, %parallel_loop3A_381 : i32
        %parallel_loop3A_383 = arith.index_cast %parallel_loop3A_382 : i32 to index
        %parallel_loop3A_384 = tpu.vector_load %arg22[%parallel_loop3A_383] {strides = array<i32>} : memref<4016xf32, #tpu.memory_space<vmem>>, vector<16xf32>,
        %parallel_loop3A_385 = arith.constant 1 : i32
        %parallel_loop3A_386 = arith.index_cast %parallel_loop3A_385 : i32 to index
        %parallel_loop3A_387 = arith.index_cast %parallel_loop3A_360 : i32 to index
        %parallel_loop3A_388 = arith.constant 32 : index
        %parallel_loop3A_389 = tpu.vector_load %arg23[%parallel_loop3A_386, %parallel_loop3A_387, %parallel_loop3A_388] {strides = array<i32>} : memref<2x80x306xf32, #tpu.memory_space<vmem>>, vector<16xf32>,
        tpu.vector_store %arg23[%parallel_loop3A_386, %parallel_loop3A_387, %parallel_loop3A_388], %parallel_loop3A_384 {strides = array<i32>} : memref<2x80x306xf32, #tpu.memory_space<vmem>>, vector<16xf32>,
        %parallel_loop3A_390 = arith.constant 34 : i32
        %parallel_loop3A_391 = arith.addi %parallel_loop3A_362, %parallel_loop3A_390 : i32
        %parallel_loop3A_392 = arith.index_cast %parallel_loop3A_391 : i32 to index
        %parallel_loop3A_393 = tpu.vector_load %arg22[%parallel_loop3A_392] {strides = array<i32>} : memref<4016xf32, #tpu.memory_space<vmem>>, vector<16xf32>,
        %parallel_loop3A_394 = arith.constant 1 : i32
        %parallel_loop3A_395 = arith.index_cast %parallel_loop3A_394 : i32 to index
        %parallel_loop3A_396 = arith.index_cast %parallel_loop3A_360 : i32 to index
        %parallel_loop3A_397 = arith.constant 34 : index
        %parallel_loop3A_398 = tpu.vector_load %arg23[%parallel_loop3A_395, %parallel_loop3A_396, %parallel_loop3A_397] {strides = array<i32>} : memref<2x80x306xf32, #tpu.memory_space<vmem>>, vector<16xf32>,
        tpu.vector_store %arg23[%parallel_loop3A_395, %parallel_loop3A_396, %parallel_loop3A_397], %parallel_loop3A_393 {strides = array<i32>} : memref<2x80x306xf32, #tpu.memory_space<vmem>>, vector<16xf32>,
        %parallel_loop3A_399 = arith.constant 1 : i32
        %parallel_loop3A_400 = arith.index_cast %parallel_loop3A_399 : i32 to index
        %parallel_loop3A_401 = arith.index_cast %parallel_loop3A_360 : i32 to index
        %parallel_loop3A_402 = arith.constant 0 : index
        %parallel_loop3A_403 = tpu.vector_load %arg20[%parallel_loop3A_400, %parallel_loop3A_401, %parallel_loop3A_402] {strides = array<i32>} : memref<2x80x128xf32, #tpu.memory_space<vmem>>, vector<16xf32>,
        %parallel_loop3A_404 = arith.constant 1 : i32
        %parallel_loop3A_405 = arith.index_cast %parallel_loop3A_404 : i32 to index
        %parallel_loop3A_406 = arith.index_cast %parallel_loop3A_360 : i32 to index
        %parallel_loop3A_407 = arith.constant 50 : index
        %parallel_loop3A_408 = tpu.vector_load %arg23[%parallel_loop3A_405, %parallel_loop3A_406, %parallel_loop3A_407] {strides = array<i32>} : memref<2x80x306xf32, #tpu.memory_space<vmem>>, vector<16xf32>,
        tpu.vector_store %arg23[%parallel_loop3A_405, %parallel_loop3A_406, %parallel_loop3A_407], %parallel_loop3A_403 {strides = array<i32>} : memref<2x80x306xf32, #tpu.memory_space<vmem>>, vector<16xf32>,
        %parallel_loop3A_409 = arith.constant 1 : i32
        %parallel_loop3A_410 = arith.index_cast %parallel_loop3A_409 : i32 to index
        %parallel_loop3A_411 = arith.index_cast %parallel_loop3A_360 : i32 to index
        %parallel_loop3A_412 = arith.constant 16 : index
        %parallel_loop3A_413 = tpu.vector_load %arg20[%parallel_loop3A_410, %parallel_loop3A_411, %parallel_loop3A_412] {strides = array<i32>} : memref<2x80x128xf32, #tpu.memory_space<vmem>>, vector<16xf32>,
        %parallel_loop3A_414 = arith.constant 1 : i32
        %parallel_loop3A_415 = arith.index_cast %parallel_loop3A_414 : i32 to index
        %parallel_loop3A_416 = arith.index_cast %parallel_loop3A_360 : i32 to index
        %parallel_loop3A_417 = arith.constant 66 : index
        %parallel_loop3A_418 = tpu.vector_load %arg23[%parallel_loop3A_415, %parallel_loop3A_416, %parallel_loop3A_417] {strides = array<i32>} : memref<2x80x306xf32, #tpu.memory_space<vmem>>, vector<16xf32>,
        tpu.vector_store %arg23[%parallel_loop3A_415, %parallel_loop3A_416, %parallel_loop3A_417], %parallel_loop3A_413 {strides = array<i32>} : memref<2x80x306xf32, #tpu.memory_space<vmem>>, vector<16xf32>,
        %parallel_loop3A_419 = arith.constant 1 : i32
        %parallel_loop3A_420 = arith.index_cast %parallel_loop3A_419 : i32 to index
        %parallel_loop3A_421 = arith.index_cast %parallel_loop3A_360 : i32 to index
        %parallel_loop3A_422 = arith.constant 32 : index
        %parallel_loop3A_423 = tpu.vector_load %arg20[%parallel_loop3A_420, %parallel_loop3A_421, %parallel_loop3A_422] {strides = array<i32>} : memref<2x80x128xf32, #tpu.memory_space<vmem>>, vector<16xf32>,
        %parallel_loop3A_424 = arith.constant 1 : i32
        %parallel_loop3A_425 = arith.index_cast %parallel_loop3A_424 : i32 to index
        %parallel_loop3A_426 = arith.index_cast %parallel_loop3A_360 : i32 to index
        %parallel_loop3A_427 = arith.constant 82 : index
        %parallel_loop3A_428 = tpu.vector_load %arg23[%parallel_loop3A_425, %parallel_loop3A_426, %parallel_loop3A_427] {strides = array<i32>} : memref<2x80x306xf32, #tpu.memory_space<vmem>>, vector<16xf32>,
        tpu.vector_store %arg23[%parallel_loop3A_425, %parallel_loop3A_426, %parallel_loop3A_427], %parallel_loop3A_423 {strides = array<i32>} : memref<2x80x306xf32, #tpu.memory_space<vmem>>, vector<16xf32>,
        %parallel_loop3A_429 = arith.constant 1 : i32
        %parallel_loop3A_430 = arith.index_cast %parallel_loop3A_429 : i32 to index
        %parallel_loop3A_431 = arith.index_cast %parallel_loop3A_360 : i32 to index
        %parallel_loop3A_432 = arith.constant 48 : index
        %parallel_loop3A_433 = tpu.vector_load %arg20[%parallel_loop3A_430, %parallel_loop3A_431, %parallel_loop3A_432] {strides = array<i32>} : memref<2x80x128xf32, #tpu.memory_space<vmem>>, vector<16xf32>,
        %parallel_loop3A_434 = arith.constant 1 : i32
        %parallel_loop3A_435 = arith.index_cast %parallel_loop3A_434 : i32 to index
        %parallel_loop3A_436 = arith.index_cast %parallel_loop3A_360 : i32 to index
        %parallel_loop3A_437 = arith.constant 98 : index
        %parallel_loop3A_438 = tpu.vector_load %arg23[%parallel_loop3A_435, %parallel_loop3A_436, %parallel_loop3A_437] {strides = array<i32>} : memref<2x80x306xf32, #tpu.memory_space<vmem>>, vector<16xf32>,
        tpu.vector_store %arg23[%parallel_loop3A_435, %parallel_loop3A_436, %parallel_loop3A_437], %parallel_loop3A_433 {strides = array<i32>} : memref<2x80x306xf32, #tpu.memory_space<vmem>>, vector<16xf32>,
        %parallel_loop3A_439 = arith.constant 1 : i32
        %parallel_loop3A_440 = arith.index_cast %parallel_loop3A_439 : i32 to index
        %parallel_loop3A_441 = arith.index_cast %parallel_loop3A_360 : i32 to index
        %parallel_loop3A_442 = arith.constant 62 : index
        %parallel_loop3A_443 = tpu.vector_load %arg20[%parallel_loop3A_440, %parallel_loop3A_441, %parallel_loop3A_442] {strides = array<i32>} : memref<2x80x128xf32, #tpu.memory_space<vmem>>, vector<16xf32>,
        %parallel_loop3A_444 = arith.constant 1 : i32
        %parallel_loop3A_445 = arith.index_cast %parallel_loop3A_444 : i32 to index
        %parallel_loop3A_446 = arith.index_cast %parallel_loop3A_360 : i32 to index
        %parallel_loop3A_447 = arith.constant 112 : index
        %parallel_loop3A_448 = tpu.vector_load %arg23[%parallel_loop3A_445, %parallel_loop3A_446, %parallel_loop3A_447] {strides = array<i32>} : memref<2x80x306xf32, #tpu.memory_space<vmem>>, vector<16xf32>,
        tpu.vector_store %arg23[%parallel_loop3A_445, %parallel_loop3A_446, %parallel_loop3A_447], %parallel_loop3A_443 {strides = array<i32>} : memref<2x80x306xf32, #tpu.memory_space<vmem>>, vector<16xf32>,
        %parallel_loop3A_449 = arith.constant 1 : i32
        %parallel_loop3A_450 = arith.index_cast %parallel_loop3A_449 : i32 to index
        %parallel_loop3A_451 = arith.index_cast %parallel_loop3A_360 : i32 to index
        %parallel_loop3A_452 = arith.constant 78 : index
        %parallel_loop3A_453 = tpu.vector_load %arg20[%parallel_loop3A_450, %parallel_loop3A_451, %parallel_loop3A_452] {strides = array<i32>} : memref<2x80x128xf32, #tpu.memory_space<vmem>>, vector<16xf32>,
        %parallel_loop3A_454 = arith.constant 1 : i32
        %parallel_loop3A_455 = arith.index_cast %parallel_loop3A_454 : i32 to index
        %parallel_loop3A_456 = arith.index_cast %parallel_loop3A_360 : i32 to index
        %parallel_loop3A_457 = arith.constant 128 : index
        %parallel_loop3A_458 = tpu.vector_load %arg23[%parallel_loop3A_455, %parallel_loop3A_456, %parallel_loop3A_457] {strides = array<i32>} : memref<2x80x306xf32, #tpu.memory_space<vmem>>, vector<16xf32>,
        tpu.vector_store %arg23[%parallel_loop3A_455, %parallel_loop3A_456, %parallel_loop3A_457], %parallel_loop3A_453 {strides = array<i32>} : memref<2x80x306xf32, #tpu.memory_space<vmem>>, vector<16xf32>,
        %parallel_loop3A_459 = arith.constant 1 : i32
        %parallel_loop3A_460 = arith.index_cast %parallel_loop3A_459 : i32 to index
        %parallel_loop3A_461 = arith.index_cast %parallel_loop3A_360 : i32 to index
        %parallel_loop3A_462 = arith.constant 94 : index
        %parallel_loop3A_463 = tpu.vector_load %arg20[%parallel_loop3A_460, %parallel_loop3A_461, %parallel_loop3A_462] {strides = array<i32>} : memref<2x80x128xf32, #tpu.memory_space<vmem>>, vector<16xf32>,
        %parallel_loop3A_464 = arith.constant 1 : i32
        %parallel_loop3A_465 = arith.index_cast %parallel_loop3A_464 : i32 to index
        %parallel_loop3A_466 = arith.index_cast %parallel_loop3A_360 : i32 to index
        %parallel_loop3A_467 = arith.constant 144 : index
        %parallel_loop3A_468 = tpu.vector_load %arg23[%parallel_loop3A_465, %parallel_loop3A_466, %parallel_loop3A_467] {strides = array<i32>} : memref<2x80x306xf32, #tpu.memory_space<vmem>>, vector<16xf32>,
        tpu.vector_store %arg23[%parallel_loop3A_465, %parallel_loop3A_466, %parallel_loop3A_467], %parallel_loop3A_463 {strides = array<i32>} : memref<2x80x306xf32, #tpu.memory_space<vmem>>, vector<16xf32>,
        %parallel_loop3A_469 = arith.constant 1 : i32
        %parallel_loop3A_470 = arith.index_cast %parallel_loop3A_469 : i32 to index
        %parallel_loop3A_471 = arith.index_cast %parallel_loop3A_360 : i32 to index
        %parallel_loop3A_472 = arith.constant 110 : index
        %parallel_loop3A_473 = tpu.vector_load %arg20[%parallel_loop3A_470, %parallel_loop3A_471, %parallel_loop3A_472] {strides = array<i32>} : memref<2x80x128xf32, #tpu.memory_space<vmem>>, vector<16xf32>,
        %parallel_loop3A_474 = arith.constant 1 : i32
        %parallel_loop3A_475 = arith.index_cast %parallel_loop3A_474 : i32 to index
        %parallel_loop3A_476 = arith.index_cast %parallel_loop3A_360 : i32 to index
        %parallel_loop3A_477 = arith.constant 160 : index
        %parallel_loop3A_478 = tpu.vector_load %arg23[%parallel_loop3A_475, %parallel_loop3A_476, %parallel_loop3A_477] {strides = array<i32>} : memref<2x80x306xf32, #tpu.memory_space<vmem>>, vector<16xf32>,
        tpu.vector_store %arg23[%parallel_loop3A_475, %parallel_loop3A_476, %parallel_loop3A_477], %parallel_loop3A_473 {strides = array<i32>} : memref<2x80x306xf32, #tpu.memory_space<vmem>>, vector<16xf32>,
        %parallel_loop3A_479 = arith.constant 1 : i32
        %parallel_loop3A_480 = arith.index_cast %parallel_loop3A_479 : i32 to index
        %parallel_loop3A_481 = arith.index_cast %parallel_loop3A_360 : i32 to index
        %parallel_loop3A_482 = arith.constant 112 : index
        %parallel_loop3A_483 = tpu.vector_load %arg20[%parallel_loop3A_480, %parallel_loop3A_481, %parallel_loop3A_482] {strides = array<i32>} : memref<2x80x128xf32, #tpu.memory_space<vmem>>, vector<16xf32>,
        %parallel_loop3A_484 = arith.constant 1 : i32
        %parallel_loop3A_485 = arith.index_cast %parallel_loop3A_484 : i32 to index
        %parallel_loop3A_486 = arith.index_cast %parallel_loop3A_360 : i32 to index
        %parallel_loop3A_487 = arith.constant 162 : index
        %parallel_loop3A_488 = tpu.vector_load %arg23[%parallel_loop3A_485, %parallel_loop3A_486, %parallel_loop3A_487] {strides = array<i32>} : memref<2x80x306xf32, #tpu.memory_space<vmem>>, vector<16xf32>,
        tpu.vector_store %arg23[%parallel_loop3A_485, %parallel_loop3A_486, %parallel_loop3A_487], %parallel_loop3A_483 {strides = array<i32>} : memref<2x80x306xf32, #tpu.memory_space<vmem>>, vector<16xf32>,
        %parallel_loop3A_489 = arith.constant 1 : i32
        %parallel_loop3A_490 = arith.index_cast %parallel_loop3A_489 : i32 to index
        %parallel_loop3A_491 = arith.index_cast %parallel_loop3A_360 : i32 to index
        %parallel_loop3A_492 = arith.constant 0 : index
        %parallel_loop3A_493 = tpu.vector_load %arg21[%parallel_loop3A_490, %parallel_loop3A_491, %parallel_loop3A_492] {strides = array<i32>} : memref<2x80x128xf32, #tpu.memory_space<vmem>>, vector<16xf32>,
        %parallel_loop3A_494 = arith.constant 1 : i32
        %parallel_loop3A_495 = arith.index_cast %parallel_loop3A_494 : i32 to index
        %parallel_loop3A_496 = arith.index_cast %parallel_loop3A_360 : i32 to index
        %parallel_loop3A_497 = arith.constant 178 : index
        %parallel_loop3A_498 = tpu.vector_load %arg23[%parallel_loop3A_495, %parallel_loop3A_496, %parallel_loop3A_497] {strides = array<i32>} : memref<2x80x306xf32, #tpu.memory_space<vmem>>, vector<16xf32>,
        tpu.vector_store %arg23[%parallel_loop3A_495, %parallel_loop3A_496, %parallel_loop3A_497], %parallel_loop3A_493 {strides = array<i32>} : memref<2x80x306xf32, #tpu.memory_space<vmem>>, vector<16xf32>,
        %parallel_loop3A_499 = arith.constant 1 : i32
        %parallel_loop3A_500 = arith.index_cast %parallel_loop3A_499 : i32 to index
        %parallel_loop3A_501 = arith.index_cast %parallel_loop3A_360 : i32 to index
        %parallel_loop3A_502 = arith.constant 16 : index
        %parallel_loop3A_503 = tpu.vector_load %arg21[%parallel_loop3A_500, %parallel_loop3A_501, %parallel_loop3A_502] {strides = array<i32>} : memref<2x80x128xf32, #tpu.memory_space<vmem>>, vector<16xf32>,
        %parallel_loop3A_504 = arith.constant 1 : i32
        %parallel_loop3A_505 = arith.index_cast %parallel_loop3A_504 : i32 to index
        %parallel_loop3A_506 = arith.index_cast %parallel_loop3A_360 : i32 to index
        %parallel_loop3A_507 = arith.constant 194 : index
        %parallel_loop3A_508 = tpu.vector_load %arg23[%parallel_loop3A_505, %parallel_loop3A_506, %parallel_loop3A_507] {strides = array<i32>} : memref<2x80x306xf32, #tpu.memory_space<vmem>>, vector<16xf32>,
        tpu.vector_store %arg23[%parallel_loop3A_505, %parallel_loop3A_506, %parallel_loop3A_507], %parallel_loop3A_503 {strides = array<i32>} : memref<2x80x306xf32, #tpu.memory_space<vmem>>, vector<16xf32>,
        %parallel_loop3A_509 = arith.constant 1 : i32
        %parallel_loop3A_510 = arith.index_cast %parallel_loop3A_509 : i32 to index
        %parallel_loop3A_511 = arith.index_cast %parallel_loop3A_360 : i32 to index
        %parallel_loop3A_512 = arith.constant 32 : index
        %parallel_loop3A_513 = tpu.vector_load %arg21[%parallel_loop3A_510, %parallel_loop3A_511, %parallel_loop3A_512] {strides = array<i32>} : memref<2x80x128xf32, #tpu.memory_space<vmem>>, vector<16xf32>,
        %parallel_loop3A_514 = arith.constant 1 : i32
        %parallel_loop3A_515 = arith.index_cast %parallel_loop3A_514 : i32 to index
        %parallel_loop3A_516 = arith.index_cast %parallel_loop3A_360 : i32 to index
        %parallel_loop3A_517 = arith.constant 210 : index
        %parallel_loop3A_518 = tpu.vector_load %arg23[%parallel_loop3A_515, %parallel_loop3A_516, %parallel_loop3A_517] {strides = array<i32>} : memref<2x80x306xf32, #tpu.memory_space<vmem>>, vector<16xf32>,
        tpu.vector_store %arg23[%parallel_loop3A_515, %parallel_loop3A_516, %parallel_loop3A_517], %parallel_loop3A_513 {strides = array<i32>} : memref<2x80x306xf32, #tpu.memory_space<vmem>>, vector<16xf32>,
        %parallel_loop3A_519 = arith.constant 1 : i32
        %parallel_loop3A_520 = arith.index_cast %parallel_loop3A_519 : i32 to index
        %parallel_loop3A_521 = arith.index_cast %parallel_loop3A_360 : i32 to index
        %parallel_loop3A_522 = arith.constant 48 : index
        %parallel_loop3A_523 = tpu.vector_load %arg21[%parallel_loop3A_520, %parallel_loop3A_521, %parallel_loop3A_522] {strides = array<i32>} : memref<2x80x128xf32, #tpu.memory_space<vmem>>, vector<16xf32>,
        %parallel_loop3A_524 = arith.constant 1 : i32
        %parallel_loop3A_525 = arith.index_cast %parallel_loop3A_524 : i32 to index
        %parallel_loop3A_526 = arith.index_cast %parallel_loop3A_360 : i32 to index
        %parallel_loop3A_527 = arith.constant 226 : index
        %parallel_loop3A_528 = tpu.vector_load %arg23[%parallel_loop3A_525, %parallel_loop3A_526, %parallel_loop3A_527] {strides = array<i32>} : memref<2x80x306xf32, #tpu.memory_space<vmem>>, vector<16xf32>,
        tpu.vector_store %arg23[%parallel_loop3A_525, %parallel_loop3A_526, %parallel_loop3A_527], %parallel_loop3A_523 {strides = array<i32>} : memref<2x80x306xf32, #tpu.memory_space<vmem>>, vector<16xf32>,
        %parallel_loop3A_529 = arith.constant 1 : i32
        %parallel_loop3A_530 = arith.index_cast %parallel_loop3A_529 : i32 to index
        %parallel_loop3A_531 = arith.index_cast %parallel_loop3A_360 : i32 to index
        %parallel_loop3A_532 = arith.constant 62 : index
        %parallel_loop3A_533 = tpu.vector_load %arg21[%parallel_loop3A_530, %parallel_loop3A_531, %parallel_loop3A_532] {strides = array<i32>} : memref<2x80x128xf32, #tpu.memory_space<vmem>>, vector<16xf32>,
        %parallel_loop3A_534 = arith.constant 1 : i32
        %parallel_loop3A_535 = arith.index_cast %parallel_loop3A_534 : i32 to index
        %parallel_loop3A_536 = arith.index_cast %parallel_loop3A_360 : i32 to index
        %parallel_loop3A_537 = arith.constant 240 : index
        %parallel_loop3A_538 = tpu.vector_load %arg23[%parallel_loop3A_535, %parallel_loop3A_536, %parallel_loop3A_537] {strides = array<i32>} : memref<2x80x306xf32, #tpu.memory_space<vmem>>, vector<16xf32>,
        tpu.vector_store %arg23[%parallel_loop3A_535, %parallel_loop3A_536, %parallel_loop3A_537], %parallel_loop3A_533 {strides = array<i32>} : memref<2x80x306xf32, #tpu.memory_space<vmem>>, vector<16xf32>,
        %parallel_loop3A_539 = arith.constant 1 : i32
        %parallel_loop3A_540 = arith.index_cast %parallel_loop3A_539 : i32 to index
        %parallel_loop3A_541 = arith.index_cast %parallel_loop3A_360 : i32 to index
        %parallel_loop3A_542 = arith.constant 78 : index
        %parallel_loop3A_543 = tpu.vector_load %arg21[%parallel_loop3A_540, %parallel_loop3A_541, %parallel_loop3A_542] {strides = array<i32>} : memref<2x80x128xf32, #tpu.memory_space<vmem>>, vector<16xf32>,
        %parallel_loop3A_544 = arith.constant 1 : i32
        %parallel_loop3A_545 = arith.index_cast %parallel_loop3A_544 : i32 to index
        %parallel_loop3A_546 = arith.index_cast %parallel_loop3A_360 : i32 to index
        %parallel_loop3A_547 = arith.constant 256 : index
        %parallel_loop3A_548 = tpu.vector_load %arg23[%parallel_loop3A_545, %parallel_loop3A_546, %parallel_loop3A_547] {strides = array<i32>} : memref<2x80x306xf32, #tpu.memory_space<vmem>>, vector<16xf32>,
        tpu.vector_store %arg23[%parallel_loop3A_545, %parallel_loop3A_546, %parallel_loop3A_547], %parallel_loop3A_543 {strides = array<i32>} : memref<2x80x306xf32, #tpu.memory_space<vmem>>, vector<16xf32>,
        %parallel_loop3A_549 = arith.constant 1 : i32
        %parallel_loop3A_550 = arith.index_cast %parallel_loop3A_549 : i32 to index
        %parallel_loop3A_551 = arith.index_cast %parallel_loop3A_360 : i32 to index
        %parallel_loop3A_552 = arith.constant 94 : index
        %parallel_loop3A_553 = tpu.vector_load %arg21[%parallel_loop3A_550, %parallel_loop3A_551, %parallel_loop3A_552] {strides = array<i32>} : memref<2x80x128xf32, #tpu.memory_space<vmem>>, vector<16xf32>,
        %parallel_loop3A_554 = arith.constant 1 : i32
        %parallel_loop3A_555 = arith.index_cast %parallel_loop3A_554 : i32 to index
        %parallel_loop3A_556 = arith.index_cast %parallel_loop3A_360 : i32 to index
        %parallel_loop3A_557 = arith.constant 272 : index
        %parallel_loop3A_558 = tpu.vector_load %arg23[%parallel_loop3A_555, %parallel_loop3A_556, %parallel_loop3A_557] {strides = array<i32>} : memref<2x80x306xf32, #tpu.memory_space<vmem>>, vector<16xf32>,
        tpu.vector_store %arg23[%parallel_loop3A_555, %parallel_loop3A_556, %parallel_loop3A_557], %parallel_loop3A_553 {strides = array<i32>} : memref<2x80x306xf32, #tpu.memory_space<vmem>>, vector<16xf32>,
        %parallel_loop3A_559 = arith.constant 1 : i32
        %parallel_loop3A_560 = arith.index_cast %parallel_loop3A_559 : i32 to index
        %parallel_loop3A_561 = arith.index_cast %parallel_loop3A_360 : i32 to index
        %parallel_loop3A_562 = arith.constant 110 : index
        %parallel_loop3A_563 = tpu.vector_load %arg21[%parallel_loop3A_560, %parallel_loop3A_561, %parallel_loop3A_562] {strides = array<i32>} : memref<2x80x128xf32, #tpu.memory_space<vmem>>, vector<16xf32>,
        %parallel_loop3A_564 = arith.constant 1 : i32
        %parallel_loop3A_565 = arith.index_cast %parallel_loop3A_564 : i32 to index
        %parallel_loop3A_566 = arith.index_cast %parallel_loop3A_360 : i32 to index
        %parallel_loop3A_567 = arith.constant 288 : index
        %parallel_loop3A_568 = tpu.vector_load %arg23[%parallel_loop3A_565, %parallel_loop3A_566, %parallel_loop3A_567] {strides = array<i32>} : memref<2x80x306xf32, #tpu.memory_space<vmem>>, vector<16xf32>,
        tpu.vector_store %arg23[%parallel_loop3A_565, %parallel_loop3A_566, %parallel_loop3A_567], %parallel_loop3A_563 {strides = array<i32>} : memref<2x80x306xf32, #tpu.memory_space<vmem>>, vector<16xf32>,
        %parallel_loop3A_569 = arith.constant 1 : i32
        %parallel_loop3A_570 = arith.index_cast %parallel_loop3A_569 : i32 to index
        %parallel_loop3A_571 = arith.index_cast %parallel_loop3A_360 : i32 to index
        %parallel_loop3A_572 = arith.constant 112 : index
        %parallel_loop3A_573 = tpu.vector_load %arg21[%parallel_loop3A_570, %parallel_loop3A_571, %parallel_loop3A_572] {strides = array<i32>} : memref<2x80x128xf32, #tpu.memory_space<vmem>>, vector<16xf32>,
        %parallel_loop3A_574 = arith.constant 1 : i32
        %parallel_loop3A_575 = arith.index_cast %parallel_loop3A_574 : i32 to index
        %parallel_loop3A_576 = arith.index_cast %parallel_loop3A_360 : i32 to index
        %parallel_loop3A_577 = arith.constant 290 : index
        %parallel_loop3A_578 = tpu.vector_load %arg23[%parallel_loop3A_575, %parallel_loop3A_576, %parallel_loop3A_577] {strides = array<i32>} : memref<2x80x306xf32, #tpu.memory_space<vmem>>, vector<16xf32>,
        tpu.vector_store %arg23[%parallel_loop3A_575, %parallel_loop3A_576, %parallel_loop3A_577], %parallel_loop3A_573 {strides = array<i32>} : memref<2x80x306xf32, #tpu.memory_space<vmem>>, vector<16xf32>,
      } {sc.loop_unroll_factor = 2 : i64, sc.parallel_access}
      %dma_start3A_333 = arith.constant 1 : i32
      %dma_start3A_334 = arith.constant 0 : i32
      %dma_start3A_335 = arith.constant 0 : i32
      %dma_start3A_336 = tpu.memref_slice %arg23[%dma_start3A_333, %dma_start3A_334, %dma_start3A_335] : memref<2x80x306xf32, #tpu.memory_space<vmem>> -> memref<1x80x306xf32, #tpu.memory_space<vmem>>
      %dma_start3A_337 = tpu.memref_squeeze %dma_start3A_336 : memref<1x80x306xf32, #tpu.memory_space<vmem>> -> memref<80x306xf32, #tpu.memory_space<vmem>>
      %dma_start3A_338 = arith.constant 0 : i32
      %dma_start3A_339 = tpu.memref_slice %arg11[%add3A_293, %dma_start3A_338] : memref<204800x306xf32, #tpu.memory_space<hbm>> -> memref<80x306xf32, #tpu.memory_space<hbm>>
      %dma_start3A_340 = arith.constant 0 : i32
      %dma_start3A_341 = tpu.memref_slice %arg11[%add3A_293, %dma_start3A_340] : memref<204800x306xf32, #tpu.memory_space<hbm>> -> memref<80x306xf32, #tpu.memory_space<hbm>>
      %dma_start3A_342 = arith.constant 0 : i32
      %dma_start3A_343 = arith.constant 0 : i32
      %dma_start3A_344 = tpu.memref_slice %arg23[%dma_start3A_333, %dma_start3A_342, %dma_start3A_343] : memref<2x80x306xf32, #tpu.memory_space<vmem>> -> memref<1x80x306xf32, #tpu.memory_space<vmem>>
      %dma_start3A_345 = tpu.memref_squeeze %dma_start3A_344 : memref<1x80x306xf32, #tpu.memory_space<vmem>> -> memref<80x306xf32, #tpu.memory_space<vmem>>
      tpu.enqueue_dma source(%dma_start3A_345 : memref<80x306xf32, #tpu.memory_space<vmem>>) target(%dma_start3A_341 : memref<80x306xf32, #tpu.memory_space<hbm>>) target_semaphore(%arg29 : memref<!tpu.dma_semaphore, #tpu.memory_space<semaphore_mem>>)
      %add3A_346 = arith.constant 1 : i32
      %add3A_347 = arith.addi %add3A_288, %add3A_346 : i32
      %lt3A_348 = arith.constant 80 : i32
      %lt3A_349 = arith.cmpi slt, %add3A_347, %lt3A_348 : i32
      %convert_element_type3A_350 = arith.extui %lt3A_349 : i1 to i32
      %cond3A_351 = arith.constant 0 : i32
      %cond3A_352 = arith.cmpi ne, %convert_element_type3A_350, %cond3A_351 : i32
      scf.if %cond3A_352 {
        %parallel_loop3A_360 = arith.constant 0 : i32
        %parallel_loop3A_361 = arith.constant 5 : i32
        %parallel_loop3A_362 = arith.constant 1 : i32
        scf.for %parallel_loop3A_363 = %parallel_loop3A_360 to %parallel_loop3A_361 step %parallel_loop3A_362  : i32 {
          %parallel_loop3A_364 = arith.constant 16 : i32
          %parallel_loop3A_365 = arith.muli %parallel_loop3A_363, %parallel_loop3A_364 : i32
          %parallel_loop3A_366 = vector.broadcast %parallel_loop3A_365 : i32 to vector<16xi32>
          %parallel_loop3A_367 = arith.addi %parallel_loop3A_366, %iota3A : vector<16xi32>
          %parallel_loop3A_368 = arith.constant 50 : i32
          %parallel_loop3A_369 = vector.broadcast %parallel_loop3A_368 : i32 to vector<16xi32>
          %parallel_loop3A_370 = arith.muli %parallel_loop3A_367, %parallel_loop3A_369 : vector<16xi32>
          %parallel_loop3A_371 = arith.constant 16 : i32
          %parallel_loop3A_372 = arith.muli %parallel_loop3A_363, %parallel_loop3A_371 : i32
          %parallel_loop3A_373 = arith.constant 0 : i32
          %parallel_loop3A_374 = arith.index_cast %parallel_loop3A_373 : i32 to index
          %parallel_loop3A_375 = arith.index_cast %parallel_loop3A_372 : i32 to index
          %parallel_loop3A_376 = tpu.vector_load %arg15[%parallel_loop3A_374, %parallel_loop3A_375] {strides = array<i32>} : memref<2x80xi32, #tpu.memory_space<vmem>>, vector<16xi32>,
          %parallel_loop3A_377 = arith.constant 5 : i32
          %parallel_loop3A_378 = vector.broadcast %parallel_loop3A_377 : i32 to vector<16xi32>
          %parallel_loop3A_379 = arith.muli %parallel_loop3A_376, %parallel_loop3A_378 : vector<16xi32>
          %parallel_loop3A_380 = arith.constant 16 : i32
          %parallel_loop3A_381 = arith.muli %parallel_loop3A_363, %parallel_loop3A_380 : i32
          %parallel_loop3A_382 = arith.constant 0 : i32
          %parallel_loop3A_383 = arith.index_cast %parallel_loop3A_382 : i32 to index
          %parallel_loop3A_384 = arith.index_cast %parallel_loop3A_381 : i32 to index
          %parallel_loop3A_385 = tpu.vector_load %arg16[%parallel_loop3A_383, %parallel_loop3A_384] {strides = array<i32>} : memref<2x80xi32, #tpu.memory_space<vmem>>, vector<16xi32>,
          %parallel_loop3A_386 = arith.constant 5 : i32
          %parallel_loop3A_387 = vector.broadcast %parallel_loop3A_386 : i32 to vector<16xi32>
          %parallel_loop3A_388 = arith.muli %parallel_loop3A_385, %parallel_loop3A_387 : vector<16xi32>
          %parallel_loop3A_389 = arith.constant 16 : i32
          %parallel_loop3A_390 = arith.muli %parallel_loop3A_363, %parallel_loop3A_389 : i32
          %parallel_loop3A_391 = arith.constant 0 : i32
          %parallel_loop3A_392 = arith.index_cast %parallel_loop3A_391 : i32 to index
          %parallel_loop3A_393 = arith.index_cast %parallel_loop3A_390 : i32 to index
          %parallel_loop3A_394 = tpu.vector_load %arg17[%parallel_loop3A_392, %parallel_loop3A_393] {strides = array<i32>} : memref<2x80xi32, #tpu.memory_space<vmem>>, vector<16xi32>,
          %parallel_loop3A_395 = arith.constant 40 : i32
          %parallel_loop3A_396 = vector.broadcast %parallel_loop3A_395 : i32 to vector<16xi32>
          %parallel_loop3A_397 = arith.muli %parallel_loop3A_394, %parallel_loop3A_396 : vector<16xi32>
          %parallel_loop3A_398 = arith.constant 0 : i32
          %parallel_loop3A_399 = vector.broadcast %parallel_loop3A_398 : i32 to vector<16xi32>
          %parallel_loop3A_400 = arith.addi %parallel_loop3A_379, %parallel_loop3A_399 : vector<16xi32>
          %parallel_loop3A_401 = tpu.vector_load_idx %arg12[%parallel_loop3A_400] : memref<2000xf32, #tpu.memory_space<vmem>>[vector<16xi32>], vector<16xf32>,
          %parallel_loop3A_402 = arith.constant 0 : i32
          %parallel_loop3A_403 = vector.broadcast %parallel_loop3A_402 : i32 to vector<16xi32>
          %parallel_loop3A_404 = arith.addi %parallel_loop3A_370, %parallel_loop3A_403 : vector<16xi32>
          tpu.vector_store_idx %arg22[%parallel_loop3A_404], %parallel_loop3A_401 : memref<4016xf32, #tpu.memory_space<vmem>>[vector<16xi32>], vector<16xf32>,
          %parallel_loop3A_405 = arith.constant 1 : i32
          %parallel_loop3A_406 = vector.broadcast %parallel_loop3A_405 : i32 to vector<16xi32>
          %parallel_loop3A_407 = arith.addi %parallel_loop3A_379, %parallel_loop3A_406 : vector<16xi32>
          %parallel_loop3A_408 = tpu.vector_load_idx %arg12[%parallel_loop3A_407] : memref<2000xf32, #tpu.memory_space<vmem>>[vector<16xi32>], vector<16xf32>,
          %parallel_loop3A_409 = arith.constant 1 : i32
          %parallel_loop3A_410 = vector.broadcast %parallel_loop3A_409 : i32 to vector<16xi32>
          %parallel_loop3A_411 = arith.addi %parallel_loop3A_370, %parallel_loop3A_410 : vector<16xi32>
          tpu.vector_store_idx %arg22[%parallel_loop3A_411], %parallel_loop3A_408 : memref<4016xf32, #tpu.memory_space<vmem>>[vector<16xi32>], vector<16xf32>,
          %parallel_loop3A_412 = arith.constant 2 : i32
          %parallel_loop3A_413 = vector.broadcast %parallel_loop3A_412 : i32 to vector<16xi32>
          %parallel_loop3A_414 = arith.addi %parallel_loop3A_379, %parallel_loop3A_413 : vector<16xi32>
          %parallel_loop3A_415 = tpu.vector_load_idx %arg12[%parallel_loop3A_414] : memref<2000xf32, #tpu.memory_space<vmem>>[vector<16xi32>], vector<16xf32>,
          %parallel_loop3A_416 = arith.constant 2 : i32
          %parallel_loop3A_417 = vector.broadcast %parallel_loop3A_416 : i32 to vector<16xi32>
          %parallel_loop3A_418 = arith.addi %parallel_loop3A_370, %parallel_loop3A_417 : vector<16xi32>
          tpu.vector_store_idx %arg22[%parallel_loop3A_418], %parallel_loop3A_415 : memref<4016xf32, #tpu.memory_space<vmem>>[vector<16xi32>], vector<16xf32>,
          %parallel_loop3A_419 = arith.constant 3 : i32
          %parallel_loop3A_420 = vector.broadcast %parallel_loop3A_419 : i32 to vector<16xi32>
          %parallel_loop3A_421 = arith.addi %parallel_loop3A_379, %parallel_loop3A_420 : vector<16xi32>
          %parallel_loop3A_422 = tpu.vector_load_idx %arg12[%parallel_loop3A_421] : memref<2000xf32, #tpu.memory_space<vmem>>[vector<16xi32>], vector<16xf32>,
          %parallel_loop3A_423 = arith.constant 3 : i32
          %parallel_loop3A_424 = vector.broadcast %parallel_loop3A_423 : i32 to vector<16xi32>
          %parallel_loop3A_425 = arith.addi %parallel_loop3A_370, %parallel_loop3A_424 : vector<16xi32>
          tpu.vector_store_idx %arg22[%parallel_loop3A_425], %parallel_loop3A_422 : memref<4016xf32, #tpu.memory_space<vmem>>[vector<16xi32>], vector<16xf32>,
          %parallel_loop3A_426 = arith.constant 4 : i32
          %parallel_loop3A_427 = vector.broadcast %parallel_loop3A_426 : i32 to vector<16xi32>
          %parallel_loop3A_428 = arith.addi %parallel_loop3A_379, %parallel_loop3A_427 : vector<16xi32>
          %parallel_loop3A_429 = tpu.vector_load_idx %arg12[%parallel_loop3A_428] : memref<2000xf32, #tpu.memory_space<vmem>>[vector<16xi32>], vector<16xf32>,
          %parallel_loop3A_430 = arith.constant 4 : i32
          %parallel_loop3A_431 = vector.broadcast %parallel_loop3A_430 : i32 to vector<16xi32>
          %parallel_loop3A_432 = arith.addi %parallel_loop3A_370, %parallel_loop3A_431 : vector<16xi32>
          tpu.vector_store_idx %arg22[%parallel_loop3A_432], %parallel_loop3A_429 : memref<4016xf32, #tpu.memory_space<vmem>>[vector<16xi32>], vector<16xf32>,
          %parallel_loop3A_433 = arith.constant 0 : i32
          %parallel_loop3A_434 = vector.broadcast %parallel_loop3A_433 : i32 to vector<16xi32>
          %parallel_loop3A_435 = arith.addi %parallel_loop3A_388, %parallel_loop3A_434 : vector<16xi32>
          %parallel_loop3A_436 = tpu.vector_load_idx %arg13[%parallel_loop3A_435] : memref<2000xf32, #tpu.memory_space<vmem>>[vector<16xi32>], vector<16xf32>,
          %parallel_loop3A_437 = arith.constant 5 : i32
          %parallel_loop3A_438 = vector.broadcast %parallel_loop3A_437 : i32 to vector<16xi32>
          %parallel_loop3A_439 = arith.addi %parallel_loop3A_370, %parallel_loop3A_438 : vector<16xi32>
          tpu.vector_store_idx %arg22[%parallel_loop3A_439], %parallel_loop3A_436 : memref<4016xf32, #tpu.memory_space<vmem>>[vector<16xi32>], vector<16xf32>,
          %parallel_loop3A_440 = arith.constant 1 : i32
          %parallel_loop3A_441 = vector.broadcast %parallel_loop3A_440 : i32 to vector<16xi32>
          %parallel_loop3A_442 = arith.addi %parallel_loop3A_388, %parallel_loop3A_441 : vector<16xi32>
          %parallel_loop3A_443 = tpu.vector_load_idx %arg13[%parallel_loop3A_442] : memref<2000xf32, #tpu.memory_space<vmem>>[vector<16xi32>], vector<16xf32>,
          %parallel_loop3A_444 = arith.constant 6 : i32
          %parallel_loop3A_445 = vector.broadcast %parallel_loop3A_444 : i32 to vector<16xi32>
          %parallel_loop3A_446 = arith.addi %parallel_loop3A_370, %parallel_loop3A_445 : vector<16xi32>
          tpu.vector_store_idx %arg22[%parallel_loop3A_446], %parallel_loop3A_443 : memref<4016xf32, #tpu.memory_space<vmem>>[vector<16xi32>], vector<16xf32>,
          %parallel_loop3A_447 = arith.constant 2 : i32
          %parallel_loop3A_448 = vector.broadcast %parallel_loop3A_447 : i32 to vector<16xi32>
          %parallel_loop3A_449 = arith.addi %parallel_loop3A_388, %parallel_loop3A_448 : vector<16xi32>
          %parallel_loop3A_450 = tpu.vector_load_idx %arg13[%parallel_loop3A_449] : memref<2000xf32, #tpu.memory_space<vmem>>[vector<16xi32>], vector<16xf32>,
          %parallel_loop3A_451 = arith.constant 7 : i32
          %parallel_loop3A_452 = vector.broadcast %parallel_loop3A_451 : i32 to vector<16xi32>
          %parallel_loop3A_453 = arith.addi %parallel_loop3A_370, %parallel_loop3A_452 : vector<16xi32>
          tpu.vector_store_idx %arg22[%parallel_loop3A_453], %parallel_loop3A_450 : memref<4016xf32, #tpu.memory_space<vmem>>[vector<16xi32>], vector<16xf32>,
          %parallel_loop3A_454 = arith.constant 3 : i32
          %parallel_loop3A_455 = vector.broadcast %parallel_loop3A_454 : i32 to vector<16xi32>
          %parallel_loop3A_456 = arith.addi %parallel_loop3A_388, %parallel_loop3A_455 : vector<16xi32>
          %parallel_loop3A_457 = tpu.vector_load_idx %arg13[%parallel_loop3A_456] : memref<2000xf32, #tpu.memory_space<vmem>>[vector<16xi32>], vector<16xf32>,
          %parallel_loop3A_458 = arith.constant 8 : i32
          %parallel_loop3A_459 = vector.broadcast %parallel_loop3A_458 : i32 to vector<16xi32>
          %parallel_loop3A_460 = arith.addi %parallel_loop3A_370, %parallel_loop3A_459 : vector<16xi32>
          tpu.vector_store_idx %arg22[%parallel_loop3A_460], %parallel_loop3A_457 : memref<4016xf32, #tpu.memory_space<vmem>>[vector<16xi32>], vector<16xf32>,
          %parallel_loop3A_461 = arith.constant 4 : i32
          %parallel_loop3A_462 = vector.broadcast %parallel_loop3A_461 : i32 to vector<16xi32>
          %parallel_loop3A_463 = arith.addi %parallel_loop3A_388, %parallel_loop3A_462 : vector<16xi32>
          %parallel_loop3A_464 = tpu.vector_load_idx %arg13[%parallel_loop3A_463] : memref<2000xf32, #tpu.memory_space<vmem>>[vector<16xi32>], vector<16xf32>,
          %parallel_loop3A_465 = arith.constant 9 : i32
          %parallel_loop3A_466 = vector.broadcast %parallel_loop3A_465 : i32 to vector<16xi32>
          %parallel_loop3A_467 = arith.addi %parallel_loop3A_370, %parallel_loop3A_466 : vector<16xi32>
          tpu.vector_store_idx %arg22[%parallel_loop3A_467], %parallel_loop3A_464 : memref<4016xf32, #tpu.memory_space<vmem>>[vector<16xi32>], vector<16xf32>,
          %parallel_loop3A_468 = arith.constant 0 : i32
          %parallel_loop3A_469 = vector.broadcast %parallel_loop3A_468 : i32 to vector<16xi32>
          %parallel_loop3A_470 = arith.addi %parallel_loop3A_397, %parallel_loop3A_469 : vector<16xi32>
          %parallel_loop3A_471 = tpu.vector_load_idx %arg14[%parallel_loop3A_470] : memref<16000xf32, #tpu.memory_space<vmem>>[vector<16xi32>], vector<16xf32>,
          %parallel_loop3A_472 = arith.constant 10 : i32
          %parallel_loop3A_473 = vector.broadcast %parallel_loop3A_472 : i32 to vector<16xi32>
          %parallel_loop3A_474 = arith.addi %parallel_loop3A_370, %parallel_loop3A_473 : vector<16xi32>
          tpu.vector_store_idx %arg22[%parallel_loop3A_474], %parallel_loop3A_471 : memref<4016xf32, #tpu.memory_space<vmem>>[vector<16xi32>], vector<16xf32>,
          %parallel_loop3A_475 = arith.constant 1 : i32
          %parallel_loop3A_476 = vector.broadcast %parallel_loop3A_475 : i32 to vector<16xi32>
          %parallel_loop3A_477 = arith.addi %parallel_loop3A_397, %parallel_loop3A_476 : vector<16xi32>
          %parallel_loop3A_478 = tpu.vector_load_idx %arg14[%parallel_loop3A_477] : memref<16000xf32, #tpu.memory_space<vmem>>[vector<16xi32>], vector<16xf32>,
          %parallel_loop3A_479 = arith.constant 11 : i32
          %parallel_loop3A_480 = vector.broadcast %parallel_loop3A_479 : i32 to vector<16xi32>
          %parallel_loop3A_481 = arith.addi %parallel_loop3A_370, %parallel_loop3A_480 : vector<16xi32>
          tpu.vector_store_idx %arg22[%parallel_loop3A_481], %parallel_loop3A_478 : memref<4016xf32, #tpu.memory_space<vmem>>[vector<16xi32>], vector<16xf32>,
          %parallel_loop3A_482 = arith.constant 2 : i32
          %parallel_loop3A_483 = vector.broadcast %parallel_loop3A_482 : i32 to vector<16xi32>
          %parallel_loop3A_484 = arith.addi %parallel_loop3A_397, %parallel_loop3A_483 : vector<16xi32>
          %parallel_loop3A_485 = tpu.vector_load_idx %arg14[%parallel_loop3A_484] : memref<16000xf32, #tpu.memory_space<vmem>>[vector<16xi32>], vector<16xf32>,
          %parallel_loop3A_486 = arith.constant 12 : i32
          %parallel_loop3A_487 = vector.broadcast %parallel_loop3A_486 : i32 to vector<16xi32>
          %parallel_loop3A_488 = arith.addi %parallel_loop3A_370, %parallel_loop3A_487 : vector<16xi32>
          tpu.vector_store_idx %arg22[%parallel_loop3A_488], %parallel_loop3A_485 : memref<4016xf32, #tpu.memory_space<vmem>>[vector<16xi32>], vector<16xf32>,
          %parallel_loop3A_489 = arith.constant 3 : i32
          %parallel_loop3A_490 = vector.broadcast %parallel_loop3A_489 : i32 to vector<16xi32>
          %parallel_loop3A_491 = arith.addi %parallel_loop3A_397, %parallel_loop3A_490 : vector<16xi32>
          %parallel_loop3A_492 = tpu.vector_load_idx %arg14[%parallel_loop3A_491] : memref<16000xf32, #tpu.memory_space<vmem>>[vector<16xi32>], vector<16xf32>,
          %parallel_loop3A_493 = arith.constant 13 : i32
          %parallel_loop3A_494 = vector.broadcast %parallel_loop3A_493 : i32 to vector<16xi32>
          %parallel_loop3A_495 = arith.addi %parallel_loop3A_370, %parallel_loop3A_494 : vector<16xi32>
          tpu.vector_store_idx %arg22[%parallel_loop3A_495], %parallel_loop3A_492 : memref<4016xf32, #tpu.memory_space<vmem>>[vector<16xi32>], vector<16xf32>,
          %parallel_loop3A_496 = arith.constant 4 : i32
          %parallel_loop3A_497 = vector.broadcast %parallel_loop3A_496 : i32 to vector<16xi32>
          %parallel_loop3A_498 = arith.addi %parallel_loop3A_397, %parallel_loop3A_497 : vector<16xi32>
          %parallel_loop3A_499 = tpu.vector_load_idx %arg14[%parallel_loop3A_498] : memref<16000xf32, #tpu.memory_space<vmem>>[vector<16xi32>], vector<16xf32>,
          %parallel_loop3A_500 = arith.constant 14 : i32
          %parallel_loop3A_501 = vector.broadcast %parallel_loop3A_500 : i32 to vector<16xi32>
          %parallel_loop3A_502 = arith.addi %parallel_loop3A_370, %parallel_loop3A_501 : vector<16xi32>
          tpu.vector_store_idx %arg22[%parallel_loop3A_502], %parallel_loop3A_499 : memref<4016xf32, #tpu.memory_space<vmem>>[vector<16xi32>], vector<16xf32>,
          %parallel_loop3A_503 = arith.constant 5 : i32
          %parallel_loop3A_504 = vector.broadcast %parallel_loop3A_503 : i32 to vector<16xi32>
          %parallel_loop3A_505 = arith.addi %parallel_loop3A_397, %parallel_loop3A_504 : vector<16xi32>
          %parallel_loop3A_506 = tpu.vector_load_idx %arg14[%parallel_loop3A_505] : memref<16000xf32, #tpu.memory_space<vmem>>[vector<16xi32>], vector<16xf32>,
          %parallel_loop3A_507 = arith.constant 15 : i32
          %parallel_loop3A_508 = vector.broadcast %parallel_loop3A_507 : i32 to vector<16xi32>
          %parallel_loop3A_509 = arith.addi %parallel_loop3A_370, %parallel_loop3A_508 : vector<16xi32>
          tpu.vector_store_idx %arg22[%parallel_loop3A_509], %parallel_loop3A_506 : memref<4016xf32, #tpu.memory_space<vmem>>[vector<16xi32>], vector<16xf32>,
          %parallel_loop3A_510 = arith.constant 6 : i32
          %parallel_loop3A_511 = vector.broadcast %parallel_loop3A_510 : i32 to vector<16xi32>
          %parallel_loop3A_512 = arith.addi %parallel_loop3A_397, %parallel_loop3A_511 : vector<16xi32>
          %parallel_loop3A_513 = tpu.vector_load_idx %arg14[%parallel_loop3A_512] : memref<16000xf32, #tpu.memory_space<vmem>>[vector<16xi32>], vector<16xf32>,
          %parallel_loop3A_514 = arith.constant 16 : i32
          %parallel_loop3A_515 = vector.broadcast %parallel_loop3A_514 : i32 to vector<16xi32>
          %parallel_loop3A_516 = arith.addi %parallel_loop3A_370, %parallel_loop3A_515 : vector<16xi32>
          tpu.vector_store_idx %arg22[%parallel_loop3A_516], %parallel_loop3A_513 : memref<4016xf32, #tpu.memory_space<vmem>>[vector<16xi32>], vector<16xf32>,
          %parallel_loop3A_517 = arith.constant 7 : i32
          %parallel_loop3A_518 = vector.broadcast %parallel_loop3A_517 : i32 to vector<16xi32>
          %parallel_loop3A_519 = arith.addi %parallel_loop3A_397, %parallel_loop3A_518 : vector<16xi32>
          %parallel_loop3A_520 = tpu.vector_load_idx %arg14[%parallel_loop3A_519] : memref<16000xf32, #tpu.memory_space<vmem>>[vector<16xi32>], vector<16xf32>,
          %parallel_loop3A_521 = arith.constant 17 : i32
          %parallel_loop3A_522 = vector.broadcast %parallel_loop3A_521 : i32 to vector<16xi32>
          %parallel_loop3A_523 = arith.addi %parallel_loop3A_370, %parallel_loop3A_522 : vector<16xi32>
          tpu.vector_store_idx %arg22[%parallel_loop3A_523], %parallel_loop3A_520 : memref<4016xf32, #tpu.memory_space<vmem>>[vector<16xi32>], vector<16xf32>,
          %parallel_loop3A_524 = arith.constant 8 : i32
          %parallel_loop3A_525 = vector.broadcast %parallel_loop3A_524 : i32 to vector<16xi32>
          %parallel_loop3A_526 = arith.addi %parallel_loop3A_397, %parallel_loop3A_525 : vector<16xi32>
          %parallel_loop3A_527 = tpu.vector_load_idx %arg14[%parallel_loop3A_526] : memref<16000xf32, #tpu.memory_space<vmem>>[vector<16xi32>], vector<16xf32>,
          %parallel_loop3A_528 = arith.constant 18 : i32
          %parallel_loop3A_529 = vector.broadcast %parallel_loop3A_528 : i32 to vector<16xi32>
          %parallel_loop3A_530 = arith.addi %parallel_loop3A_370, %parallel_loop3A_529 : vector<16xi32>
          tpu.vector_store_idx %arg22[%parallel_loop3A_530], %parallel_loop3A_527 : memref<4016xf32, #tpu.memory_space<vmem>>[vector<16xi32>], vector<16xf32>,
          %parallel_loop3A_531 = arith.constant 9 : i32
          %parallel_loop3A_532 = vector.broadcast %parallel_loop3A_531 : i32 to vector<16xi32>
          %parallel_loop3A_533 = arith.addi %parallel_loop3A_397, %parallel_loop3A_532 : vector<16xi32>
          %parallel_loop3A_534 = tpu.vector_load_idx %arg14[%parallel_loop3A_533] : memref<16000xf32, #tpu.memory_space<vmem>>[vector<16xi32>], vector<16xf32>,
          %parallel_loop3A_535 = arith.constant 19 : i32
          %parallel_loop3A_536 = vector.broadcast %parallel_loop3A_535 : i32 to vector<16xi32>
          %parallel_loop3A_537 = arith.addi %parallel_loop3A_370, %parallel_loop3A_536 : vector<16xi32>
          tpu.vector_store_idx %arg22[%parallel_loop3A_537], %parallel_loop3A_534 : memref<4016xf32, #tpu.memory_space<vmem>>[vector<16xi32>], vector<16xf32>,
          %parallel_loop3A_538 = arith.constant 10 : i32
          %parallel_loop3A_539 = vector.broadcast %parallel_loop3A_538 : i32 to vector<16xi32>
          %parallel_loop3A_540 = arith.addi %parallel_loop3A_397, %parallel_loop3A_539 : vector<16xi32>
          %parallel_loop3A_541 = tpu.vector_load_idx %arg14[%parallel_loop3A_540] : memref<16000xf32, #tpu.memory_space<vmem>>[vector<16xi32>], vector<16xf32>,
          %parallel_loop3A_542 = arith.constant 20 : i32
          %parallel_loop3A_543 = vector.broadcast %parallel_loop3A_542 : i32 to vector<16xi32>
          %parallel_loop3A_544 = arith.addi %parallel_loop3A_370, %parallel_loop3A_543 : vector<16xi32>
          tpu.vector_store_idx %arg22[%parallel_loop3A_544], %parallel_loop3A_541 : memref<4016xf32, #tpu.memory_space<vmem>>[vector<16xi32>], vector<16xf32>,
          %parallel_loop3A_545 = arith.constant 11 : i32
          %parallel_loop3A_546 = vector.broadcast %parallel_loop3A_545 : i32 to vector<16xi32>
          %parallel_loop3A_547 = arith.addi %parallel_loop3A_397, %parallel_loop3A_546 : vector<16xi32>
          %parallel_loop3A_548 = tpu.vector_load_idx %arg14[%parallel_loop3A_547] : memref<16000xf32, #tpu.memory_space<vmem>>[vector<16xi32>], vector<16xf32>,
          %parallel_loop3A_549 = arith.constant 21 : i32
          %parallel_loop3A_550 = vector.broadcast %parallel_loop3A_549 : i32 to vector<16xi32>
          %parallel_loop3A_551 = arith.addi %parallel_loop3A_370, %parallel_loop3A_550 : vector<16xi32>
          tpu.vector_store_idx %arg22[%parallel_loop3A_551], %parallel_loop3A_548 : memref<4016xf32, #tpu.memory_space<vmem>>[vector<16xi32>], vector<16xf32>,
          %parallel_loop3A_552 = arith.constant 12 : i32
          %parallel_loop3A_553 = vector.broadcast %parallel_loop3A_552 : i32 to vector<16xi32>
          %parallel_loop3A_554 = arith.addi %parallel_loop3A_397, %parallel_loop3A_553 : vector<16xi32>
          %parallel_loop3A_555 = tpu.vector_load_idx %arg14[%parallel_loop3A_554] : memref<16000xf32, #tpu.memory_space<vmem>>[vector<16xi32>], vector<16xf32>,
          %parallel_loop3A_556 = arith.constant 22 : i32
          %parallel_loop3A_557 = vector.broadcast %parallel_loop3A_556 : i32 to vector<16xi32>
          %parallel_loop3A_558 = arith.addi %parallel_loop3A_370, %parallel_loop3A_557 : vector<16xi32>
          tpu.vector_store_idx %arg22[%parallel_loop3A_558], %parallel_loop3A_555 : memref<4016xf32, #tpu.memory_space<vmem>>[vector<16xi32>], vector<16xf32>,
          %parallel_loop3A_559 = arith.constant 13 : i32
          %parallel_loop3A_560 = vector.broadcast %parallel_loop3A_559 : i32 to vector<16xi32>
          %parallel_loop3A_561 = arith.addi %parallel_loop3A_397, %parallel_loop3A_560 : vector<16xi32>
          %parallel_loop3A_562 = tpu.vector_load_idx %arg14[%parallel_loop3A_561] : memref<16000xf32, #tpu.memory_space<vmem>>[vector<16xi32>], vector<16xf32>,
          %parallel_loop3A_563 = arith.constant 23 : i32
          %parallel_loop3A_564 = vector.broadcast %parallel_loop3A_563 : i32 to vector<16xi32>
          %parallel_loop3A_565 = arith.addi %parallel_loop3A_370, %parallel_loop3A_564 : vector<16xi32>
          tpu.vector_store_idx %arg22[%parallel_loop3A_565], %parallel_loop3A_562 : memref<4016xf32, #tpu.memory_space<vmem>>[vector<16xi32>], vector<16xf32>,
          %parallel_loop3A_566 = arith.constant 14 : i32
          %parallel_loop3A_567 = vector.broadcast %parallel_loop3A_566 : i32 to vector<16xi32>
          %parallel_loop3A_568 = arith.addi %parallel_loop3A_397, %parallel_loop3A_567 : vector<16xi32>
          %parallel_loop3A_569 = tpu.vector_load_idx %arg14[%parallel_loop3A_568] : memref<16000xf32, #tpu.memory_space<vmem>>[vector<16xi32>], vector<16xf32>,
          %parallel_loop3A_570 = arith.constant 24 : i32
          %parallel_loop3A_571 = vector.broadcast %parallel_loop3A_570 : i32 to vector<16xi32>
          %parallel_loop3A_572 = arith.addi %parallel_loop3A_370, %parallel_loop3A_571 : vector<16xi32>
          tpu.vector_store_idx %arg22[%parallel_loop3A_572], %parallel_loop3A_569 : memref<4016xf32, #tpu.memory_space<vmem>>[vector<16xi32>], vector<16xf32>,
          %parallel_loop3A_573 = arith.constant 15 : i32
          %parallel_loop3A_574 = vector.broadcast %parallel_loop3A_573 : i32 to vector<16xi32>
          %parallel_loop3A_575 = arith.addi %parallel_loop3A_397, %parallel_loop3A_574 : vector<16xi32>
          %parallel_loop3A_576 = tpu.vector_load_idx %arg14[%parallel_loop3A_575] : memref<16000xf32, #tpu.memory_space<vmem>>[vector<16xi32>], vector<16xf32>,
          %parallel_loop3A_577 = arith.constant 25 : i32
          %parallel_loop3A_578 = vector.broadcast %parallel_loop3A_577 : i32 to vector<16xi32>
          %parallel_loop3A_579 = arith.addi %parallel_loop3A_370, %parallel_loop3A_578 : vector<16xi32>
          tpu.vector_store_idx %arg22[%parallel_loop3A_579], %parallel_loop3A_576 : memref<4016xf32, #tpu.memory_space<vmem>>[vector<16xi32>], vector<16xf32>,
          %parallel_loop3A_580 = arith.constant 16 : i32
          %parallel_loop3A_581 = vector.broadcast %parallel_loop3A_580 : i32 to vector<16xi32>
          %parallel_loop3A_582 = arith.addi %parallel_loop3A_397, %parallel_loop3A_581 : vector<16xi32>
          %parallel_loop3A_583 = tpu.vector_load_idx %arg14[%parallel_loop3A_582] : memref<16000xf32, #tpu.memory_space<vmem>>[vector<16xi32>], vector<16xf32>,
          %parallel_loop3A_584 = arith.constant 26 : i32
          %parallel_loop3A_585 = vector.broadcast %parallel_loop3A_584 : i32 to vector<16xi32>
          %parallel_loop3A_586 = arith.addi %parallel_loop3A_370, %parallel_loop3A_585 : vector<16xi32>
          tpu.vector_store_idx %arg22[%parallel_loop3A_586], %parallel_loop3A_583 : memref<4016xf32, #tpu.memory_space<vmem>>[vector<16xi32>], vector<16xf32>,
          %parallel_loop3A_587 = arith.constant 17 : i32
          %parallel_loop3A_588 = vector.broadcast %parallel_loop3A_587 : i32 to vector<16xi32>
          %parallel_loop3A_589 = arith.addi %parallel_loop3A_397, %parallel_loop3A_588 : vector<16xi32>
          %parallel_loop3A_590 = tpu.vector_load_idx %arg14[%parallel_loop3A_589] : memref<16000xf32, #tpu.memory_space<vmem>>[vector<16xi32>], vector<16xf32>,
          %parallel_loop3A_591 = arith.constant 27 : i32
          %parallel_loop3A_592 = vector.broadcast %parallel_loop3A_591 : i32 to vector<16xi32>
          %parallel_loop3A_593 = arith.addi %parallel_loop3A_370, %parallel_loop3A_592 : vector<16xi32>
          tpu.vector_store_idx %arg22[%parallel_loop3A_593], %parallel_loop3A_590 : memref<4016xf32, #tpu.memory_space<vmem>>[vector<16xi32>], vector<16xf32>,
          %parallel_loop3A_594 = arith.constant 18 : i32
          %parallel_loop3A_595 = vector.broadcast %parallel_loop3A_594 : i32 to vector<16xi32>
          %parallel_loop3A_596 = arith.addi %parallel_loop3A_397, %parallel_loop3A_595 : vector<16xi32>
          %parallel_loop3A_597 = tpu.vector_load_idx %arg14[%parallel_loop3A_596] : memref<16000xf32, #tpu.memory_space<vmem>>[vector<16xi32>], vector<16xf32>,
          %parallel_loop3A_598 = arith.constant 28 : i32
          %parallel_loop3A_599 = vector.broadcast %parallel_loop3A_598 : i32 to vector<16xi32>
          %parallel_loop3A_600 = arith.addi %parallel_loop3A_370, %parallel_loop3A_599 : vector<16xi32>
          tpu.vector_store_idx %arg22[%parallel_loop3A_600], %parallel_loop3A_597 : memref<4016xf32, #tpu.memory_space<vmem>>[vector<16xi32>], vector<16xf32>,
          %parallel_loop3A_601 = arith.constant 19 : i32
          %parallel_loop3A_602 = vector.broadcast %parallel_loop3A_601 : i32 to vector<16xi32>
          %parallel_loop3A_603 = arith.addi %parallel_loop3A_397, %parallel_loop3A_602 : vector<16xi32>
          %parallel_loop3A_604 = tpu.vector_load_idx %arg14[%parallel_loop3A_603] : memref<16000xf32, #tpu.memory_space<vmem>>[vector<16xi32>], vector<16xf32>,
          %parallel_loop3A_605 = arith.constant 29 : i32
          %parallel_loop3A_606 = vector.broadcast %parallel_loop3A_605 : i32 to vector<16xi32>
          %parallel_loop3A_607 = arith.addi %parallel_loop3A_370, %parallel_loop3A_606 : vector<16xi32>
          tpu.vector_store_idx %arg22[%parallel_loop3A_607], %parallel_loop3A_604 : memref<4016xf32, #tpu.memory_space<vmem>>[vector<16xi32>], vector<16xf32>,
          %parallel_loop3A_608 = arith.constant 20 : i32
          %parallel_loop3A_609 = vector.broadcast %parallel_loop3A_608 : i32 to vector<16xi32>
          %parallel_loop3A_610 = arith.addi %parallel_loop3A_397, %parallel_loop3A_609 : vector<16xi32>
          %parallel_loop3A_611 = tpu.vector_load_idx %arg14[%parallel_loop3A_610] : memref<16000xf32, #tpu.memory_space<vmem>>[vector<16xi32>], vector<16xf32>,
          %parallel_loop3A_612 = arith.constant 30 : i32
          %parallel_loop3A_613 = vector.broadcast %parallel_loop3A_612 : i32 to vector<16xi32>
          %parallel_loop3A_614 = arith.addi %parallel_loop3A_370, %parallel_loop3A_613 : vector<16xi32>
          tpu.vector_store_idx %arg22[%parallel_loop3A_614], %parallel_loop3A_611 : memref<4016xf32, #tpu.memory_space<vmem>>[vector<16xi32>], vector<16xf32>,
          %parallel_loop3A_615 = arith.constant 21 : i32
          %parallel_loop3A_616 = vector.broadcast %parallel_loop3A_615 : i32 to vector<16xi32>
          %parallel_loop3A_617 = arith.addi %parallel_loop3A_397, %parallel_loop3A_616 : vector<16xi32>
          %parallel_loop3A_618 = tpu.vector_load_idx %arg14[%parallel_loop3A_617] : memref<16000xf32, #tpu.memory_space<vmem>>[vector<16xi32>], vector<16xf32>,
          %parallel_loop3A_619 = arith.constant 31 : i32
          %parallel_loop3A_620 = vector.broadcast %parallel_loop3A_619 : i32 to vector<16xi32>
          %parallel_loop3A_621 = arith.addi %parallel_loop3A_370, %parallel_loop3A_620 : vector<16xi32>
          tpu.vector_store_idx %arg22[%parallel_loop3A_621], %parallel_loop3A_618 : memref<4016xf32, #tpu.memory_space<vmem>>[vector<16xi32>], vector<16xf32>,
          %parallel_loop3A_622 = arith.constant 22 : i32
          %parallel_loop3A_623 = vector.broadcast %parallel_loop3A_622 : i32 to vector<16xi32>
          %parallel_loop3A_624 = arith.addi %parallel_loop3A_397, %parallel_loop3A_623 : vector<16xi32>
          %parallel_loop3A_625 = tpu.vector_load_idx %arg14[%parallel_loop3A_624] : memref<16000xf32, #tpu.memory_space<vmem>>[vector<16xi32>], vector<16xf32>,
          %parallel_loop3A_626 = arith.constant 32 : i32
          %parallel_loop3A_627 = vector.broadcast %parallel_loop3A_626 : i32 to vector<16xi32>
          %parallel_loop3A_628 = arith.addi %parallel_loop3A_370, %parallel_loop3A_627 : vector<16xi32>
          tpu.vector_store_idx %arg22[%parallel_loop3A_628], %parallel_loop3A_625 : memref<4016xf32, #tpu.memory_space<vmem>>[vector<16xi32>], vector<16xf32>,
          %parallel_loop3A_629 = arith.constant 23 : i32
          %parallel_loop3A_630 = vector.broadcast %parallel_loop3A_629 : i32 to vector<16xi32>
          %parallel_loop3A_631 = arith.addi %parallel_loop3A_397, %parallel_loop3A_630 : vector<16xi32>
          %parallel_loop3A_632 = tpu.vector_load_idx %arg14[%parallel_loop3A_631] : memref<16000xf32, #tpu.memory_space<vmem>>[vector<16xi32>], vector<16xf32>,
          %parallel_loop3A_633 = arith.constant 33 : i32
          %parallel_loop3A_634 = vector.broadcast %parallel_loop3A_633 : i32 to vector<16xi32>
          %parallel_loop3A_635 = arith.addi %parallel_loop3A_370, %parallel_loop3A_634 : vector<16xi32>
          tpu.vector_store_idx %arg22[%parallel_loop3A_635], %parallel_loop3A_632 : memref<4016xf32, #tpu.memory_space<vmem>>[vector<16xi32>], vector<16xf32>,
          %parallel_loop3A_636 = arith.constant 24 : i32
          %parallel_loop3A_637 = vector.broadcast %parallel_loop3A_636 : i32 to vector<16xi32>
          %parallel_loop3A_638 = arith.addi %parallel_loop3A_397, %parallel_loop3A_637 : vector<16xi32>
          %parallel_loop3A_639 = tpu.vector_load_idx %arg14[%parallel_loop3A_638] : memref<16000xf32, #tpu.memory_space<vmem>>[vector<16xi32>], vector<16xf32>,
          %parallel_loop3A_640 = arith.constant 34 : i32
          %parallel_loop3A_641 = vector.broadcast %parallel_loop3A_640 : i32 to vector<16xi32>
          %parallel_loop3A_642 = arith.addi %parallel_loop3A_370, %parallel_loop3A_641 : vector<16xi32>
          tpu.vector_store_idx %arg22[%parallel_loop3A_642], %parallel_loop3A_639 : memref<4016xf32, #tpu.memory_space<vmem>>[vector<16xi32>], vector<16xf32>,
          %parallel_loop3A_643 = arith.constant 25 : i32
          %parallel_loop3A_644 = vector.broadcast %parallel_loop3A_643 : i32 to vector<16xi32>
          %parallel_loop3A_645 = arith.addi %parallel_loop3A_397, %parallel_loop3A_644 : vector<16xi32>
          %parallel_loop3A_646 = tpu.vector_load_idx %arg14[%parallel_loop3A_645] : memref<16000xf32, #tpu.memory_space<vmem>>[vector<16xi32>], vector<16xf32>,
          %parallel_loop3A_647 = arith.constant 35 : i32
          %parallel_loop3A_648 = vector.broadcast %parallel_loop3A_647 : i32 to vector<16xi32>
          %parallel_loop3A_649 = arith.addi %parallel_loop3A_370, %parallel_loop3A_648 : vector<16xi32>
          tpu.vector_store_idx %arg22[%parallel_loop3A_649], %parallel_loop3A_646 : memref<4016xf32, #tpu.memory_space<vmem>>[vector<16xi32>], vector<16xf32>,
          %parallel_loop3A_650 = arith.constant 26 : i32
          %parallel_loop3A_651 = vector.broadcast %parallel_loop3A_650 : i32 to vector<16xi32>
          %parallel_loop3A_652 = arith.addi %parallel_loop3A_397, %parallel_loop3A_651 : vector<16xi32>
          %parallel_loop3A_653 = tpu.vector_load_idx %arg14[%parallel_loop3A_652] : memref<16000xf32, #tpu.memory_space<vmem>>[vector<16xi32>], vector<16xf32>,
          %parallel_loop3A_654 = arith.constant 36 : i32
          %parallel_loop3A_655 = vector.broadcast %parallel_loop3A_654 : i32 to vector<16xi32>
          %parallel_loop3A_656 = arith.addi %parallel_loop3A_370, %parallel_loop3A_655 : vector<16xi32>
          tpu.vector_store_idx %arg22[%parallel_loop3A_656], %parallel_loop3A_653 : memref<4016xf32, #tpu.memory_space<vmem>>[vector<16xi32>], vector<16xf32>,
          %parallel_loop3A_657 = arith.constant 27 : i32
          %parallel_loop3A_658 = vector.broadcast %parallel_loop3A_657 : i32 to vector<16xi32>
          %parallel_loop3A_659 = arith.addi %parallel_loop3A_397, %parallel_loop3A_658 : vector<16xi32>
          %parallel_loop3A_660 = tpu.vector_load_idx %arg14[%parallel_loop3A_659] : memref<16000xf32, #tpu.memory_space<vmem>>[vector<16xi32>], vector<16xf32>,
          %parallel_loop3A_661 = arith.constant 37 : i32
          %parallel_loop3A_662 = vector.broadcast %parallel_loop3A_661 : i32 to vector<16xi32>
          %parallel_loop3A_663 = arith.addi %parallel_loop3A_370, %parallel_loop3A_662 : vector<16xi32>
          tpu.vector_store_idx %arg22[%parallel_loop3A_663], %parallel_loop3A_660 : memref<4016xf32, #tpu.memory_space<vmem>>[vector<16xi32>], vector<16xf32>,
          %parallel_loop3A_664 = arith.constant 28 : i32
          %parallel_loop3A_665 = vector.broadcast %parallel_loop3A_664 : i32 to vector<16xi32>
          %parallel_loop3A_666 = arith.addi %parallel_loop3A_397, %parallel_loop3A_665 : vector<16xi32>
          %parallel_loop3A_667 = tpu.vector_load_idx %arg14[%parallel_loop3A_666] : memref<16000xf32, #tpu.memory_space<vmem>>[vector<16xi32>], vector<16xf32>,
          %parallel_loop3A_668 = arith.constant 38 : i32
          %parallel_loop3A_669 = vector.broadcast %parallel_loop3A_668 : i32 to vector<16xi32>
          %parallel_loop3A_670 = arith.addi %parallel_loop3A_370, %parallel_loop3A_669 : vector<16xi32>
          tpu.vector_store_idx %arg22[%parallel_loop3A_670], %parallel_loop3A_667 : memref<4016xf32, #tpu.memory_space<vmem>>[vector<16xi32>], vector<16xf32>,
          %parallel_loop3A_671 = arith.constant 29 : i32
          %parallel_loop3A_672 = vector.broadcast %parallel_loop3A_671 : i32 to vector<16xi32>
          %parallel_loop3A_673 = arith.addi %parallel_loop3A_397, %parallel_loop3A_672 : vector<16xi32>
          %parallel_loop3A_674 = tpu.vector_load_idx %arg14[%parallel_loop3A_673] : memref<16000xf32, #tpu.memory_space<vmem>>[vector<16xi32>], vector<16xf32>,
          %parallel_loop3A_675 = arith.constant 39 : i32
          %parallel_loop3A_676 = vector.broadcast %parallel_loop3A_675 : i32 to vector<16xi32>
          %parallel_loop3A_677 = arith.addi %parallel_loop3A_370, %parallel_loop3A_676 : vector<16xi32>
          tpu.vector_store_idx %arg22[%parallel_loop3A_677], %parallel_loop3A_674 : memref<4016xf32, #tpu.memory_space<vmem>>[vector<16xi32>], vector<16xf32>,
          %parallel_loop3A_678 = arith.constant 30 : i32
          %parallel_loop3A_679 = vector.broadcast %parallel_loop3A_678 : i32 to vector<16xi32>
          %parallel_loop3A_680 = arith.addi %parallel_loop3A_397, %parallel_loop3A_679 : vector<16xi32>
          %parallel_loop3A_681 = tpu.vector_load_idx %arg14[%parallel_loop3A_680] : memref<16000xf32, #tpu.memory_space<vmem>>[vector<16xi32>], vector<16xf32>,
          %parallel_loop3A_682 = arith.constant 40 : i32
          %parallel_loop3A_683 = vector.broadcast %parallel_loop3A_682 : i32 to vector<16xi32>
          %parallel_loop3A_684 = arith.addi %parallel_loop3A_370, %parallel_loop3A_683 : vector<16xi32>
          tpu.vector_store_idx %arg22[%parallel_loop3A_684], %parallel_loop3A_681 : memref<4016xf32, #tpu.memory_space<vmem>>[vector<16xi32>], vector<16xf32>,
          %parallel_loop3A_685 = arith.constant 31 : i32
          %parallel_loop3A_686 = vector.broadcast %parallel_loop3A_685 : i32 to vector<16xi32>
          %parallel_loop3A_687 = arith.addi %parallel_loop3A_397, %parallel_loop3A_686 : vector<16xi32>
          %parallel_loop3A_688 = tpu.vector_load_idx %arg14[%parallel_loop3A_687] : memref<16000xf32, #tpu.memory_space<vmem>>[vector<16xi32>], vector<16xf32>,
          %parallel_loop3A_689 = arith.constant 41 : i32
          %parallel_loop3A_690 = vector.broadcast %parallel_loop3A_689 : i32 to vector<16xi32>
          %parallel_loop3A_691 = arith.addi %parallel_loop3A_370, %parallel_loop3A_690 : vector<16xi32>
          tpu.vector_store_idx %arg22[%parallel_loop3A_691], %parallel_loop3A_688 : memref<4016xf32, #tpu.memory_space<vmem>>[vector<16xi32>], vector<16xf32>,
          %parallel_loop3A_692 = arith.constant 32 : i32
          %parallel_loop3A_693 = vector.broadcast %parallel_loop3A_692 : i32 to vector<16xi32>
          %parallel_loop3A_694 = arith.addi %parallel_loop3A_397, %parallel_loop3A_693 : vector<16xi32>
          %parallel_loop3A_695 = tpu.vector_load_idx %arg14[%parallel_loop3A_694] : memref<16000xf32, #tpu.memory_space<vmem>>[vector<16xi32>], vector<16xf32>,
          %parallel_loop3A_696 = arith.constant 42 : i32
          %parallel_loop3A_697 = vector.broadcast %parallel_loop3A_696 : i32 to vector<16xi32>
          %parallel_loop3A_698 = arith.addi %parallel_loop3A_370, %parallel_loop3A_697 : vector<16xi32>
          tpu.vector_store_idx %arg22[%parallel_loop3A_698], %parallel_loop3A_695 : memref<4016xf32, #tpu.memory_space<vmem>>[vector<16xi32>], vector<16xf32>,
          %parallel_loop3A_699 = arith.constant 33 : i32
          %parallel_loop3A_700 = vector.broadcast %parallel_loop3A_699 : i32 to vector<16xi32>
          %parallel_loop3A_701 = arith.addi %parallel_loop3A_397, %parallel_loop3A_700 : vector<16xi32>
          %parallel_loop3A_702 = tpu.vector_load_idx %arg14[%parallel_loop3A_701] : memref<16000xf32, #tpu.memory_space<vmem>>[vector<16xi32>], vector<16xf32>,
          %parallel_loop3A_703 = arith.constant 43 : i32
          %parallel_loop3A_704 = vector.broadcast %parallel_loop3A_703 : i32 to vector<16xi32>
          %parallel_loop3A_705 = arith.addi %parallel_loop3A_370, %parallel_loop3A_704 : vector<16xi32>
          tpu.vector_store_idx %arg22[%parallel_loop3A_705], %parallel_loop3A_702 : memref<4016xf32, #tpu.memory_space<vmem>>[vector<16xi32>], vector<16xf32>,
          %parallel_loop3A_706 = arith.constant 34 : i32
          %parallel_loop3A_707 = vector.broadcast %parallel_loop3A_706 : i32 to vector<16xi32>
          %parallel_loop3A_708 = arith.addi %parallel_loop3A_397, %parallel_loop3A_707 : vector<16xi32>
          %parallel_loop3A_709 = tpu.vector_load_idx %arg14[%parallel_loop3A_708] : memref<16000xf32, #tpu.memory_space<vmem>>[vector<16xi32>], vector<16xf32>,
          %parallel_loop3A_710 = arith.constant 44 : i32
          %parallel_loop3A_711 = vector.broadcast %parallel_loop3A_710 : i32 to vector<16xi32>
          %parallel_loop3A_712 = arith.addi %parallel_loop3A_370, %parallel_loop3A_711 : vector<16xi32>
          tpu.vector_store_idx %arg22[%parallel_loop3A_712], %parallel_loop3A_709 : memref<4016xf32, #tpu.memory_space<vmem>>[vector<16xi32>], vector<16xf32>,
          %parallel_loop3A_713 = arith.constant 35 : i32
          %parallel_loop3A_714 = vector.broadcast %parallel_loop3A_713 : i32 to vector<16xi32>
          %parallel_loop3A_715 = arith.addi %parallel_loop3A_397, %parallel_loop3A_714 : vector<16xi32>
          %parallel_loop3A_716 = tpu.vector_load_idx %arg14[%parallel_loop3A_715] : memref<16000xf32, #tpu.memory_space<vmem>>[vector<16xi32>], vector<16xf32>,
          %parallel_loop3A_717 = arith.constant 45 : i32
          %parallel_loop3A_718 = vector.broadcast %parallel_loop3A_717 : i32 to vector<16xi32>
          %parallel_loop3A_719 = arith.addi %parallel_loop3A_370, %parallel_loop3A_718 : vector<16xi32>
          tpu.vector_store_idx %arg22[%parallel_loop3A_719], %parallel_loop3A_716 : memref<4016xf32, #tpu.memory_space<vmem>>[vector<16xi32>], vector<16xf32>,
          %parallel_loop3A_720 = arith.constant 36 : i32
          %parallel_loop3A_721 = vector.broadcast %parallel_loop3A_720 : i32 to vector<16xi32>
          %parallel_loop3A_722 = arith.addi %parallel_loop3A_397, %parallel_loop3A_721 : vector<16xi32>
          %parallel_loop3A_723 = tpu.vector_load_idx %arg14[%parallel_loop3A_722] : memref<16000xf32, #tpu.memory_space<vmem>>[vector<16xi32>], vector<16xf32>,
          %parallel_loop3A_724 = arith.constant 46 : i32
          %parallel_loop3A_725 = vector.broadcast %parallel_loop3A_724 : i32 to vector<16xi32>
          %parallel_loop3A_726 = arith.addi %parallel_loop3A_370, %parallel_loop3A_725 : vector<16xi32>
          tpu.vector_store_idx %arg22[%parallel_loop3A_726], %parallel_loop3A_723 : memref<4016xf32, #tpu.memory_space<vmem>>[vector<16xi32>], vector<16xf32>,
          %parallel_loop3A_727 = arith.constant 37 : i32
          %parallel_loop3A_728 = vector.broadcast %parallel_loop3A_727 : i32 to vector<16xi32>
          %parallel_loop3A_729 = arith.addi %parallel_loop3A_397, %parallel_loop3A_728 : vector<16xi32>
          %parallel_loop3A_730 = tpu.vector_load_idx %arg14[%parallel_loop3A_729] : memref<16000xf32, #tpu.memory_space<vmem>>[vector<16xi32>], vector<16xf32>,
          %parallel_loop3A_731 = arith.constant 47 : i32
          %parallel_loop3A_732 = vector.broadcast %parallel_loop3A_731 : i32 to vector<16xi32>
          %parallel_loop3A_733 = arith.addi %parallel_loop3A_370, %parallel_loop3A_732 : vector<16xi32>
          tpu.vector_store_idx %arg22[%parallel_loop3A_733], %parallel_loop3A_730 : memref<4016xf32, #tpu.memory_space<vmem>>[vector<16xi32>], vector<16xf32>,
          %parallel_loop3A_734 = arith.constant 38 : i32
          %parallel_loop3A_735 = vector.broadcast %parallel_loop3A_734 : i32 to vector<16xi32>
          %parallel_loop3A_736 = arith.addi %parallel_loop3A_397, %parallel_loop3A_735 : vector<16xi32>
          %parallel_loop3A_737 = tpu.vector_load_idx %arg14[%parallel_loop3A_736] : memref<16000xf32, #tpu.memory_space<vmem>>[vector<16xi32>], vector<16xf32>,
          %parallel_loop3A_738 = arith.constant 48 : i32
          %parallel_loop3A_739 = vector.broadcast %parallel_loop3A_738 : i32 to vector<16xi32>
          %parallel_loop3A_740 = arith.addi %parallel_loop3A_370, %parallel_loop3A_739 : vector<16xi32>
          tpu.vector_store_idx %arg22[%parallel_loop3A_740], %parallel_loop3A_737 : memref<4016xf32, #tpu.memory_space<vmem>>[vector<16xi32>], vector<16xf32>,
          %parallel_loop3A_741 = arith.constant 39 : i32
          %parallel_loop3A_742 = vector.broadcast %parallel_loop3A_741 : i32 to vector<16xi32>
          %parallel_loop3A_743 = arith.addi %parallel_loop3A_397, %parallel_loop3A_742 : vector<16xi32>
          %parallel_loop3A_744 = tpu.vector_load_idx %arg14[%parallel_loop3A_743] : memref<16000xf32, #tpu.memory_space<vmem>>[vector<16xi32>], vector<16xf32>,
          %parallel_loop3A_745 = arith.constant 49 : i32
          %parallel_loop3A_746 = vector.broadcast %parallel_loop3A_745 : i32 to vector<16xi32>
          %parallel_loop3A_747 = arith.addi %parallel_loop3A_370, %parallel_loop3A_746 : vector<16xi32>
          tpu.vector_store_idx %arg22[%parallel_loop3A_747], %parallel_loop3A_744 : memref<4016xf32, #tpu.memory_space<vmem>>[vector<16xi32>], vector<16xf32>,
        } {sc.loop_unroll_factor = 1 : i64, sc.parallel_access}
      } else {
      }
      %add3A_353 = arith.constant 2 : i32
      %add3A_354 = arith.addi %add3A_288, %add3A_353 : i32
      %lt3A_355 = arith.constant 80 : i32
      %lt3A_356 = arith.cmpi slt, %add3A_354, %lt3A_355 : i32
      %convert_element_type3A_357 = arith.extui %lt3A_356 : i1 to i32
      %cond3A_358 = arith.constant 0 : i32
      %cond3A_359 = arith.cmpi ne, %convert_element_type3A_357, %cond3A_358 : i32
      scf.if %cond3A_359 {
        %add3A_360 = arith.constant 2 : i32
        %add3A_361 = arith.addi %add3A_288, %add3A_360 : i32
        %mul3A_362 = arith.constant 6400 : i32
        %mul3A_363 = arith.muli %add3A, %mul3A_362 : i32
        %mul3A_364 = arith.constant 80 : i32
        %mul3A_365 = arith.muli %add3A_361, %mul3A_364 : i32
        %add3A_366 = arith.addi %mul3A_363, %mul3A_365 : i32
        %dma_start3A_367 = arith.constant 1 : i32
        %dma_start3A_368 = arith.constant 0 : i32
        %dma_start3A_369 = tpu.memref_slice %arg15[%dma_start3A_367, %dma_start3A_368] : memref<2x80xi32, #tpu.memory_space<vmem>> -> memref<1x80xi32, #tpu.memory_space<vmem>>
        %dma_start3A_370 = tpu.memref_squeeze %dma_start3A_369 : memref<1x80xi32, #tpu.memory_space<vmem>> -> memref<80xi32, #tpu.memory_space<vmem>>
        %dma_start3A_371 = tpu.memref_slice %arg2[%add3A_366] : memref<204800xi32, #tpu.memory_space<hbm>> -> memref<80xi32, #tpu.memory_space<hbm>>
        %dma_start3A_372 = arith.constant 0 : i32
        %dma_start3A_373 = tpu.memref_slice %arg15[%dma_start3A_367, %dma_start3A_372] : memref<2x80xi32, #tpu.memory_space<vmem>> -> memref<1x80xi32, #tpu.memory_space<vmem>>
        %dma_start3A_374 = tpu.memref_squeeze %dma_start3A_373 : memref<1x80xi32, #tpu.memory_space<vmem>> -> memref<80xi32, #tpu.memory_space<vmem>>
        %dma_start3A_375 = tpu.memref_slice %arg2[%add3A_366] : memref<204800xi32, #tpu.memory_space<hbm>> -> memref<80xi32, #tpu.memory_space<hbm>>
        tpu.enqueue_dma source(%dma_start3A_375 : memref<80xi32, #tpu.memory_space<hbm>>) target(%dma_start3A_374 : memref<80xi32, #tpu.memory_space<vmem>>) target_semaphore(%arg25 : memref<!tpu.dma_semaphore, #tpu.memory_space<semaphore_mem>>)
        %dma_start3A_376 = arith.constant 1 : i32
        %dma_start3A_377 = arith.constant 0 : i32
        %dma_start3A_378 = tpu.memref_slice %arg16[%dma_start3A_376, %dma_start3A_377] : memref<2x80xi32, #tpu.memory_space<vmem>> -> memref<1x80xi32, #tpu.memory_space<vmem>>
        %dma_start3A_379 = tpu.memref_squeeze %dma_start3A_378 : memref<1x80xi32, #tpu.memory_space<vmem>> -> memref<80xi32, #tpu.memory_space<vmem>>
        %dma_start3A_380 = tpu.memref_slice %arg3[%add3A_366] : memref<204800xi32, #tpu.memory_space<hbm>> -> memref<80xi32, #tpu.memory_space<hbm>>
        %dma_start3A_381 = arith.constant 0 : i32
        %dma_start3A_382 = tpu.memref_slice %arg16[%dma_start3A_376, %dma_start3A_381] : memref<2x80xi32, #tpu.memory_space<vmem>> -> memref<1x80xi32, #tpu.memory_space<vmem>>
        %dma_start3A_383 = tpu.memref_squeeze %dma_start3A_382 : memref<1x80xi32, #tpu.memory_space<vmem>> -> memref<80xi32, #tpu.memory_space<vmem>>
        %dma_start3A_384 = tpu.memref_slice %arg3[%add3A_366] : memref<204800xi32, #tpu.memory_space<hbm>> -> memref<80xi32, #tpu.memory_space<hbm>>
        tpu.enqueue_dma source(%dma_start3A_384 : memref<80xi32, #tpu.memory_space<hbm>>) target(%dma_start3A_383 : memref<80xi32, #tpu.memory_space<vmem>>) target_semaphore(%arg25 : memref<!tpu.dma_semaphore, #tpu.memory_space<semaphore_mem>>)
        %dma_start3A_385 = arith.constant 1 : i32
        %dma_start3A_386 = arith.constant 0 : i32
        %dma_start3A_387 = tpu.memref_slice %arg17[%dma_start3A_385, %dma_start3A_386] : memref<2x80xi32, #tpu.memory_space<vmem>> -> memref<1x80xi32, #tpu.memory_space<vmem>>
        %dma_start3A_388 = tpu.memref_squeeze %dma_start3A_387 : memref<1x80xi32, #tpu.memory_space<vmem>> -> memref<80xi32, #tpu.memory_space<vmem>>
        %dma_start3A_389 = tpu.memref_slice %arg4[%add3A_366] : memref<204800xi32, #tpu.memory_space<hbm>> -> memref<80xi32, #tpu.memory_space<hbm>>
        %dma_start3A_390 = arith.constant 0 : i32
        %dma_start3A_391 = tpu.memref_slice %arg17[%dma_start3A_385, %dma_start3A_390] : memref<2x80xi32, #tpu.memory_space<vmem>> -> memref<1x80xi32, #tpu.memory_space<vmem>>
        %dma_start3A_392 = tpu.memref_squeeze %dma_start3A_391 : memref<1x80xi32, #tpu.memory_space<vmem>> -> memref<80xi32, #tpu.memory_space<vmem>>
        %dma_start3A_393 = tpu.memref_slice %arg4[%add3A_366] : memref<204800xi32, #tpu.memory_space<hbm>> -> memref<80xi32, #tpu.memory_space<hbm>>
        tpu.enqueue_dma source(%dma_start3A_393 : memref<80xi32, #tpu.memory_space<hbm>>) target(%dma_start3A_392 : memref<80xi32, #tpu.memory_space<vmem>>) target_semaphore(%arg25 : memref<!tpu.dma_semaphore, #tpu.memory_space<semaphore_mem>>)
        %dma_start3A_394 = arith.constant 1 : i32
        %dma_start3A_395 = arith.constant 0 : i32
        %dma_start3A_396 = tpu.memref_slice %arg18[%dma_start3A_394, %dma_start3A_395] : memref<2x80xi32, #tpu.memory_space<vmem>> -> memref<1x80xi32, #tpu.memory_space<vmem>>
        %dma_start3A_397 = tpu.memref_squeeze %dma_start3A_396 : memref<1x80xi32, #tpu.memory_space<vmem>> -> memref<80xi32, #tpu.memory_space<vmem>>
        %dma_start3A_398 = tpu.memref_slice %arg5[%add3A_366] : memref<204800xi32, #tpu.memory_space<hbm>> -> memref<80xi32, #tpu.memory_space<hbm>>
        %dma_start3A_399 = arith.constant 0 : i32
        %dma_start3A_400 = tpu.memref_slice %arg18[%dma_start3A_394, %dma_start3A_399] : memref<2x80xi32, #tpu.memory_space<vmem>> -> memref<1x80xi32, #tpu.memory_space<vmem>>
        %dma_start3A_401 = tpu.memref_squeeze %dma_start3A_400 : memref<1x80xi32, #tpu.memory_space<vmem>> -> memref<80xi32, #tpu.memory_space<vmem>>
        %dma_start3A_402 = tpu.memref_slice %arg5[%add3A_366] : memref<204800xi32, #tpu.memory_space<hbm>> -> memref<80xi32, #tpu.memory_space<hbm>>
        tpu.enqueue_dma source(%dma_start3A_402 : memref<80xi32, #tpu.memory_space<hbm>>) target(%dma_start3A_401 : memref<80xi32, #tpu.memory_space<vmem>>) target_semaphore(%arg25 : memref<!tpu.dma_semaphore, #tpu.memory_space<semaphore_mem>>)
        %dma_start3A_403 = arith.constant 1 : i32
        %dma_start3A_404 = arith.constant 0 : i32
        %dma_start3A_405 = tpu.memref_slice %arg19[%dma_start3A_403, %dma_start3A_404] : memref<2x80xi32, #tpu.memory_space<vmem>> -> memref<1x80xi32, #tpu.memory_space<vmem>>
        %dma_start3A_406 = tpu.memref_squeeze %dma_start3A_405 : memref<1x80xi32, #tpu.memory_space<vmem>> -> memref<80xi32, #tpu.memory_space<vmem>>
        %dma_start3A_407 = tpu.memref_slice %arg6[%add3A_366] : memref<204800xi32, #tpu.memory_space<hbm>> -> memref<80xi32, #tpu.memory_space<hbm>>
        %dma_start3A_408 = arith.constant 0 : i32
        %dma_start3A_409 = tpu.memref_slice %arg19[%dma_start3A_403, %dma_start3A_408] : memref<2x80xi32, #tpu.memory_space<vmem>> -> memref<1x80xi32, #tpu.memory_space<vmem>>
        %dma_start3A_410 = tpu.memref_squeeze %dma_start3A_409 : memref<1x80xi32, #tpu.memory_space<vmem>> -> memref<80xi32, #tpu.memory_space<vmem>>
        %dma_start3A_411 = tpu.memref_slice %arg6[%add3A_366] : memref<204800xi32, #tpu.memory_space<hbm>> -> memref<80xi32, #tpu.memory_space<hbm>>
        tpu.enqueue_dma source(%dma_start3A_411 : memref<80xi32, #tpu.memory_space<hbm>>) target(%dma_start3A_410 : memref<80xi32, #tpu.memory_space<vmem>>) target_semaphore(%arg25 : memref<!tpu.dma_semaphore, #tpu.memory_space<semaphore_mem>>)
      } else {
      }
    }
    %scan3A_182 = arith.constant 40 : i32
    %dma_wait3A_183 = arith.constant 0 : i32
    %dma_wait3A_184 = arith.constant 0 : i32
    %dma_wait3A_185 = arith.constant 0 : i32
    %dma_wait3A_186 = tpu.memref_slice %arg23[%dma_wait3A_183, %dma_wait3A_184, %dma_wait3A_185] : memref<2x80x306xf32, #tpu.memory_space<vmem>> -> memref<1x80x306xf32, #tpu.memory_space<vmem>>
    %dma_wait3A_187 = tpu.memref_squeeze %dma_wait3A_186 : memref<1x80x306xf32, #tpu.memory_space<vmem>> -> memref<80x306xf32, #tpu.memory_space<vmem>>
    %dma_wait3A_188 = arith.constant 0 : i32
    %dma_wait3A_189 = arith.constant 0 : i32
    %dma_wait3A_190 = tpu.memref_slice %arg11[%dma_wait3A_188, %dma_wait3A_189] : memref<204800x306xf32, #tpu.memory_space<hbm>> -> memref<80x306xf32, #tpu.memory_space<hbm>>
    %dma_wait3A_191 = arith.constant 0 : i32
    %dma_wait3A_192 = arith.constant 0 : i32
    %dma_wait3A_193 = tpu.memref_slice %arg11[%dma_wait3A_191, %dma_wait3A_192] : memref<204800x306xf32, #tpu.memory_space<hbm>> -> memref<80x306xf32, #tpu.memory_space<hbm>>
    %dma_wait3A_194 = arith.constant 0 : i32
    %dma_wait3A_195 = arith.constant 0 : i32
    %dma_wait3A_196 = tpu.memref_slice %arg23[%dma_wait3A_183, %dma_wait3A_194, %dma_wait3A_195] : memref<2x80x306xf32, #tpu.memory_space<vmem>> -> memref<1x80x306xf32, #tpu.memory_space<vmem>>
    %dma_wait3A_197 = tpu.memref_squeeze %dma_wait3A_196 : memref<1x80x306xf32, #tpu.memory_space<vmem>> -> memref<80x306xf32, #tpu.memory_space<vmem>>
    tpu.wait_dma2 semaphore(%arg28 : memref<!tpu.dma_semaphore, #tpu.memory_space<semaphore_mem>>) src(%dma_wait3A_197 : memref<80x306xf32, #tpu.memory_space<vmem>>) dst(%dma_wait3A_193 : memref<80x306xf32, #tpu.memory_space<hbm>>)
    %dma_wait3A_198 = arith.constant 1 : i32
    %dma_wait3A_199 = arith.constant 0 : i32
    %dma_wait3A_200 = arith.constant 0 : i32
    %dma_wait3A_201 = tpu.memref_slice %arg23[%dma_wait3A_198, %dma_wait3A_199, %dma_wait3A_200] : memref<2x80x306xf32, #tpu.memory_space<vmem>> -> memref<1x80x306xf32, #tpu.memory_space<vmem>>
    %dma_wait3A_202 = tpu.memref_squeeze %dma_wait3A_201 : memref<1x80x306xf32, #tpu.memory_space<vmem>> -> memref<80x306xf32, #tpu.memory_space<vmem>>
    %dma_wait3A_203 = arith.constant 0 : i32
    %dma_wait3A_204 = arith.constant 0 : i32
    %dma_wait3A_205 = tpu.memref_slice %arg11[%dma_wait3A_203, %dma_wait3A_204] : memref<204800x306xf32, #tpu.memory_space<hbm>> -> memref<80x306xf32, #tpu.memory_space<hbm>>
    %dma_wait3A_206 = arith.constant 0 : i32
    %dma_wait3A_207 = arith.constant 0 : i32
    %dma_wait3A_208 = tpu.memref_slice %arg11[%dma_wait3A_206, %dma_wait3A_207] : memref<204800x306xf32, #tpu.memory_space<hbm>> -> memref<80x306xf32, #tpu.memory_space<hbm>>
    %dma_wait3A_209 = arith.constant 0 : i32
    %dma_wait3A_210 = arith.constant 0 : i32
    %dma_wait3A_211 = tpu.memref_slice %arg23[%dma_wait3A_198, %dma_wait3A_209, %dma_wait3A_210] : memref<2x80x306xf32, #tpu.memory_space<vmem>> -> memref<1x80x306xf32, #tpu.memory_space<vmem>>
    %dma_wait3A_212 = tpu.memref_squeeze %dma_wait3A_211 : memref<1x80x306xf32, #tpu.memory_space<vmem>> -> memref<80x306xf32, #tpu.memory_space<vmem>>
    tpu.wait_dma2 semaphore(%arg29 : memref<!tpu.dma_semaphore, #tpu.memory_space<semaphore_mem>>) src(%dma_wait3A_212 : memref<80x306xf32, #tpu.memory_space<vmem>>) dst(%dma_wait3A_208 : memref<80x306xf32, #tpu.memory_space<hbm>>)
    return
  }
}

</mosaic_0001>

<sc_bundles>
// kernel: bert_embed_concat_sc.3.cloned.1.call-start
scs
__scs_entry_jumppad:
0x0: {  	(pc) =	sbr.rel $0x88, $3  }
0x1: {  	(tag) =	ssettag $0x0;
	lr =	simm.s32 $0x1  }
0x2: {  	[smem:$0x3F98] =	sst lr;
	_ =	strace $0xD0000000  }
0x3: {  	_ = 	snop  }
0x4: {  	_ = 	snop  }
0x5: {  	_ = 	snop  }
0x6: {  	_ = 	snop  }
0x7: {  	_ = 	snop  }
__scs_overlays_trampoline_lowered:
0x8: {  	[smem:$0x3FA7] =	sst s0  }
0x9: {  	[smem:$0x3FA8] =	sst s1  }
0xa: {  	[smem:$0x3FA9] =	sst s2  }
0xb: {  	[smem:$0x3FAA] =	sst s3  }
0xc: {  	[smem:$0x3FAB] =	sst s4  }
0xd: {  	[smem:$0x3FAC] =	sst s5  }
0xe: {  	[smem:$0x3FAD] =	sst s6  }
0xf: {  	[smem:$0x3FAE] =	sst s7  }
0x10: {  	[smem:$0x3FAF] =	sst s8  }
0x11: {  	[smem:$0x3FB0] =	sst s9;
	s0 =	simm.s32 @!p0 $0x0  }
0x12: {  	s1 =	sld [smem:$0x3F96];
	s0 =	simm.s32 @p0 $0x1  }
0x13: {  	[smem:$0x3FB1] =	sst s0;
	s0 =	simm.s32 @!p1 $0x0  }
0x14: {  	s2 =	sld [smem:$0x3F95];
	s0 =	simm.s32 @p1 $0x1  }
0x15: {  	[smem:$0x3FB2] =	sst s0;
	s0 =	simm.s32 @!p2 $0x0  }
0x16: {  	s3 =	sld [smem:$0x3FDB];
	s0 =	simm.s32 @p2 $0x1  }
0x17: {  	s4 =	simm.s32 $0x1BF5;
	[smem:$0x3FB4] =	sst s0  }
0x18: {  	s0 =	sld [smem:$0x3F97];
	_ =	swait.ge [sflag:s4], $0x0  }
0x19: {  	s7 =	sld [smem:$0x3F98]  }
0x1a: {  	s8 =	sadd.s32 $0xFFFFE003, lr  }
0x1b: {  	s9 =	sadd.s32 $0xFFFFFEF7, lr;
	s5 =	simm.s32 $0xFFFFFFFF;
	p2 =	slt.u32 s8, $0xFFFFF086  }
0x1c: {  	p1 =	slt.u32 s9, $0xF7A;
	s5 =	simm.s32 @!p2 $0x0  }
0x1d: {  	s5 =	simm.s32 @p1 $0x1;
	p0 =	seq.s32 s7, s2  }
0x1e: {  	s7 =	smul.u32 @!p0 $0xF7A, s2;
	p2 =	seq.s32 @!p0 s5, $0x0  }
0x1f: {  	s9 =	smul.u32 $0xF7A, s1;
	s8 =	simm.s32 @!p0 $0x1BF5;
	p2 =	por !p2, p0  }
0x20: {  	[sflag:s8] =	ssyncset.s32 @!p0 $0xFFFFF086;
	s6 =	sadd.s32 @!p0 s3, s7;
	s7 =	simm.s32 @!p0 $0x108  }
0x21: {  	s3 =	sadd.s32 s3, s9;
	s6 =	sadd.s32 @!p0 $0x88, s6;
	s7 =	simm.s32 @p2 $0x1082  }
0x22: {  	[simem:s7], [sflag:s8] =	dma.local @!p0 [hbm:s6], $0xF7A  }
0x23: {  	s9 =	sor.u32 $0xD0000000, s2;
	s6 =	simm.s32 $0x108;
	_ =	swait.ge @!p0 [sflag:s8], $0x0  }
0x24: {  	s3 =	sadd.s32 $0x88, s3;
	s6 =	simm.s32 @!p1 $0x1082;
	[sflag:s4] =	ssyncset.s32 $0xFFFFF086  }
0x25: {  	[simem:s6], [sflag:s4] =	dma.local [hbm:s3], $0xF7A  }
0x26: {  	[smem:$0x3F98] =	sst s1;
	(tag) =	ssettag s2;
	_ =	strace s9  }
0x27: {  	s1 =	sld [smem:$0x3FA8]  }
0x28: {  	s2 =	sld [smem:$0x3FA9]  }
0x29: {  	s4 =	sld [smem:$0x3FAB]  }
0x2a: {  	p0 =	seq.s32 s5, $0x0;
	s5 =	sld [smem:$0x3FAC]  }
0x2b: {  	s6 =	sld [smem:$0x3FAD]  }
0x2c: {  	s7 =	sld [smem:$0x3FAE]  }
0x2d: {  	s3 =	simm.s32 $0x108;
	s8 =	sld [smem:$0x3FAF]  }
0x2e: {  	s3 =	simm.s32 @!p0 $0x1082;
	s9 =	sld [smem:$0x3FB0]  }
0x2f: {  	lr =	sadd.s32 s0, s3;
	s0 =	sld [smem:$0x3FA7]  }
0x30: {  	s3 =	sld [smem:$0x3FAA]  }
0x31: {  	[smem:$0x3FB3] =	sst s10  }
0x32: {  	s10 =	sld [smem:$0x3FB1];
	_ =	sdelay $0x3  }
0x33: {  	p0 =	seq.s32 s10, $0x1;
	s10 =	sld [smem:$0x3FB3];
	_ =	sdelay $0x3  }
0x34: {  	[smem:$0x3FB3] =	sst s10  }
0x35: {  	s10 =	sld [smem:$0x3FB2];
	_ =	sdelay $0x3  }
0x36: {  	p1 =	seq.s32 s10, $0x1;
	s10 =	sld [smem:$0x3FB3];
	_ =	sdelay $0x3  }
0x37: {  	[smem:$0x3FB3] =	sst s10  }
0x38: {  	s10 =	sld [smem:$0x3FB4]  }
0x39: {  	_ = 	snop;
	(pc) =	sbr.ind lr, $3  }
0x3a: {  	_ = 	snop  }
0x3b: {  	_ = 	snop  }
0x3c: {  	p2 =	seq.s32 s10, $0x1;
	s10 =	sld [smem:$0x3FB3]  }
0x3d: {  	_ =	shalt  }
0x3e: {  	_ =	shalt  }
0x3f: {  	_ =	shalt  }
0x40: {  	_ =	shalt  }
0x41: {  	_ =	shalt  }
0x42: {  	_ =	shalt  }
0x43: {  	_ =	shalt  }
0x44: {  	_ =	shalt  }
0x45: {  	_ =	shalt  }
0x46: {  	_ =	shalt  }
0x47: {  	_ =	shalt  }
0x48: {  	_ =	shalt  }
0x49: {  	_ =	shalt  }
0x4a: {  	_ =	shalt  }
0x4b: {  	_ =	shalt  }
0x4c: {  	_ =	shalt  }
0x4d: {  	_ =	shalt  }
0x4e: {  	_ =	shalt  }
0x4f: {  	_ =	shalt  }
0x50: {  	_ =	shalt  }
0x51: {  	_ =	shalt  }
0x52: {  	_ =	shalt  }
0x53: {  	_ =	shalt  }
0x54: {  	_ =	shalt  }
0x55: {  	_ =	shalt  }
0x56: {  	_ =	shalt  }
0x57: {  	_ =	shalt  }
0x58: {  	_ =	shalt  }
0x59: {  	_ =	shalt  }
0x5a: {  	_ =	shalt  }
0x5b: {  	_ =	shalt  }
0x5c: {  	_ =	shalt  }
0x5d: {  	_ =	shalt  }
0x5e: {  	_ =	shalt  }
0x5f: {  	_ =	shalt  }
0x60: {  	_ =	shalt  }
0x61: {  	_ =	shalt  }
0x62: {  	_ =	shalt  }
0x63: {  	_ =	shalt  }
0x64: {  	_ =	shalt  }
0x65: {  	_ =	shalt  }
0x66: {  	_ =	shalt  }
0x67: {  	_ =	shalt  }
0x68: {  	_ =	shalt  }
0x69: {  	_ =	shalt  }
0x6a: {  	_ =	shalt  }
0x6b: {  	_ =	shalt  }
0x6c: {  	_ =	shalt  }
0x6d: {  	_ =	shalt  }
0x6e: {  	_ =	shalt  }
0x6f: {  	_ =	shalt  }
0x70: {  	_ =	shalt  }
0x71: {  	_ =	shalt  }
0x72: {  	_ =	shalt  }
0x73: {  	_ =	shalt  }
0x74: {  	_ =	shalt  }
0x75: {  	_ =	shalt  }
0x76: {  	_ =	shalt  }
0x77: {  	_ =	shalt  }
0x78: {  	_ =	shalt  }
0x79: {  	_ =	shalt  }
0x7a: {  	_ =	shalt  }
0x7b: {  	_ =	shalt  }
0x7c: {  	_ =	shalt  }
0x7d: {  	_ =	shalt  }
0x7e: {  	_ =	shalt  }
0x7f: {  	_ =	shalt  }
0x80: {  	_ =	shalt  }
0x81: {  	_ =	shalt  }
0x82: {  	_ =	shalt  }
0x83: {  	_ =	shalt  }
0x84: {  	_ =	shalt  }
0x85: {  	_ =	shalt  }
0x86: {  	_ =	shalt  }
0x87: {  	_ =	shalt  }
.Lfunc_end0:
.L_simem_size_0:
called_computation_lowered:
.L_overlay_start_0:
0x88: {  	s2 =	sld [smem:$0x3FD9]  }
0x89: {  	s3 =	sld [smem:$0x3FFE];
	_ =	sdelay $0x1  }
0x8a: {  	s1 =	srdreg.scid  }
0x8b: {  	s0 =	sand.u32 $0x1, s1  }
0x8c: {  	s17 =	sshll.u32 s0, $0xA;
	s2 =	sadd.s32 s3, s2  }
0x8d: {  	s2 =	sadd.s32 s2, s17  }
0x8e: {  	[smem:$0x3FBF] =	sst s2  }
0x8f: {  	_ = 	snop  }
0x90: {  	s2 =	sld [smem:$0x3FC9]  }
0x91: {  	s18 =	sld [smem:$0x3FC8]  }
0x92: {  	s4 =	sld [smem:$0x3FC7]  }
0x93: {  	s5 =	sld [smem:$0x3FC6]  }
0x94: {  	s6 =	sld [smem:$0x3FC5]  }
0x95: {  	s7 =	sld [smem:$0x3FC4]  }
0x96: {  	s8 =	sld [smem:$0x3FC3]  }
0x97: {  	s9 =	sld [smem:$0x3FC2]  }
0x98: {  	s10 =	sld [smem:$0x3FC1];
	(tm) =	ssettm $0x1  }
0x99: {  	s11 =	sld [smem:$0x3FFB];
	_ =	sdelay $0x3  }
0x9a: {  	_ =	strace s11  }
0x9b: {  	s11 =	sld [smem:$0x3FFC];
	_ =	sdelay $0x3  }
0x9c: {  	_ =	strace s11  }
0x9d: {  	s11 =	sld [smem:$0x3FFD];
	_ =	sdelay $0x3  }
0x9e: {  	_ =	strace s11  }
0x9f: {  	_ =	strace $0x8FFFFFFF  }
0xa0: {  	s19 =	sld [smem:$0x3FDB];
	_ =	sdelay $0x1  }
0xa1: {  	s12 =	simm.s32 $_scs_section_size  }
0xa2: {  	s13 =	simm.s32 $_size__tile_overlayer_lowered;
	s14 =	simm.s32 $_tile_overlayer_lowered  }
0xa3: {  	s22 =	simm.s32 $0x1BFF;
	s21 =	sshll.u32 s14, $0x1;
	s11 =	sadd.s32 s12, s19  }
0xa4: {  	s15 =	simm.s32 $0x0;
	s20 =	sshll.u32 s13, $0x1;
	s13 =	sadd.s32 s21, s11  }
0xa5: {  	[timem:s15], [sflag:s22] =	dma.local [hbm:s13], s20  }
0xa6: {  	_ =	swait.ge [sflag:s22], s20  }
0xa7: {  	s12 =	ssub.s32 $0x0, s20;
	[sflag:s22] =	ssyncset.done $0x0  }
0xa8: {  	[sflag:s22] =	ssyncadd.s32 s12;
	_ =	sdelay $0x1  }
0xa9: {  	s23 =	simm.s32 $0x1B8B  }
0xaa: {  	_ =	swait.ge [sflag:s23], $0x1  }
0xab: {  	[sflag:s23] =	ssyncset.done $0x0  }
0xac: {  	s25 =	simm.s32 $0x1B8E;
	s24 =	sld [smem:$0x3FFE];
	[sflag:s23] =	ssyncadd.s32 $0xFFFFFFFF  }
0xad: {  	s26 =	simm.s32 $execute0_lowered;
	[smem:$0x3FD2] =	sst s25  }
0xae: {  	s13 =	sshll.u32 s26, $0x1;
	_ =	strace $0x80000046;
	[dreg:$0x1] =	wrdreg $0xFFFFFFFF  }
0xaf: {  	s28 =	simm.s32 $_size_execute0_lowered;
	s11 =	sadd.s32 s11, s13;
	[dreg:$0x0] =	wrdreg $0x0  }
0xb0: {  	s13 =	sshll.u32 s28, $0x1;
	[dreg:$0x2] =	wrdreg s11  }
0xb1: {  	[dreg:$0x3] =	wrdreg s13  }
0xb2: {  	[dreg:$0x4] =	wrdreg $0xC0  }
0xb3: {  	_ =	task [dreg:s15], $0x5FFFF  }
0xb4: {  	[dreg:$0x1] =	wrdreg $0xFFFFFFFF  }
0xb5: {  	[dreg:$0x0] =	wrdreg $0x60  }
0xb6: {  	[dreg:$0x2] =	wrdreg s2  }
0xb7: {  	[dreg:$0x3] =	wrdreg s18  }
0xb8: {  	[dreg:$0x4] =	wrdreg s4  }
0xb9: {  	[dreg:$0x5] =	wrdreg s5  }
0xba: {  	[dreg:$0x6] =	wrdreg s6  }
0xbb: {  	[dreg:$0x7] =	wrdreg s7  }
0xbc: {  	[dreg:$0x8] =	wrdreg s8  }
0xbd: {  	[dreg:$0x9] =	wrdreg s9  }
0xbe: {  	[dreg:$0xa] =	wrdreg s10  }
0xbf: {  	[dreg:$0xb] =	wrdreg s24  }
0xc0: {  	[dreg:$0xc] =	wrdreg $0x9  }
0xc1: {  	_ =	task.clear_ibuf [dreg:s15], $0xDFFFF;
	_ =	strace $0x90000046  }
0xc2: {  	s29 =	simm.s32 $0x9;
	_ =	strace $0x80000048  }
0xc3: {  	_ =	swait.ge [sflag:s29], $0x1  }
0xc4: {  	[sflag:s29] =	ssyncadd.s32 $0xFFFFFFFF  }
0xc5: {  	_ =	strace $0x90000048  }
0xc6: {  	_ =	sfence  }
0xc7: {  	s30 =	sld [smem:$0x0];
	_ =	sdelay $0x2  }
0xc8: {  	s31 =	sshll.u32 s1, $0xD;
	s1 =	sshrl.u32 s1, $0x2  }
0xc9: {  	s3 =	sand.u32 $0x4000, s31;
	s1 =	sadd.s32 s1, s30  }
0xca: {  	s0 =	sor.u32 s3, s0;
	s1 =	sshll.u32 s1, $0x11  }
0xcb: {  	s0 =	sor.u32 s1, s0  }
0xcc: {  	s0 =	sadd.s32 $0x8F2B, s0  }
0xcd: {  	[sflag:s0] =	ssyncadd.remote.s32 $0x1  }
0xce: {  	_ =	sfence.sel $0xFFFF  }
0xcf: {  	[dreg:$0x0] =	wrdreg $0xFFFFFFFF;
	(pc) =	sbr.abs _section_cstart, $3  }
0xd0: {  	[dreg:$0x1] =	wrdreg $0xFFFFFFFF  }
0xd1: {  	_ =	task.clear_ibuf [dreg:s15], $0x2FFFF;
	_ =	strace $0x9FFFFFFF  }
0xd2: {  	(tm) =	ssettm $0x7FFFFFFF  }
0xd3: {  	_ =	shalt  }
tec
execute0_lowered:
.L_overlay_start_1:
0x0: {  	(tag) =	ssettag $0x1  }
0x1: {  	s4 =	rddreg [dreg:$0x0]  }
0x2: {  	s5 =	rddreg [dreg:$0x1]  }
0x3: {  	s6 =	rddreg [dreg:$0x2]  }
0x4: {  	s7 =	rddreg [dreg:$0x3];
	v0 =	vlaneseq.u32  }
0x5: {  	s8 =	rddreg [dreg:$0x4];
	s11 =	simm.s32 $0x0;
	v63 =	vmul.u32 $0x32, v0  }
0x6: {  	[smem:$0x7FF] =	sst s11  }
0x7: {  	s2 =	rddreg [dreg:$0x9];
	_ =	strace $0x80000047;
	v1 =	vadd.s32 $0x5, v63;
	[tilespmem:$0x1FFA0] =	vst v63  }
0x8: {  	v0 =	vor.u32 $0x1, v63;
	[tilespmem:$0x1FDD0] =	vst v1  }
0x9: {  	v4 =	vadd.s32 $0x30, v63;
	[tilespmem:$0x1FF90] =	vst v0  }
0xa: {  	v7 =	vadd.s32 $0x31, v63;
	[tilespmem:$0x1FFB0] =	vst v4  }
0xb: {  	v5 =	vadd.s32 $0x2, v63;
	[tilespmem:$0x1FFC0] =	vst v7  }
0xc: {  	v6 =	vadd.s32 $0x3, v63;
	[tilespmem:$0x1FFD0] =	vst v5  }
0xd: {  	v49 =	vadd.s32 $0x2E, v63;
	[tilespmem:$0x1FFE0] =	vst v6  }
0xe: {  	v1 =	vadd.s32 $0x6, v63;
	[tilespmem:$0x1FFF0] =	vst v49  }
0xf: {  	[tilespmem:$0x1FDE0] =	vst v1;
	v1 =	vadd.s32 $0x7, v63  }
0x10: {  	[tilespmem:$0x1FDF0] =	vst v1;
	v1 =	vadd.s32 $0x8, v63  }
0x11: {  	[tilespmem:$0x1FE00] =	vst v1;
	v1 =	vadd.s32 $0x9, v63  }
0x12: {  	[tilespmem:$0x1FE10] =	vst v1;
	v1 =	vadd.s32 $0xA, v63  }
0x13: {  	[tilespmem:$0x1FE20] =	vst v1;
	v1 =	vadd.s32 $0xB, v63  }
0x14: {  	[tilespmem:$0x1FE30] =	vst v1;
	v1 =	vadd.s32 $0xC, v63  }
0x15: {  	[tilespmem:$0x1FE40] =	vst v1;
	v1 =	vadd.s32 $0xD, v63  }
0x16: {  	s0 =	srdreg.scid;
	s1 =	stileid.u32;
	[tilespmem:$0x1FE50] =	vst v1;
	v1 =	vadd.s32 $0xE, v63  }
0x17: {  	s0 =	sand.u32 $0x1, s0;
	s1 =	sshll.u32 s1, $0x1;
	[tilespmem:$0x1FE60] =	vst v1;
	v1 =	vadd.s32 $0xF, v63  }
0x18: {  	s1 =	sor.u32 s0, s1;
	[tilespmem:$0x1FE70] =	vst v1;
	v1 =	vadd.s32 $0x10, v63  }
0x19: {  	s2 =	sadd.s32 $0x400, s2;
	s0 =	ssub.s32 $0x2, s0;
	s9 =	smul.u32 $0x1900, s1;
	[tilespmem:$0x1FE80] =	vst v1;
	v1 =	vadd.s32 $0x11, v63  }
0x1a: {  	[dreg:$0xc] =	wrdreg s2;
	s14 =	sshrl.u32 s0, $0x1;
	[tilespmem:$0x1FE90] =	vst v1;
	v1 =	vadd.s32 $0x12, v63  }
0x1b: {  	s0 =	ssub.s32 s0, s14;
	s25 =	sor.u32 $0xA0, s9;
	[dreg:$0xb] =	wrdreg s9;
	[tilespmem:$0x1FEA0] =	vst v1;
	v1 =	vadd.s32 $0x13, v63  }
0x1c: {  	s0 =	smax.u32 s0, $0x1;
	[dreg:$0x17] =	wrdreg s25;
	[tilespmem:$0x1FEB0] =	vst v1;
	v1 =	vadd.s32 $0x14, v63  }
0x1d: {  	s26 =	sor.u32 $0x50, s9;
	[dreg:$0x18] =	wrdreg s0;
	[tilespmem:$0x1FEC0] =	vst v1;
	v1 =	vadd.s32 $0x15, v63  }
0x1e: {  	s3 =	sshrl.u32 s9, $0x3;
	s28 =	sor.u32 $0xF0, s9;
	[dreg:$0x19] =	wrdreg s26;
	[tilespmem:$0x1FED0] =	vst v1;
	v1 =	vadd.s32 $0x16, v63  }
0x1f: {  	s15 =	sadd.s32 s4, s3;
	[dreg:$0x1a] =	wrdreg s28;
	[tilespmem:$0x1FEE0] =	vst v1;
	v1 =	vadd.s32 $0x17, v63  }
0x20: {  	s16 =	sadd.s32 s5, s3;
	[dreg:$0xd] =	wrdreg s15;
	[tilespmem:$0x1FEF0] =	vst v1;
	v1 =	vadd.s32 $0x18, v63  }
0x21: {  	s30 =	simm.s32 $0x800;
	s17 =	sadd.s32 s6, s3;
	[dreg:$0xe] =	wrdreg s16;
	[tilespmem:$0x1FF00] =	vst v1;
	v1 =	vadd.s32 $0x19, v63  }
0x22: {  	s31 =	simm.s32 $0x1000;
	s19 =	sadd.s32 s7, s3;
	[dreg:$0xf] =	wrdreg s17;
	[tilespmem:$0x1FF10] =	vst v1;
	v1 =	vadd.s32 $0x1A, v63  }
0x23: {  	v62 =	vadd.s32 $0x4, v63;
	v9 =	vadd.s32 $0x21, v63;
	s18 =	sor.u32 $0xA, s3;
	s20 =	sadd.s32 s8, s3;
	[dreg:$0x10] =	wrdreg s19;
	[tilespmem:$0x1FF20] =	vst v1;
	v1 =	vadd.s32 $0x1B, v63  }
0x24: {  	s10 =	simm.s32 $0x5300;
	v37 =	vadd.s32 $0x22, v63;
	v38 =	vadd.s32 $0x23, v63;
	[dreg:$0x11] =	wrdreg s20;
	s21 =	sadd.s32 s4, s18;
	[tilespmem:$0x1FF30] =	vst v1;
	v1 =	vadd.s32 $0x1C, v63  }
.Ltmp0:
0x25: {  	v39 =	vadd.s32 $0x24, v63;
	v40 =	vadd.s32 $0x25, v63;
	s22 =	sadd.s32 s5, s18;
	[dreg:$0x12] =	wrdreg s21;
	[tilespmem:$0x1FF40] =	vst v1;
	v1 =	vadd.s32 $0x1D, v63;
	(pc) =	sbr.rel .LBB2_1-.Ltmp0, $4  }
0x26: {  	s29 =	simm.s32 $0x0;
	v41 =	vadd.s32 $0x26, v63;
	v42 =	vadd.s32 $0x27, v63;
	s23 =	sadd.s32 s6, s18;
	[dreg:$0x13] =	wrdreg s22;
	[tilespmem:$0x1FF50] =	vst v1;
	v1 =	vadd.s32 $0x1E, v63  }
0x27: {  	s2 =	simm.s32 $0x0;
	v43 =	vadd.s32 $0x28, v63;
	v44 =	vadd.s32 $0x29, v63;
	s24 =	sadd.s32 s7, s18;
	[dreg:$0x14] =	wrdreg s23;
	[tilespmem:$0x1FF60] =	vst v1;
	v1 =	vadd.s32 $0x1F, v63  }
0x28: {  	v45 =	vadd.s32 $0x2A, v63;
	v46 =	vadd.s32 $0x2B, v63;
	s9 =	simm.s32 $0x5200;
	s1 =	sadd.s32 s8, s18;
	[dreg:$0x15] =	wrdreg s24;
	[tilespmem:$0x1FF70] =	vst v1;
	v1 =	vadd.s32 $0x20, v63  }
0x29: {  	v47 =	vadd.s32 $0x2C, v63;
	v48 =	vadd.s32 $0x2D, v63;
	v8 =	vadd.s32 $0x2F, v63;
	s16 =	simm.s32 $0xF380;
	s18 =	simm.s32 $0x2;
	[dreg:$0x16] =	wrdreg s1;
	[tilespmem:$0x1FF80] =	vst v1  }
.LBB2_14:
0x2a: {  	s0 =	simm.s32 $0x5  }
0x2b: {  	_ =	swait.ge [sflag:s0], $0x7800  }
0x2c: {  	[sflag:s0] =	ssyncset.done $0x0  }
0x2d: {  	s1 =	simm.s32 $0x6;
	[sflag:s0] =	ssyncadd.s32 $0xFFFF8800  }
0x2e: {  	_ =	swait.ge [sflag:s1], $0x7800  }
0x2f: {  	s2 =	rddreg [dreg:$0x1b]  }
0x30: {  	s28 =	rddreg [dreg:$0x18];
	s2 =	sadd.s32 $0x1, s2  }
0x31: {  	p0 =	sne.s32 s2, s28  }
.Ltmp1:
0x32: {  	_ = 	snop;
	(pc) =	sbr.rel @!p0 .LBB2_15-.Ltmp1, $3  }
0x33: {  	_ =	sdelay $0x1  }
0x34: {  	[sflag:s1] =	ssyncset.done $0x0  }
0x35: {  	s9 =	simm.s32 $0x5200;
	s10 =	simm.s32 $0x5300;
	v0 =	vld [tilespmem:$0x1FF90];
	[sflag:s1] =	ssyncadd.s32 $0xFFFF8800  }
.LBB2_1:
0x36: {  	[dreg:$0x1b] =	wrdreg s2  }
0x37: {  	s0 =	rddreg [dreg:$0x5];
	s1 =	simm.s32 $0x7  }
0x38: {  	[tilespmem:s11], [sflag:$0x7] =	stream.linear.gather [hbm4b:s0+s11], $0x800, $0x38;
	[tilespmem:$0x1F380] =	vst v63  }
0x39: {  	_ =	swait.ge [sflag:s1], $0x800  }
0x3a: {  	[sflag:s1] =	ssyncset.done $0x0  }
0x3b: {  	[sflag:s1] =	ssyncadd.s32 $0xFFFFF800  }
0x3c: {  	s24 =	rddreg [dreg:$0x6]  }
0x3d: {  	[tilespmem:s30], [sflag:$0x7] =	stream.linear.gather [hbm4b:s24+s11], $0x800, $0x38;
	[tilespmem:$0x1F380] =	vst v63  }
0x3e: {  	_ =	swait.ge [sflag:s1], $0x800  }
0x3f: {  	[sflag:s1] =	ssyncset.done $0x0  }
0x40: {  	[sflag:s1] =	ssyncadd.s32 $0xFFFFF800  }
0x41: {  	s25 =	rddreg [dreg:$0x7]  }
0x42: {  	[tilespmem:s31], [sflag:$0x7] =	stream.linear.gather [hbm4b:s25+s11], $0x3E80, $0x38;
	[tilespmem:$0x1F380] =	vst v63  }
0x43: {  	_ =	swait.ge [sflag:s1], $0x3E80  }
0x44: {  	[sflag:s1] =	ssyncset.done $0x0  }
0x45: {  	s0 =	simm.s32 $0x4E80;
	s26 =	rddreg [dreg:$0xd];
	[sflag:s1] =	ssyncadd.s32 $0xFFFFC180  }
0x46: {  	[tilespmem:s0], [sflag:$0x1] =	stream.linear.gather [hbm4b:s26+s11], $0x50, $0x38;
	[tilespmem:$0x1F380] =	vst v63  }
0x47: {  	s28 =	simm.s32 $0x4F80;
	s7 =	rddreg [dreg:$0xe]  }
0x48: {  	[tilespmem:s28], [sflag:$0x1] =	stream.linear.gather [hbm4b:s7+s11], $0x50, $0x38;
	[tilespmem:$0x1F380] =	vst v63  }
0x49: {  	s8 =	simm.s32 $0x5080;
	s3 =	rddreg [dreg:$0xf]  }
0x4a: {  	[tilespmem:s8], [sflag:$0x1] =	stream.linear.gather [hbm4b:s3+s11], $0x50, $0x38;
	[tilespmem:$0x1F380] =	vst v63  }
0x4b: {  	s4 =	simm.s32 $0x5180;
	s12 =	rddreg [dreg:$0x10]  }
0x4c: {  	[tilespmem:s4], [sflag:$0x1] =	stream.linear.gather [hbm4b:s12+s11], $0x50, $0x38;
	[tilespmem:$0x1F380] =	vst v63  }
0x4d: {  	s5 =	simm.s32 $0x5280;
	s13 =	rddreg [dreg:$0x11]  }
0x4e: {  	[tilespmem:s5], [sflag:$0x1] =	stream.linear.gather [hbm4b:s13+s11], $0x50, $0x38;
	[tilespmem:$0x1F380] =	vst v63  }
0x4f: {  	s6 =	simm.s32 $0x4F00;
	s14 =	rddreg [dreg:$0x12]  }
0x50: {  	[tilespmem:s6], [sflag:$0x2] =	stream.linear.gather [hbm4b:s14+s11], $0x50, $0x38;
	[tilespmem:$0x1F380] =	vst v63  }
0x51: {  	s17 =	simm.s32 $0x5000;
	s15 =	rddreg [dreg:$0x13]  }
0x52: {  	[tilespmem:s17], [sflag:$0x2] =	stream.linear.gather [hbm4b:s15+s11], $0x50, $0x38;
	[tilespmem:$0x1F380] =	vst v63  }
0x53: {  	s20 =	simm.s32 $0x5100;
	s19 =	rddreg [dreg:$0x14]  }
0x54: {  	[tilespmem:s20], [sflag:$0x2] =	stream.linear.gather [hbm4b:s19+s11], $0x50, $0x38;
	[tilespmem:$0x1F380] =	vst v63  }
0x55: {  	s21 =	rddreg [dreg:$0x15]  }
0x56: {  	[tilespmem:s9], [sflag:$0x2] =	stream.linear.gather [hbm4b:s21+s11], $0x50, $0x38;
	[tilespmem:$0x1F380] =	vst v63  }
0x57: {  	s23 =	simm.s32 $0x1;
	s22 =	rddreg [dreg:$0x16]  }
0x58: {  	[tilespmem:s10], [sflag:$0x2] =	stream.linear.gather [hbm4b:s22+s11], $0x50, $0x38;
	[tilespmem:$0x1F380] =	vst v63  }
0x59: {  	_ =	swait.ge [sflag:s23], $0x50  }
0x5a: {  	[sflag:s23] =	ssyncset.done $0x0  }
0x5b: {  	[sflag:s23] =	ssyncadd.s32 $0xFFFFFFB0  }
0x5c: {  	_ =	swait.ge [sflag:s23], $0x50  }
0x5d: {  	[sflag:s23] =	ssyncset.done $0x0  }
0x5e: {  	[sflag:s23] =	ssyncadd.s32 $0xFFFFFFB0  }
0x5f: {  	_ =	swait.ge [sflag:s23], $0x50  }
0x60: {  	[sflag:s23] =	ssyncset.done $0x0  }
0x61: {  	[sflag:s23] =	ssyncadd.s32 $0xFFFFFFB0  }
0x62: {  	_ =	swait.ge [sflag:s23], $0x50  }
0x63: {  	[sflag:s23] =	ssyncset.done $0x0  }
0x64: {  	[sflag:s23] =	ssyncadd.s32 $0xFFFFFFB0  }
0x65: {  	_ =	swait.ge [sflag:s23], $0x50  }
0x66: {  	[sflag:s23] =	ssyncset.done $0x0  }
0x67: {  	[sflag:s23] =	ssyncadd.s32 $0xFFFFFFB0  }
0x68: {  	s24 =	simm.s32 $0x50;
	s7 =	simm.s32 $0x5380;
	s3 =	rddreg [dreg:$0x8]  }
0x69: {  	[tilespmem:s7], [sflag:$0x3] =	stream.indirect.gather [hbm4b:s3+s24], $0x80, s4, s24, $0xb8;
	[tilespmem:$0x1F380] =	vst v63  }
0x6a: {  	s25 =	simm.s32 $0xA380  }
0x6b: {  	[tilespmem:s25], [sflag:$0x3] =	stream.indirect.gather [hbm4b:s3+s24], $0x80, s5, s24, $0xb8;
	[tilespmem:$0x1F380] =	vst v63  }
0x6c: {  	v50 =	vld [tilespmem:s0+$0x0];
	_ =	sdelay $0x4  }
0x6d: {  	v51 =	vmul.u32 $0x5, v50  }
0x6e: {  	v34 =	vmov s11  }
0x6f: {  	v50 =	vmul.u32 $0x32, v34;
	_ =	sdelay $0x1  }
0x70: {  	v50 =	vbroadcast v50, $0x0;
	_ =	sdelay $0x1  }
0x71: {  	v53 =	vadd.s32 v63, v50;
	v52 =	vld.idx.msk [tilespmem:v51+s11+$0x0], $0xffff  }
0x72: {  	v54 =	vadd.s32 $0x1, v51;
	_ =	sdelay $0x2  }
0x73: {  	v55 =	vld [tilespmem:s28+$0x0]  }
0x74: {  	v56 =	vld [tilespmem:s8+$0x0];
	[tilespmem:v53+s16+$0x0] =	vst.idx.msk $0xffff, v52  }
0x75: {  	v35 =	vadd.s32 v0, v50;
	v52 =	vld.idx.msk [tilespmem:v54+s11+$0x0], $0xffff  }
0x76: {  	v36 =	vadd.s32 $0x2, v51;
	_ =	sdelay $0x3  }
0x77: {  	[tilespmem:v35+s16+$0x0] =	vst.idx.msk $0xffff, v52  }
0x78: {  	v49 =	vadd.s32 v5, v50;
	v52 =	vld.idx.msk [tilespmem:v36+s11+$0x0], $0xffff  }
0x79: {  	v57 =	vadd.s32 $0x3, v51;
	_ =	sdelay $0x3  }
0x7a: {  	[tilespmem:v49+s16+$0x0] =	vst.idx.msk $0xffff, v52  }
0x7b: {  	v58 =	vadd.s32 v6, v50;
	v52 =	vld.idx.msk [tilespmem:v57+s11+$0x0], $0xffff  }
0x7c: {  	v51 =	vadd.s32 $0x4, v51;
	_ =	sdelay $0x3  }
0x7d: {  	[tilespmem:v58+s16+$0x0] =	vst.idx.msk $0xffff, v52  }
0x7e: {  	v60 =	vadd.s32 v62, v50;
	v51 =	vld.idx.msk [tilespmem:v51+s11+$0x0], $0xffff;
	_ =	sdelay $0x4  }
0x7f: {  	v59 =	vmul.u32 $0x5, v55;
	[tilespmem:v60+s16+$0x0] =	vst.idx.msk $0xffff, v51  }
0x80: {  	v1 =	vld [tilespmem:$0x1FDD0];
	_ =	sdelay $0x4  }
0x81: {  	v51 =	vld.idx.msk [tilespmem:v59+s30+$0x0], $0xffff;
	v61 =	vadd.s32 v1, v50;
	_ =	sdelay $0x4  }
0x82: {  	[tilespmem:v61+s16+$0x0] =	vst.idx.msk $0xffff, v51  }
0x83: {  	v32 =	vadd.s32 $0x1, v59;
	v2 =	vld [tilespmem:$0x1FDE0];
	_ =	sdelay $0x4  }
0x84: {  	v51 =	vld.idx.msk [tilespmem:v32+s30+$0x0], $0xffff;
	v33 =	vadd.s32 v2, v50;
	_ =	sdelay $0x4  }
0x85: {  	[tilespmem:v33+s16+$0x0] =	vst.idx.msk $0xffff, v51  }
0x86: {  	v34 =	vadd.s32 $0x2, v59;
	v3 =	vld [tilespmem:$0x1FDF0];
	_ =	sdelay $0x4  }
0x87: {  	v51 =	vld.idx.msk [tilespmem:v34+s30+$0x0], $0xffff;
	v35 =	vadd.s32 v3, v50;
	_ =	sdelay $0x4  }
0x88: {  	v7 =	vmov v47;
	v47 =	vmov v45;
	v45 =	vmov v43;
	[tilespmem:v35+s16+$0x0] =	vst.idx.msk $0xffff, v51  }
0x89: {  	v43 =	vmovc v41;
	v41 =	vmovc v39;
	v39 =	vmov v37;
	v37 =	vmov v5;
	v36 =	vadd.s32 $0x3, v59;
	v5 =	vld [tilespmem:$0x1FE00];
	_ =	sdelay $0x4  }
0x8a: {  	v51 =	vld.idx.msk [tilespmem:v36+s30+$0x0], $0xffff;
	v49 =	vadd.s32 v5, v50;
	_ =	sdelay $0x4  }
0x8b: {  	v52 =	vadd.s32 $0x4, v59;
	[tilespmem:v49+s16+$0x0] =	vst.idx.msk $0xffff, v51;
	v49 =	vmov v48;
	v48 =	vmov v46  }
0x8c: {  	v46 =	vmovc v44;
	v44 =	vmovc v42;
	v42 =	vmov v40;
	v40 =	vmov v38;
	v38 =	vmov v6;
	v6 =	vld [tilespmem:$0x1FE10];
	_ =	sdelay $0x4  }
0x8d: {  	v52 =	vld.idx.msk [tilespmem:v52+s30+$0x0], $0xffff;
	v57 =	vadd.s32 v6, v50;
	_ =	sdelay $0x4  }
0x8e: {  	v51 =	vmul.u32 $0x28, v56;
	[tilespmem:v57+s16+$0x0] =	vst.idx.msk $0xffff, v52  }
0x8f: {  	v15 =	vld [tilespmem:$0x1FE20];
	_ =	sdelay $0x4  }
0x90: {  	v52 =	vld.idx.msk [tilespmem:v51+s31+$0x0], $0xffff;
	v58 =	vadd.s32 v15, v50;
	_ =	sdelay $0x4  }
0x91: {  	[tilespmem:v58+s16+$0x0] =	vst.idx.msk $0xffff, v52  }
0x92: {  	v59 =	vor.u32 $0x1, v51;
	v16 =	vld [tilespmem:$0x1FE30];
	_ =	sdelay $0x4  }
0x93: {  	v52 =	vld.idx.msk [tilespmem:v59+s31+$0x0], $0xffff;
	v60 =	vadd.s32 v16, v50;
	_ =	sdelay $0x4  }
0x94: {  	[tilespmem:v60+s16+$0x0] =	vst.idx.msk $0xffff, v52  }
0x95: {  	v61 =	vor.u32 $0x2, v51;
	v17 =	vld [tilespmem:$0x1FE40];
	_ =	sdelay $0x4  }
0x96: {  	v52 =	vld.idx.msk [tilespmem:v61+s31+$0x0], $0xffff;
	v32 =	vadd.s32 v17, v50;
	_ =	sdelay $0x4  }
0x97: {  	[tilespmem:v32+s16+$0x0] =	vst.idx.msk $0xffff, v52  }
0x98: {  	v33 =	vor.u32 $0x3, v51;
	v18 =	vld [tilespmem:$0x1FE50];
	_ =	sdelay $0x4  }
0x99: {  	v52 =	vld.idx.msk [tilespmem:v33+s31+$0x0], $0xffff;
	v34 =	vadd.s32 v18, v50;
	_ =	sdelay $0x4  }
0x9a: {  	[tilespmem:v34+s16+$0x0] =	vst.idx.msk $0xffff, v52  }
0x9b: {  	v35 =	vor.u32 $0x4, v51;
	v19 =	vld [tilespmem:$0x1FE60];
	_ =	sdelay $0x4  }
0x9c: {  	v52 =	vld.idx.msk [tilespmem:v35+s31+$0x0], $0xffff;
	v36 =	vadd.s32 v19, v50;
	_ =	sdelay $0x4  }
0x9d: {  	[tilespmem:v36+s16+$0x0] =	vst.idx.msk $0xffff, v52  }
0x9e: {  	v57 =	vor.u32 $0x5, v51;
	v36 =	vld [tilespmem:$0x1FE70];
	_ =	sdelay $0x4  }
0x9f: {  	v52 =	vld.idx.msk [tilespmem:v57+s31+$0x0], $0xffff;
	v58 =	vadd.s32 v36, v50;
	_ =	sdelay $0x4  }
0xa0: {  	[tilespmem:v58+s16+$0x0] =	vst.idx.msk $0xffff, v52  }
0xa1: {  	v59 =	vor.u32 $0x6, v51;
	v10 =	vld [tilespmem:$0x1FE80];
	_ =	sdelay $0x2  }
0xa2: {  	s26 =	simm.s32 $0x4E90  }
0xa3: {  	v60 =	vld [tilespmem:s26+$0x0]  }
0xa4: {  	v52 =	vld.idx.msk [tilespmem:v59+s31+$0x0], $0xffff;
	v61 =	vadd.s32 v10, v50;
	_ =	sdelay $0x3  }
0xa5: {  	s28 =	simm.s32 $0x10;
	v54 =	vmul.u32 $0x5, v60;
	v33 =	vor.u32 $0x7, v51  }
0xa6: {  	v34 =	vmov s28;
	[tilespmem:v61+s16+$0x0] =	vst.idx.msk $0xffff, v52  }
0xa7: {  	v56 =	vmul.u32 $0x32, v34;
	v32 =	vmov v10;
	v10 =	vld [tilespmem:$0x1FE90];
	_ =	sdelay $0x1  }
0xa8: {  	v52 =	vbroadcast v56, $0x0  }
0xa9: {  	v53 =	vld.idx.msk [tilespmem:v33+s31+$0x0], $0xffff  }
0xaa: {  	v33 =	vld.idx.msk [tilespmem:v54+s11+$0x0], $0xffff;
	v57 =	vadd.s32 v63, v52  }
0xab: {  	v35 =	vadd.s32 v10, v50;
	_ =	sdelay $0x1  }
0xac: {  	s6 =	simm.s32 $0x4F90  }
0xad: {  	s14 =	simm.s32 $0x5090;
	v60 =	vld [tilespmem:s6+$0x0]  }
0xae: {  	v61 =	vld [tilespmem:s14+$0x0];
	[tilespmem:v57+s16+$0x0] =	vst.idx.msk $0xffff, v33  }
0xaf: {  	v59 =	vadd.s32 $0x1, v54;
	[tilespmem:v35+s16+$0x0] =	vst.idx.msk $0xffff, v53  }
0xb0: {  	v58 =	vadd.s32 $0x8, v51;
	v21 =	vmov v10;
	v10 =	vld [tilespmem:$0x1FEA0];
	_ =	sdelay $0x3  }
0xb1: {  	v56 =	vld.idx.msk [tilespmem:v59+s11+$0x0], $0xffff;
	v35 =	vadd.s32 v0, v52  }
0xb2: {  	v53 =	vld.idx.msk [tilespmem:v58+s31+$0x0], $0xffff;
	v34 =	vadd.s32 v10, v50;
	_ =	sdelay $0x3  }
0xb3: {  	[tilespmem:v35+s16+$0x0] =	vst.idx.msk $0xffff, v56  }
0xb4: {  	v33 =	vadd.s32 $0x2, v54;
	[tilespmem:v34+s16+$0x0] =	vst.idx.msk $0xffff, v53  }
0xb5: {  	v63 =	vadd.s32 $0x9, v51;
	v22 =	vmov v10;
	v10 =	vld [tilespmem:$0x1FEB0];
	_ =	sdelay $0x3  }
0xb6: {  	v35 =	vadd.s32 v37, v52;
	v56 =	vld.idx.msk [tilespmem:v33+s11+$0x0], $0xffff  }
0xb7: {  	v53 =	vld.idx.msk [tilespmem:v63+s31+$0x0], $0xffff;
	v34 =	vadd.s32 v10, v50;
	_ =	sdelay $0x3  }
0xb8: {  	[tilespmem:v35+s16+$0x0] =	vst.idx.msk $0xffff, v56  }
0xb9: {  	v33 =	vadd.s32 $0x3, v54;
	[tilespmem:v34+s16+$0x0] =	vst.idx.msk $0xffff, v53  }
0xba: {  	v63 =	vadd.s32 $0xA, v51;
	v23 =	vmov v10;
	v10 =	vld [tilespmem:$0x1FEC0];
	_ =	sdelay $0x3  }
0xbb: {  	v35 =	vadd.s32 v38, v52;
	v56 =	vld.idx.msk [tilespmem:v33+s11+$0x0], $0xffff  }
0xbc: {  	v53 =	vld.idx.msk [tilespmem:v63+s31+$0x0], $0xffff;
	v34 =	vadd.s32 v10, v50;
	_ =	sdelay $0x3  }
0xbd: {  	[tilespmem:v35+s16+$0x0] =	vst.idx.msk $0xffff, v56  }
0xbe: {  	v54 =	vadd.s32 $0x4, v54;
	[tilespmem:v34+s16+$0x0] =	vst.idx.msk $0xffff, v53  }
0xbf: {  	v63 =	vadd.s32 $0xB, v51;
	v24 =	vmov v10;
	v10 =	vld [tilespmem:$0x1FED0];
	_ =	sdelay $0x3  }
0xc0: {  	v54 =	vld.idx.msk [tilespmem:v54+s11+$0x0], $0xffff;
	v34 =	vadd.s32 v62, v52  }
0xc1: {  	v53 =	vld.idx.msk [tilespmem:v63+s31+$0x0], $0xffff;
	v33 =	vadd.s32 v10, v50;
	_ =	sdelay $0x3  }
0xc2: {  	v56 =	vmul.u32 $0x5, v60;
	[tilespmem:v34+s16+$0x0] =	vst.idx.msk $0xffff, v54  }
0xc3: {  	[tilespmem:v33+s16+$0x0] =	vst.idx.msk $0xffff, v53  }
0xc4: {  	v35 =	vadd.s32 $0xC, v51;
	v26 =	vmov v10;
	v10 =	vld [tilespmem:$0x1FEE0];
	_ =	sdelay $0x3  }
0xc5: {  	v63 =	vld.idx.msk [tilespmem:v56+s30+$0x0], $0xffff;
	v33 =	vadd.s32 v1, v52  }
0xc6: {  	v53 =	vld.idx.msk [tilespmem:v35+s31+$0x0], $0xffff;
	v60 =	vadd.s32 v10, v50;
	_ =	sdelay $0x3  }
0xc7: {  	[tilespmem:v33+s16+$0x0] =	vst.idx.msk $0xffff, v63  }
0xc8: {  	v35 =	vadd.s32 $0x1, v56;
	[tilespmem:v60+s16+$0x0] =	vst.idx.msk $0xffff, v53  }
0xc9: {  	v20 =	vmov v1;
	v34 =	vadd.s32 $0xD, v51;
	v1 =	vld [tilespmem:$0x1FEF0];
	_ =	sdelay $0x3  }
0xca: {  	v63 =	vadd.s32 v2, v52;
	v55 =	vld.idx.msk [tilespmem:v35+s30+$0x0], $0xffff  }
0xcb: {  	v53 =	vld.idx.msk [tilespmem:v34+s31+$0x0], $0xffff;
	v60 =	vadd.s32 v1, v50;
	_ =	sdelay $0x3  }
0xcc: {  	[tilespmem:v63+s16+$0x0] =	vst.idx.msk $0xffff, v55  }
0xcd: {  	v34 =	vadd.s32 $0x2, v56;
	[tilespmem:v60+s16+$0x0] =	vst.idx.msk $0xffff, v53  }
0xce: {  	v33 =	vadd.s32 $0xE, v51;
	v25 =	vmov v1;
	v1 =	vld [tilespmem:$0x1FF00];
	_ =	sdelay $0x3  }
0xcf: {  	v55 =	vld.idx.msk [tilespmem:v34+s30+$0x0], $0xffff;
	v60 =	vadd.s32 v3, v52  }
0xd0: {  	v53 =	vld.idx.msk [tilespmem:v33+s31+$0x0], $0xffff;
	v35 =	vadd.s32 v1, v50;
	_ =	sdelay $0x3  }
0xd1: {  	[tilespmem:v60+s16+$0x0] =	vst.idx.msk $0xffff, v55  }
0xd2: {  	v33 =	vadd.s32 $0x3, v56;
	[tilespmem:v35+s16+$0x0] =	vst.idx.msk $0xffff, v53  }
0xd3: {  	v63 =	vadd.s32 $0xF, v51;
	v29 =	vmov v1;
	v1 =	vld [tilespmem:$0x1FF10];
	_ =	sdelay $0x3  }
0xd4: {  	v55 =	vld.idx.msk [tilespmem:v33+s30+$0x0], $0xffff;
	v35 =	vadd.s32 v5, v52  }
0xd5: {  	v53 =	vld.idx.msk [tilespmem:v63+s31+$0x0], $0xffff;
	v34 =	vadd.s32 v1, v50;
	_ =	sdelay $0x3  }
0xd6: {  	[tilespmem:v35+s16+$0x0] =	vst.idx.msk $0xffff, v55  }
0xd7: {  	v56 =	vadd.s32 $0x4, v56;
	[tilespmem:v34+s16+$0x0] =	vst.idx.msk $0xffff, v53  }
0xd8: {  	v60 =	vadd.s32 $0x10, v51;
	v28 =	vmov v1;
	v1 =	vld [tilespmem:$0x1FF20];
	_ =	sdelay $0x3  }
0xd9: {  	v33 =	vadd.s32 v6, v52;
	v56 =	vld.idx.msk [tilespmem:v56+s30+$0x0], $0xffff  }
0xda: {  	v54 =	vld.idx.msk [tilespmem:v60+s31+$0x0], $0xffff;
	v63 =	vadd.s32 v1, v50;
	_ =	sdelay $0x3  }
0xdb: {  	v53 =	vmul.u32 $0x28, v61;
	[tilespmem:v33+s16+$0x0] =	vst.idx.msk $0xffff, v56  }
0xdc: {  	[tilespmem:v63+s16+$0x0] =	vst.idx.msk $0xffff, v54  }
0xdd: {  	v34 =	vadd.s32 $0x11, v51;
	v31 =	vmov v1;
	v1 =	vld [tilespmem:$0x1FF30];
	_ =	sdelay $0x3  }
0xde: {  	v60 =	vadd.s32 v15, v52;
	v56 =	vld.idx.msk [tilespmem:v53+s31+$0x0], $0xffff  }
0xdf: {  	v54 =	vld.idx.msk [tilespmem:v34+s31+$0x0], $0xffff;
	v35 =	vadd.s32 v1, v50;
	_ =	sdelay $0x3  }
0xe0: {  	[tilespmem:v60+s16+$0x0] =	vst.idx.msk $0xffff, v56  }
0xe1: {  	v63 =	vor.u32 $0x1, v53;
	[tilespmem:v35+s16+$0x0] =	vst.idx.msk $0xffff, v54  }
0xe2: {  	v61 =	vadd.s32 $0x12, v51;
	v30 =	vmov v1;
	v1 =	vld [tilespmem:$0x1FF40];
	_ =	sdelay $0x3  }
0xe3: {  	v60 =	vadd.s32 v16, v52;
	v56 =	vld.idx.msk [tilespmem:v63+s31+$0x0], $0xffff  }
0xe4: {  	v54 =	vld.idx.msk [tilespmem:v61+s31+$0x0], $0xffff;
	v35 =	vadd.s32 v1, v50;
	_ =	sdelay $0x3  }
0xe5: {  	[tilespmem:v60+s16+$0x0] =	vst.idx.msk $0xffff, v56  }
0xe6: {  	v63 =	vor.u32 $0x2, v53;
	[tilespmem:v35+s16+$0x0] =	vst.idx.msk $0xffff, v54  }
0xe7: {  	v61 =	vadd.s32 $0x13, v51;
	v33 =	vmov v1;
	v1 =	vld [tilespmem:$0x1FF50];
	_ =	sdelay $0x3  }
0xe8: {  	v60 =	vadd.s32 v17, v52;
	v56 =	vld.idx.msk [tilespmem:v63+s31+$0x0], $0xffff  }
0xe9: {  	v54 =	vld.idx.msk [tilespmem:v61+s31+$0x0], $0xffff;
	v35 =	vadd.s32 v1, v50;
	_ =	sdelay $0x3  }
0xea: {  	[tilespmem:v60+s16+$0x0] =	vst.idx.msk $0xffff, v56  }
0xeb: {  	v63 =	vor.u32 $0x3, v53;
	[tilespmem:v35+s16+$0x0] =	vst.idx.msk $0xffff, v54  }
0xec: {  	v61 =	vadd.s32 $0x14, v51;
	v34 =	vmov v1;
	v1 =	vld [tilespmem:$0x1FF60];
	_ =	sdelay $0x3  }
0xed: {  	v60 =	vadd.s32 v18, v52;
	v56 =	vld.idx.msk [tilespmem:v63+s31+$0x0], $0xffff  }
0xee: {  	v54 =	vld.idx.msk [tilespmem:v61+s31+$0x0], $0xffff;
	v55 =	vadd.s32 v1, v50;
	_ =	sdelay $0x3  }
0xef: {  	[tilespmem:v60+s16+$0x0] =	vst.idx.msk $0xffff, v56  }
0xf0: {  	v63 =	vor.u32 $0x4, v53;
	[tilespmem:v55+s16+$0x0] =	vst.idx.msk $0xffff, v54  }
0xf1: {  	v61 =	vadd.s32 $0x15, v51;
	v35 =	vmov v1;
	v1 =	vld [tilespmem:$0x1FF70];
	_ =	sdelay $0x3  }
0xf2: {  	v60 =	vadd.s32 v19, v52;
	v56 =	vld.idx.msk [tilespmem:v63+s31+$0x0], $0xffff  }
0xf3: {  	v54 =	vld.idx.msk [tilespmem:v61+s31+$0x0], $0xffff;
	v55 =	vadd.s32 v1, v50;
	_ =	sdelay $0x2  }
0xf4: {  	v63 =	vor.u32 $0x5, v53  }
0xf5: {  	[tilespmem:v60+s16+$0x0] =	vst.idx.msk $0xffff, v56  }
0xf6: {  	v61 =	vadd.s32 $0x16, v51;
	[tilespmem:v55+s16+$0x0] =	vst.idx.msk $0xffff, v54  }
0xf7: {  	v11 =	vmov v2;
	v2 =	vmov v8;
	v8 =	vmov v1;
	v1 =	vld [tilespmem:$0x1FF80];
	_ =	sdelay $0x1  }
0xf8: {  	v4 =	vmovc v0;
	s8 =	simm.s32 $0x4EA0;
	v12 =	vmov v5;
	v13 =	vmov v6;
	v14 =	vmov v15;
	v59 =	vld.idx.msk [tilespmem:v63+s31+$0x0], $0xffff  }
0xf9: {  	v58 =	vadd.s32 $0x17, v51;
	v27 =	vmovc v10;
	v10 =	vmovc v3;
	v6 =	vmov v38;
	v38 =	vmov v62;
	v54 =	vld [tilespmem:s8+$0x0]  }
0xfa: {  	v15 =	vmovc v16;
	v16 =	vmovc v17;
	v17 =	vmov v18;
	v18 =	vmov v19;
	v19 =	vmov v36;
	v56 =	vld.idx.msk [tilespmem:v61+s31+$0x0], $0xffff  }
0xfb: {  	s19 =	simm.s32 $0x30;
	s7 =	simm.s32 $0x20;
	v60 =	vadd.s32 v36, v52;
	v36 =	vmovc v2;
	v61 =	vor.u32 $0x6, v53;
	v5 =	vld [tilespmem:$0x1FFF0];
	v3 =	vmovc v1;
	v57 =	vadd.s32 v1, v50  }
.LBB2_2:
0xfc: {  	_ =	sdelay $0x3  }
0xfd: {  	[tilespmem:v57+s16+$0x0] =	vst.idx.msk $0xffff, v56  }
0xfe: {  	[tilespmem:v60+s16+$0x0] =	vst.idx.msk $0xffff, v59  }
0xff: {  	v57 =	vadd.s32 v9, v50;
	v55 =	vld.idx.msk [tilespmem:v58+s31+$0x0], $0xffff  }
0x100: {  	v56 =	vld.idx.msk [tilespmem:v61+s31+$0x0], $0xffff;
	v58 =	vadd.s32 v32, v52  }
0x101: {  	v59 =	vadd.s32 $0x18, v51  }
0x102: {  	v60 =	vmul.u32 $0x5, v54;
	v61 =	vor.u32 $0x7, v53  }
0x103: {  	v63 =	vmov s7;
	v0 =	vld [tilespmem:$0x1FFA0]  }
0x104: {  	v54 =	vmul.u32 $0x32, v63;
	[tilespmem:v57+s16+$0x0] =	vst.idx.msk $0xffff, v55  }
0x105: {  	[tilespmem:v58+s16+$0x0] =	vst.idx.msk $0xffff, v56  }
0x106: {  	v54 =	vbroadcast v54, $0x0;
	v58 =	vadd.s32 v39, v50;
	v56 =	vld.idx.msk [tilespmem:v59+s31+$0x0], $0xffff  }
0x107: {  	v57 =	vld.idx.msk [tilespmem:v61+s31+$0x0], $0xffff;
	v61 =	vadd.s32 v21, v52  }
0x108: {  	v62 =	vadd.s32 $0x19, v51;
	v63 =	vadd.s32 v0, v54;
	v59 =	vld.idx.msk [tilespmem:v60+s29+$0x0], $0xffff  }
0x109: {  	s6 =	sadd.s32 $0x10, s6;
	v0 =	vadd.s32 $0x8, v53  }
0x10a: {  	s14 =	sadd.s32 $0x10, s14;
	v1 =	vadd.s32 $0x1, v60;
	v2 =	vld [tilespmem:s6+$0x0]  }
0x10b: {  	v55 =	vld [tilespmem:s14+$0x0];
	[tilespmem:v58+s16+$0x0] =	vst.idx.msk $0xffff, v56  }
0x10c: {  	[tilespmem:v61+s16+$0x0] =	vst.idx.msk $0xffff, v57  }
0x10d: {  	v57 =	vadd.s32 v40, v50;
	v56 =	vld.idx.msk [tilespmem:v62+s31+$0x0], $0xffff;
	[tilespmem:v63+s16+$0x0] =	vst.idx.msk $0xffff, v59  }
0x10e: {  	v58 =	vadd.s32 v22, v52;
	v0 =	vld.idx.msk [tilespmem:v0+s31+$0x0], $0xffff  }
0x10f: {  	v61 =	vadd.s32 v4, v54;
	v59 =	vadd.s32 $0x1A, v51;
	v1 =	vld.idx.msk [tilespmem:v1+s29+$0x0], $0xffff  }
0x110: {  	v62 =	vadd.s32 $0x9, v53  }
0x111: {  	v63 =	vadd.s32 $0x2, v60  }
0x112: {  	[tilespmem:v57+s16+$0x0] =	vst.idx.msk $0xffff, v56  }
0x113: {  	[tilespmem:v58+s16+$0x0] =	vst.idx.msk $0xffff, v0  }
0x114: {  	v56 =	vadd.s32 v41, v50;
	v0 =	vld.idx.msk [tilespmem:v59+s31+$0x0], $0xffff;
	[tilespmem:v61+s16+$0x0] =	vst.idx.msk $0xffff, v1  }
0x115: {  	v58 =	vadd.s32 v23, v52;
	v1 =	vld.idx.msk [tilespmem:v62+s31+$0x0], $0xffff  }
0x116: {  	v59 =	vadd.s32 $0x1B, v51;
	v61 =	vadd.s32 v37, v54;
	v57 =	vld.idx.msk [tilespmem:v63+s29+$0x0], $0xffff  }
0x117: {  	v62 =	vadd.s32 $0xA, v53  }
0x118: {  	v63 =	vadd.s32 $0x3, v60  }
0x119: {  	[tilespmem:v56+s16+$0x0] =	vst.idx.msk $0xffff, v0  }
0x11a: {  	[tilespmem:v58+s16+$0x0] =	vst.idx.msk $0xffff, v1  }
0x11b: {  	v56 =	vadd.s32 v42, v50;
	v0 =	vld.idx.msk [tilespmem:v59+s31+$0x0], $0xffff;
	[tilespmem:v61+s16+$0x0] =	vst.idx.msk $0xffff, v57  }
0x11c: {  	v58 =	vadd.s32 v24, v52;
	v1 =	vld.idx.msk [tilespmem:v62+s31+$0x0], $0xffff  }
0x11d: {  	v59 =	vadd.s32 $0x1C, v51;
	v61 =	vadd.s32 v6, v54;
	v57 =	vld.idx.msk [tilespmem:v63+s29+$0x0], $0xffff  }
0x11e: {  	v62 =	vadd.s32 $0xB, v53  }
0x11f: {  	v60 =	vadd.s32 $0x4, v60  }
0x120: {  	[tilespmem:v56+s16+$0x0] =	vst.idx.msk $0xffff, v0  }
0x121: {  	[tilespmem:v58+s16+$0x0] =	vst.idx.msk $0xffff, v1  }
0x122: {  	v56 =	vadd.s32 v43, v50;
	v0 =	vld.idx.msk [tilespmem:v59+s31+$0x0], $0xffff;
	[tilespmem:v61+s16+$0x0] =	vst.idx.msk $0xffff, v57  }
0x123: {  	v58 =	vadd.s32 v26, v52;
	v1 =	vld.idx.msk [tilespmem:v62+s31+$0x0], $0xffff  }
0x124: {  	v59 =	vadd.s32 $0x1D, v51;
	v57 =	vld.idx.msk [tilespmem:v60+s29+$0x0], $0xffff;
	v60 =	vadd.s32 v38, v54  }
0x125: {  	v2 =	vmul.u32 $0x5, v2;
	v61 =	vadd.s32 $0xC, v53;
	_ =	sdelay $0x1  }
0x126: {  	[tilespmem:v56+s16+$0x0] =	vst.idx.msk $0xffff, v0  }
0x127: {  	[tilespmem:v58+s16+$0x0] =	vst.idx.msk $0xffff, v1  }
0x128: {  	v56 =	vadd.s32 v44, v50;
	v0 =	vld.idx.msk [tilespmem:v59+s31+$0x0], $0xffff;
	[tilespmem:v60+s16+$0x0] =	vst.idx.msk $0xffff, v57  }
0x129: {  	v58 =	vadd.s32 v27, v52;
	v1 =	vld.idx.msk [tilespmem:v61+s31+$0x0], $0xffff  }
0x12a: {  	v59 =	vadd.s32 $0x1E, v51;
	v60 =	vadd.s32 v20, v54;
	v57 =	vld.idx.msk [tilespmem:v2+s30+$0x0], $0xffff  }
0x12b: {  	v61 =	vadd.s32 $0xD, v53  }
0x12c: {  	v62 =	vadd.s32 $0x1, v2  }
0x12d: {  	[tilespmem:v56+s16+$0x0] =	vst.idx.msk $0xffff, v0  }
0x12e: {  	[tilespmem:v58+s16+$0x0] =	vst.idx.msk $0xffff, v1  }
0x12f: {  	v56 =	vadd.s32 v45, v50;
	v0 =	vld.idx.msk [tilespmem:v59+s31+$0x0], $0xffff;
	[tilespmem:v60+s16+$0x0] =	vst.idx.msk $0xffff, v57  }
0x130: {  	v58 =	vadd.s32 v25, v52;
	v1 =	vld.idx.msk [tilespmem:v61+s31+$0x0], $0xffff  }
0x131: {  	v59 =	vadd.s32 $0x1F, v51;
	v60 =	vadd.s32 v11, v54;
	v57 =	vld.idx.msk [tilespmem:v62+s30+$0x0], $0xffff  }
0x132: {  	v61 =	vadd.s32 $0xE, v53  }
0x133: {  	v62 =	vadd.s32 $0x2, v2  }
0x134: {  	[tilespmem:v56+s16+$0x0] =	vst.idx.msk $0xffff, v0  }
0x135: {  	[tilespmem:v58+s16+$0x0] =	vst.idx.msk $0xffff, v1  }
0x136: {  	v56 =	vadd.s32 v46, v50;
	v0 =	vld.idx.msk [tilespmem:v59+s31+$0x0], $0xffff;
	[tilespmem:v60+s16+$0x0] =	vst.idx.msk $0xffff, v57  }
0x137: {  	v58 =	vadd.s32 v29, v52;
	v1 =	vld.idx.msk [tilespmem:v61+s31+$0x0], $0xffff  }
0x138: {  	v59 =	vadd.s32 $0x20, v51;
	v60 =	vadd.s32 v10, v54;
	v57 =	vld.idx.msk [tilespmem:v62+s30+$0x0], $0xffff  }
0x139: {  	v61 =	vadd.s32 $0xF, v53  }
0x13a: {  	v62 =	vadd.s32 $0x3, v2  }
0x13b: {  	[tilespmem:v56+s16+$0x0] =	vst.idx.msk $0xffff, v0  }
0x13c: {  	[tilespmem:v58+s16+$0x0] =	vst.idx.msk $0xffff, v1  }
0x13d: {  	v56 =	vadd.s32 v47, v50;
	v0 =	vld.idx.msk [tilespmem:v59+s31+$0x0], $0xffff;
	[tilespmem:v60+s16+$0x0] =	vst.idx.msk $0xffff, v57  }
0x13e: {  	v58 =	vadd.s32 v28, v52;
	v1 =	vld.idx.msk [tilespmem:v61+s31+$0x0], $0xffff  }
0x13f: {  	v59 =	vadd.s32 $0x21, v51;
	v60 =	vadd.s32 v12, v54;
	v57 =	vld.idx.msk [tilespmem:v62+s30+$0x0], $0xffff  }
0x140: {  	v61 =	vadd.s32 $0x10, v53  }
0x141: {  	v2 =	vadd.s32 $0x4, v2  }
0x142: {  	[tilespmem:v56+s16+$0x0] =	vst.idx.msk $0xffff, v0  }
0x143: {  	[tilespmem:v58+s16+$0x0] =	vst.idx.msk $0xffff, v1  }
0x144: {  	v56 =	vadd.s32 v48, v50;
	v0 =	vld.idx.msk [tilespmem:v59+s31+$0x0], $0xffff;
	[tilespmem:v60+s16+$0x0] =	vst.idx.msk $0xffff, v57  }
0x145: {  	v57 =	vadd.s32 v31, v52;
	v1 =	vld.idx.msk [tilespmem:v61+s31+$0x0], $0xffff  }
0x146: {  	v58 =	vadd.s32 $0x22, v51;
	v59 =	vadd.s32 v13, v54;
	v2 =	vld.idx.msk [tilespmem:v2+s30+$0x0], $0xffff  }
0x147: {  	v55 =	vmul.u32 $0x28, v55;
	v60 =	vadd.s32 $0x11, v53;
	_ =	sdelay $0x1  }
0x148: {  	[tilespmem:v56+s16+$0x0] =	vst.idx.msk $0xffff, v0  }
0x149: {  	[tilespmem:v57+s16+$0x0] =	vst.idx.msk $0xffff, v1  }
0x14a: {  	v0 =	vld.idx.msk [tilespmem:v58+s31+$0x0], $0xffff;
	[tilespmem:v59+s16+$0x0] =	vst.idx.msk $0xffff, v2;
	v2 =	vadd.s32 v7, v50  }
0x14b: {  	v57 =	vadd.s32 v30, v52;
	v1 =	vld.idx.msk [tilespmem:v60+s31+$0x0], $0xffff  }
0x14c: {  	v58 =	vadd.s32 $0x23, v51;
	v59 =	vadd.s32 v14, v54;
	v56 =	vld.idx.msk [tilespmem:v55+s31+$0x0], $0xffff  }
0x14d: {  	v60 =	vadd.s32 $0x12, v53  }
0x14e: {  	v61 =	vor.u32 $0x1, v55  }
0x14f: {  	[tilespmem:v2+s16+$0x0] =	vst.idx.msk $0xffff, v0  }
0x150: {  	[tilespmem:v57+s16+$0x0] =	vst.idx.msk $0xffff, v1  }
0x151: {  	v2 =	vadd.s32 v49, v50;
	v0 =	vld.idx.msk [tilespmem:v58+s31+$0x0], $0xffff;
	[tilespmem:v59+s16+$0x0] =	vst.idx.msk $0xffff, v56  }
0x152: {  	v57 =	vadd.s32 v33, v52;
	v1 =	vld.idx.msk [tilespmem:v60+s31+$0x0], $0xffff  }
0x153: {  	v58 =	vadd.s32 $0x24, v51;
	v59 =	vadd.s32 v15, v54;
	v56 =	vld.idx.msk [tilespmem:v61+s31+$0x0], $0xffff  }
0x154: {  	v60 =	vadd.s32 $0x13, v53;
	_ =	sdelay $0x1  }
0x155: {  	[tilespmem:v2+s16+$0x0] =	vst.idx.msk $0xffff, v0  }
0x156: {  	v61 =	vor.u32 $0x2, v55;
	[tilespmem:v57+s16+$0x0] =	vst.idx.msk $0xffff, v1  }
0x157: {  	v2 =	vadd.s32 v5, v50;
	v0 =	vld.idx.msk [tilespmem:v58+s31+$0x0], $0xffff;
	[tilespmem:v59+s16+$0x0] =	vst.idx.msk $0xffff, v56  }
0x158: {  	v57 =	vadd.s32 v34, v52;
	v1 =	vld.idx.msk [tilespmem:v60+s31+$0x0], $0xffff  }
0x159: {  	v58 =	vadd.s32 $0x25, v51;
	_ =	sdelay $0x1  }
0x15a: {  	v59 =	vadd.s32 v16, v54;
	v56 =	vld.idx.msk [tilespmem:v61+s31+$0x0], $0xffff  }
0x15b: {  	v60 =	vadd.s32 $0x14, v53;
	[tilespmem:v2+s16+$0x0] =	vst.idx.msk $0xffff, v0  }
0x15c: {  	v61 =	vor.u32 $0x3, v55;
	[tilespmem:v57+s16+$0x0] =	vst.idx.msk $0xffff, v1  }
0x15d: {  	v2 =	vadd.s32 v36, v50;
	v0 =	vld.idx.msk [tilespmem:v58+s31+$0x0], $0xffff;
	_ =	sdelay $0x1  }
0x15e: {  	[tilespmem:v59+s16+$0x0] =	vst.idx.msk $0xffff, v56  }
0x15f: {  	v1 =	vld.idx.msk [tilespmem:v60+s31+$0x0], $0xffff  }
0x160: {  	v57 =	vadd.s32 v35, v52;
	v56 =	vld.idx.msk [tilespmem:v61+s31+$0x0], $0xffff  }
0x161: {  	v58 =	vadd.s32 $0x26, v51;
	v59 =	vadd.s32 v17, v54;
	[tilespmem:v2+s16+$0x0] =	vst.idx.msk $0xffff, v0;
	v2 =	vld [tilespmem:$0x1FFB0]  }
0x162: {  	v60 =	vadd.s32 $0x15, v53;
	_ =	sdelay $0x2  }
0x163: {  	[tilespmem:v57+s16+$0x0] =	vst.idx.msk $0xffff, v1  }
0x164: {  	v61 =	vor.u32 $0x4, v55;
	v0 =	vld.idx.msk [tilespmem:v58+s31+$0x0], $0xffff;
	[tilespmem:v59+s16+$0x0] =	vst.idx.msk $0xffff, v56;
	v2 =	vadd.s32 v2, v50  }
0x165: {  	v57 =	vadd.s32 v8, v52;
	v1 =	vld.idx.msk [tilespmem:v60+s31+$0x0], $0xffff;
	_ =	sdelay $0x3  }
0x166: {  	v56 =	vld.idx.msk [tilespmem:v61+s31+$0x0], $0xffff;
	[tilespmem:v2+s16+$0x0] =	vst.idx.msk $0xffff, v0  }
0x167: {  	v58 =	vadd.s32 $0x27, v51;
	[tilespmem:v57+s16+$0x0] =	vst.idx.msk $0xffff, v1;
	v1 =	vld [tilespmem:$0x1FFC0];
	_ =	sdelay $0x1  }
0x168: {  	v51 =	vmov v53;
	v53 =	vmov v55;
	v55 =	vadd.s32 v18, v54  }
0x169: {  	v59 =	vadd.s32 $0x16, v51  }
0x16a: {  	v60 =	vor.u32 $0x5, v53  }
0x16b: {  	p0 =	sne.s32 s19, $0x40;
	v0 =	vld.idx.msk [tilespmem:v58+s31+$0x0], $0xffff;
	v1 =	vadd.s32 v1, v50  }
.Ltmp2:
0x16c: {  	_ = 	snop;
	(pc) =	sbr.rel @p0 .LBB2_2-.Ltmp2, $4  }
0x16d: {  	v63 =	vld [tilespmem:$0x1FFA0];
	[tilespmem:v55+s16+$0x0] =	vst.idx.msk $0xffff, v56  }
0x16e: {  	v56 =	vld.idx.msk [tilespmem:v59+s31+$0x0], $0xffff  }
0x16f: {  	s8 =	sadd.s32 $0x10, s8;
	v61 =	vor.u32 $0x6, v53;
	v59 =	vld.idx.msk [tilespmem:v60+s31+$0x0], $0xffff;
	v50 =	vmov v52;
	v52 =	vmov v54  }
0x170: {  	s7 =	smov.u32 s19;
	s19 =	sadd.s32 $0x10, s19;
	v58 =	vadd.s32 $0x17, v51;
	v54 =	vld [tilespmem:s8+$0x0];
	v57 =	vadd.s32 v3, v50;
	v60 =	vadd.s32 v19, v52;
	[tilespmem:v1+s16+$0x0] =	vst.idx.msk $0xffff, v0  }
0x171: {  	_ =	sdelay $0x3  }
0x172: {  	v0 =	vmul.u32 $0x5, v54  }
0x173: {  	v1 =	vmov s7  }
0x174: {  	v1 =	vmul.u32 $0x32, v1;
	_ =	sdelay $0x1  }
0x175: {  	v54 =	vbroadcast v1, $0x0;
	_ =	sdelay $0x1  }
0x176: {  	v2 =	vadd.s32 v63, v54;
	v1 =	vld.idx.msk [tilespmem:v0+s29+$0x0], $0xffff  }
0x177: {  	v55 =	vadd.s32 $0x1, v0;
	_ =	sdelay $0x1  }
0x178: {  	s0 =	sadd.s32 $0x10, s6  }
0x179: {  	s28 =	sadd.s32 $0x10, s14;
	v62 =	vld [tilespmem:s0+$0x0]  }
0x17a: {  	v63 =	vld [tilespmem:s28+$0x0];
	[tilespmem:v2+s16+$0x0] =	vst.idx.msk $0xffff, v1  }
0x17b: {  	v2 =	vadd.s32 v4, v54;
	v1 =	vld.idx.msk [tilespmem:v55+s29+$0x0], $0xffff  }
0x17c: {  	v55 =	vadd.s32 $0x2, v0;
	_ =	sdelay $0x3  }
0x17d: {  	[tilespmem:v2+s16+$0x0] =	vst.idx.msk $0xffff, v1  }
0x17e: {  	v2 =	vadd.s32 v37, v54;
	v1 =	vld.idx.msk [tilespmem:v55+s29+$0x0], $0xffff  }
0x17f: {  	v37 =	vadd.s32 $0x3, v0;
	_ =	sdelay $0x3  }
0x180: {  	[tilespmem:v2+s16+$0x0] =	vst.idx.msk $0xffff, v1  }
0x181: {  	v2 =	vadd.s32 v6, v54;
	v1 =	vld.idx.msk [tilespmem:v37+s29+$0x0], $0xffff  }
0x182: {  	v0 =	vadd.s32 $0x4, v0;
	_ =	sdelay $0x3  }
0x183: {  	[tilespmem:v2+s16+$0x0] =	vst.idx.msk $0xffff, v1  }
0x184: {  	v1 =	vmul.u32 $0x5, v62;
	v2 =	vadd.s32 v38, v54;
	v0 =	vld.idx.msk [tilespmem:v0+s29+$0x0], $0xffff;
	_ =	sdelay $0x4  }
0x185: {  	[tilespmem:v2+s16+$0x0] =	vst.idx.msk $0xffff, v0  }
0x186: {  	v2 =	vadd.s32 v20, v54;
	v0 =	vld.idx.msk [tilespmem:v1+s30+$0x0], $0xffff  }
0x187: {  	v62 =	vadd.s32 $0x1, v1;
	_ =	sdelay $0x3  }
0x188: {  	[tilespmem:v2+s16+$0x0] =	vst.idx.msk $0xffff, v0  }
0x189: {  	v2 =	vadd.s32 v11, v54;
	v0 =	vld.idx.msk [tilespmem:v62+s30+$0x0], $0xffff  }
0x18a: {  	v37 =	vadd.s32 $0x2, v1;
	_ =	sdelay $0x3  }
0x18b: {  	[tilespmem:v2+s16+$0x0] =	vst.idx.msk $0xffff, v0  }
0x18c: {  	v2 =	vadd.s32 v10, v54;
	v0 =	vld.idx.msk [tilespmem:v37+s30+$0x0], $0xffff  }
0x18d: {  	v62 =	vadd.s32 $0x3, v1;
	_ =	sdelay $0x3  }
0x18e: {  	[tilespmem:v2+s16+$0x0] =	vst.idx.msk $0xffff, v0  }
0x18f: {  	v2 =	vadd.s32 v12, v54;
	v0 =	vld.idx.msk [tilespmem:v62+s30+$0x0], $0xffff  }
0x190: {  	v1 =	vadd.s32 $0x4, v1;
	_ =	sdelay $0x3  }
0x191: {  	[tilespmem:v2+s16+$0x0] =	vst.idx.msk $0xffff, v0  }
0x192: {  	v55 =	vmul.u32 $0x28, v63;
	v0 =	vld.idx.msk [tilespmem:v1+s30+$0x0], $0xffff;
	v1 =	vadd.s32 v13, v54;
	_ =	sdelay $0x4  }
0x193: {  	[tilespmem:v1+s16+$0x0] =	vst.idx.msk $0xffff, v0  }
0x194: {  	v1 =	vadd.s32 v14, v54;
	v0 =	vld.idx.msk [tilespmem:v55+s31+$0x0], $0xffff  }
0x195: {  	v2 =	vor.u32 $0x1, v55;
	_ =	sdelay $0x3  }
0x196: {  	[tilespmem:v1+s16+$0x0] =	vst.idx.msk $0xffff, v0  }
0x197: {  	v1 =	vadd.s32 v15, v54;
	v0 =	vld.idx.msk [tilespmem:v2+s31+$0x0], $0xffff  }
0x198: {  	v2 =	vor.u32 $0x2, v55;
	_ =	sdelay $0x3  }
0x199: {  	[tilespmem:v1+s16+$0x0] =	vst.idx.msk $0xffff, v0  }
0x19a: {  	v1 =	vadd.s32 v16, v54;
	v0 =	vld.idx.msk [tilespmem:v2+s31+$0x0], $0xffff  }
0x19b: {  	v2 =	vor.u32 $0x3, v55;
	_ =	sdelay $0x3  }
0x19c: {  	[tilespmem:v1+s16+$0x0] =	vst.idx.msk $0xffff, v0  }
0x19d: {  	v1 =	vadd.s32 v17, v54;
	v0 =	vld.idx.msk [tilespmem:v2+s31+$0x0], $0xffff  }
0x19e: {  	v2 =	vor.u32 $0x4, v55;
	_ =	sdelay $0x3  }
0x19f: {  	[tilespmem:v1+s16+$0x0] =	vst.idx.msk $0xffff, v0  }
0x1a0: {  	v1 =	vadd.s32 v18, v54;
	v0 =	vld.idx.msk [tilespmem:v2+s31+$0x0], $0xffff  }
0x1a1: {  	v2 =	vor.u32 $0x5, v55;
	_ =	sdelay $0x3  }
0x1a2: {  	[tilespmem:v1+s16+$0x0] =	vst.idx.msk $0xffff, v0  }
0x1a3: {  	v1 =	vadd.s32 v19, v54;
	v0 =	vld.idx.msk [tilespmem:v2+s31+$0x0], $0xffff  }
0x1a4: {  	v2 =	vor.u32 $0x6, v55;
	_ =	sdelay $0x1  }
0x1a5: {  	[tilespmem:v60+s16+$0x0] =	vst.idx.msk $0xffff, v59  }
0x1a6: {  	v60 =	vadd.s32 v32, v52;
	v59 =	vld.idx.msk [tilespmem:v61+s31+$0x0], $0xffff  }
0x1a7: {  	[tilespmem:v1+s16+$0x0] =	vst.idx.msk $0xffff, v0;
	v0 =	vor.u32 $0x7, v53  }
0x1a8: {  	v1 =	vld.idx.msk [tilespmem:v2+s31+$0x0], $0xffff;
	v2 =	vadd.s32 v32, v54  }
0x1a9: {  	v37 =	vor.u32 $0x7, v55;
	_ =	sdelay $0x1  }
0x1aa: {  	[tilespmem:v60+s16+$0x0] =	vst.idx.msk $0xffff, v59  }
0x1ab: {  	v59 =	vadd.s32 v21, v52;
	v11 =	vmov v12;
	v0 =	vld.idx.msk [tilespmem:v0+s31+$0x0], $0xffff  }
0x1ac: {  	v12 =	vmovc v13;
	v13 =	vmovc v14;
	v14 =	vmov v15;
	v15 =	vmov v16;
	[tilespmem:v2+s16+$0x0] =	vst.idx.msk $0xffff, v1;
	v1 =	vadd.s32 $0x8, v53  }
0x1ad: {  	v16 =	vmovc v17;
	v17 =	vmovc v18;
	v18 =	vmov v19;
	v19 =	vmov v32;
	v32 =	vadd.s32 v21, v54;
	v2 =	vld.idx.msk [tilespmem:v37+s31+$0x0], $0xffff;
	_ =	sdelay $0x2  }
0x1ae: {  	v37 =	vadd.s32 $0x8, v55;
	[tilespmem:v59+s16+$0x0] =	vst.idx.msk $0xffff, v0  }
0x1af: {  	v0 =	vld.idx.msk [tilespmem:v1+s31+$0x0], $0xffff;
	v1 =	vadd.s32 v22, v52  }
0x1b0: {  	[tilespmem:v32+s16+$0x0] =	vst.idx.msk $0xffff, v2;
	v2 =	vadd.s32 $0x9, v53;
	_ =	sdelay $0x2  }
0x1b1: {  	v32 =	vadd.s32 v22, v54;
	v59 =	vld.idx.msk [tilespmem:v37+s31+$0x0], $0xffff  }
0x1b2: {  	v37 =	vadd.s32 $0x9, v55;
	[tilespmem:v1+s16+$0x0] =	vst.idx.msk $0xffff, v0  }
0x1b3: {  	v1 =	vadd.s32 v23, v52;
	v0 =	vld.idx.msk [tilespmem:v2+s31+$0x0], $0xffff  }
0x1b4: {  	v2 =	vadd.s32 $0xA, v53;
	_ =	sdelay $0x1  }
0x1b5: {  	[tilespmem:v32+s16+$0x0] =	vst.idx.msk $0xffff, v59  }
0x1b6: {  	v32 =	vadd.s32 v23, v54;
	v59 =	vld.idx.msk [tilespmem:v37+s31+$0x0], $0xffff  }
0x1b7: {  	v37 =	vadd.s32 $0xA, v55;
	[tilespmem:v1+s16+$0x0] =	vst.idx.msk $0xffff, v0  }
0x1b8: {  	v1 =	vadd.s32 v24, v52;
	v0 =	vld.idx.msk [tilespmem:v2+s31+$0x0], $0xffff  }
0x1b9: {  	v2 =	vadd.s32 $0xB, v53;
	_ =	sdelay $0x1  }
0x1ba: {  	[tilespmem:v32+s16+$0x0] =	vst.idx.msk $0xffff, v59  }
0x1bb: {  	v32 =	vadd.s32 v24, v54;
	v59 =	vld.idx.msk [tilespmem:v37+s31+$0x0], $0xffff  }
0x1bc: {  	v37 =	vadd.s32 $0xB, v55;
	[tilespmem:v1+s16+$0x0] =	vst.idx.msk $0xffff, v0  }
0x1bd: {  	v1 =	vadd.s32 v26, v52;
	v0 =	vld.idx.msk [tilespmem:v2+s31+$0x0], $0xffff  }
0x1be: {  	v2 =	vadd.s32 $0xC, v53;
	_ =	sdelay $0x1  }
0x1bf: {  	[tilespmem:v32+s16+$0x0] =	vst.idx.msk $0xffff, v59  }
0x1c0: {  	v32 =	vadd.s32 v26, v54;
	v59 =	vld.idx.msk [tilespmem:v37+s31+$0x0], $0xffff  }
0x1c1: {  	v37 =	vadd.s32 $0xC, v55;
	[tilespmem:v1+s16+$0x0] =	vst.idx.msk $0xffff, v0  }
0x1c2: {  	v1 =	vadd.s32 v27, v52;
	v0 =	vld.idx.msk [tilespmem:v2+s31+$0x0], $0xffff  }
0x1c3: {  	v2 =	vadd.s32 $0xD, v53;
	_ =	sdelay $0x1  }
0x1c4: {  	[tilespmem:v32+s16+$0x0] =	vst.idx.msk $0xffff, v59  }
0x1c5: {  	v32 =	vadd.s32 v27, v54;
	v59 =	vld.idx.msk [tilespmem:v37+s31+$0x0], $0xffff  }
0x1c6: {  	v37 =	vadd.s32 $0xD, v55;
	[tilespmem:v1+s16+$0x0] =	vst.idx.msk $0xffff, v0  }
0x1c7: {  	v1 =	vadd.s32 v25, v52;
	v0 =	vld.idx.msk [tilespmem:v2+s31+$0x0], $0xffff  }
0x1c8: {  	v2 =	vadd.s32 $0xE, v53;
	_ =	sdelay $0x1  }
0x1c9: {  	[tilespmem:v32+s16+$0x0] =	vst.idx.msk $0xffff, v59  }
0x1ca: {  	v60 =	vadd.s32 v25, v54;
	v59 =	vld.idx.msk [tilespmem:v37+s31+$0x0], $0xffff  }
0x1cb: {  	v32 =	vadd.s32 $0xE, v55;
	[tilespmem:v1+s16+$0x0] =	vst.idx.msk $0xffff, v0  }
0x1cc: {  	v1 =	vadd.s32 v29, v52;
	v0 =	vld.idx.msk [tilespmem:v2+s31+$0x0], $0xffff  }
0x1cd: {  	v2 =	vadd.s32 $0xF, v53;
	_ =	sdelay $0x1  }
0x1ce: {  	[tilespmem:v60+s16+$0x0] =	vst.idx.msk $0xffff, v59  }
0x1cf: {  	v60 =	vadd.s32 v29, v54;
	v59 =	vld.idx.msk [tilespmem:v32+s31+$0x0], $0xffff  }
0x1d0: {  	v32 =	vadd.s32 $0xF, v55;
	[tilespmem:v1+s16+$0x0] =	vst.idx.msk $0xffff, v0  }
0x1d1: {  	v1 =	vadd.s32 v28, v52;
	v0 =	vld.idx.msk [tilespmem:v2+s31+$0x0], $0xffff  }
0x1d2: {  	v2 =	vadd.s32 $0x10, v53;
	_ =	sdelay $0x1  }
0x1d3: {  	[tilespmem:v60+s16+$0x0] =	vst.idx.msk $0xffff, v59  }
0x1d4: {  	v60 =	vadd.s32 v28, v54;
	v59 =	vld.idx.msk [tilespmem:v32+s31+$0x0], $0xffff  }
0x1d5: {  	v32 =	vadd.s32 $0x10, v55;
	[tilespmem:v1+s16+$0x0] =	vst.idx.msk $0xffff, v0  }
0x1d6: {  	v1 =	vadd.s32 v31, v52;
	v0 =	vld.idx.msk [tilespmem:v2+s31+$0x0], $0xffff  }
0x1d7: {  	v2 =	vadd.s32 $0x11, v53;
	_ =	sdelay $0x1  }
0x1d8: {  	[tilespmem:v60+s16+$0x0] =	vst.idx.msk $0xffff, v59  }
0x1d9: {  	v60 =	vadd.s32 v31, v54;
	v59 =	vld.idx.msk [tilespmem:v32+s31+$0x0], $0xffff  }
0x1da: {  	v32 =	vadd.s32 $0x11, v55;
	[tilespmem:v1+s16+$0x0] =	vst.idx.msk $0xffff, v0  }
0x1db: {  	v1 =	vadd.s32 v30, v52;
	v0 =	vld.idx.msk [tilespmem:v2+s31+$0x0], $0xffff  }
0x1dc: {  	v2 =	vadd.s32 $0x12, v53;
	_ =	sdelay $0x1  }
0x1dd: {  	[tilespmem:v60+s16+$0x0] =	vst.idx.msk $0xffff, v59  }
0x1de: {  	v60 =	vadd.s32 v30, v54;
	v59 =	vld.idx.msk [tilespmem:v32+s31+$0x0], $0xffff  }
0x1df: {  	v61 =	vadd.s32 $0x12, v55;
	[tilespmem:v1+s16+$0x0] =	vst.idx.msk $0xffff, v0  }
0x1e0: {  	v1 =	vadd.s32 v33, v52;
	v0 =	vld.idx.msk [tilespmem:v2+s31+$0x0], $0xffff  }
0x1e1: {  	v2 =	vadd.s32 $0x13, v53;
	_ =	sdelay $0x1  }
0x1e2: {  	[tilespmem:v60+s16+$0x0] =	vst.idx.msk $0xffff, v59  }
0x1e3: {  	v60 =	vadd.s32 v33, v54;
	v59 =	vld.idx.msk [tilespmem:v61+s31+$0x0], $0xffff  }
0x1e4: {  	v61 =	vadd.s32 $0x13, v55;
	[tilespmem:v1+s16+$0x0] =	vst.idx.msk $0xffff, v0  }
0x1e5: {  	v1 =	vadd.s32 v34, v52;
	v0 =	vld.idx.msk [tilespmem:v2+s31+$0x0], $0xffff  }
0x1e6: {  	v2 =	vadd.s32 $0x14, v53;
	_ =	sdelay $0x1  }
0x1e7: {  	[tilespmem:v60+s16+$0x0] =	vst.idx.msk $0xffff, v59  }
0x1e8: {  	v60 =	vadd.s32 v34, v54;
	v59 =	vld.idx.msk [tilespmem:v61+s31+$0x0], $0xffff  }
0x1e9: {  	v61 =	vadd.s32 $0x14, v55;
	[tilespmem:v1+s16+$0x0] =	vst.idx.msk $0xffff, v0  }
0x1ea: {  	v1 =	vadd.s32 v35, v52;
	v0 =	vld.idx.msk [tilespmem:v2+s31+$0x0], $0xffff  }
0x1eb: {  	v2 =	vadd.s32 $0x15, v53;
	_ =	sdelay $0x1  }
0x1ec: {  	[tilespmem:v60+s16+$0x0] =	vst.idx.msk $0xffff, v59  }
0x1ed: {  	v60 =	vadd.s32 v35, v54;
	v59 =	vld.idx.msk [tilespmem:v61+s31+$0x0], $0xffff  }
0x1ee: {  	v61 =	vadd.s32 $0x15, v55;
	[tilespmem:v1+s16+$0x0] =	vst.idx.msk $0xffff, v0  }
0x1ef: {  	v1 =	vadd.s32 v8, v52;
	v0 =	vld.idx.msk [tilespmem:v2+s31+$0x0], $0xffff  }
0x1f0: {  	v2 =	vadd.s32 $0x16, v53;
	_ =	sdelay $0x1  }
0x1f1: {  	[tilespmem:v60+s16+$0x0] =	vst.idx.msk $0xffff, v59  }
0x1f2: {  	v60 =	vadd.s32 v8, v54;
	v59 =	vld.idx.msk [tilespmem:v61+s31+$0x0], $0xffff  }
0x1f3: {  	v61 =	vadd.s32 $0x16, v55;
	[tilespmem:v1+s16+$0x0] =	vst.idx.msk $0xffff, v0  }
0x1f4: {  	v1 =	vadd.s32 v3, v52;
	v0 =	vld.idx.msk [tilespmem:v2+s31+$0x0], $0xffff  }
0x1f5: {  	v2 =	vadd.s32 $0x17, v53;
	_ =	sdelay $0x1  }
0x1f6: {  	[tilespmem:v60+s16+$0x0] =	vst.idx.msk $0xffff, v59  }
0x1f7: {  	[tilespmem:v57+s16+$0x0] =	vst.idx.msk $0xffff, v56;
	v60 =	vadd.s32 v3, v54;
	v59 =	vld.idx.msk [tilespmem:v61+s31+$0x0], $0xffff  }
0x1f8: {  	v57 =	vadd.s32 v9, v50;
	v56 =	vld.idx.msk [tilespmem:v58+s31+$0x0], $0xffff;
	v61 =	vadd.s32 $0x17, v55;
	[tilespmem:v1+s16+$0x0] =	vst.idx.msk $0xffff, v0  }
0x1f9: {  	v0 =	vadd.s32 $0x18, v51;
	v1 =	vld.idx.msk [tilespmem:v2+s31+$0x0], $0xffff;
	v2 =	vadd.s32 v9, v52  }
0x1fa: {  	v58 =	vadd.s32 $0x18, v53;
	_ =	sdelay $0x1  }
0x1fb: {  	[tilespmem:v60+s16+$0x0] =	vst.idx.msk $0xffff, v59  }
0x1fc: {  	[tilespmem:v57+s16+$0x0] =	vst.idx.msk $0xffff, v56;
	v60 =	vadd.s32 v9, v54;
	v59 =	vld.idx.msk [tilespmem:v61+s31+$0x0], $0xffff  }
0x1fd: {  	v56 =	vadd.s32 v39, v50;
	v61 =	vadd.s32 $0x18, v55;
	v0 =	vld.idx.msk [tilespmem:v0+s31+$0x0], $0xffff;
	[tilespmem:v2+s16+$0x0] =	vst.idx.msk $0xffff, v1  }
0x1fe: {  	v57 =	vadd.s32 v39, v52;
	v1 =	vadd.s32 $0x19, v51;
	v2 =	vld.idx.msk [tilespmem:v58+s31+$0x0], $0xffff  }
0x1ff: {  	v58 =	vadd.s32 $0x19, v53;
	_ =	sdelay $0x1  }
0x200: {  	[tilespmem:v60+s16+$0x0] =	vst.idx.msk $0xffff, v59  }
0x201: {  	v60 =	vadd.s32 v39, v54;
	v59 =	vld.idx.msk [tilespmem:v61+s31+$0x0], $0xffff;
	[tilespmem:v56+s16+$0x0] =	vst.idx.msk $0xffff, v0  }
0x202: {  	v61 =	vadd.s32 $0x19, v55;
	v0 =	vld.idx.msk [tilespmem:v1+s31+$0x0], $0xffff;
	v1 =	vadd.s32 v40, v50;
	[tilespmem:v57+s16+$0x0] =	vst.idx.msk $0xffff, v2  }
0x203: {  	v2 =	vadd.s32 $0x1A, v51;
	v57 =	vadd.s32 v40, v52;
	v56 =	vld.idx.msk [tilespmem:v58+s31+$0x0], $0xffff  }
0x204: {  	v58 =	vadd.s32 $0x1A, v53;
	_ =	sdelay $0x1  }
0x205: {  	[tilespmem:v60+s16+$0x0] =	vst.idx.msk $0xffff, v59  }
0x206: {  	v60 =	vadd.s32 v40, v54;
	v59 =	vld.idx.msk [tilespmem:v61+s31+$0x0], $0xffff;
	[tilespmem:v1+s16+$0x0] =	vst.idx.msk $0xffff, v0  }
0x207: {  	v4 =	vmov v40;
	v40 =	vadd.s32 $0x1A, v55;
	v1 =	vadd.s32 v41, v50;
	v0 =	vld.idx.msk [tilespmem:v2+s31+$0x0], $0xffff;
	[tilespmem:v57+s16+$0x0] =	vst.idx.msk $0xffff, v56  }
0x208: {  	v2 =	vadd.s32 $0x1B, v51;
	v57 =	vadd.s32 v41, v52;
	v56 =	vld.idx.msk [tilespmem:v58+s31+$0x0], $0xffff  }
0x209: {  	v58 =	vadd.s32 $0x1B, v53;
	_ =	sdelay $0x1  }
0x20a: {  	[tilespmem:v60+s16+$0x0] =	vst.idx.msk $0xffff, v59  }
0x20b: {  	v60 =	vadd.s32 v41, v54;
	v59 =	vld.idx.msk [tilespmem:v40+s31+$0x0], $0xffff;
	[tilespmem:v1+s16+$0x0] =	vst.idx.msk $0xffff, v0  }
0x20c: {  	v61 =	vadd.s32 $0x1B, v55;
	v1 =	vadd.s32 v42, v50;
	v0 =	vld.idx.msk [tilespmem:v2+s31+$0x0], $0xffff;
	[tilespmem:v57+s16+$0x0] =	vst.idx.msk $0xffff, v56  }
0x20d: {  	v2 =	vadd.s32 $0x1C, v51;
	v57 =	vadd.s32 v42, v52;
	v56 =	vld.idx.msk [tilespmem:v58+s31+$0x0], $0xffff  }
0x20e: {  	v58 =	vadd.s32 $0x1C, v53;
	_ =	sdelay $0x1  }
0x20f: {  	[tilespmem:v60+s16+$0x0] =	vst.idx.msk $0xffff, v59  }
0x210: {  	v60 =	vadd.s32 v42, v54;
	v59 =	vld.idx.msk [tilespmem:v61+s31+$0x0], $0xffff;
	[tilespmem:v1+s16+$0x0] =	vst.idx.msk $0xffff, v0  }
0x211: {  	v40 =	vmov v42;
	v42 =	vadd.s32 $0x1C, v55;
	v1 =	vadd.s32 v43, v50;
	v0 =	vld.idx.msk [tilespmem:v2+s31+$0x0], $0xffff;
	[tilespmem:v57+s16+$0x0] =	vst.idx.msk $0xffff, v56  }
0x212: {  	v2 =	vadd.s32 $0x1D, v51;
	v57 =	vadd.s32 v43, v52;
	v56 =	vld.idx.msk [tilespmem:v58+s31+$0x0], $0xffff  }
0x213: {  	v58 =	vadd.s32 $0x1D, v53;
	_ =	sdelay $0x1  }
0x214: {  	[tilespmem:v60+s16+$0x0] =	vst.idx.msk $0xffff, v59  }
0x215: {  	v60 =	vadd.s32 v43, v54;
	v59 =	vld.idx.msk [tilespmem:v42+s31+$0x0], $0xffff;
	[tilespmem:v1+s16+$0x0] =	vst.idx.msk $0xffff, v0  }
0x216: {  	v61 =	vadd.s32 $0x1D, v55;
	v1 =	vadd.s32 v44, v50;
	v0 =	vld.idx.msk [tilespmem:v2+s31+$0x0], $0xffff;
	[tilespmem:v57+s16+$0x0] =	vst.idx.msk $0xffff, v56  }
0x217: {  	v2 =	vadd.s32 $0x1E, v51;
	v57 =	vadd.s32 v44, v52;
	v56 =	vld.idx.msk [tilespmem:v58+s31+$0x0], $0xffff  }
0x218: {  	v58 =	vadd.s32 $0x1E, v53;
	_ =	sdelay $0x1  }
0x219: {  	[tilespmem:v60+s16+$0x0] =	vst.idx.msk $0xffff, v59  }
0x21a: {  	v60 =	vadd.s32 v44, v54;
	v59 =	vld.idx.msk [tilespmem:v61+s31+$0x0], $0xffff;
	[tilespmem:v1+s16+$0x0] =	vst.idx.msk $0xffff, v0  }
0x21b: {  	v42 =	vmov v44;
	v44 =	vadd.s32 $0x1E, v55;
	v1 =	vadd.s32 v45, v50;
	v0 =	vld.idx.msk [tilespmem:v2+s31+$0x0], $0xffff;
	[tilespmem:v57+s16+$0x0] =	vst.idx.msk $0xffff, v56  }
0x21c: {  	v2 =	vadd.s32 $0x1F, v51;
	v57 =	vadd.s32 v45, v52;
	v56 =	vld.idx.msk [tilespmem:v58+s31+$0x0], $0xffff  }
0x21d: {  	v58 =	vadd.s32 $0x1F, v53;
	_ =	sdelay $0x1  }
0x21e: {  	[tilespmem:v60+s16+$0x0] =	vst.idx.msk $0xffff, v59  }
0x21f: {  	v60 =	vadd.s32 v45, v54;
	v59 =	vld.idx.msk [tilespmem:v44+s31+$0x0], $0xffff;
	[tilespmem:v1+s16+$0x0] =	vst.idx.msk $0xffff, v0  }
0x220: {  	v61 =	vadd.s32 $0x1F, v55;
	v1 =	vadd.s32 v46, v50;
	v0 =	vld.idx.msk [tilespmem:v2+s31+$0x0], $0xffff;
	[tilespmem:v57+s16+$0x0] =	vst.idx.msk $0xffff, v56  }
0x221: {  	v2 =	vadd.s32 $0x20, v51;
	v57 =	vadd.s32 v46, v52;
	v56 =	vld.idx.msk [tilespmem:v58+s31+$0x0], $0xffff  }
0x222: {  	v58 =	vadd.s32 $0x20, v53;
	_ =	sdelay $0x1  }
0x223: {  	[tilespmem:v60+s16+$0x0] =	vst.idx.msk $0xffff, v59  }
0x224: {  	v60 =	vadd.s32 v46, v54;
	v59 =	vld.idx.msk [tilespmem:v61+s31+$0x0], $0xffff;
	[tilespmem:v1+s16+$0x0] =	vst.idx.msk $0xffff, v0  }
0x225: {  	v44 =	vmov v46;
	v46 =	vadd.s32 $0x20, v55;
	v1 =	vadd.s32 v47, v50;
	v0 =	vld.idx.msk [tilespmem:v2+s31+$0x0], $0xffff;
	[tilespmem:v57+s16+$0x0] =	vst.idx.msk $0xffff, v56  }
0x226: {  	v2 =	vadd.s32 $0x21, v51;
	v57 =	vadd.s32 v47, v52;
	v56 =	vld.idx.msk [tilespmem:v58+s31+$0x0], $0xffff  }
0x227: {  	v58 =	vadd.s32 $0x21, v53;
	_ =	sdelay $0x1  }
0x228: {  	[tilespmem:v60+s16+$0x0] =	vst.idx.msk $0xffff, v59  }
0x229: {  	v60 =	vadd.s32 v47, v54;
	v59 =	vld.idx.msk [tilespmem:v46+s31+$0x0], $0xffff;
	[tilespmem:v1+s16+$0x0] =	vst.idx.msk $0xffff, v0  }
0x22a: {  	v61 =	vadd.s32 $0x21, v55;
	v1 =	vadd.s32 v48, v50;
	v0 =	vld.idx.msk [tilespmem:v2+s31+$0x0], $0xffff;
	[tilespmem:v57+s16+$0x0] =	vst.idx.msk $0xffff, v56  }
0x22b: {  	v2 =	vadd.s32 $0x22, v51;
	v57 =	vadd.s32 v48, v52;
	v56 =	vld.idx.msk [tilespmem:v58+s31+$0x0], $0xffff  }
0x22c: {  	v58 =	vadd.s32 $0x22, v53;
	_ =	sdelay $0x1  }
0x22d: {  	[tilespmem:v60+s16+$0x0] =	vst.idx.msk $0xffff, v59  }
0x22e: {  	v60 =	vadd.s32 v48, v54;
	v59 =	vld.idx.msk [tilespmem:v61+s31+$0x0], $0xffff;
	[tilespmem:v1+s16+$0x0] =	vst.idx.msk $0xffff, v0  }
0x22f: {  	v46 =	vmov v48;
	v48 =	vadd.s32 $0x22, v55;
	v1 =	vadd.s32 v7, v50;
	v0 =	vld.idx.msk [tilespmem:v2+s31+$0x0], $0xffff;
	[tilespmem:v57+s16+$0x0] =	vst.idx.msk $0xffff, v56  }
0x230: {  	v2 =	vadd.s32 $0x23, v51;
	v57 =	vadd.s32 v7, v52;
	v56 =	vld.idx.msk [tilespmem:v58+s31+$0x0], $0xffff  }
0x231: {  	v58 =	vadd.s32 $0x23, v53;
	_ =	sdelay $0x1  }
0x232: {  	[tilespmem:v60+s16+$0x0] =	vst.idx.msk $0xffff, v59  }
0x233: {  	v60 =	vadd.s32 v7, v54;
	v59 =	vld.idx.msk [tilespmem:v48+s31+$0x0], $0xffff;
	[tilespmem:v1+s16+$0x0] =	vst.idx.msk $0xffff, v0  }
0x234: {  	v61 =	vadd.s32 $0x23, v55;
	v1 =	vadd.s32 v49, v50;
	v0 =	vld.idx.msk [tilespmem:v2+s31+$0x0], $0xffff;
	[tilespmem:v57+s16+$0x0] =	vst.idx.msk $0xffff, v56  }
0x235: {  	v2 =	vadd.s32 $0x24, v51;
	v57 =	vadd.s32 v49, v52;
	v56 =	vld.idx.msk [tilespmem:v58+s31+$0x0], $0xffff  }
0x236: {  	v58 =	vadd.s32 $0x24, v53;
	_ =	sdelay $0x1  }
0x237: {  	[tilespmem:v60+s16+$0x0] =	vst.idx.msk $0xffff, v59  }
0x238: {  	v60 =	vadd.s32 v49, v54;
	v59 =	vld.idx.msk [tilespmem:v61+s31+$0x0], $0xffff;
	[tilespmem:v1+s16+$0x0] =	vst.idx.msk $0xffff, v0  }
0x239: {  	v61 =	vadd.s32 $0x24, v55;
	v1 =	vadd.s32 v5, v50;
	v0 =	vld.idx.msk [tilespmem:v2+s31+$0x0], $0xffff;
	[tilespmem:v57+s16+$0x0] =	vst.idx.msk $0xffff, v56  }
0x23a: {  	v2 =	vadd.s32 $0x25, v51;
	v57 =	vadd.s32 v5, v52;
	v56 =	vld.idx.msk [tilespmem:v58+s31+$0x0], $0xffff  }
0x23b: {  	v58 =	vadd.s32 $0x25, v53;
	_ =	sdelay $0x1  }
0x23c: {  	[tilespmem:v60+s16+$0x0] =	vst.idx.msk $0xffff, v59  }
0x23d: {  	v60 =	vadd.s32 v5, v54;
	v59 =	vld.idx.msk [tilespmem:v61+s31+$0x0], $0xffff;
	[tilespmem:v1+s16+$0x0] =	vst.idx.msk $0xffff, v0  }
0x23e: {  	v1 =	vadd.s32 v36, v50;
	v0 =	vld.idx.msk [tilespmem:v2+s31+$0x0], $0xffff;
	[tilespmem:v57+s16+$0x0] =	vst.idx.msk $0xffff, v56  }
0x23f: {  	v57 =	vadd.s32 v36, v52;
	v56 =	vld.idx.msk [tilespmem:v58+s31+$0x0], $0xffff;
	_ =	sdelay $0x2  }
0x240: {  	[tilespmem:v60+s16+$0x0] =	vst.idx.msk $0xffff, v59  }
0x241: {  	[tilespmem:v1+s16+$0x0] =	vst.idx.msk $0xffff, v0  }
0x242: {  	v61 =	vadd.s32 $0x25, v55;
	[tilespmem:v57+s16+$0x0] =	vst.idx.msk $0xffff, v56  }
0x243: {  	v32 =	vmov v34;
	v34 =	vmov v8;
	v2 =	vadd.s32 $0x26, v51;
	v8 =	vld [tilespmem:$0x1FFB0]  }
0x244: {  	v58 =	vadd.s32 $0x26, v53;
	_ =	sdelay $0x2  }
0x245: {  	v60 =	vadd.s32 v36, v54;
	v59 =	vld.idx.msk [tilespmem:v61+s31+$0x0], $0xffff  }
0x246: {  	v0 =	vld.idx.msk [tilespmem:v2+s31+$0x0], $0xffff;
	v1 =	vadd.s32 v8, v50  }
0x247: {  	v2 =	vadd.s32 $0x27, v51;
	v51 =	vld.idx.msk [tilespmem:v58+s31+$0x0], $0xffff;
	v56 =	vadd.s32 v8, v52  }
0x248: {  	v37 =	vmov v29;
	v29 =	vmov v31  }
0x249: {  	v31 =	vmovc v33;
	v33 =	vmovc v35;
	v35 =	vmov v3;
	v3 =	vmov v36;
	v36 =	vadd.s32 $0x26, v55  }
0x24a: {  	[tilespmem:v60+s16+$0x0] =	vst.idx.msk $0xffff, v59  }
0x24b: {  	[tilespmem:v1+s16+$0x0] =	vst.idx.msk $0xffff, v0  }
0x24c: {  	[tilespmem:v56+s16+$0x0] =	vst.idx.msk $0xffff, v51  }
0x24d: {  	v48 =	vmov v49;
	v49 =	vmov v5;
	v5 =	vld [tilespmem:$0x1FFC0]  }
0x24e: {  	v60 =	vadd.s32 $0x27, v53;
	v61 =	vld.idx.msk [tilespmem:v36+s31+$0x0], $0xffff;
	v36 =	vadd.s32 v8, v54  }
0x24f: {  	v55 =	vadd.s32 $0x27, v55;
	_ =	sdelay $0x2  }
0x250: {  	v0 =	vld.idx.msk [tilespmem:v2+s31+$0x0], $0xffff;
	v1 =	vadd.s32 v5, v50  }
0x251: {  	[tilespmem:v36+s16+$0x0] =	vst.idx.msk $0xffff, v61;
	v2 =	vld.idx.msk [tilespmem:v60+s31+$0x0], $0xffff;
	v59 =	vadd.s32 v5, v52  }
0x252: {  	v60 =	vld.idx.msk [tilespmem:v55+s31+$0x0], $0xffff;
	v61 =	vadd.s32 v5, v54;
	_ =	sdelay $0x2  }
0x253: {  	[tilespmem:v1+s16+$0x0] =	vst.idx.msk $0xffff, v0  }
0x254: {  	v20 =	vmovc v21;
	v21 =	vmov v22;
	v22 =	vmov v23;
	v23 =	vmov v24;
	[tilespmem:v59+s16+$0x0] =	vst.idx.msk $0xffff, v2  }
0x255: {  	v62 =	vmov v27;
	[tilespmem:v61+s16+$0x0] =	vst.idx.msk $0xffff, v60  }
0x256: {  	v63 =	vmovc v7;
	v27 =	vmov v26;
	v26 =	vmov v62;
	v7 =	vmov v38;
	v5 =	vld [tilespmem:$0x1FFD0]  }
0x257: {  	v38 =	vmovc v4;
	v36 =	vmovc v9;
	v60 =	vmov v23;
	v23 =	vmov v37;
	v37 =	vmov v39;
	v24 =	vld [tilespmem:$0x1FDD0]  }
0x258: {  	s14 =	simm.s32 $0x0;
	v39 =	vmovc v41;
	v41 =	vmovc v43;
	v43 =	vmov v45;
	v45 =	vmov v47;
	v47 =	vmov v63;
	v56 =	vld [tilespmem:$0x1FDE0]  }
.LBB2_4:
0x259: {  	s0 =	simm.s32 $0x3  }
0x25a: {  	_ =	swait.ge [sflag:s0], $0x2800  }
0x25b: {  	[sflag:s0] =	ssyncset.done $0x0  }
0x25c: {  	[sflag:s0] =	ssyncadd.s32 $0xFFFFD800  }
0x25d: {  	_ =	swait.ge [sflag:s0], $0x2800  }
0x25e: {  	[sflag:s0] =	ssyncset.done $0x0  }
0x25f: {  	[sflag:s0] =	ssyncadd.s32 $0xFFFFD800  }
0x260: {  	_ =	swait.ge [sflag:s18], $0x50  }
0x261: {  	[sflag:s18] =	ssyncset.done $0x0  }
0x262: {  	[sflag:s18] =	ssyncadd.s32 $0xFFFFFFB0  }
0x263: {  	_ =	swait.ge [sflag:s18], $0x50  }
0x264: {  	[sflag:s18] =	ssyncset.done $0x0  }
0x265: {  	[sflag:s18] =	ssyncadd.s32 $0xFFFFFFB0  }
0x266: {  	_ =	swait.ge [sflag:s18], $0x50  }
0x267: {  	[sflag:s18] =	ssyncset.done $0x0  }
0x268: {  	[sflag:s18] =	ssyncadd.s32 $0xFFFFFFB0  }
0x269: {  	_ =	swait.ge [sflag:s18], $0x50  }
0x26a: {  	[sflag:s18] =	ssyncset.done $0x0  }
0x26b: {  	[sflag:s18] =	ssyncadd.s32 $0xFFFFFFB0  }
0x26c: {  	_ =	swait.ge [sflag:s18], $0x50  }
0x26d: {  	[sflag:s18] =	ssyncset.done $0x0  }
0x26e: {  	s1 =	simm.s32 $0x50;
	[sflag:s18] =	ssyncadd.s32 $0xFFFFFFB0  }
0x26f: {  	s2 =	simm.s32 $0x7B80;
	p0 =	seq.s32 s14, $0x0;
	s8 =	rddreg [dreg:$0x8]  }
0x270: {  	[tilespmem:s2], [sflag:$0x4] =	stream.indirect.gather [hbm4b:s8+s1], $0x80, s9, s1, $0xb8;
	[tilespmem:$0x1F380] =	vst v63  }
0x271: {  	s0 =	simm.s32 @!p0 $0x5;
	s9 =	simm.s32 $0xCB80  }
0x272: {  	[tilespmem:s9], [sflag:$0x4] =	stream.indirect.gather [hbm4b:s8+s1], $0x80, s10, s1, $0xb8;
	[tilespmem:$0x1F380] =	vst v63  }
0x273: {  	_ =	swait.ge @!p0 [sflag:s0], $0x7800  }
0x274: {  	[sflag:s0] =	ssyncset.done @!p0 $0x0  }
0x275: {  	s12 =	simm.s32 $0xF3D4;
	s13 =	simm.s32 $0x0;
	[sflag:s0] =	ssyncadd.s32 @!p0 $0xFFFF8800  }
0x276: {  	s1 =	smul.u32 $0x3000, s13;
	v0 =	vld [tilespmem:s12+$0xFFFFFFDE]  }
0x277: {  	v1 =	vld [tilespmem:s12+$0xFFFFFFAC]  }
0x278: {  	s15 =	simm.s32 $0x80;
	s2 =	sshra.s32 s1, $0x2  }
0x279: {  	s5 =	sand.u32 $0x380, s15;
	s3 =	sadd.s32 $0x10380, s2  }
0x27a: {  	s1 =	sand.u32 $0x300, s29;
	s4 =	sadd.s32 s5, s3  }
0x27b: {  	s6 =	sadd.s32 s1, s3;
	[tilespmem:s4+$0x0] =	vst v0  }
0x27c: {  	[tilespmem:s6+$0x0] =	vst v1;
	v0 =	vld [tilespmem:s12+$0xFFFFFFEE]  }
0x27d: {  	v1 =	vld [tilespmem:s12+$0xFFFFFFBC];
	_ =	sdelay $0x3  }
0x27e: {  	[tilespmem:s4+$0x10] =	vst v0  }
0x27f: {  	[tilespmem:s6+$0x10] =	vst v1;
	v0 =	vld [tilespmem:s12+$0xFFFFFFFE]  }
0x280: {  	v1 =	vld [tilespmem:s12+$0xFFFFFFCC];
	_ =	sdelay $0x3  }
0x281: {  	[tilespmem:s4+$0x20] =	vst v0  }
0x282: {  	[tilespmem:s6+$0x20] =	vst v1;
	v0 =	vld [tilespmem:s12+$0x0]  }
0x283: {  	v1 =	vld [tilespmem:s12+$0xFFFFFFCE];
	_ =	sdelay $0x3  }
0x284: {  	s17 =	simm.s32 $0x5400;
	[tilespmem:s4+$0x22] =	vst v0  }
0x285: {  	[tilespmem:s6+$0x22] =	vst v1;
	v0 =	vld [tilespmem:s17+$0x0]  }
0x286: {  	v1 =	vld [tilespmem:s17+$0xFFFFFF80];
	_ =	sdelay $0x3  }
0x287: {  	[tilespmem:s4+$0x32] =	vst v0  }
0x288: {  	[tilespmem:s6+$0x32] =	vst v1;
	v0 =	vld [tilespmem:s17+$0x10]  }
0x289: {  	v1 =	vld [tilespmem:s17+$0xFFFFFF90];
	_ =	sdelay $0x3  }
0x28a: {  	[tilespmem:s4+$0x42] =	vst v0  }
0x28b: {  	[tilespmem:s6+$0x42] =	vst v1;
	v0 =	vld [tilespmem:s17+$0x20]  }
0x28c: {  	v1 =	vld [tilespmem:s17+$0xFFFFFFA0];
	_ =	sdelay $0x3  }
0x28d: {  	[tilespmem:s4+$0x52] =	vst v0  }
0x28e: {  	[tilespmem:s6+$0x52] =	vst v1;
	v0 =	vld [tilespmem:s17+$0x30]  }
0x28f: {  	s19 =	simm.s32 $0x0;
	s12 =	simm.s32 $0xF438;
	v1 =	vld [tilespmem:s17+$0xFFFFFFB0]  }
0x290: {  	s0 =	smul.u32 $0x3000, s19;
	v2 =	vld [tilespmem:s12+$0xFFFFFFDE]  }
0x291: {  	v50 =	vld [tilespmem:s12+$0xFFFFFFAC]  }
0x292: {  	s20 =	simm.s32 $0x180;
	s7 =	sshra.s32 s0, $0x2  }
0x293: {  	s8 =	simm.s32 $0x100;
	s19 =	sand.u32 $0x380, s20;
	s21 =	sadd.s32 $0x10380, s7;
	[tilespmem:s4+$0x62] =	vst v0  }
0x294: {  	s8 =	sand.u32 $0x300, s8;
	s0 =	sadd.s32 s19, s21;
	[tilespmem:s6+$0x62] =	vst v1;
	v0 =	vld [tilespmem:s17+$0x3E]  }
0x295: {  	s22 =	sadd.s32 s8, s21;
	[tilespmem:s0+$0x0] =	vst v2;
	v1 =	vld [tilespmem:s17+$0xFFFFFFBE]  }
0x296: {  	[tilespmem:s22+$0x0] =	vst v50;
	v2 =	vld [tilespmem:s12+$0xFFFFFFEE]  }
0x297: {  	v50 =	vld [tilespmem:s12+$0xFFFFFFBC];
	_ =	sdelay $0x1  }
0x298: {  	[tilespmem:s4+$0x70] =	vst v0  }
0x299: {  	[tilespmem:s6+$0x70] =	vst v1;
	v0 =	vld [tilespmem:s17+$0x4E]  }
0x29a: {  	[tilespmem:s0+$0x10] =	vst v2;
	v1 =	vld [tilespmem:s17+$0xFFFFFFCE]  }
0x29b: {  	[tilespmem:s22+$0x10] =	vst v50;
	v2 =	vld [tilespmem:s12+$0xFFFFFFFE]  }
0x29c: {  	s26 =	sadd.s32 $0x10780, s2;
	v50 =	vld [tilespmem:s12+$0xFFFFFFCC]  }
0x29d: {  	s15 =	sadd.s32 s5, s26  }
0x29e: {  	s6 =	sadd.s32 s1, s26;
	[tilespmem:s15+$0x0] =	vst v0  }
0x29f: {  	[tilespmem:s6+$0x0] =	vst v1;
	v0 =	vld [tilespmem:s17+$0x5E]  }
0x2a0: {  	[tilespmem:s0+$0x20] =	vst v2;
	v1 =	vld [tilespmem:s17+$0xFFFFFFDE]  }
0x2a1: {  	[tilespmem:s22+$0x20] =	vst v50;
	v2 =	vld [tilespmem:s12+$0x0]  }
0x2a2: {  	v50 =	vld [tilespmem:s12+$0xFFFFFFCE];
	_ =	sdelay $0x1  }
0x2a3: {  	[tilespmem:s15+$0x10] =	vst v0  }
0x2a4: {  	[tilespmem:s6+$0x10] =	vst v1;
	v0 =	vld [tilespmem:s17+$0x6E]  }
0x2a5: {  	s24 =	simm.s32 $0x5500;
	[tilespmem:s0+$0x22] =	vst v2;
	v1 =	vld [tilespmem:s17+$0xFFFFFFEE]  }
0x2a6: {  	[tilespmem:s22+$0x22] =	vst v50;
	v2 =	vld [tilespmem:s24+$0x0]  }
0x2a7: {  	v50 =	vld [tilespmem:s24+$0xFFFFFF80];
	_ =	sdelay $0x1  }
0x2a8: {  	[tilespmem:s15+$0x20] =	vst v0  }
0x2a9: {  	[tilespmem:s6+$0x20] =	vst v1;
	v0 =	vld [tilespmem:s17+$0x70]  }
0x2aa: {  	[tilespmem:s0+$0x32] =	vst v2;
	v1 =	vld [tilespmem:s17+$0xFFFFFFF0]  }
0x2ab: {  	[tilespmem:s22+$0x32] =	vst v50;
	v2 =	vld [tilespmem:s24+$0x10]  }
0x2ac: {  	v50 =	vld [tilespmem:s24+$0xFFFFFF90];
	_ =	sdelay $0x1  }
0x2ad: {  	s13 =	simm.s32 $0xA400;
	[tilespmem:s15+$0x22] =	vst v0  }
0x2ae: {  	[tilespmem:s6+$0x22] =	vst v1;
	v0 =	vld [tilespmem:s13+$0x0]  }
0x2af: {  	[tilespmem:s0+$0x42] =	vst v2;
	v1 =	vld [tilespmem:s13+$0xFFFFFF80]  }
0x2b0: {  	[tilespmem:s22+$0x42] =	vst v50;
	v2 =	vld [tilespmem:s24+$0x20]  }
0x2b1: {  	v50 =	vld [tilespmem:s24+$0xFFFFFFA0];
	_ =	sdelay $0x1  }
0x2b2: {  	[tilespmem:s15+$0x32] =	vst v0  }
0x2b3: {  	[tilespmem:s6+$0x32] =	vst v1;
	v0 =	vld [tilespmem:s13+$0x10]  }
0x2b4: {  	[tilespmem:s0+$0x52] =	vst v2;
	v1 =	vld [tilespmem:s13+$0xFFFFFF90]  }
0x2b5: {  	[tilespmem:s22+$0x52] =	vst v50;
	v2 =	vld [tilespmem:s24+$0x30]  }
0x2b6: {  	s20 =	simm.s32 $0x0;
	s3 =	simm.s32 $0xF49C;
	v50 =	vld [tilespmem:s24+$0xFFFFFFB0]  }
0x2b7: {  	v51 =	vld [tilespmem:s3+$0xFFFFFFDE];
	s4 =	smul.u32 $0x3000, s20  }
0x2b8: {  	v52 =	vld [tilespmem:s3+$0xFFFFFFAC];
	[tilespmem:s15+$0x42] =	vst v0  }
0x2b9: {  	s21 =	simm.s32 $0x280;
	s23 =	sshra.s32 s4, $0x2;
	[tilespmem:s6+$0x42] =	vst v1;
	v0 =	vld [tilespmem:s13+$0x20]  }
0x2ba: {  	s12 =	simm.s32 $0x200;
	s20 =	sand.u32 $0x380, s21;
	[tilespmem:s0+$0x62] =	vst v2;
	s17 =	sadd.s32 $0x10380, s23;
	v1 =	vld [tilespmem:s13+$0xFFFFFFA0]  }
0x2bb: {  	s21 =	sand.u32 $0x300, s12;
	[tilespmem:s22+$0x62] =	vst v50;
	v2 =	vld [tilespmem:s24+$0x3E];
	s4 =	sadd.s32 s20, s17  }
0x2bc: {  	v50 =	vld [tilespmem:s24+$0xFFFFFFBE];
	s25 =	sadd.s32 s21, s17;
	[tilespmem:s4+$0x0] =	vst v51  }
0x2bd: {  	[tilespmem:s25+$0x0] =	vst v52;
	v51 =	vld [tilespmem:s3+$0xFFFFFFEE]  }
0x2be: {  	v52 =	vld [tilespmem:s3+$0xFFFFFFBC];
	[tilespmem:s15+$0x52] =	vst v0  }
0x2bf: {  	[tilespmem:s6+$0x52] =	vst v1;
	v0 =	vld [tilespmem:s13+$0x30]  }
0x2c0: {  	[tilespmem:s0+$0x70] =	vst v2;
	v1 =	vld [tilespmem:s13+$0xFFFFFFB0]  }
0x2c1: {  	[tilespmem:s22+$0x70] =	vst v50;
	v2 =	vld [tilespmem:s24+$0x4E]  }
0x2c2: {  	v50 =	vld [tilespmem:s24+$0xFFFFFFCE];
	[tilespmem:s4+$0x10] =	vst v51  }
0x2c3: {  	[tilespmem:s25+$0x10] =	vst v52;
	v51 =	vld [tilespmem:s3+$0xFFFFFFFE]  }
0x2c4: {  	s22 =	sadd.s32 $0x10780, s7;
	v52 =	vld [tilespmem:s3+$0xFFFFFFCC];
	[tilespmem:s15+$0x62] =	vst v0  }
0x2c5: {  	s28 =	sadd.s32 s19, s22;
	[tilespmem:s6+$0x62] =	vst v1;
	v0 =	vld [tilespmem:s13+$0x3E]  }
0x2c6: {  	s0 =	sadd.s32 s8, s22;
	[tilespmem:s28+$0x0] =	vst v2;
	v1 =	vld [tilespmem:s13+$0xFFFFFFBE]  }
0x2c7: {  	[tilespmem:s0+$0x0] =	vst v50;
	v2 =	vld [tilespmem:s24+$0x5E]  }
0x2c8: {  	v50 =	vld [tilespmem:s24+$0xFFFFFFDE];
	[tilespmem:s4+$0x20] =	vst v51  }
0x2c9: {  	[tilespmem:s25+$0x20] =	vst v52;
	v51 =	vld [tilespmem:s3+$0x0]  }
0x2ca: {  	v52 =	vld [tilespmem:s3+$0xFFFFFFCE];
	[tilespmem:s15+$0x70] =	vst v0  }
0x2cb: {  	[tilespmem:s6+$0x70] =	vst v1;
	v0 =	vld [tilespmem:s13+$0x4E]  }
0x2cc: {  	[tilespmem:s28+$0x10] =	vst v2;
	v1 =	vld [tilespmem:s13+$0xFFFFFFCE]  }
0x2cd: {  	[tilespmem:s0+$0x10] =	vst v50;
	v2 =	vld [tilespmem:s24+$0x6E]  }
0x2ce: {  	s2 =	sadd.s32 $0x10B80, s2;
	s26 =	simm.s32 $0x5600;
	v50 =	vld [tilespmem:s24+$0xFFFFFFEE];
	[tilespmem:s4+$0x22] =	vst v51  }
0x2cf: {  	s5 =	sadd.s32 s5, s2;
	[tilespmem:s25+$0x22] =	vst v52;
	v51 =	vld [tilespmem:s26+$0x0]  }
0x2d0: {  	s9 =	sadd.s32 s1, s2;
	v52 =	vld [tilespmem:s26+$0xFFFFFF80];
	[tilespmem:s5+$0x0] =	vst v0  }
0x2d1: {  	[tilespmem:s9+$0x0] =	vst v1;
	v0 =	vld [tilespmem:s13+$0x5E]  }
0x2d2: {  	[tilespmem:s28+$0x20] =	vst v2;
	v1 =	vld [tilespmem:s13+$0xFFFFFFDE]  }
0x2d3: {  	[tilespmem:s0+$0x20] =	vst v50;
	v2 =	vld [tilespmem:s24+$0x70]  }
0x2d4: {  	v50 =	vld [tilespmem:s24+$0xFFFFFFF0];
	[tilespmem:s4+$0x32] =	vst v51  }
0x2d5: {  	[tilespmem:s25+$0x32] =	vst v52;
	v51 =	vld [tilespmem:s26+$0x10]  }
0x2d6: {  	v52 =	vld [tilespmem:s26+$0xFFFFFF90];
	[tilespmem:s5+$0x10] =	vst v0  }
0x2d7: {  	[tilespmem:s9+$0x10] =	vst v1;
	v0 =	vld [tilespmem:s13+$0x6E]  }
0x2d8: {  	s2 =	simm.s32 $0xA500;
	[tilespmem:s28+$0x22] =	vst v2;
	v1 =	vld [tilespmem:s13+$0xFFFFFFEE]  }
0x2d9: {  	[tilespmem:s0+$0x22] =	vst v50;
	v2 =	vld [tilespmem:s2+$0x0]  }
0x2da: {  	v53 =	vld [tilespmem:s2+$0xFFFFFF80];
	[tilespmem:s4+$0x42] =	vst v51  }
0x2db: {  	[tilespmem:s25+$0x42] =	vst v52;
	v55 =	vld [tilespmem:s26+$0x20]  }
0x2dc: {  	v54 =	vld [tilespmem:s26+$0xFFFFFFA0];
	[tilespmem:s5+$0x20] =	vst v0  }
0x2dd: {  	[tilespmem:s9+$0x20] =	vst v1;
	v51 =	vld [tilespmem:s13+$0x70]  }
0x2de: {  	[tilespmem:s28+$0x32] =	vst v2;
	s6 =	smul.u32 $0xA0, s14;
	v50 =	vld [tilespmem:s13+$0xFFFFFFF0]  }
0x2df: {  	v52 =	vld [tilespmem:s2+$0x10];
	s15 =	simm.s32 $0x5600;
	s24 =	rddreg [dreg:$0xb];
	[tilespmem:s0+$0x32] =	vst v53  }
0x2e0: {  	s13 =	simm.s32 $0x4;
	[tilespmem:s4+$0x52] =	vst v55;
	s1 =	sadd.s32 s24, s6;
	v53 =	vld [tilespmem:s2+$0xFFFFFF90];
	s24 =	simm.s32 $0xA500  }
.LBB2_5:
0x2e1: {  	s13 =	sadd.s32 $0x2, s13;
	[tilespmem:s25+$0x52] =	vst v54;
	v0 =	vld [tilespmem:s26+$0x30]  }
0x2e2: {  	s3 =	sadd.s32 $0x64, s3;
	s10 =	sshrl.u32 s13, $0x3;
	p0 =	slt.u32 s13, $0x4E;
	v1 =	vld [tilespmem:s26+$0xFFFFFFB0];
	[tilespmem:s5+$0x22] =	vst v51  }
0x2e3: {  	s5 =	smul.u32 $0x3000, s10;
	v2 =	vld [tilespmem:s3+$0xFFFFFFDE];
	[tilespmem:s9+$0x22] =	vst v50  }
0x2e4: {  	s12 =	sadd.s32 $0x100, s12;
	v50 =	vld [tilespmem:s3+$0xFFFFFFAC];
	[tilespmem:s28+$0x42] =	vst v52  }
0x2e5: {  	s10 =	sand.u32 $0x300, s12;
	s17 =	sshra.s32 s5, $0x2;
	s5 =	sadd.s32 $0x80, s12;
	[tilespmem:s0+$0x42] =	vst v53;
	v51 =	vld [tilespmem:s2+$0x20]  }
0x2e6: {  	s9 =	sadd.s32 $0x10380, s17;
	s22 =	sand.u32 $0x380, s5;
	[tilespmem:s4+$0x62] =	vst v0;
	v0 =	vld [tilespmem:s2+$0xFFFFFFA0]  }
0x2e7: {  	s5 =	sadd.s32 s10, s9;
	s9 =	sadd.s32 s22, s9;
	[tilespmem:s25+$0x62] =	vst v1;
	v1 =	vld [tilespmem:s26+$0x3E]  }
0x2e8: {  	[tilespmem:s9+$0x0] =	vst v2;
	v2 =	vld [tilespmem:s26+$0xFFFFFFBE]  }
0x2e9: {  	[tilespmem:s5+$0x0] =	vst v50;
	v50 =	vld [tilespmem:s3+$0xFFFFFFEE]  }
0x2ea: {  	v52 =	vld [tilespmem:s3+$0xFFFFFFBC];
	[tilespmem:s28+$0x52] =	vst v51  }
0x2eb: {  	[tilespmem:s0+$0x52] =	vst v0;
	v0 =	vld [tilespmem:s2+$0x30]  }
0x2ec: {  	[tilespmem:s4+$0x70] =	vst v1;
	v1 =	vld [tilespmem:s2+$0xFFFFFFB0];
	s4 =	smov.u32 s9  }
0x2ed: {  	[tilespmem:s25+$0x70] =	vst v2;
	v2 =	vld [tilespmem:s26+$0x4E];
	s25 =	smov.u32 s5  }
0x2ee: {  	[tilespmem:s4+$0x10] =	vst v50;
	v50 =	vld [tilespmem:s26+$0xFFFFFFCE]  }
0x2ef: {  	[tilespmem:s25+$0x10] =	vst v52;
	v51 =	vld [tilespmem:s3+$0xFFFFFFFE]  }
0x2f0: {  	s5 =	sadd.s32 $0x10780, s23;
	v52 =	vld [tilespmem:s3+$0xFFFFFFCC];
	[tilespmem:s28+$0x62] =	vst v0  }
0x2f1: {  	s9 =	sadd.s32 s21, s5;
	s5 =	sadd.s32 s20, s5;
	[tilespmem:s0+$0x62] =	vst v1;
	v0 =	vld [tilespmem:s2+$0x3E]  }
0x2f2: {  	[tilespmem:s5+$0x0] =	vst v2;
	v1 =	vld [tilespmem:s2+$0xFFFFFFBE]  }
0x2f3: {  	[tilespmem:s9+$0x0] =	vst v50;
	v2 =	vld [tilespmem:s26+$0x5E]  }
0x2f4: {  	[tilespmem:s4+$0x20] =	vst v51;
	v50 =	vld [tilespmem:s26+$0xFFFFFFDE]  }
0x2f5: {  	[tilespmem:s25+$0x20] =	vst v52;
	v51 =	vld [tilespmem:s3+$0x0]  }
0x2f6: {  	v52 =	vld [tilespmem:s3+$0xFFFFFFCE];
	[tilespmem:s28+$0x70] =	vst v0;
	s28 =	smov.u32 s5  }
0x2f7: {  	[tilespmem:s0+$0x70] =	vst v1;
	v0 =	vld [tilespmem:s2+$0x4E];
	s0 =	smov.u32 s9  }
0x2f8: {  	[tilespmem:s28+$0x10] =	vst v2;
	v1 =	vld [tilespmem:s2+$0xFFFFFFCE]  }
0x2f9: {  	[tilespmem:s0+$0x10] =	vst v50;
	v2 =	vld [tilespmem:s26+$0x6E]  }
0x2fa: {  	s5 =	sadd.s32 $0x10B80, s7;
	s7 =	smov.u32 s23;
	s26 =	sadd.s32 $0x100, s26;
	[tilespmem:s4+$0x22] =	vst v51;
	v50 =	vld [tilespmem:s15+$0xFFFFFFEE]  }
0x2fb: {  	s9 =	sadd.s32 s8, s5;
	s5 =	sadd.s32 s19, s5;
	s8 =	smov.u32 s21;
	[tilespmem:s25+$0x22] =	vst v52;
	v51 =	vld [tilespmem:s26+$0x0]  }
0x2fc: {  	s23 =	smov.u32 s17;
	s21 =	smov.u32 s10;
	s19 =	smov.u32 s20;
	v52 =	vld [tilespmem:s26+$0xFFFFFF80];
	[tilespmem:s5+$0x0] =	vst v0  }
0x2fd: {  	s20 =	smov.u32 s22;
	[tilespmem:s9+$0x0] =	vst v1;
	v0 =	vld [tilespmem:s2+$0x5E]  }
0x2fe: {  	[tilespmem:s28+$0x20] =	vst v2;
	v1 =	vld [tilespmem:s2+$0xFFFFFFDE]  }
0x2ff: {  	[tilespmem:s0+$0x20] =	vst v50;
	v2 =	vld [tilespmem:s15+$0x70]  }
0x300: {  	[tilespmem:s4+$0x32] =	vst v51;
	v50 =	vld [tilespmem:s15+$0xFFFFFFF0];
	s15 =	smov.u32 s26  }
0x301: {  	[tilespmem:s25+$0x32] =	vst v52;
	v51 =	vld [tilespmem:s26+$0x10]  }
0x302: {  	v52 =	vld [tilespmem:s26+$0xFFFFFF90];
	[tilespmem:s5+$0x10] =	vst v0  }
0x303: {  	[tilespmem:s9+$0x10] =	vst v1;
	v0 =	vld [tilespmem:s2+$0x6E]  }
0x304: {  	s2 =	sadd.s32 $0x100, s2;
	[tilespmem:s28+$0x22] =	vst v2;
	v1 =	vld [tilespmem:s24+$0xFFFFFFEE]  }
0x305: {  	[tilespmem:s0+$0x22] =	vst v50;
	v2 =	vld [tilespmem:s2+$0x0]  }
0x306: {  	[tilespmem:s4+$0x42] =	vst v51;
	v53 =	vld [tilespmem:s2+$0xFFFFFF80]  }
0x307: {  	[tilespmem:s25+$0x42] =	vst v52;
	v55 =	vld [tilespmem:s26+$0x20]  }
.Ltmp3:
0x308: {  	v54 =	vld [tilespmem:s26+$0xFFFFFFA0];
	[tilespmem:s5+$0x20] =	vst v0;
	(pc) =	sbr.rel @p0 .LBB2_5-.Ltmp3, $4  }
0x309: {  	[tilespmem:s9+$0x20] =	vst v1;
	v51 =	vld [tilespmem:s24+$0x70]  }
0x30a: {  	[tilespmem:s28+$0x32] =	vst v2;
	v50 =	vld [tilespmem:s24+$0xFFFFFFF0];
	s24 =	smov.u32 s2  }
0x30b: {  	[tilespmem:s0+$0x32] =	vst v53;
	v52 =	vld [tilespmem:s2+$0x10]  }
0x30c: {  	[tilespmem:s4+$0x52] =	vst v55;
	v53 =	vld [tilespmem:s2+$0xFFFFFF90]  }
0x30d: {  	[tilespmem:s25+$0x52] =	vst v54;
	v0 =	vld [tilespmem:s26+$0x30]  }
0x30e: {  	v1 =	vld [tilespmem:s26+$0xFFFFFFB0];
	_ =	sdelay $0x3  }
0x30f: {  	[tilespmem:s4+$0x62] =	vst v0  }
0x310: {  	[tilespmem:s25+$0x62] =	vst v1;
	v0 =	vld [tilespmem:s26+$0x3E]  }
0x311: {  	v1 =	vld [tilespmem:s26+$0xFFFFFFBE];
	_ =	sdelay $0x3  }
0x312: {  	[tilespmem:s4+$0x70] =	vst v0  }
0x313: {  	[tilespmem:s25+$0x70] =	vst v1;
	v0 =	vld [tilespmem:s26+$0x4E]  }
0x314: {  	v1 =	vld [tilespmem:s26+$0xFFFFFFCE];
	_ =	sdelay $0x1  }
0x315: {  	s3 =	sadd.s32 $0x10780, s23  }
0x316: {  	s25 =	sadd.s32 s20, s3  }
0x317: {  	s10 =	sadd.s32 s21, s3;
	[tilespmem:s25+$0x0] =	vst v0  }
0x318: {  	[tilespmem:s10+$0x0] =	vst v1;
	v0 =	vld [tilespmem:s26+$0x5E]  }
0x319: {  	v1 =	vld [tilespmem:s26+$0xFFFFFFDE];
	_ =	sdelay $0x3  }
0x31a: {  	[tilespmem:s25+$0x10] =	vst v0  }
0x31b: {  	[tilespmem:s10+$0x10] =	vst v1;
	v0 =	vld [tilespmem:s26+$0x6E]  }
0x31c: {  	v1 =	vld [tilespmem:s15+$0xFFFFFFEE];
	_ =	sdelay $0x3  }
0x31d: {  	[tilespmem:s25+$0x20] =	vst v0  }
0x31e: {  	[tilespmem:s10+$0x20] =	vst v1;
	v0 =	vld [tilespmem:s15+$0x70]  }
0x31f: {  	v1 =	vld [tilespmem:s15+$0xFFFFFFF0];
	_ =	sdelay $0x3  }
0x320: {  	s26 =	sadd.s32 $0x100, s2;
	[tilespmem:s25+$0x22] =	vst v0  }
0x321: {  	[tilespmem:s10+$0x22] =	vst v1;
	v0 =	vld [tilespmem:s26+$0x0]  }
0x322: {  	v1 =	vld [tilespmem:s26+$0xFFFFFF80];
	_ =	sdelay $0x3  }
0x323: {  	[tilespmem:s25+$0x32] =	vst v0  }
0x324: {  	[tilespmem:s10+$0x32] =	vst v1;
	v0 =	vld [tilespmem:s26+$0x10]  }
0x325: {  	v1 =	vld [tilespmem:s26+$0xFFFFFF90];
	_ =	sdelay $0x1  }
0x326: {  	[tilespmem:s28+$0x42] =	vst v52  }
0x327: {  	[tilespmem:s0+$0x42] =	vst v53;
	v2 =	vld [tilespmem:s2+$0x20]  }
0x328: {  	v58 =	vld [tilespmem:s2+$0xFFFFFFA0];
	[tilespmem:s25+$0x42] =	vst v0  }
0x329: {  	[tilespmem:s10+$0x42] =	vst v1;
	v0 =	vld [tilespmem:s26+$0x20]  }
0x32a: {  	v1 =	vld [tilespmem:s26+$0xFFFFFFA0];
	_ =	sdelay $0x1  }
0x32b: {  	[tilespmem:s28+$0x52] =	vst v2  }
0x32c: {  	[tilespmem:s0+$0x52] =	vst v58;
	v2 =	vld [tilespmem:s2+$0x30]  }
0x32d: {  	v52 =	vld [tilespmem:s2+$0xFFFFFFB0];
	[tilespmem:s25+$0x52] =	vst v0  }
0x32e: {  	[tilespmem:s10+$0x52] =	vst v1;
	v0 =	vld [tilespmem:s26+$0x30]  }
0x32f: {  	v1 =	vld [tilespmem:s26+$0xFFFFFFB0];
	_ =	sdelay $0x1  }
0x330: {  	[tilespmem:s28+$0x62] =	vst v2  }
0x331: {  	[tilespmem:s0+$0x62] =	vst v52;
	v2 =	vld [tilespmem:s2+$0x3E]  }
0x332: {  	v52 =	vld [tilespmem:s2+$0xFFFFFFBE];
	[tilespmem:s25+$0x62] =	vst v0  }
0x333: {  	[tilespmem:s10+$0x62] =	vst v1;
	v0 =	vld [tilespmem:s26+$0x3E]  }
0x334: {  	v1 =	vld [tilespmem:s26+$0xFFFFFFBE];
	_ =	sdelay $0x1  }
0x335: {  	[tilespmem:s28+$0x70] =	vst v2  }
0x336: {  	[tilespmem:s0+$0x70] =	vst v52;
	v2 =	vld [tilespmem:s2+$0x4E]  }
0x337: {  	v52 =	vld [tilespmem:s2+$0xFFFFFFCE];
	[tilespmem:s25+$0x70] =	vst v0  }
0x338: {  	[tilespmem:s10+$0x70] =	vst v1;
	v0 =	vld [tilespmem:s26+$0x4E]  }
0x339: {  	s12 =	sadd.s32 $0x10B80, s7;
	v1 =	vld [tilespmem:s26+$0xFFFFFFCE]  }
0x33a: {  	s13 =	sadd.s32 s19, s12  }
0x33b: {  	s0 =	sadd.s32 s8, s12;
	[tilespmem:s13+$0x0] =	vst v2;
	s15 =	sadd.s32 $0x10B80, s23  }
0x33c: {  	[tilespmem:s0+$0x0] =	vst v52;
	v2 =	vld [tilespmem:s2+$0x5E];
	s17 =	sadd.s32 s20, s15  }
0x33d: {  	v52 =	vld [tilespmem:s2+$0xFFFFFFDE];
	s7 =	sadd.s32 s21, s15;
	[tilespmem:s17+$0x0] =	vst v0  }
0x33e: {  	[tilespmem:s7+$0x0] =	vst v1;
	v0 =	vld [tilespmem:s26+$0x5E]  }
0x33f: {  	v1 =	vld [tilespmem:s26+$0xFFFFFFDE];
	_ =	sdelay $0x1  }
0x340: {  	[tilespmem:s13+$0x10] =	vst v2  }
0x341: {  	[tilespmem:s0+$0x10] =	vst v52;
	v2 =	vld [tilespmem:s2+$0x6E]  }
0x342: {  	v52 =	vld [tilespmem:s24+$0xFFFFFFEE];
	[tilespmem:s17+$0x10] =	vst v0  }
0x343: {  	[tilespmem:s7+$0x10] =	vst v1;
	v0 =	vld [tilespmem:s26+$0x6E]  }
0x344: {  	v1 =	vld [tilespmem:s26+$0xFFFFFFEE];
	_ =	sdelay $0x1  }
0x345: {  	[tilespmem:s13+$0x20] =	vst v2  }
0x346: {  	[tilespmem:s0+$0x20] =	vst v52;
	v2 =	vld [tilespmem:s24+$0x70]  }
0x347: {  	v52 =	vld [tilespmem:s24+$0xFFFFFFF0];
	[tilespmem:s17+$0x20] =	vst v0  }
0x348: {  	[tilespmem:s7+$0x20] =	vst v1;
	v0 =	vld [tilespmem:s26+$0x70]  }
0x349: {  	[tilespmem:s5+$0x22] =	vst v51;
	v1 =	vld [tilespmem:s26+$0xFFFFFFF0]  }
0x34a: {  	[tilespmem:s9+$0x22] =	vst v50  }
0x34b: {  	[tilespmem:s13+$0x22] =	vst v2  }
0x34c: {  	[tilespmem:s0+$0x22] =	vst v52  }
0x34d: {  	s1 =	sshrl.u32 s1, $0x3;
	[tilespmem:s17+$0x22] =	vst v0  }
0x34e: {  	s19 =	smul.u32 $0x180, s1;
	[tilespmem:s7+$0x22] =	vst v1  }
0x34f: {  	s22 =	simm.s32 $0x10380;
	s20 =	rddreg [dreg:$0xc]  }
0x350: {  	s23 =	simm.s32 $0x4F00;
	s21 =	simm.s32 $0x0;
	s0 =	sadd.s32 s20, s19  }
0x351: {  	[hbm4b:s0+s21] =	stream.linear.scatter [tilespmem:s22], [sflag:$0x5], $0x7800, $0x38;
	[tilespmem:$0x1F380] =	vst v63  }
0x352: {  	v0 =	vld [tilespmem:s23+$0x0];
	_ =	sdelay $0x4  }
0x353: {  	v0 =	vmul.u32 $0x5, v0  }
0x354: {  	v1 =	vmov s21;
	v63 =	vld [tilespmem:$0x1FFA0]  }
0x355: {  	v1 =	vmul.u32 $0x32, v1;
	_ =	sdelay $0x1  }
0x356: {  	v50 =	vbroadcast v1, $0x0;
	_ =	sdelay $0x1  }
0x357: {  	v2 =	vadd.s32 v63, v50;
	v1 =	vld.idx.msk [tilespmem:v0+s11+$0x0], $0xffff;
	_ =	sdelay $0x2  }
0x358: {  	s24 =	simm.s32 $0x5000  }
0x359: {  	s25 =	simm.s32 $0x5100;
	v52 =	vld [tilespmem:s24+$0x0]  }
0x35a: {  	v53 =	vld [tilespmem:s25+$0x0];
	[tilespmem:v2+s16+$0x0] =	vst.idx.msk $0xffff, v1  }
0x35b: {  	v59 =	vadd.s32 $0x1, v0;
	v4 =	vld [tilespmem:$0x1FF90];
	_ =	sdelay $0x4  }
0x35c: {  	v1 =	vld.idx.msk [tilespmem:v59+s11+$0x0], $0xffff;
	v2 =	vadd.s32 v4, v50  }
0x35d: {  	v61 =	vadd.s32 $0x2, v0;
	_ =	sdelay $0x3  }
0x35e: {  	[tilespmem:v2+s16+$0x0] =	vst.idx.msk $0xffff, v1  }
0x35f: {  	v2 =	vadd.s32 v5, v50;
	v1 =	vld.idx.msk [tilespmem:v61+s11+$0x0], $0xffff  }
0x360: {  	v62 =	vadd.s32 $0x3, v0;
	_ =	sdelay $0x3  }
0x361: {  	[tilespmem:v2+s16+$0x0] =	vst.idx.msk $0xffff, v1  }
0x362: {  	v2 =	vadd.s32 v6, v50;
	v1 =	vld.idx.msk [tilespmem:v62+s11+$0x0], $0xffff  }
0x363: {  	v0 =	vadd.s32 $0x4, v0;
	_ =	sdelay $0x3  }
0x364: {  	[tilespmem:v2+s16+$0x0] =	vst.idx.msk $0xffff, v1  }
0x365: {  	v1 =	vmul.u32 $0x5, v52;
	v2 =	vadd.s32 v7, v50;
	v0 =	vld.idx.msk [tilespmem:v0+s11+$0x0], $0xffff;
	_ =	sdelay $0x4  }
0x366: {  	[tilespmem:v2+s16+$0x0] =	vst.idx.msk $0xffff, v0  }
0x367: {  	v2 =	vadd.s32 v24, v50;
	v0 =	vld.idx.msk [tilespmem:v1+s30+$0x0], $0xffff  }
0x368: {  	v54 =	vadd.s32 $0x1, v1;
	_ =	sdelay $0x3  }
0x369: {  	[tilespmem:v2+s16+$0x0] =	vst.idx.msk $0xffff, v0  }
0x36a: {  	v2 =	vadd.s32 v56, v50;
	v0 =	vld.idx.msk [tilespmem:v54+s30+$0x0], $0xffff  }
0x36b: {  	v55 =	vadd.s32 $0x2, v1;
	_ =	sdelay $0x3  }
0x36c: {  	[tilespmem:v2+s16+$0x0] =	vst.idx.msk $0xffff, v0  }
0x36d: {  	v2 =	vadd.s32 v10, v50;
	v0 =	vld.idx.msk [tilespmem:v55+s30+$0x0], $0xffff  }
0x36e: {  	v57 =	vadd.s32 $0x3, v1;
	_ =	sdelay $0x3  }
0x36f: {  	[tilespmem:v2+s16+$0x0] =	vst.idx.msk $0xffff, v0  }
0x370: {  	v2 =	vadd.s32 v11, v50;
	v0 =	vld.idx.msk [tilespmem:v57+s30+$0x0], $0xffff  }
0x371: {  	v1 =	vadd.s32 $0x4, v1;
	_ =	sdelay $0x3  }
0x372: {  	[tilespmem:v2+s16+$0x0] =	vst.idx.msk $0xffff, v0  }
0x373: {  	v51 =	vmul.u32 $0x28, v53;
	v0 =	vld.idx.msk [tilespmem:v1+s30+$0x0], $0xffff;
	v1 =	vadd.s32 v12, v50;
	_ =	sdelay $0x4  }
0x374: {  	[tilespmem:v1+s16+$0x0] =	vst.idx.msk $0xffff, v0  }
0x375: {  	v1 =	vadd.s32 v13, v50;
	v0 =	vld.idx.msk [tilespmem:v51+s31+$0x0], $0xffff  }
0x376: {  	v2 =	vor.u32 $0x1, v51;
	_ =	sdelay $0x3  }
0x377: {  	[tilespmem:v1+s16+$0x0] =	vst.idx.msk $0xffff, v0  }
0x378: {  	v1 =	vadd.s32 v14, v50;
	v0 =	vld.idx.msk [tilespmem:v2+s31+$0x0], $0xffff  }
0x379: {  	v2 =	vor.u32 $0x2, v51;
	_ =	sdelay $0x3  }
0x37a: {  	[tilespmem:v1+s16+$0x0] =	vst.idx.msk $0xffff, v0  }
0x37b: {  	v1 =	vadd.s32 v15, v50;
	v0 =	vld.idx.msk [tilespmem:v2+s31+$0x0], $0xffff  }
0x37c: {  	v2 =	vor.u32 $0x3, v51;
	_ =	sdelay $0x3  }
0x37d: {  	[tilespmem:v1+s16+$0x0] =	vst.idx.msk $0xffff, v0  }
0x37e: {  	v1 =	vadd.s32 v16, v50;
	v0 =	vld.idx.msk [tilespmem:v2+s31+$0x0], $0xffff  }
0x37f: {  	v2 =	vor.u32 $0x4, v51;
	_ =	sdelay $0x3  }
0x380: {  	[tilespmem:v1+s16+$0x0] =	vst.idx.msk $0xffff, v0  }
0x381: {  	v1 =	vadd.s32 v17, v50;
	v0 =	vld.idx.msk [tilespmem:v2+s31+$0x0], $0xffff  }
0x382: {  	v2 =	vor.u32 $0x5, v51;
	_ =	sdelay $0x3  }
0x383: {  	[tilespmem:v1+s16+$0x0] =	vst.idx.msk $0xffff, v0  }
0x384: {  	v1 =	vadd.s32 v18, v50;
	v0 =	vld.idx.msk [tilespmem:v2+s31+$0x0], $0xffff  }
0x385: {  	s26 =	simm.s32 $0x4F10;
	v2 =	vor.u32 $0x6, v51  }
0x386: {  	v58 =	vld [tilespmem:s26+$0x0];
	_ =	sdelay $0x2  }
0x387: {  	[tilespmem:v1+s16+$0x0] =	vst.idx.msk $0xffff, v0  }
0x388: {  	v1 =	vadd.s32 v19, v50;
	v0 =	vld.idx.msk [tilespmem:v2+s31+$0x0], $0xffff  }
0x389: {  	s28 =	simm.s32 $0x10;
	v53 =	vor.u32 $0x7, v51;
	v2 =	vmul.u32 $0x5, v58  }
0x38a: {  	v59 =	vmov s28  }
0x38b: {  	v52 =	vmul.u32 $0x32, v59;
	_ =	sdelay $0x1  }
0x38c: {  	v52 =	vbroadcast v52, $0x0;
	[tilespmem:v1+s16+$0x0] =	vst.idx.msk $0xffff, v0  }
0x38d: {  	v1 =	vadd.s32 v20, v50;
	v0 =	vld.idx.msk [tilespmem:v53+s31+$0x0], $0xffff  }
0x38e: {  	v61 =	vadd.s32 v63, v52;
	v55 =	vadd.s32 $0x8, v51;
	v53 =	vld.idx.msk [tilespmem:v2+s11+$0x0], $0xffff  }
0x38f: {  	v62 =	vadd.s32 $0x1, v2  }
0x390: {  	s7 =	simm.s32 $0x5010  }
0x391: {  	s8 =	simm.s32 $0x5110;
	v57 =	vld [tilespmem:s7+$0x0]  }
0x392: {  	v58 =	vld [tilespmem:s8+$0x0];
	[tilespmem:v1+s16+$0x0] =	vst.idx.msk $0xffff, v0  }
0x393: {  	[tilespmem:v61+s16+$0x0] =	vst.idx.msk $0xffff, v53;
	v1 =	vadd.s32 v21, v50;
	v0 =	vld.idx.msk [tilespmem:v55+s31+$0x0], $0xffff  }
0x394: {  	v54 =	vadd.s32 v4, v52;
	v61 =	vadd.s32 $0x9, v51;
	v53 =	vld.idx.msk [tilespmem:v62+s11+$0x0], $0xffff  }
0x395: {  	v62 =	vadd.s32 $0x2, v2;
	_ =	sdelay $0x2  }
0x396: {  	[tilespmem:v1+s16+$0x0] =	vst.idx.msk $0xffff, v0  }
0x397: {  	[tilespmem:v54+s16+$0x0] =	vst.idx.msk $0xffff, v53;
	v1 =	vadd.s32 v22, v50;
	v0 =	vld.idx.msk [tilespmem:v61+s31+$0x0], $0xffff  }
0x398: {  	v54 =	vadd.s32 v5, v52;
	v53 =	vld.idx.msk [tilespmem:v62+s11+$0x0], $0xffff;
	v61 =	vadd.s32 $0xA, v51  }
0x399: {  	v62 =	vadd.s32 $0x3, v2;
	_ =	sdelay $0x2  }
0x39a: {  	[tilespmem:v1+s16+$0x0] =	vst.idx.msk $0xffff, v0  }
0x39b: {  	[tilespmem:v54+s16+$0x0] =	vst.idx.msk $0xffff, v53;
	v1 =	vadd.s32 v60, v50;
	v0 =	vld.idx.msk [tilespmem:v61+s31+$0x0], $0xffff  }
0x39c: {  	v53 =	vld.idx.msk [tilespmem:v62+s11+$0x0], $0xffff;
	v61 =	vadd.s32 v6, v52;
	v62 =	vadd.s32 $0xB, v51  }
0x39d: {  	v2 =	vadd.s32 $0x4, v2;
	_ =	sdelay $0x2  }
0x39e: {  	[tilespmem:v1+s16+$0x0] =	vst.idx.msk $0xffff, v0  }
0x39f: {  	[tilespmem:v61+s16+$0x0] =	vst.idx.msk $0xffff, v53;
	v1 =	vadd.s32 v27, v50;
	v0 =	vld.idx.msk [tilespmem:v62+s31+$0x0], $0xffff  }
0x3a0: {  	v59 =	vadd.s32 v7, v52;
	v53 =	vmul.u32 $0x5, v57;
	v61 =	vadd.s32 $0xC, v51;
	v2 =	vld.idx.msk [tilespmem:v2+s11+$0x0], $0xffff;
	_ =	sdelay $0x3  }
0x3a1: {  	[tilespmem:v1+s16+$0x0] =	vst.idx.msk $0xffff, v0  }
0x3a2: {  	[tilespmem:v59+s16+$0x0] =	vst.idx.msk $0xffff, v2;
	v1 =	vadd.s32 v26, v50;
	v0 =	vld.idx.msk [tilespmem:v61+s31+$0x0], $0xffff  }
0x3a3: {  	v54 =	vadd.s32 v24, v52;
	v62 =	vadd.s32 $0xD, v51;
	v2 =	vld.idx.msk [tilespmem:v53+s30+$0x0], $0xffff  }
0x3a4: {  	v61 =	vadd.s32 $0x1, v53;
	_ =	sdelay $0x2  }
0x3a5: {  	[tilespmem:v1+s16+$0x0] =	vst.idx.msk $0xffff, v0  }
0x3a6: {  	v9 =	vmov v56;
	[tilespmem:v54+s16+$0x0] =	vst.idx.msk $0xffff, v2;
	v1 =	vadd.s32 v25, v50;
	v0 =	vld.idx.msk [tilespmem:v62+s31+$0x0], $0xffff  }
0x3a7: {  	v54 =	vadd.s32 v9, v52;
	v2 =	vld.idx.msk [tilespmem:v61+s30+$0x0], $0xffff;
	v62 =	vadd.s32 $0xE, v51  }
0x3a8: {  	v61 =	vadd.s32 $0x2, v53;
	_ =	sdelay $0x2  }
0x3a9: {  	[tilespmem:v1+s16+$0x0] =	vst.idx.msk $0xffff, v0  }
0x3aa: {  	[tilespmem:v54+s16+$0x0] =	vst.idx.msk $0xffff, v2;
	v1 =	vadd.s32 v23, v50;
	v0 =	vld.idx.msk [tilespmem:v62+s31+$0x0], $0xffff  }
0x3ab: {  	v54 =	vadd.s32 v10, v52;
	v2 =	vld.idx.msk [tilespmem:v61+s30+$0x0], $0xffff;
	v62 =	vadd.s32 $0xF, v51  }
0x3ac: {  	v61 =	vadd.s32 $0x3, v53;
	_ =	sdelay $0x2  }
0x3ad: {  	[tilespmem:v1+s16+$0x0] =	vst.idx.msk $0xffff, v0  }
0x3ae: {  	[tilespmem:v54+s16+$0x0] =	vst.idx.msk $0xffff, v2;
	v1 =	vadd.s32 v28, v50;
	v0 =	vld.idx.msk [tilespmem:v62+s31+$0x0], $0xffff  }
0x3af: {  	v57 =	vadd.s32 $0x10, v51;
	v2 =	vld.idx.msk [tilespmem:v61+s30+$0x0], $0xffff;
	v62 =	vadd.s32 v11, v52  }
0x3b0: {  	v53 =	vadd.s32 $0x4, v53;
	_ =	sdelay $0x2  }
0x3b1: {  	[tilespmem:v1+s16+$0x0] =	vst.idx.msk $0xffff, v0  }
0x3b2: {  	[tilespmem:v62+s16+$0x0] =	vst.idx.msk $0xffff, v2;
	v1 =	vadd.s32 v29, v50;
	v0 =	vld.idx.msk [tilespmem:v57+s31+$0x0], $0xffff  }
0x3b3: {  	v59 =	vadd.s32 $0x11, v51;
	v2 =	vld.idx.msk [tilespmem:v53+s30+$0x0], $0xffff;
	v53 =	vmul.u32 $0x28, v58;
	v58 =	vadd.s32 v12, v52;
	_ =	sdelay $0x3  }
0x3b4: {  	[tilespmem:v1+s16+$0x0] =	vst.idx.msk $0xffff, v0  }
0x3b5: {  	[tilespmem:v58+s16+$0x0] =	vst.idx.msk $0xffff, v2;
	v1 =	vadd.s32 v30, v50;
	v0 =	vld.idx.msk [tilespmem:v59+s31+$0x0], $0xffff  }
0x3b6: {  	v54 =	vadd.s32 v13, v52;
	v61 =	vadd.s32 $0x12, v51;
	v2 =	vld.idx.msk [tilespmem:v53+s31+$0x0], $0xffff  }
0x3b7: {  	v62 =	vor.u32 $0x1, v53;
	_ =	sdelay $0x2  }
0x3b8: {  	[tilespmem:v1+s16+$0x0] =	vst.idx.msk $0xffff, v0  }
0x3b9: {  	[tilespmem:v54+s16+$0x0] =	vst.idx.msk $0xffff, v2;
	v1 =	vadd.s32 v31, v50;
	v0 =	vld.idx.msk [tilespmem:v61+s31+$0x0], $0xffff  }
0x3ba: {  	v54 =	vadd.s32 v14, v52;
	v2 =	vld.idx.msk [tilespmem:v62+s31+$0x0], $0xffff;
	v61 =	vadd.s32 $0x13, v51  }
0x3bb: {  	v62 =	vor.u32 $0x2, v53;
	_ =	sdelay $0x2  }
0x3bc: {  	[tilespmem:v1+s16+$0x0] =	vst.idx.msk $0xffff, v0  }
0x3bd: {  	[tilespmem:v54+s16+$0x0] =	vst.idx.msk $0xffff, v2;
	v1 =	vadd.s32 v32, v50;
	v0 =	vld.idx.msk [tilespmem:v61+s31+$0x0], $0xffff  }
0x3be: {  	v54 =	vadd.s32 v15, v52;
	v2 =	vld.idx.msk [tilespmem:v62+s31+$0x0], $0xffff;
	v61 =	vadd.s32 $0x14, v51  }
0x3bf: {  	v62 =	vor.u32 $0x3, v53;
	_ =	sdelay $0x2  }
0x3c0: {  	[tilespmem:v1+s16+$0x0] =	vst.idx.msk $0xffff, v0  }
0x3c1: {  	[tilespmem:v54+s16+$0x0] =	vst.idx.msk $0xffff, v2;
	v1 =	vadd.s32 v33, v50;
	v0 =	vld.idx.msk [tilespmem:v61+s31+$0x0], $0xffff  }
0x3c2: {  	v54 =	vadd.s32 v16, v52;
	v2 =	vld.idx.msk [tilespmem:v62+s31+$0x0], $0xffff;
	v61 =	vadd.s32 $0x15, v51  }
0x3c3: {  	v62 =	vor.u32 $0x4, v53;
	_ =	sdelay $0x2  }
0x3c4: {  	[tilespmem:v1+s16+$0x0] =	vst.idx.msk $0xffff, v0  }
0x3c5: {  	[tilespmem:v54+s16+$0x0] =	vst.idx.msk $0xffff, v2;
	v1 =	vadd.s32 v34, v50;
	v0 =	vld.idx.msk [tilespmem:v61+s31+$0x0], $0xffff  }
0x3c6: {  	v54 =	vadd.s32 v17, v52;
	v2 =	vld.idx.msk [tilespmem:v62+s31+$0x0], $0xffff  }
0x3c7: {  	v61 =	vadd.s32 $0x16, v51  }
0x3c8: {  	v62 =	vor.u32 $0x5, v53;
	_ =	sdelay $0x1  }
0x3c9: {  	s20 =	simm.s32 $0x4F20;
	[tilespmem:v1+s16+$0x0] =	vst.idx.msk $0xffff, v0  }
0x3ca: {  	[tilespmem:v54+s16+$0x0] =	vst.idx.msk $0xffff, v2;
	v54 =	vld [tilespmem:s20+$0x0]  }
0x3cb: {  	v8 =	vmovc v24;
	v24 =	vmovc v27;
	v57 =	vadd.s32 v35, v50;
	v0 =	vmov v60;
	v1 =	vmov v23;
	v56 =	vld.idx.msk [tilespmem:v61+s31+$0x0], $0xffff  }
0x3cc: {  	s19 =	simm.s32 $0x20;
	s21 =	simm.s32 $0x30;
	v58 =	vadd.s32 $0x17, v51;
	v60 =	vadd.s32 v18, v52;
	v59 =	vld.idx.msk [tilespmem:v62+s31+$0x0], $0xffff;
	v61 =	vor.u32 $0x6, v53;
	v23 =	vmovc v0;
	v27 =	vmovc v1  }
.LBB2_7:
0x3cd: {  	_ =	sdelay $0x3  }
0x3ce: {  	[tilespmem:v57+s16+$0x0] =	vst.idx.msk $0xffff, v56  }
0x3cf: {  	[tilespmem:v60+s16+$0x0] =	vst.idx.msk $0xffff, v59  }
0x3d0: {  	v2 =	vadd.s32 v36, v50;
	v0 =	vld.idx.msk [tilespmem:v58+s31+$0x0], $0xffff  }
0x3d1: {  	v55 =	vadd.s32 v19, v52;
	v1 =	vld.idx.msk [tilespmem:v61+s31+$0x0], $0xffff  }
0x3d2: {  	v60 =	vadd.s32 $0x18, v51  }
0x3d3: {  	v57 =	vmul.u32 $0x5, v54;
	v61 =	vor.u32 $0x7, v53  }
0x3d4: {  	v62 =	vmov s19  }
0x3d5: {  	v54 =	vmul.u32 $0x32, v62;
	[tilespmem:v2+s16+$0x0] =	vst.idx.msk $0xffff, v0  }
0x3d6: {  	[tilespmem:v55+s16+$0x0] =	vst.idx.msk $0xffff, v1  }
0x3d7: {  	v54 =	vbroadcast v54, $0x0;
	v2 =	vadd.s32 v37, v50;
	v0 =	vld.idx.msk [tilespmem:v60+s31+$0x0], $0xffff  }
0x3d8: {  	v58 =	vadd.s32 v20, v52;
	v1 =	vld.idx.msk [tilespmem:v61+s31+$0x0], $0xffff  }
0x3d9: {  	v59 =	vadd.s32 $0x19, v51;
	v56 =	vld.idx.msk [tilespmem:v57+s11+$0x0], $0xffff;
	v60 =	vadd.s32 v63, v54  }
0x3da: {  	s7 =	sadd.s32 $0x10, s7;
	v61 =	vadd.s32 $0x8, v53  }
0x3db: {  	s8 =	sadd.s32 $0x10, s8;
	v62 =	vadd.s32 $0x1, v57;
	v63 =	vld [tilespmem:s7+$0x0]  }
0x3dc: {  	v55 =	vld [tilespmem:s8+$0x0];
	[tilespmem:v2+s16+$0x0] =	vst.idx.msk $0xffff, v0  }
0x3dd: {  	[tilespmem:v58+s16+$0x0] =	vst.idx.msk $0xffff, v1  }
0x3de: {  	v2 =	vadd.s32 v38, v50;
	v0 =	vld.idx.msk [tilespmem:v59+s31+$0x0], $0xffff;
	[tilespmem:v60+s16+$0x0] =	vst.idx.msk $0xffff, v56  }
0x3df: {  	v58 =	vadd.s32 v21, v52;
	v1 =	vld.idx.msk [tilespmem:v61+s31+$0x0], $0xffff  }
0x3e0: {  	v59 =	vadd.s32 $0x1A, v51;
	v60 =	vadd.s32 v4, v54;
	v56 =	vld.idx.msk [tilespmem:v62+s11+$0x0], $0xffff  }
0x3e1: {  	v61 =	vadd.s32 $0x9, v53  }
0x3e2: {  	v62 =	vadd.s32 $0x2, v57  }
0x3e3: {  	[tilespmem:v2+s16+$0x0] =	vst.idx.msk $0xffff, v0  }
0x3e4: {  	[tilespmem:v58+s16+$0x0] =	vst.idx.msk $0xffff, v1  }
0x3e5: {  	v2 =	vadd.s32 v39, v50;
	v0 =	vld.idx.msk [tilespmem:v59+s31+$0x0], $0xffff;
	[tilespmem:v60+s16+$0x0] =	vst.idx.msk $0xffff, v56  }
0x3e6: {  	v58 =	vadd.s32 v22, v52;
	v1 =	vld.idx.msk [tilespmem:v61+s31+$0x0], $0xffff  }
0x3e7: {  	v59 =	vadd.s32 $0x1B, v51;
	v60 =	vadd.s32 v5, v54;
	v56 =	vld.idx.msk [tilespmem:v62+s11+$0x0], $0xffff  }
0x3e8: {  	v61 =	vadd.s32 $0xA, v53  }
0x3e9: {  	v62 =	vadd.s32 $0x3, v57  }
0x3ea: {  	[tilespmem:v2+s16+$0x0] =	vst.idx.msk $0xffff, v0  }
0x3eb: {  	[tilespmem:v58+s16+$0x0] =	vst.idx.msk $0xffff, v1  }
0x3ec: {  	v2 =	vadd.s32 v40, v50;
	v0 =	vld.idx.msk [tilespmem:v59+s31+$0x0], $0xffff;
	[tilespmem:v60+s16+$0x0] =	vst.idx.msk $0xffff, v56  }
0x3ed: {  	v58 =	vadd.s32 v23, v52;
	v1 =	vld.idx.msk [tilespmem:v61+s31+$0x0], $0xffff  }
0x3ee: {  	v59 =	vadd.s32 $0x1C, v51;
	v60 =	vadd.s32 v6, v54;
	v56 =	vld.idx.msk [tilespmem:v62+s11+$0x0], $0xffff  }
0x3ef: {  	v61 =	vadd.s32 $0xB, v53  }
0x3f0: {  	v57 =	vadd.s32 $0x4, v57  }
0x3f1: {  	[tilespmem:v2+s16+$0x0] =	vst.idx.msk $0xffff, v0  }
0x3f2: {  	[tilespmem:v58+s16+$0x0] =	vst.idx.msk $0xffff, v1  }
0x3f3: {  	v0 =	vld.idx.msk [tilespmem:v59+s31+$0x0], $0xffff;
	[tilespmem:v60+s16+$0x0] =	vst.idx.msk $0xffff, v56  }
0x3f4: {  	v2 =	vadd.s32 v41, v50;
	v1 =	vld.idx.msk [tilespmem:v61+s31+$0x0], $0xffff  }
0x3f5: {  	v56 =	vld.idx.msk [tilespmem:v57+s11+$0x0], $0xffff;
	v57 =	vadd.s32 v24, v52  }
0x3f6: {  	v58 =	vadd.s32 $0x1D, v51;
	v60 =	vadd.s32 v7, v54  }
0x3f7: {  	v59 =	vmul.u32 $0x5, v63;
	v61 =	vadd.s32 $0xC, v53;
	_ =	sdelay $0x1  }
0x3f8: {  	[tilespmem:v2+s16+$0x0] =	vst.idx.msk $0xffff, v0  }
0x3f9: {  	[tilespmem:v57+s16+$0x0] =	vst.idx.msk $0xffff, v1  }
0x3fa: {  	v2 =	vadd.s32 v42, v50;
	v0 =	vld.idx.msk [tilespmem:v58+s31+$0x0], $0xffff;
	[tilespmem:v60+s16+$0x0] =	vst.idx.msk $0xffff, v56  }
0x3fb: {  	v57 =	vadd.s32 v26, v52;
	v1 =	vld.idx.msk [tilespmem:v61+s31+$0x0], $0xffff  }
0x3fc: {  	v58 =	vadd.s32 $0x1E, v51;
	v60 =	vadd.s32 v8, v54;
	v56 =	vld.idx.msk [tilespmem:v59+s30+$0x0], $0xffff  }
0x3fd: {  	v61 =	vadd.s32 $0xD, v53  }
0x3fe: {  	v62 =	vadd.s32 $0x1, v59  }
0x3ff: {  	[tilespmem:v2+s16+$0x0] =	vst.idx.msk $0xffff, v0  }
0x400: {  	[tilespmem:v57+s16+$0x0] =	vst.idx.msk $0xffff, v1  }
0x401: {  	v2 =	vadd.s32 v43, v50;
	v0 =	vld.idx.msk [tilespmem:v58+s31+$0x0], $0xffff;
	[tilespmem:v60+s16+$0x0] =	vst.idx.msk $0xffff, v56  }
0x402: {  	v57 =	vadd.s32 v25, v52;
	v1 =	vld.idx.msk [tilespmem:v61+s31+$0x0], $0xffff  }
0x403: {  	v58 =	vadd.s32 $0x1F, v51;
	v60 =	vadd.s32 v9, v54;
	v56 =	vld.idx.msk [tilespmem:v62+s30+$0x0], $0xffff  }
0x404: {  	v61 =	vadd.s32 $0xE, v53  }
0x405: {  	v62 =	vadd.s32 $0x2, v59  }
0x406: {  	[tilespmem:v2+s16+$0x0] =	vst.idx.msk $0xffff, v0  }
0x407: {  	[tilespmem:v57+s16+$0x0] =	vst.idx.msk $0xffff, v1  }
0x408: {  	v2 =	vadd.s32 v44, v50;
	v0 =	vld.idx.msk [tilespmem:v58+s31+$0x0], $0xffff;
	[tilespmem:v60+s16+$0x0] =	vst.idx.msk $0xffff, v56  }
0x409: {  	v57 =	vadd.s32 v27, v52;
	v1 =	vld.idx.msk [tilespmem:v61+s31+$0x0], $0xffff  }
0x40a: {  	v58 =	vadd.s32 $0x20, v51;
	v60 =	vadd.s32 v10, v54;
	v56 =	vld.idx.msk [tilespmem:v62+s30+$0x0], $0xffff  }
0x40b: {  	v61 =	vadd.s32 $0xF, v53  }
0x40c: {  	v62 =	vadd.s32 $0x3, v59  }
0x40d: {  	[tilespmem:v2+s16+$0x0] =	vst.idx.msk $0xffff, v0  }
0x40e: {  	[tilespmem:v57+s16+$0x0] =	vst.idx.msk $0xffff, v1  }
0x40f: {  	v2 =	vadd.s32 v45, v50;
	v0 =	vld.idx.msk [tilespmem:v58+s31+$0x0], $0xffff;
	[tilespmem:v60+s16+$0x0] =	vst.idx.msk $0xffff, v56  }
0x410: {  	v57 =	vadd.s32 v28, v52;
	v1 =	vld.idx.msk [tilespmem:v61+s31+$0x0], $0xffff  }
0x411: {  	v58 =	vadd.s32 $0x21, v51;
	v60 =	vadd.s32 v11, v54;
	v56 =	vld.idx.msk [tilespmem:v62+s30+$0x0], $0xffff  }
0x412: {  	v61 =	vadd.s32 $0x10, v53  }
0x413: {  	v59 =	vadd.s32 $0x4, v59  }
0x414: {  	[tilespmem:v2+s16+$0x0] =	vst.idx.msk $0xffff, v0  }
0x415: {  	[tilespmem:v57+s16+$0x0] =	vst.idx.msk $0xffff, v1  }
0x416: {  	v2 =	vadd.s32 v46, v50;
	v0 =	vld.idx.msk [tilespmem:v58+s31+$0x0], $0xffff;
	[tilespmem:v60+s16+$0x0] =	vst.idx.msk $0xffff, v56  }
0x417: {  	v57 =	vadd.s32 v29, v52;
	v1 =	vld.idx.msk [tilespmem:v61+s31+$0x0], $0xffff  }
0x418: {  	v58 =	vadd.s32 $0x22, v51;
	v56 =	vld.idx.msk [tilespmem:v59+s30+$0x0], $0xffff;
	v59 =	vadd.s32 v12, v54  }
0x419: {  	v55 =	vmul.u32 $0x28, v55;
	v60 =	vadd.s32 $0x11, v53;
	_ =	sdelay $0x1  }
0x41a: {  	[tilespmem:v2+s16+$0x0] =	vst.idx.msk $0xffff, v0  }
0x41b: {  	[tilespmem:v57+s16+$0x0] =	vst.idx.msk $0xffff, v1  }
0x41c: {  	v2 =	vadd.s32 v47, v50;
	v0 =	vld.idx.msk [tilespmem:v58+s31+$0x0], $0xffff;
	[tilespmem:v59+s16+$0x0] =	vst.idx.msk $0xffff, v56  }
0x41d: {  	v57 =	vadd.s32 v30, v52;
	v1 =	vld.idx.msk [tilespmem:v60+s31+$0x0], $0xffff  }
0x41e: {  	v58 =	vadd.s32 $0x23, v51;
	v59 =	vadd.s32 v13, v54;
	v56 =	vld.idx.msk [tilespmem:v55+s31+$0x0], $0xffff  }
0x41f: {  	v60 =	vadd.s32 $0x12, v53  }
0x420: {  	v61 =	vor.u32 $0x1, v55  }
0x421: {  	[tilespmem:v2+s16+$0x0] =	vst.idx.msk $0xffff, v0  }
0x422: {  	[tilespmem:v57+s16+$0x0] =	vst.idx.msk $0xffff, v1  }
0x423: {  	v2 =	vadd.s32 v48, v50;
	v0 =	vld.idx.msk [tilespmem:v58+s31+$0x0], $0xffff;
	[tilespmem:v59+s16+$0x0] =	vst.idx.msk $0xffff, v56  }
0x424: {  	v57 =	vadd.s32 v31, v52;
	v1 =	vld.idx.msk [tilespmem:v60+s31+$0x0], $0xffff  }
0x425: {  	v58 =	vadd.s32 $0x24, v51;
	v59 =	vadd.s32 v14, v54;
	v56 =	vld.idx.msk [tilespmem:v61+s31+$0x0], $0xffff  }
0x426: {  	v60 =	vadd.s32 $0x13, v53;
	_ =	sdelay $0x1  }
0x427: {  	[tilespmem:v2+s16+$0x0] =	vst.idx.msk $0xffff, v0  }
0x428: {  	v61 =	vor.u32 $0x2, v55;
	[tilespmem:v57+s16+$0x0] =	vst.idx.msk $0xffff, v1  }
0x429: {  	v2 =	vadd.s32 v49, v50;
	v0 =	vld.idx.msk [tilespmem:v58+s31+$0x0], $0xffff;
	[tilespmem:v59+s16+$0x0] =	vst.idx.msk $0xffff, v56  }
0x42a: {  	v57 =	vadd.s32 v32, v52;
	v1 =	vld.idx.msk [tilespmem:v60+s31+$0x0], $0xffff  }
0x42b: {  	v58 =	vadd.s32 $0x25, v51;
	_ =	sdelay $0x1  }
0x42c: {  	v59 =	vadd.s32 v15, v54;
	v56 =	vld.idx.msk [tilespmem:v61+s31+$0x0], $0xffff  }
0x42d: {  	v60 =	vadd.s32 $0x14, v53;
	[tilespmem:v2+s16+$0x0] =	vst.idx.msk $0xffff, v0  }
0x42e: {  	v61 =	vor.u32 $0x3, v55;
	[tilespmem:v57+s16+$0x0] =	vst.idx.msk $0xffff, v1  }
0x42f: {  	v2 =	vadd.s32 v3, v50;
	v0 =	vld.idx.msk [tilespmem:v58+s31+$0x0], $0xffff;
	_ =	sdelay $0x1  }
0x430: {  	[tilespmem:v59+s16+$0x0] =	vst.idx.msk $0xffff, v56  }
0x431: {  	v1 =	vld.idx.msk [tilespmem:v60+s31+$0x0], $0xffff  }
0x432: {  	v57 =	vadd.s32 v33, v52;
	v56 =	vld.idx.msk [tilespmem:v61+s31+$0x0], $0xffff  }
0x433: {  	v58 =	vadd.s32 $0x26, v51;
	v59 =	vadd.s32 v16, v54;
	[tilespmem:v2+s16+$0x0] =	vst.idx.msk $0xffff, v0;
	v2 =	vld [tilespmem:$0x1FFB0]  }
0x434: {  	v60 =	vadd.s32 $0x15, v53;
	_ =	sdelay $0x2  }
0x435: {  	[tilespmem:v57+s16+$0x0] =	vst.idx.msk $0xffff, v1  }
0x436: {  	v61 =	vor.u32 $0x4, v55;
	v0 =	vld.idx.msk [tilespmem:v58+s31+$0x0], $0xffff;
	[tilespmem:v59+s16+$0x0] =	vst.idx.msk $0xffff, v56;
	v2 =	vadd.s32 v2, v50  }
0x437: {  	v57 =	vadd.s32 v34, v52;
	v1 =	vld.idx.msk [tilespmem:v60+s31+$0x0], $0xffff;
	_ =	sdelay $0x3  }
0x438: {  	v56 =	vld.idx.msk [tilespmem:v61+s31+$0x0], $0xffff;
	[tilespmem:v2+s16+$0x0] =	vst.idx.msk $0xffff, v0  }
0x439: {  	v58 =	vadd.s32 $0x27, v51;
	[tilespmem:v57+s16+$0x0] =	vst.idx.msk $0xffff, v1;
	v1 =	vld [tilespmem:$0x1FFC0];
	_ =	sdelay $0x1  }
0x43a: {  	v51 =	vmov v53;
	v53 =	vmov v55;
	v55 =	vadd.s32 v17, v54  }
0x43b: {  	v59 =	vadd.s32 $0x16, v51  }
0x43c: {  	v60 =	vor.u32 $0x5, v53  }
0x43d: {  	p0 =	sne.s32 s21, $0x40;
	v0 =	vld.idx.msk [tilespmem:v58+s31+$0x0], $0xffff;
	v1 =	vadd.s32 v1, v50  }
.Ltmp4:
0x43e: {  	_ = 	snop;
	(pc) =	sbr.rel @p0 .LBB2_7-.Ltmp4, $4  }
0x43f: {  	v63 =	vld [tilespmem:$0x1FFA0];
	[tilespmem:v55+s16+$0x0] =	vst.idx.msk $0xffff, v56  }
0x440: {  	v56 =	vld.idx.msk [tilespmem:v59+s31+$0x0], $0xffff  }
0x441: {  	s20 =	sadd.s32 $0x10, s20;
	v61 =	vor.u32 $0x6, v53;
	v59 =	vld.idx.msk [tilespmem:v60+s31+$0x0], $0xffff;
	v50 =	vmov v52;
	v52 =	vmov v54  }
0x442: {  	s19 =	smov.u32 s21;
	s21 =	sadd.s32 $0x10, s21;
	v58 =	vadd.s32 $0x17, v51;
	v54 =	vld [tilespmem:s20+$0x0];
	v57 =	vadd.s32 v35, v50;
	v60 =	vadd.s32 v18, v52;
	[tilespmem:v1+s16+$0x0] =	vst.idx.msk $0xffff, v0  }
0x443: {  	_ =	sdelay $0x3  }
0x444: {  	v0 =	vmul.u32 $0x5, v54  }
0x445: {  	v1 =	vmov s19  }
0x446: {  	v1 =	vmul.u32 $0x32, v1;
	_ =	sdelay $0x1  }
0x447: {  	v54 =	vbroadcast v1, $0x0;
	_ =	sdelay $0x1  }
0x448: {  	v2 =	vadd.s32 v63, v54;
	v1 =	vld.idx.msk [tilespmem:v0+s11+$0x0], $0xffff  }
0x449: {  	v55 =	vadd.s32 $0x1, v0;
	_ =	sdelay $0x1  }
0x44a: {  	s0 =	sadd.s32 $0x10, s7  }
0x44b: {  	s10 =	sadd.s32 $0x10, s8;
	v62 =	vld [tilespmem:s0+$0x0]  }
0x44c: {  	v63 =	vld [tilespmem:s10+$0x0];
	[tilespmem:v2+s16+$0x0] =	vst.idx.msk $0xffff, v1  }
0x44d: {  	v2 =	vadd.s32 v4, v54;
	v1 =	vld.idx.msk [tilespmem:v55+s11+$0x0], $0xffff  }
0x44e: {  	v55 =	vadd.s32 $0x2, v0;
	_ =	sdelay $0x3  }
0x44f: {  	[tilespmem:v2+s16+$0x0] =	vst.idx.msk $0xffff, v1  }
0x450: {  	v2 =	vadd.s32 v5, v54;
	v1 =	vld.idx.msk [tilespmem:v55+s11+$0x0], $0xffff  }
0x451: {  	v55 =	vadd.s32 $0x3, v0;
	_ =	sdelay $0x3  }
0x452: {  	[tilespmem:v2+s16+$0x0] =	vst.idx.msk $0xffff, v1  }
0x453: {  	v1 =	vld.idx.msk [tilespmem:v55+s11+$0x0], $0xffff;
	v55 =	vadd.s32 v6, v54  }
0x454: {  	v0 =	vadd.s32 $0x4, v0;
	_ =	sdelay $0x3  }
0x455: {  	[tilespmem:v55+s16+$0x0] =	vst.idx.msk $0xffff, v1  }
0x456: {  	v1 =	vmul.u32 $0x5, v62;
	v55 =	vadd.s32 v7, v54;
	v0 =	vld.idx.msk [tilespmem:v0+s11+$0x0], $0xffff;
	_ =	sdelay $0x4  }
0x457: {  	[tilespmem:v55+s16+$0x0] =	vst.idx.msk $0xffff, v0  }
0x458: {  	v2 =	vadd.s32 v8, v54;
	v0 =	vld.idx.msk [tilespmem:v1+s30+$0x0], $0xffff  }
0x459: {  	v55 =	vadd.s32 $0x1, v1;
	_ =	sdelay $0x3  }
0x45a: {  	[tilespmem:v2+s16+$0x0] =	vst.idx.msk $0xffff, v0  }
0x45b: {  	v2 =	vadd.s32 v9, v54;
	v0 =	vld.idx.msk [tilespmem:v55+s30+$0x0], $0xffff  }
0x45c: {  	v55 =	vadd.s32 $0x2, v1;
	_ =	sdelay $0x3  }
0x45d: {  	[tilespmem:v2+s16+$0x0] =	vst.idx.msk $0xffff, v0  }
0x45e: {  	v2 =	vadd.s32 v10, v54;
	v0 =	vld.idx.msk [tilespmem:v55+s30+$0x0], $0xffff  }
0x45f: {  	v55 =	vadd.s32 $0x3, v1;
	_ =	sdelay $0x3  }
0x460: {  	[tilespmem:v2+s16+$0x0] =	vst.idx.msk $0xffff, v0  }
0x461: {  	v0 =	vld.idx.msk [tilespmem:v55+s30+$0x0], $0xffff;
	v55 =	vadd.s32 v11, v54  }
0x462: {  	v1 =	vadd.s32 $0x4, v1;
	_ =	sdelay $0x3  }
0x463: {  	[tilespmem:v55+s16+$0x0] =	vst.idx.msk $0xffff, v0  }
0x464: {  	v55 =	vmul.u32 $0x28, v63;
	v63 =	vadd.s32 v12, v54;
	v0 =	vld.idx.msk [tilespmem:v1+s30+$0x0], $0xffff;
	_ =	sdelay $0x4  }
0x465: {  	[tilespmem:v63+s16+$0x0] =	vst.idx.msk $0xffff, v0  }
0x466: {  	v12 =	vadd.s32 v13, v54;
	v0 =	vld.idx.msk [tilespmem:v55+s31+$0x0], $0xffff  }
0x467: {  	v13 =	vor.u32 $0x1, v55;
	_ =	sdelay $0x3  }
0x468: {  	[tilespmem:v12+s16+$0x0] =	vst.idx.msk $0xffff, v0  }
0x469: {  	v63 =	vadd.s32 v14, v54;
	v0 =	vld.idx.msk [tilespmem:v13+s31+$0x0], $0xffff  }
0x46a: {  	v12 =	vor.u32 $0x2, v55;
	_ =	sdelay $0x3  }
0x46b: {  	[tilespmem:v63+s16+$0x0] =	vst.idx.msk $0xffff, v0  }
0x46c: {  	v13 =	vadd.s32 v15, v54;
	v0 =	vld.idx.msk [tilespmem:v12+s31+$0x0], $0xffff  }
0x46d: {  	v14 =	vor.u32 $0x3, v55;
	_ =	sdelay $0x3  }
0x46e: {  	[tilespmem:v13+s16+$0x0] =	vst.idx.msk $0xffff, v0  }
0x46f: {  	v15 =	vadd.s32 v16, v54;
	v0 =	vld.idx.msk [tilespmem:v14+s31+$0x0], $0xffff  }
0x470: {  	v16 =	vor.u32 $0x4, v55;
	_ =	sdelay $0x3  }
0x471: {  	[tilespmem:v15+s16+$0x0] =	vst.idx.msk $0xffff, v0  }
0x472: {  	v63 =	vadd.s32 v17, v54;
	v0 =	vld.idx.msk [tilespmem:v16+s31+$0x0], $0xffff  }
0x473: {  	v12 =	vor.u32 $0x5, v55;
	_ =	sdelay $0x2  }
0x474: {  	[tilespmem:v60+s16+$0x0] =	vst.idx.msk $0xffff, v59  }
0x475: {  	v59 =	vld.idx.msk [tilespmem:v61+s31+$0x0], $0xffff;
	v15 =	vadd.s32 v19, v52;
	[tilespmem:v63+s16+$0x0] =	vst.idx.msk $0xffff, v0  }
0x476: {  	v13 =	vadd.s32 v18, v54;
	v16 =	vor.u32 $0x7, v53;
	v0 =	vld.idx.msk [tilespmem:v12+s31+$0x0], $0xffff  }
0x477: {  	v14 =	vor.u32 $0x6, v55;
	_ =	sdelay $0x2  }
0x478: {  	[tilespmem:v15+s16+$0x0] =	vst.idx.msk $0xffff, v59  }
0x479: {  	v17 =	vadd.s32 v19, v54;
	v19 =	vadd.s32 v20, v52;
	[tilespmem:v13+s16+$0x0] =	vst.idx.msk $0xffff, v0;
	v0 =	vld.idx.msk [tilespmem:v16+s31+$0x0], $0xffff  }
0x47a: {  	v12 =	vadd.s32 $0x8, v53;
	v1 =	vld.idx.msk [tilespmem:v14+s31+$0x0], $0xffff  }
0x47b: {  	v18 =	vor.u32 $0x7, v55;
	_ =	sdelay $0x2  }
0x47c: {  	[tilespmem:v19+s16+$0x0] =	vst.idx.msk $0xffff, v0  }
0x47d: {  	v15 =	vadd.s32 v21, v52;
	[tilespmem:v17+s16+$0x0] =	vst.idx.msk $0xffff, v1;
	v0 =	vld.idx.msk [tilespmem:v12+s31+$0x0], $0xffff  }
0x47e: {  	v13 =	vadd.s32 v20, v54;
	v16 =	vadd.s32 $0x9, v53;
	v2 =	vld.idx.msk [tilespmem:v18+s31+$0x0], $0xffff  }
0x47f: {  	v14 =	vadd.s32 $0x8, v55;
	_ =	sdelay $0x2  }
0x480: {  	[tilespmem:v15+s16+$0x0] =	vst.idx.msk $0xffff, v0  }
0x481: {  	v20 =	vadd.s32 v22, v52;
	[tilespmem:v13+s16+$0x0] =	vst.idx.msk $0xffff, v2;
	v0 =	vld.idx.msk [tilespmem:v16+s31+$0x0], $0xffff  }
0x482: {  	v18 =	vadd.s32 v21, v54;
	v21 =	vadd.s32 $0xA, v53;
	v17 =	vld.idx.msk [tilespmem:v14+s31+$0x0], $0xffff  }
0x483: {  	v19 =	vadd.s32 $0x9, v55;
	_ =	sdelay $0x2  }
0x484: {  	[tilespmem:v20+s16+$0x0] =	vst.idx.msk $0xffff, v0  }
0x485: {  	v14 =	vadd.s32 v23, v52;
	[tilespmem:v18+s16+$0x0] =	vst.idx.msk $0xffff, v17;
	v0 =	vld.idx.msk [tilespmem:v21+s31+$0x0], $0xffff  }
0x486: {  	v12 =	vadd.s32 v22, v54;
	v15 =	vadd.s32 $0xB, v53;
	v59 =	vld.idx.msk [tilespmem:v19+s31+$0x0], $0xffff  }
0x487: {  	v13 =	vadd.s32 $0xA, v55;
	_ =	sdelay $0x2  }
0x488: {  	[tilespmem:v14+s16+$0x0] =	vst.idx.msk $0xffff, v0  }
0x489: {  	v18 =	vadd.s32 v24, v52;
	[tilespmem:v12+s16+$0x0] =	vst.idx.msk $0xffff, v59;
	v0 =	vld.idx.msk [tilespmem:v15+s31+$0x0], $0xffff  }
0x48a: {  	v16 =	vadd.s32 v23, v54;
	v19 =	vadd.s32 $0xC, v53;
	v59 =	vld.idx.msk [tilespmem:v13+s31+$0x0], $0xffff  }
0x48b: {  	v17 =	vadd.s32 $0xB, v55;
	_ =	sdelay $0x2  }
0x48c: {  	[tilespmem:v18+s16+$0x0] =	vst.idx.msk $0xffff, v0  }
0x48d: {  	v22 =	vadd.s32 v26, v52;
	[tilespmem:v16+s16+$0x0] =	vst.idx.msk $0xffff, v59;
	v0 =	vld.idx.msk [tilespmem:v19+s31+$0x0], $0xffff  }
0x48e: {  	v23 =	vadd.s32 $0xD, v53;
	v20 =	vadd.s32 v24, v54;
	v59 =	vld.idx.msk [tilespmem:v17+s31+$0x0], $0xffff  }
0x48f: {  	v21 =	vadd.s32 $0xC, v55;
	_ =	sdelay $0x2  }
0x490: {  	[tilespmem:v22+s16+$0x0] =	vst.idx.msk $0xffff, v0  }
0x491: {  	v12 =	vadd.s32 v25, v52;
	[tilespmem:v20+s16+$0x0] =	vst.idx.msk $0xffff, v59;
	v0 =	vld.idx.msk [tilespmem:v23+s31+$0x0], $0xffff  }
0x492: {  	v24 =	vadd.s32 v26, v54;
	v13 =	vadd.s32 $0xE, v53;
	v59 =	vld.idx.msk [tilespmem:v21+s31+$0x0], $0xffff  }
0x493: {  	v26 =	vadd.s32 $0xD, v55;
	_ =	sdelay $0x2  }
0x494: {  	[tilespmem:v12+s16+$0x0] =	vst.idx.msk $0xffff, v0  }
0x495: {  	v16 =	vadd.s32 v27, v52;
	[tilespmem:v24+s16+$0x0] =	vst.idx.msk $0xffff, v59;
	v0 =	vld.idx.msk [tilespmem:v13+s31+$0x0], $0xffff  }
0x496: {  	v14 =	vadd.s32 v25, v54;
	v17 =	vadd.s32 $0xF, v53;
	v59 =	vld.idx.msk [tilespmem:v26+s31+$0x0], $0xffff  }
0x497: {  	v15 =	vadd.s32 $0xE, v55;
	_ =	sdelay $0x2  }
0x498: {  	[tilespmem:v16+s16+$0x0] =	vst.idx.msk $0xffff, v0  }
0x499: {  	v20 =	vadd.s32 v28, v52;
	[tilespmem:v14+s16+$0x0] =	vst.idx.msk $0xffff, v59;
	v0 =	vld.idx.msk [tilespmem:v17+s31+$0x0], $0xffff  }
0x49a: {  	v18 =	vadd.s32 v27, v54;
	v21 =	vadd.s32 $0x10, v53;
	v59 =	vld.idx.msk [tilespmem:v15+s31+$0x0], $0xffff  }
0x49b: {  	v19 =	vadd.s32 $0xF, v55;
	_ =	sdelay $0x2  }
0x49c: {  	[tilespmem:v20+s16+$0x0] =	vst.idx.msk $0xffff, v0  }
0x49d: {  	v24 =	vadd.s32 v29, v52;
	[tilespmem:v18+s16+$0x0] =	vst.idx.msk $0xffff, v59;
	v0 =	vld.idx.msk [tilespmem:v21+s31+$0x0], $0xffff  }
0x49e: {  	v25 =	vadd.s32 $0x11, v53;
	v22 =	vadd.s32 v28, v54;
	v59 =	vld.idx.msk [tilespmem:v19+s31+$0x0], $0xffff  }
0x49f: {  	v23 =	vadd.s32 $0x10, v55;
	_ =	sdelay $0x2  }
0x4a0: {  	[tilespmem:v24+s16+$0x0] =	vst.idx.msk $0xffff, v0  }
0x4a1: {  	v28 =	vadd.s32 v30, v52;
	[tilespmem:v22+s16+$0x0] =	vst.idx.msk $0xffff, v59;
	v0 =	vld.idx.msk [tilespmem:v25+s31+$0x0], $0xffff  }
0x4a2: {  	v26 =	vadd.s32 v29, v54;
	v29 =	vadd.s32 $0x12, v53;
	v59 =	vld.idx.msk [tilespmem:v23+s31+$0x0], $0xffff  }
0x4a3: {  	v27 =	vadd.s32 $0x11, v55;
	_ =	sdelay $0x2  }
0x4a4: {  	[tilespmem:v28+s16+$0x0] =	vst.idx.msk $0xffff, v0  }
0x4a5: {  	v13 =	vadd.s32 v31, v52;
	[tilespmem:v26+s16+$0x0] =	vst.idx.msk $0xffff, v59;
	v0 =	vld.idx.msk [tilespmem:v29+s31+$0x0], $0xffff  }
0x4a6: {  	v30 =	vadd.s32 v30, v54;
	v14 =	vadd.s32 $0x13, v53;
	v59 =	vld.idx.msk [tilespmem:v27+s31+$0x0], $0xffff  }
0x4a7: {  	v12 =	vadd.s32 $0x12, v55;
	_ =	sdelay $0x2  }
0x4a8: {  	[tilespmem:v13+s16+$0x0] =	vst.idx.msk $0xffff, v0  }
0x4a9: {  	v17 =	vadd.s32 v32, v52;
	[tilespmem:v30+s16+$0x0] =	vst.idx.msk $0xffff, v59;
	v0 =	vld.idx.msk [tilespmem:v14+s31+$0x0], $0xffff  }
0x4aa: {  	v15 =	vadd.s32 v31, v54;
	v18 =	vadd.s32 $0x14, v53;
	v59 =	vld.idx.msk [tilespmem:v12+s31+$0x0], $0xffff  }
0x4ab: {  	v16 =	vadd.s32 $0x13, v55;
	_ =	sdelay $0x2  }
0x4ac: {  	[tilespmem:v17+s16+$0x0] =	vst.idx.msk $0xffff, v0  }
0x4ad: {  	v21 =	vadd.s32 v33, v52;
	[tilespmem:v15+s16+$0x0] =	vst.idx.msk $0xffff, v59;
	v0 =	vld.idx.msk [tilespmem:v18+s31+$0x0], $0xffff  }
0x4ae: {  	v19 =	vadd.s32 v32, v54;
	v22 =	vadd.s32 $0x15, v53;
	v59 =	vld.idx.msk [tilespmem:v16+s31+$0x0], $0xffff  }
0x4af: {  	v20 =	vadd.s32 $0x14, v55;
	_ =	sdelay $0x2  }
0x4b0: {  	[tilespmem:v21+s16+$0x0] =	vst.idx.msk $0xffff, v0  }
0x4b1: {  	v25 =	vadd.s32 v34, v52;
	[tilespmem:v19+s16+$0x0] =	vst.idx.msk $0xffff, v59;
	v0 =	vld.idx.msk [tilespmem:v22+s31+$0x0], $0xffff  }
0x4b2: {  	v23 =	vadd.s32 v33, v54;
	v26 =	vadd.s32 $0x16, v53;
	v59 =	vld.idx.msk [tilespmem:v20+s31+$0x0], $0xffff  }
0x4b3: {  	v24 =	vadd.s32 $0x15, v55;
	_ =	sdelay $0x2  }
0x4b4: {  	[tilespmem:v25+s16+$0x0] =	vst.idx.msk $0xffff, v0  }
0x4b5: {  	v29 =	vadd.s32 v35, v52;
	[tilespmem:v23+s16+$0x0] =	vst.idx.msk $0xffff, v59;
	v0 =	vld.idx.msk [tilespmem:v26+s31+$0x0], $0xffff  }
0x4b6: {  	v27 =	vadd.s32 v34, v54;
	v30 =	vadd.s32 $0x17, v53;
	v59 =	vld.idx.msk [tilespmem:v24+s31+$0x0], $0xffff  }
0x4b7: {  	v28 =	vadd.s32 $0x16, v55;
	_ =	sdelay $0x1  }
0x4b8: {  	[tilespmem:v57+s16+$0x0] =	vst.idx.msk $0xffff, v56  }
0x4b9: {  	v56 =	vld.idx.msk [tilespmem:v58+s31+$0x0], $0xffff;
	v31 =	vadd.s32 v35, v54;
	v33 =	vadd.s32 v36, v50;
	[tilespmem:v29+s16+$0x0] =	vst.idx.msk $0xffff, v0  }
0x4ba: {  	v35 =	vadd.s32 v36, v52;
	v34 =	vadd.s32 $0x18, v51;
	[tilespmem:v27+s16+$0x0] =	vst.idx.msk $0xffff, v59;
	v1 =	vld.idx.msk [tilespmem:v30+s31+$0x0], $0xffff  }
0x4bb: {  	v12 =	vadd.s32 $0x18, v53;
	v59 =	vld.idx.msk [tilespmem:v28+s31+$0x0], $0xffff  }
0x4bc: {  	v32 =	vadd.s32 $0x17, v55;
	_ =	sdelay $0x1  }
0x4bd: {  	[tilespmem:v33+s16+$0x0] =	vst.idx.msk $0xffff, v56  }
0x4be: {  	v15 =	vadd.s32 v37, v50;
	v0 =	vld.idx.msk [tilespmem:v34+s31+$0x0], $0xffff;
	[tilespmem:v35+s16+$0x0] =	vst.idx.msk $0xffff, v1  }
0x4bf: {  	v17 =	vadd.s32 v37, v52;
	v16 =	vadd.s32 $0x19, v51;
	[tilespmem:v31+s16+$0x0] =	vst.idx.msk $0xffff, v59;
	v2 =	vld.idx.msk [tilespmem:v12+s31+$0x0], $0xffff  }
0x4c0: {  	v13 =	vadd.s32 v36, v54;
	v18 =	vadd.s32 $0x19, v53;
	v59 =	vld.idx.msk [tilespmem:v32+s31+$0x0], $0xffff  }
0x4c1: {  	v14 =	vadd.s32 $0x18, v55;
	_ =	sdelay $0x1  }
0x4c2: {  	[tilespmem:v15+s16+$0x0] =	vst.idx.msk $0xffff, v0  }
0x4c3: {  	v21 =	vadd.s32 v38, v50;
	v0 =	vld.idx.msk [tilespmem:v16+s31+$0x0], $0xffff;
	[tilespmem:v17+s16+$0x0] =	vst.idx.msk $0xffff, v2  }
0x4c4: {  	v22 =	vadd.s32 $0x1A, v51;
	v24 =	vadd.s32 v38, v52;
	[tilespmem:v13+s16+$0x0] =	vst.idx.msk $0xffff, v59;
	v23 =	vld.idx.msk [tilespmem:v18+s31+$0x0], $0xffff  }
0x4c5: {  	v19 =	vadd.s32 v37, v54;
	v25 =	vadd.s32 $0x1A, v53;
	v59 =	vld.idx.msk [tilespmem:v14+s31+$0x0], $0xffff  }
0x4c6: {  	v20 =	vadd.s32 $0x19, v55;
	_ =	sdelay $0x1  }
0x4c7: {  	[tilespmem:v21+s16+$0x0] =	vst.idx.msk $0xffff, v0  }
0x4c8: {  	v28 =	vadd.s32 v39, v50;
	v0 =	vld.idx.msk [tilespmem:v22+s31+$0x0], $0xffff;
	[tilespmem:v24+s16+$0x0] =	vst.idx.msk $0xffff, v23  }
0x4c9: {  	v29 =	vadd.s32 $0x1B, v51;
	v30 =	vadd.s32 v39, v52;
	[tilespmem:v19+s16+$0x0] =	vst.idx.msk $0xffff, v59;
	v56 =	vld.idx.msk [tilespmem:v25+s31+$0x0], $0xffff  }
0x4ca: {  	v26 =	vadd.s32 v38, v54;
	v31 =	vadd.s32 $0x1B, v53;
	v59 =	vld.idx.msk [tilespmem:v20+s31+$0x0], $0xffff  }
0x4cb: {  	v27 =	vadd.s32 $0x1A, v55;
	_ =	sdelay $0x1  }
0x4cc: {  	[tilespmem:v28+s16+$0x0] =	vst.idx.msk $0xffff, v0  }
0x4cd: {  	v34 =	vadd.s32 v40, v50;
	v0 =	vld.idx.msk [tilespmem:v29+s31+$0x0], $0xffff;
	[tilespmem:v30+s16+$0x0] =	vst.idx.msk $0xffff, v56  }
0x4ce: {  	v9 =	vmov v36;
	v36 =	vadd.s32 v40, v52;
	v35 =	vadd.s32 $0x1C, v51;
	[tilespmem:v26+s16+$0x0] =	vst.idx.msk $0xffff, v59;
	v56 =	vld.idx.msk [tilespmem:v31+s31+$0x0], $0xffff  }
0x4cf: {  	v12 =	vadd.s32 $0x1C, v53;
	v32 =	vadd.s32 v39, v54;
	v59 =	vld.idx.msk [tilespmem:v27+s31+$0x0], $0xffff  }
0x4d0: {  	v33 =	vadd.s32 $0x1B, v55;
	_ =	sdelay $0x1  }
0x4d1: {  	[tilespmem:v34+s16+$0x0] =	vst.idx.msk $0xffff, v0  }
0x4d2: {  	v15 =	vadd.s32 v41, v50;
	v0 =	vld.idx.msk [tilespmem:v35+s31+$0x0], $0xffff;
	[tilespmem:v36+s16+$0x0] =	vst.idx.msk $0xffff, v56  }
0x4d3: {  	v16 =	vadd.s32 $0x1D, v51;
	v17 =	vadd.s32 v41, v52;
	[tilespmem:v32+s16+$0x0] =	vst.idx.msk $0xffff, v59;
	v56 =	vld.idx.msk [tilespmem:v12+s31+$0x0], $0xffff  }
0x4d4: {  	v13 =	vadd.s32 v40, v54;
	v18 =	vadd.s32 $0x1D, v53;
	v59 =	vld.idx.msk [tilespmem:v33+s31+$0x0], $0xffff  }
0x4d5: {  	v14 =	vadd.s32 $0x1C, v55;
	_ =	sdelay $0x1  }
0x4d6: {  	[tilespmem:v15+s16+$0x0] =	vst.idx.msk $0xffff, v0  }
0x4d7: {  	v21 =	vadd.s32 v42, v50;
	v0 =	vld.idx.msk [tilespmem:v16+s31+$0x0], $0xffff;
	[tilespmem:v17+s16+$0x0] =	vst.idx.msk $0xffff, v56  }
0x4d8: {  	v22 =	vadd.s32 $0x1E, v51;
	v23 =	vadd.s32 v42, v52;
	[tilespmem:v13+s16+$0x0] =	vst.idx.msk $0xffff, v59;
	v56 =	vld.idx.msk [tilespmem:v18+s31+$0x0], $0xffff  }
0x4d9: {  	v24 =	vadd.s32 $0x1E, v53;
	v19 =	vadd.s32 v41, v54;
	v59 =	vld.idx.msk [tilespmem:v14+s31+$0x0], $0xffff  }
0x4da: {  	v20 =	vadd.s32 $0x1D, v55;
	_ =	sdelay $0x1  }
0x4db: {  	[tilespmem:v21+s16+$0x0] =	vst.idx.msk $0xffff, v0  }
0x4dc: {  	v27 =	vadd.s32 v43, v50;
	v0 =	vld.idx.msk [tilespmem:v22+s31+$0x0], $0xffff;
	[tilespmem:v23+s16+$0x0] =	vst.idx.msk $0xffff, v56  }
0x4dd: {  	v28 =	vadd.s32 $0x1F, v51;
	v29 =	vadd.s32 v43, v52;
	[tilespmem:v19+s16+$0x0] =	vst.idx.msk $0xffff, v59;
	v56 =	vld.idx.msk [tilespmem:v24+s31+$0x0], $0xffff  }
0x4de: {  	v25 =	vadd.s32 v42, v54;
	v30 =	vadd.s32 $0x1F, v53;
	v59 =	vld.idx.msk [tilespmem:v20+s31+$0x0], $0xffff  }
0x4df: {  	v26 =	vadd.s32 $0x1E, v55;
	_ =	sdelay $0x1  }
0x4e0: {  	[tilespmem:v27+s16+$0x0] =	vst.idx.msk $0xffff, v0  }
0x4e1: {  	v33 =	vadd.s32 v44, v50;
	v0 =	vld.idx.msk [tilespmem:v28+s31+$0x0], $0xffff;
	[tilespmem:v29+s16+$0x0] =	vst.idx.msk $0xffff, v56  }
0x4e2: {  	v34 =	vadd.s32 $0x20, v51;
	v35 =	vadd.s32 v44, v52;
	[tilespmem:v25+s16+$0x0] =	vst.idx.msk $0xffff, v59;
	v56 =	vld.idx.msk [tilespmem:v30+s31+$0x0], $0xffff  }
0x4e3: {  	v31 =	vadd.s32 v43, v54;
	v36 =	vadd.s32 $0x20, v53;
	v59 =	vld.idx.msk [tilespmem:v26+s31+$0x0], $0xffff  }
0x4e4: {  	v32 =	vadd.s32 $0x1F, v55;
	_ =	sdelay $0x1  }
0x4e5: {  	[tilespmem:v33+s16+$0x0] =	vst.idx.msk $0xffff, v0  }
0x4e6: {  	v14 =	vadd.s32 v45, v50;
	v0 =	vld.idx.msk [tilespmem:v34+s31+$0x0], $0xffff;
	[tilespmem:v35+s16+$0x0] =	vst.idx.msk $0xffff, v56  }
0x4e7: {  	v15 =	vadd.s32 $0x21, v51;
	v16 =	vadd.s32 v45, v52;
	[tilespmem:v31+s16+$0x0] =	vst.idx.msk $0xffff, v59;
	v56 =	vld.idx.msk [tilespmem:v36+s31+$0x0], $0xffff  }
0x4e8: {  	v12 =	vadd.s32 v44, v54;
	v17 =	vadd.s32 $0x21, v53;
	v59 =	vld.idx.msk [tilespmem:v32+s31+$0x0], $0xffff  }
0x4e9: {  	v13 =	vadd.s32 $0x20, v55;
	_ =	sdelay $0x1  }
0x4ea: {  	[tilespmem:v14+s16+$0x0] =	vst.idx.msk $0xffff, v0  }
0x4eb: {  	v20 =	vadd.s32 v46, v50;
	v0 =	vld.idx.msk [tilespmem:v15+s31+$0x0], $0xffff;
	[tilespmem:v16+s16+$0x0] =	vst.idx.msk $0xffff, v56  }
0x4ec: {  	v21 =	vadd.s32 $0x22, v51;
	v22 =	vadd.s32 v46, v52;
	[tilespmem:v12+s16+$0x0] =	vst.idx.msk $0xffff, v59;
	v56 =	vld.idx.msk [tilespmem:v17+s31+$0x0], $0xffff  }
0x4ed: {  	v18 =	vadd.s32 v45, v54;
	v23 =	vadd.s32 $0x22, v53;
	v59 =	vld.idx.msk [tilespmem:v13+s31+$0x0], $0xffff  }
0x4ee: {  	v19 =	vadd.s32 $0x21, v55;
	_ =	sdelay $0x1  }
0x4ef: {  	[tilespmem:v20+s16+$0x0] =	vst.idx.msk $0xffff, v0  }
0x4f0: {  	v26 =	vadd.s32 v47, v50;
	v0 =	vld.idx.msk [tilespmem:v21+s31+$0x0], $0xffff;
	[tilespmem:v22+s16+$0x0] =	vst.idx.msk $0xffff, v56  }
0x4f1: {  	v27 =	vadd.s32 $0x23, v51;
	v28 =	vadd.s32 v47, v52;
	[tilespmem:v18+s16+$0x0] =	vst.idx.msk $0xffff, v59;
	v56 =	vld.idx.msk [tilespmem:v23+s31+$0x0], $0xffff  }
0x4f2: {  	v24 =	vadd.s32 v46, v54;
	v29 =	vadd.s32 $0x23, v53;
	v59 =	vld.idx.msk [tilespmem:v19+s31+$0x0], $0xffff  }
0x4f3: {  	v25 =	vadd.s32 $0x22, v55;
	_ =	sdelay $0x1  }
0x4f4: {  	[tilespmem:v26+s16+$0x0] =	vst.idx.msk $0xffff, v0  }
0x4f5: {  	v32 =	vadd.s32 v48, v50;
	v0 =	vld.idx.msk [tilespmem:v27+s31+$0x0], $0xffff;
	[tilespmem:v28+s16+$0x0] =	vst.idx.msk $0xffff, v56  }
0x4f6: {  	v33 =	vadd.s32 $0x24, v51;
	v34 =	vadd.s32 v48, v52;
	[tilespmem:v24+s16+$0x0] =	vst.idx.msk $0xffff, v59;
	v56 =	vld.idx.msk [tilespmem:v29+s31+$0x0], $0xffff  }
0x4f7: {  	v30 =	vadd.s32 v47, v54;
	v35 =	vadd.s32 $0x24, v53;
	v59 =	vld.idx.msk [tilespmem:v25+s31+$0x0], $0xffff  }
0x4f8: {  	v31 =	vadd.s32 $0x23, v55;
	_ =	sdelay $0x1  }
0x4f9: {  	[tilespmem:v32+s16+$0x0] =	vst.idx.msk $0xffff, v0  }
0x4fa: {  	v13 =	vadd.s32 v49, v50;
	v0 =	vld.idx.msk [tilespmem:v33+s31+$0x0], $0xffff;
	[tilespmem:v34+s16+$0x0] =	vst.idx.msk $0xffff, v56  }
0x4fb: {  	v14 =	vadd.s32 $0x25, v51;
	v15 =	vadd.s32 v49, v52;
	[tilespmem:v30+s16+$0x0] =	vst.idx.msk $0xffff, v59;
	v56 =	vld.idx.msk [tilespmem:v35+s31+$0x0], $0xffff  }
0x4fc: {  	v36 =	vadd.s32 v48, v54;
	v16 =	vadd.s32 $0x25, v53;
	v59 =	vld.idx.msk [tilespmem:v31+s31+$0x0], $0xffff  }
0x4fd: {  	v12 =	vadd.s32 $0x24, v55;
	_ =	sdelay $0x1  }
0x4fe: {  	[tilespmem:v13+s16+$0x0] =	vst.idx.msk $0xffff, v0  }
0x4ff: {  	v19 =	vadd.s32 v3, v50;
	v0 =	vld.idx.msk [tilespmem:v14+s31+$0x0], $0xffff;
	[tilespmem:v15+s16+$0x0] =	vst.idx.msk $0xffff, v56  }
0x500: {  	v21 =	vadd.s32 v3, v52;
	[tilespmem:v36+s16+$0x0] =	vst.idx.msk $0xffff, v59;
	v56 =	vld.idx.msk [tilespmem:v16+s31+$0x0], $0xffff  }
0x501: {  	v17 =	vadd.s32 v49, v54;
	v59 =	vld.idx.msk [tilespmem:v12+s31+$0x0], $0xffff;
	_ =	sdelay $0x2  }
0x502: {  	[tilespmem:v19+s16+$0x0] =	vst.idx.msk $0xffff, v0  }
0x503: {  	[tilespmem:v21+s16+$0x0] =	vst.idx.msk $0xffff, v56  }
0x504: {  	v18 =	vadd.s32 $0x25, v55;
	[tilespmem:v17+s16+$0x0] =	vst.idx.msk $0xffff, v59  }
0x505: {  	v20 =	vadd.s32 $0x26, v51;
	v4 =	vld [tilespmem:$0x1FFB0]  }
0x506: {  	v22 =	vadd.s32 $0x26, v53;
	_ =	sdelay $0x2  }
0x507: {  	v23 =	vadd.s32 v3, v54;
	v59 =	vld.idx.msk [tilespmem:v18+s31+$0x0], $0xffff  }
0x508: {  	v0 =	vld.idx.msk [tilespmem:v20+s31+$0x0], $0xffff;
	v25 =	vadd.s32 v4, v50  }
0x509: {  	v27 =	vld.idx.msk [tilespmem:v22+s31+$0x0], $0xffff;
	v28 =	vadd.s32 v4, v52;
	_ =	sdelay $0x2  }
0x50a: {  	[tilespmem:v23+s16+$0x0] =	vst.idx.msk $0xffff, v59  }
0x50b: {  	v24 =	vadd.s32 $0x26, v55;
	[tilespmem:v25+s16+$0x0] =	vst.idx.msk $0xffff, v0  }
0x50c: {  	[tilespmem:v28+s16+$0x0] =	vst.idx.msk $0xffff, v27  }
0x50d: {  	v62 =	vmov v7;
	v26 =	vadd.s32 $0x27, v51;
	v7 =	vld [tilespmem:$0x1FFC0];
	_ =	sdelay $0x2  }
0x50e: {  	v29 =	vadd.s32 $0x27, v53;
	v31 =	vadd.s32 v4, v54;
	v30 =	vld.idx.msk [tilespmem:v24+s31+$0x0], $0xffff  }
0x50f: {  	v55 =	vadd.s32 $0x27, v55  }
0x510: {  	v0 =	vld.idx.msk [tilespmem:v26+s31+$0x0], $0xffff;
	v32 =	vadd.s32 v7, v50;
	_ =	sdelay $0x2  }
0x511: {  	[tilespmem:v31+s16+$0x0] =	vst.idx.msk $0xffff, v30;
	v33 =	vld.idx.msk [tilespmem:v29+s31+$0x0], $0xffff;
	v34 =	vadd.s32 v7, v52  }
0x512: {  	v35 =	vld.idx.msk [tilespmem:v55+s31+$0x0], $0xffff;
	v36 =	vadd.s32 v7, v54  }
0x513: {  	[tilespmem:v32+s16+$0x0] =	vst.idx.msk $0xffff, v0  }
0x514: {  	p0 =	seq.s32 s14, $0x27;
	s0 =	rddreg [dreg:$0x17]  }
0x515: {  	s0 =	sadd.s32 @!p0 s6, s0  }
0x516: {  	s1 =	rddreg [dreg:$0x0];
	[tilespmem:v34+s16+$0x0] =	vst.idx.msk $0xffff, v33;
	s0 =	sshrl.u32 @!p0 s0, $0x3  }
0x517: {  	s2 =	simm.s32 @!p0 $0x0;
	s3 =	simm.s32 @!p0 $0x4E80;
	[tilespmem:v36+s16+$0x0] =	vst.idx.msk $0xffff, v35;
	s1 =	sadd.s32 @!p0 s1, s0  }
0x518: {  	[tilespmem:s3], [sflag:$0x1] =	stream.linear.gather @!p0 [hbm4b:s1+s2], $0x50, $0x38;
	[tilespmem:$0x1F380] =	vst v63  }
0x519: {  	s1 =	rddreg [dreg:$0x1]  }
0x51a: {  	s3 =	simm.s32 @!p0 $0x4F80;
	s1 =	sadd.s32 @!p0 s1, s0  }
0x51b: {  	[tilespmem:s3], [sflag:$0x1] =	stream.linear.gather @!p0 [hbm4b:s1+s2], $0x50, $0x38;
	[tilespmem:$0x1F380] =	vst v63  }
0x51c: {  	s1 =	rddreg [dreg:$0x2]  }
0x51d: {  	s3 =	simm.s32 @!p0 $0x5080;
	s1 =	sadd.s32 @!p0 s1, s0  }
0x51e: {  	[tilespmem:s3], [sflag:$0x1] =	stream.linear.gather @!p0 [hbm4b:s1+s2], $0x50, $0x38;
	[tilespmem:$0x1F380] =	vst v63  }
0x51f: {  	s1 =	rddreg [dreg:$0x3]  }
0x520: {  	s3 =	simm.s32 @!p0 $0x5180;
	s1 =	sadd.s32 @!p0 s1, s0  }
0x521: {  	[tilespmem:s3], [sflag:$0x1] =	stream.linear.gather @!p0 [hbm4b:s1+s2], $0x50, $0x38;
	[tilespmem:$0x1F380] =	vst v63  }
0x522: {  	s1 =	rddreg [dreg:$0x4]  }
0x523: {  	s12 =	simm.s32 $0x4;
	s0 =	sadd.s32 @!p0 s1, s0;
	s1 =	simm.s32 @!p0 $0x5280  }
0x524: {  	[tilespmem:s1], [sflag:$0x1] =	stream.linear.gather @!p0 [hbm4b:s0+s2], $0x50, $0x38;
	[tilespmem:$0x1F380] =	vst v63  }
0x525: {  	_ =	swait.ge [sflag:s12], $0x2800  }
0x526: {  	[sflag:s12] =	ssyncset.done $0x0  }
0x527: {  	[sflag:s12] =	ssyncadd.s32 $0xFFFFD800  }
0x528: {  	_ =	swait.ge [sflag:s12], $0x2800  }
0x529: {  	[sflag:s12] =	ssyncset.done $0x0  }
0x52a: {  	s0 =	simm.s32 @!p0 $0x1;
	[sflag:s12] =	ssyncadd.s32 $0xFFFFD800  }
0x52b: {  	_ =	swait.ge @!p0 [sflag:s0], $0x50  }
0x52c: {  	[sflag:s0] =	ssyncset.done @!p0 $0x0  }
0x52d: {  	[sflag:s0] =	ssyncadd.s32 @!p0 $0xFFFFFFB0  }
0x52e: {  	_ =	swait.ge @!p0 [sflag:s0], $0x50  }
0x52f: {  	[sflag:s0] =	ssyncset.done @!p0 $0x0  }
0x530: {  	[sflag:s0] =	ssyncadd.s32 @!p0 $0xFFFFFFB0  }
0x531: {  	_ =	swait.ge @!p0 [sflag:s0], $0x50  }
0x532: {  	[sflag:s0] =	ssyncset.done @!p0 $0x0  }
0x533: {  	[sflag:s0] =	ssyncadd.s32 @!p0 $0xFFFFFFB0  }
0x534: {  	_ =	swait.ge @!p0 [sflag:s0], $0x50  }
0x535: {  	[sflag:s0] =	ssyncset.done @!p0 $0x0  }
0x536: {  	[sflag:s0] =	ssyncadd.s32 @!p0 $0xFFFFFFB0  }
0x537: {  	_ =	swait.ge @!p0 [sflag:s0], $0x50  }
0x538: {  	[sflag:s0] =	ssyncset.done @!p0 $0x0  }
0x539: {  	p1 =	seq.s32 @!p0 s14, $0x0;
	[sflag:s0] =	ssyncadd.s32 @!p0 $0xFFFFFFB0  }
0x53a: {  	s2 =	simm.s32 @!p0 $0x5380;
	s0 =	simm.s32 @!p0 $0x50;
	s4 =	rddreg [dreg:$0x8]  }
0x53b: {  	[tilespmem:s2], [sflag:$0x3] =	stream.indirect.gather @!p0 [hbm4b:s4+s0], $0x80, s3, s0, $0xb8;
	[tilespmem:$0x1F380] =	vst v63  }
0x53c: {  	p1 =	por p0, !p1;
	s2 =	simm.s32 @!p0 $0xA380  }
0x53d: {  	[tilespmem:s2], [sflag:$0x3] =	stream.indirect.gather @!p0 [hbm4b:s4+s0], $0x80, s1, s0, $0xb8;
	[tilespmem:$0x1F380] =	vst v63  }
0x53e: {  	s0 =	simm.s32 @p1 $0x6  }
0x53f: {  	_ =	swait.ge @p1 [sflag:s0], $0x7800  }
0x540: {  	[sflag:s0] =	ssyncset.done @p1 $0x0  }
0x541: {  	s13 =	simm.s32 $0xF3D4;
	s15 =	simm.s32 $0x0;
	[sflag:s0] =	ssyncadd.s32 @p1 $0xFFFF8800  }
0x542: {  	s1 =	smul.u32 $0x3000, s15;
	v55 =	vld [tilespmem:s13+$0xFFFFFFDE]  }
0x543: {  	v56 =	vld [tilespmem:s13+$0xFFFFFFAC]  }
0x544: {  	s17 =	simm.s32 $0x80;
	s1 =	sshra.s32 s1, $0x2  }
0x545: {  	s19 =	simm.s32 $0x0;
	s5 =	sand.u32 $0x380, s17;
	s20 =	sadd.s32 $0x17B80, s1  }
0x546: {  	s2 =	sand.u32 $0x300, s19;
	s9 =	sadd.s32 s5, s20  }
0x547: {  	s4 =	sadd.s32 s2, s20;
	[tilespmem:s9+$0x0] =	vst v55  }
0x548: {  	[tilespmem:s4+$0x0] =	vst v56;
	v0 =	vld [tilespmem:s13+$0xFFFFFFEE]  }
0x549: {  	v1 =	vld [tilespmem:s13+$0xFFFFFFBC];
	_ =	sdelay $0x3  }
0x54a: {  	[tilespmem:s9+$0x10] =	vst v0  }
0x54b: {  	[tilespmem:s4+$0x10] =	vst v1;
	v0 =	vld [tilespmem:s13+$0xFFFFFFFE]  }
0x54c: {  	v1 =	vld [tilespmem:s13+$0xFFFFFFCC];
	_ =	sdelay $0x3  }
0x54d: {  	[tilespmem:s9+$0x20] =	vst v0  }
0x54e: {  	[tilespmem:s4+$0x20] =	vst v1;
	v0 =	vld [tilespmem:s13+$0x0]  }
0x54f: {  	v1 =	vld [tilespmem:s13+$0xFFFFFFCE];
	_ =	sdelay $0x3  }
0x550: {  	s21 =	simm.s32 $0x7C70;
	[tilespmem:s9+$0x22] =	vst v0  }
0x551: {  	[tilespmem:s4+$0x22] =	vst v1;
	v0 =	vld [tilespmem:s21+$0xFFFFFF90]  }
0x552: {  	v1 =	vld [tilespmem:s21+$0xFFFFFF10];
	_ =	sdelay $0x3  }
0x553: {  	[tilespmem:s9+$0x32] =	vst v0  }
0x554: {  	[tilespmem:s4+$0x32] =	vst v1;
	v0 =	vld [tilespmem:s21+$0xFFFFFFA0]  }
0x555: {  	v1 =	vld [tilespmem:s21+$0xFFFFFF20];
	_ =	sdelay $0x3  }
0x556: {  	[tilespmem:s9+$0x42] =	vst v0  }
0x557: {  	[tilespmem:s4+$0x42] =	vst v1;
	v0 =	vld [tilespmem:s21+$0xFFFFFFB0]  }
0x558: {  	v1 =	vld [tilespmem:s21+$0xFFFFFF30];
	_ =	sdelay $0x3  }
0x559: {  	[tilespmem:s9+$0x52] =	vst v0  }
0x55a: {  	[tilespmem:s4+$0x52] =	vst v1;
	v0 =	vld [tilespmem:s21+$0xFFFFFFC0]  }
0x55b: {  	s22 =	simm.s32 $0x0;
	s12 =	simm.s32 $0xF438;
	v1 =	vld [tilespmem:s21+$0xFFFFFF40]  }
0x55c: {  	s0 =	smul.u32 $0x3000, s22;
	v57 =	vld [tilespmem:s12+$0xFFFFFFDE]  }
0x55d: {  	v58 =	vld [tilespmem:s12+$0xFFFFFFAC]  }
0x55e: {  	s23 =	simm.s32 $0x180;
	s7 =	sshra.s32 s0, $0x2  }
0x55f: {  	s24 =	simm.s32 $0x100;
	s19 =	sand.u32 $0x380, s23;
	s10 =	sadd.s32 $0x17B80, s7;
	[tilespmem:s9+$0x62] =	vst v0  }
0x560: {  	s8 =	sand.u32 $0x300, s24;
	s0 =	sadd.s32 s19, s10;
	[tilespmem:s4+$0x62] =	vst v1;
	v0 =	vld [tilespmem:s21+$0xFFFFFFCE]  }
0x561: {  	s10 =	sadd.s32 s8, s10;
	[tilespmem:s0+$0x0] =	vst v57;
	v1 =	vld [tilespmem:s21+$0xFFFFFF4E]  }
0x562: {  	[tilespmem:s10+$0x0] =	vst v58;
	v2 =	vld [tilespmem:s12+$0xFFFFFFEE]  }
0x563: {  	v50 =	vld [tilespmem:s12+$0xFFFFFFBC];
	_ =	sdelay $0x1  }
0x564: {  	[tilespmem:s9+$0x70] =	vst v0  }
0x565: {  	[tilespmem:s4+$0x70] =	vst v1;
	v0 =	vld [tilespmem:s21+$0xFFFFFFDE]  }
0x566: {  	[tilespmem:s0+$0x10] =	vst v2;
	v1 =	vld [tilespmem:s21+$0xFFFFFF5E]  }
0x567: {  	[tilespmem:s10+$0x10] =	vst v50;
	v2 =	vld [tilespmem:s12+$0xFFFFFFFE]  }
0x568: {  	s25 =	sadd.s32 $0x17F80, s1;
	v50 =	vld [tilespmem:s12+$0xFFFFFFCC]  }
0x569: {  	s24 =	sadd.s32 s5, s25  }
0x56a: {  	s26 =	sadd.s32 s2, s25;
	[tilespmem:s24+$0x0] =	vst v0  }
0x56b: {  	[tilespmem:s26+$0x0] =	vst v1;
	v0 =	vld [tilespmem:s21+$0xFFFFFFEE]  }
0x56c: {  	[tilespmem:s0+$0x20] =	vst v2;
	v1 =	vld [tilespmem:s21+$0xFFFFFF6E]  }
0x56d: {  	[tilespmem:s10+$0x20] =	vst v50;
	v2 =	vld [tilespmem:s12+$0x0]  }
0x56e: {  	v50 =	vld [tilespmem:s12+$0xFFFFFFCE];
	_ =	sdelay $0x1  }
0x56f: {  	[tilespmem:s24+$0x10] =	vst v0  }
0x570: {  	[tilespmem:s26+$0x10] =	vst v1;
	v0 =	vld [tilespmem:s21+$0xFFFFFFFE]  }
0x571: {  	s15 =	simm.s32 $0x7D70;
	[tilespmem:s0+$0x22] =	vst v2;
	v1 =	vld [tilespmem:s21+$0xFFFFFF7E]  }
0x572: {  	[tilespmem:s10+$0x22] =	vst v50;
	v2 =	vld [tilespmem:s15+$0xFFFFFF90]  }
0x573: {  	v50 =	vld [tilespmem:s15+$0xFFFFFF10];
	_ =	sdelay $0x1  }
0x574: {  	[tilespmem:s24+$0x20] =	vst v0  }
0x575: {  	[tilespmem:s26+$0x20] =	vst v1;
	v0 =	vld [tilespmem:s21+$0x0]  }
0x576: {  	[tilespmem:s0+$0x32] =	vst v2;
	v1 =	vld [tilespmem:s21+$0xFFFFFF80]  }
0x577: {  	[tilespmem:s10+$0x32] =	vst v50;
	v2 =	vld [tilespmem:s15+$0xFFFFFFA0]  }
0x578: {  	v50 =	vld [tilespmem:s15+$0xFFFFFF20];
	_ =	sdelay $0x1  }
0x579: {  	s13 =	simm.s32 $0xCC70;
	[tilespmem:s24+$0x22] =	vst v0  }
0x57a: {  	[tilespmem:s26+$0x22] =	vst v1;
	v0 =	vld [tilespmem:s13+$0xFFFFFF90]  }
0x57b: {  	[tilespmem:s0+$0x42] =	vst v2;
	v1 =	vld [tilespmem:s13+$0xFFFFFF10]  }
0x57c: {  	[tilespmem:s10+$0x42] =	vst v50;
	v2 =	vld [tilespmem:s15+$0xFFFFFFB0]  }
0x57d: {  	v50 =	vld [tilespmem:s15+$0xFFFFFF30];
	_ =	sdelay $0x1  }
0x57e: {  	[tilespmem:s24+$0x32] =	vst v0  }
0x57f: {  	[tilespmem:s26+$0x32] =	vst v1;
	v0 =	vld [tilespmem:s13+$0xFFFFFFA0]  }
0x580: {  	[tilespmem:s0+$0x52] =	vst v2;
	v1 =	vld [tilespmem:s13+$0xFFFFFF20]  }
0x581: {  	[tilespmem:s10+$0x52] =	vst v50;
	v2 =	vld [tilespmem:s15+$0xFFFFFFC0]  }
0x582: {  	s3 =	simm.s32 $0xF49C;
	s20 =	simm.s32 $0x0;
	v50 =	vld [tilespmem:s15+$0xFFFFFF40]  }
0x583: {  	v59 =	vld [tilespmem:s3+$0xFFFFFFDE];
	s4 =	smul.u32 $0x3000, s20  }
0x584: {  	v60 =	vld [tilespmem:s3+$0xFFFFFFAC];
	[tilespmem:s24+$0x42] =	vst v0  }
0x585: {  	s23 =	sshra.s32 s4, $0x2;
	s21 =	simm.s32 $0x280;
	[tilespmem:s26+$0x42] =	vst v1;
	v0 =	vld [tilespmem:s13+$0xFFFFFFB0]  }
0x586: {  	s12 =	simm.s32 $0x200;
	[tilespmem:s0+$0x62] =	vst v2;
	s17 =	sadd.s32 $0x17B80, s23;
	s20 =	sand.u32 $0x380, s21;
	v1 =	vld [tilespmem:s13+$0xFFFFFF30]  }
0x587: {  	[tilespmem:s10+$0x62] =	vst v50;
	v2 =	vld [tilespmem:s15+$0xFFFFFFCE];
	s21 =	sand.u32 $0x300, s12;
	s4 =	sadd.s32 s20, s17  }
0x588: {  	v50 =	vld [tilespmem:s15+$0xFFFFFF4E];
	s25 =	sadd.s32 s21, s17;
	[tilespmem:s4+$0x0] =	vst v59  }
0x589: {  	[tilespmem:s25+$0x0] =	vst v60;
	v51 =	vld [tilespmem:s3+$0xFFFFFFEE]  }
0x58a: {  	v52 =	vld [tilespmem:s3+$0xFFFFFFBC];
	[tilespmem:s24+$0x52] =	vst v0  }
0x58b: {  	[tilespmem:s26+$0x52] =	vst v1;
	v0 =	vld [tilespmem:s13+$0xFFFFFFC0]  }
0x58c: {  	[tilespmem:s0+$0x70] =	vst v2;
	v1 =	vld [tilespmem:s13+$0xFFFFFF40]  }
0x58d: {  	[tilespmem:s10+$0x70] =	vst v50;
	v2 =	vld [tilespmem:s15+$0xFFFFFFDE]  }
0x58e: {  	v50 =	vld [tilespmem:s15+$0xFFFFFF5E];
	[tilespmem:s4+$0x10] =	vst v51  }
0x58f: {  	[tilespmem:s25+$0x10] =	vst v52;
	v51 =	vld [tilespmem:s3+$0xFFFFFFFE]  }
0x590: {  	s22 =	sadd.s32 $0x17F80, s7;
	v52 =	vld [tilespmem:s3+$0xFFFFFFCC];
	[tilespmem:s24+$0x62] =	vst v0  }
0x591: {  	s28 =	sadd.s32 s19, s22;
	[tilespmem:s26+$0x62] =	vst v1;
	v0 =	vld [tilespmem:s13+$0xFFFFFFCE]  }
0x592: {  	s0 =	sadd.s32 s8, s22;
	[tilespmem:s28+$0x0] =	vst v2;
	v1 =	vld [tilespmem:s13+$0xFFFFFF4E]  }
0x593: {  	[tilespmem:s0+$0x0] =	vst v50;
	v2 =	vld [tilespmem:s15+$0xFFFFFFEE]  }
0x594: {  	v50 =	vld [tilespmem:s15+$0xFFFFFF6E];
	[tilespmem:s4+$0x20] =	vst v51  }
0x595: {  	[tilespmem:s25+$0x20] =	vst v52;
	v51 =	vld [tilespmem:s3+$0x0]  }
0x596: {  	v52 =	vld [tilespmem:s3+$0xFFFFFFCE];
	[tilespmem:s24+$0x70] =	vst v0  }
0x597: {  	[tilespmem:s26+$0x70] =	vst v1;
	v0 =	vld [tilespmem:s13+$0xFFFFFFDE]  }
0x598: {  	[tilespmem:s28+$0x10] =	vst v2;
	v1 =	vld [tilespmem:s13+$0xFFFFFF5E]  }
0x599: {  	[tilespmem:s0+$0x10] =	vst v50;
	v2 =	vld [tilespmem:s15+$0xFFFFFFFE]  }
0x59a: {  	s1 =	sadd.s32 $0x18380, s1;
	v50 =	vld [tilespmem:s15+$0xFFFFFF7E];
	[tilespmem:s4+$0x22] =	vst v51;
	s26 =	simm.s32 $0x7E70  }
0x59b: {  	s5 =	sadd.s32 s5, s1;
	[tilespmem:s25+$0x22] =	vst v52;
	v51 =	vld [tilespmem:s26+$0xFFFFFF90]  }
0x59c: {  	s9 =	sadd.s32 s2, s1;
	v52 =	vld [tilespmem:s26+$0xFFFFFF10];
	[tilespmem:s5+$0x0] =	vst v0  }
0x59d: {  	[tilespmem:s9+$0x0] =	vst v1;
	v0 =	vld [tilespmem:s13+$0xFFFFFFEE]  }
0x59e: {  	[tilespmem:s28+$0x20] =	vst v2;
	v1 =	vld [tilespmem:s13+$0xFFFFFF6E]  }
0x59f: {  	[tilespmem:s0+$0x20] =	vst v50;
	v2 =	vld [tilespmem:s15+$0x0]  }
0x5a0: {  	v50 =	vld [tilespmem:s15+$0xFFFFFF80];
	[tilespmem:s4+$0x32] =	vst v51  }
0x5a1: {  	[tilespmem:s25+$0x32] =	vst v52;
	v51 =	vld [tilespmem:s26+$0xFFFFFFA0]  }
0x5a2: {  	v52 =	vld [tilespmem:s26+$0xFFFFFF20];
	[tilespmem:s5+$0x10] =	vst v0  }
0x5a3: {  	[tilespmem:s9+$0x10] =	vst v1;
	v0 =	vld [tilespmem:s13+$0xFFFFFFFE]  }
0x5a4: {  	s2 =	simm.s32 $0xCD70;
	[tilespmem:s28+$0x22] =	vst v2;
	v1 =	vld [tilespmem:s13+$0xFFFFFF7E]  }
0x5a5: {  	[tilespmem:s0+$0x22] =	vst v50;
	v2 =	vld [tilespmem:s2+$0xFFFFFF90]  }
0x5a6: {  	v61 =	vld [tilespmem:s2+$0xFFFFFF10];
	[tilespmem:s4+$0x42] =	vst v51  }
0x5a7: {  	[tilespmem:s25+$0x42] =	vst v52;
	v63 =	vld [tilespmem:s26+$0xFFFFFFB0]  }
0x5a8: {  	v54 =	vld [tilespmem:s26+$0xFFFFFF30];
	[tilespmem:s5+$0x20] =	vst v0  }
0x5a9: {  	[tilespmem:s9+$0x20] =	vst v1;
	v51 =	vld [tilespmem:s13+$0x0]  }
0x5aa: {  	[tilespmem:s28+$0x32] =	vst v2;
	v50 =	vld [tilespmem:s13+$0xFFFFFF80]  }
0x5ab: {  	s15 =	simm.s32 $0x7E70;
	v52 =	vld [tilespmem:s2+$0xFFFFFFA0];
	s24 =	rddreg [dreg:$0x19];
	[tilespmem:s0+$0x32] =	vst v61  }
0x5ac: {  	v8 =	vmov v3;
	s13 =	simm.s32 $0x4;
	[tilespmem:s4+$0x52] =	vst v63;
	s1 =	sadd.s32 s6, s24;
	v53 =	vld [tilespmem:s2+$0xFFFFFF20];
	s24 =	simm.s32 $0xCD70  }
.LBB2_9:
0x5ad: {  	s13 =	sadd.s32 $0x2, s13;
	[tilespmem:s25+$0x52] =	vst v54;
	v0 =	vld [tilespmem:s26+$0xFFFFFFC0]  }
0x5ae: {  	s3 =	sadd.s32 $0x64, s3;
	s10 =	sshrl.u32 s13, $0x3;
	p1 =	slt.u32 s13, $0x4E;
	v1 =	vld [tilespmem:s26+$0xFFFFFF40];
	[tilespmem:s5+$0x22] =	vst v51  }
0x5af: {  	s5 =	smul.u32 $0x3000, s10;
	v2 =	vld [tilespmem:s3+$0xFFFFFFDE];
	[tilespmem:s9+$0x22] =	vst v50  }
0x5b0: {  	s12 =	sadd.s32 $0x100, s12;
	v50 =	vld [tilespmem:s3+$0xFFFFFFAC];
	[tilespmem:s28+$0x42] =	vst v52  }
0x5b1: {  	s10 =	sand.u32 $0x300, s12;
	s17 =	sshra.s32 s5, $0x2;
	s5 =	sadd.s32 $0x80, s12;
	[tilespmem:s0+$0x42] =	vst v53;
	v51 =	vld [tilespmem:s2+$0xFFFFFFB0]  }
0x5b2: {  	s9 =	sadd.s32 $0x17B80, s17;
	s22 =	sand.u32 $0x380, s5;
	[tilespmem:s4+$0x62] =	vst v0;
	v0 =	vld [tilespmem:s2+$0xFFFFFF30]  }
0x5b3: {  	s5 =	sadd.s32 s10, s9;
	s9 =	sadd.s32 s22, s9;
	[tilespmem:s25+$0x62] =	vst v1;
	v1 =	vld [tilespmem:s26+$0xFFFFFFCE]  }
0x5b4: {  	[tilespmem:s9+$0x0] =	vst v2;
	v2 =	vld [tilespmem:s26+$0xFFFFFF4E]  }
0x5b5: {  	[tilespmem:s5+$0x0] =	vst v50;
	v50 =	vld [tilespmem:s3+$0xFFFFFFEE]  }
0x5b6: {  	v52 =	vld [tilespmem:s3+$0xFFFFFFBC];
	[tilespmem:s28+$0x52] =	vst v51  }
0x5b7: {  	[tilespmem:s0+$0x52] =	vst v0;
	v0 =	vld [tilespmem:s2+$0xFFFFFFC0]  }
0x5b8: {  	[tilespmem:s4+$0x70] =	vst v1;
	v1 =	vld [tilespmem:s2+$0xFFFFFF40];
	s4 =	smov.u32 s9  }
0x5b9: {  	[tilespmem:s25+$0x70] =	vst v2;
	v2 =	vld [tilespmem:s26+$0xFFFFFFDE];
	s25 =	smov.u32 s5  }
0x5ba: {  	[tilespmem:s4+$0x10] =	vst v50;
	v50 =	vld [tilespmem:s26+$0xFFFFFF5E]  }
0x5bb: {  	[tilespmem:s25+$0x10] =	vst v52;
	v51 =	vld [tilespmem:s3+$0xFFFFFFFE]  }
0x5bc: {  	s5 =	sadd.s32 $0x17F80, s23;
	v52 =	vld [tilespmem:s3+$0xFFFFFFCC];
	[tilespmem:s28+$0x62] =	vst v0  }
0x5bd: {  	s9 =	sadd.s32 s21, s5;
	s5 =	sadd.s32 s20, s5;
	[tilespmem:s0+$0x62] =	vst v1;
	v0 =	vld [tilespmem:s2+$0xFFFFFFCE]  }
0x5be: {  	[tilespmem:s5+$0x0] =	vst v2;
	v1 =	vld [tilespmem:s2+$0xFFFFFF4E]  }
0x5bf: {  	[tilespmem:s9+$0x0] =	vst v50;
	v2 =	vld [tilespmem:s26+$0xFFFFFFEE]  }
0x5c0: {  	[tilespmem:s4+$0x20] =	vst v51;
	v50 =	vld [tilespmem:s26+$0xFFFFFF6E]  }
0x5c1: {  	[tilespmem:s25+$0x20] =	vst v52;
	v51 =	vld [tilespmem:s3+$0x0]  }
0x5c2: {  	v52 =	vld [tilespmem:s3+$0xFFFFFFCE];
	[tilespmem:s28+$0x70] =	vst v0;
	s28 =	smov.u32 s5  }
0x5c3: {  	[tilespmem:s0+$0x70] =	vst v1;
	v0 =	vld [tilespmem:s2+$0xFFFFFFDE];
	s0 =	smov.u32 s9  }
0x5c4: {  	[tilespmem:s28+$0x10] =	vst v2;
	v1 =	vld [tilespmem:s2+$0xFFFFFF5E]  }
0x5c5: {  	[tilespmem:s0+$0x10] =	vst v50;
	v2 =	vld [tilespmem:s26+$0xFFFFFFFE]  }
0x5c6: {  	s5 =	sadd.s32 $0x18380, s7;
	s7 =	smov.u32 s23;
	s26 =	sadd.s32 $0x100, s26;
	[tilespmem:s4+$0x22] =	vst v51;
	v50 =	vld [tilespmem:s15+$0xFFFFFF7E]  }
0x5c7: {  	s9 =	sadd.s32 s8, s5;
	s5 =	sadd.s32 s19, s5;
	s8 =	smov.u32 s21;
	[tilespmem:s25+$0x22] =	vst v52;
	v51 =	vld [tilespmem:s26+$0xFFFFFF90]  }
0x5c8: {  	s23 =	smov.u32 s17;
	s21 =	smov.u32 s10;
	s19 =	smov.u32 s20;
	v52 =	vld [tilespmem:s26+$0xFFFFFF10];
	[tilespmem:s5+$0x0] =	vst v0  }
0x5c9: {  	s20 =	smov.u32 s22;
	[tilespmem:s9+$0x0] =	vst v1;
	v0 =	vld [tilespmem:s2+$0xFFFFFFEE]  }
0x5ca: {  	[tilespmem:s28+$0x20] =	vst v2;
	v1 =	vld [tilespmem:s2+$0xFFFFFF6E]  }
0x5cb: {  	[tilespmem:s0+$0x20] =	vst v50;
	v2 =	vld [tilespmem:s15+$0x0]  }
0x5cc: {  	[tilespmem:s4+$0x32] =	vst v51;
	v50 =	vld [tilespmem:s15+$0xFFFFFF80];
	s15 =	smov.u32 s26  }
0x5cd: {  	[tilespmem:s25+$0x32] =	vst v52;
	v51 =	vld [tilespmem:s26+$0xFFFFFFA0]  }
0x5ce: {  	v52 =	vld [tilespmem:s26+$0xFFFFFF20];
	[tilespmem:s5+$0x10] =	vst v0  }
0x5cf: {  	[tilespmem:s9+$0x10] =	vst v1;
	v0 =	vld [tilespmem:s2+$0xFFFFFFFE]  }
0x5d0: {  	s2 =	sadd.s32 $0x100, s2;
	[tilespmem:s28+$0x22] =	vst v2;
	v1 =	vld [tilespmem:s24+$0xFFFFFF7E]  }
0x5d1: {  	[tilespmem:s0+$0x22] =	vst v50;
	v2 =	vld [tilespmem:s2+$0xFFFFFF90]  }
0x5d2: {  	[tilespmem:s4+$0x42] =	vst v51;
	v53 =	vld [tilespmem:s2+$0xFFFFFF10]  }
0x5d3: {  	[tilespmem:s25+$0x42] =	vst v52;
	v55 =	vld [tilespmem:s26+$0xFFFFFFB0]  }
.Ltmp5:
0x5d4: {  	v54 =	vld [tilespmem:s26+$0xFFFFFF30];
	[tilespmem:s5+$0x20] =	vst v0;
	(pc) =	sbr.rel @p1 .LBB2_9-.Ltmp5, $4  }
0x5d5: {  	[tilespmem:s9+$0x20] =	vst v1;
	v51 =	vld [tilespmem:s24+$0x0]  }
0x5d6: {  	[tilespmem:s28+$0x32] =	vst v2;
	v50 =	vld [tilespmem:s24+$0xFFFFFF80];
	s24 =	smov.u32 s2  }
0x5d7: {  	[tilespmem:s0+$0x32] =	vst v53;
	v52 =	vld [tilespmem:s2+$0xFFFFFFA0]  }
0x5d8: {  	[tilespmem:s4+$0x52] =	vst v55;
	v53 =	vld [tilespmem:s2+$0xFFFFFF20]  }
0x5d9: {  	[tilespmem:s25+$0x52] =	vst v54;
	v0 =	vld [tilespmem:s26+$0xFFFFFFC0]  }
0x5da: {  	v1 =	vld [tilespmem:s26+$0xFFFFFF40];
	_ =	sdelay $0x3  }
0x5db: {  	[tilespmem:s4+$0x62] =	vst v0  }
0x5dc: {  	[tilespmem:s25+$0x62] =	vst v1;
	v0 =	vld [tilespmem:s26+$0xFFFFFFCE]  }
0x5dd: {  	v1 =	vld [tilespmem:s26+$0xFFFFFF4E];
	_ =	sdelay $0x3  }
0x5de: {  	[tilespmem:s4+$0x70] =	vst v0  }
0x5df: {  	[tilespmem:s25+$0x70] =	vst v1;
	v0 =	vld [tilespmem:s26+$0xFFFFFFDE]  }
0x5e0: {  	v1 =	vld [tilespmem:s26+$0xFFFFFF5E];
	_ =	sdelay $0x1  }
0x5e1: {  	s3 =	sadd.s32 $0x17F80, s23  }
0x5e2: {  	s13 =	sadd.s32 s20, s3  }
0x5e3: {  	s10 =	sadd.s32 s21, s3;
	[tilespmem:s13+$0x0] =	vst v0  }
0x5e4: {  	[tilespmem:s10+$0x0] =	vst v1;
	v0 =	vld [tilespmem:s26+$0xFFFFFFEE]  }
0x5e5: {  	v1 =	vld [tilespmem:s26+$0xFFFFFF6E];
	_ =	sdelay $0x3  }
0x5e6: {  	[tilespmem:s13+$0x10] =	vst v0  }
0x5e7: {  	[tilespmem:s10+$0x10] =	vst v1;
	v0 =	vld [tilespmem:s26+$0xFFFFFFFE]  }
0x5e8: {  	v1 =	vld [tilespmem:s15+$0xFFFFFF7E];
	_ =	sdelay $0x3  }
0x5e9: {  	[tilespmem:s13+$0x20] =	vst v0  }
0x5ea: {  	[tilespmem:s10+$0x20] =	vst v1;
	v0 =	vld [tilespmem:s15+$0x0]  }
0x5eb: {  	v1 =	vld [tilespmem:s15+$0xFFFFFF80];
	_ =	sdelay $0x3  }
0x5ec: {  	s15 =	sadd.s32 $0x100, s2;
	[tilespmem:s13+$0x22] =	vst v0  }
0x5ed: {  	[tilespmem:s10+$0x22] =	vst v1;
	v0 =	vld [tilespmem:s15+$0xFFFFFF90]  }
0x5ee: {  	v1 =	vld [tilespmem:s15+$0xFFFFFF10];
	_ =	sdelay $0x3  }
0x5ef: {  	[tilespmem:s13+$0x32] =	vst v0  }
0x5f0: {  	[tilespmem:s10+$0x32] =	vst v1;
	v0 =	vld [tilespmem:s15+$0xFFFFFFA0]  }
0x5f1: {  	v1 =	vld [tilespmem:s15+$0xFFFFFF20];
	_ =	sdelay $0x1  }
0x5f2: {  	[tilespmem:s28+$0x42] =	vst v52  }
0x5f3: {  	[tilespmem:s0+$0x42] =	vst v53;
	v2 =	vld [tilespmem:s2+$0xFFFFFFB0]  }
0x5f4: {  	v63 =	vld [tilespmem:s2+$0xFFFFFF30];
	[tilespmem:s13+$0x42] =	vst v0  }
0x5f5: {  	[tilespmem:s10+$0x42] =	vst v1;
	v0 =	vld [tilespmem:s15+$0xFFFFFFB0]  }
0x5f6: {  	v1 =	vld [tilespmem:s15+$0xFFFFFF30];
	_ =	sdelay $0x1  }
0x5f7: {  	[tilespmem:s28+$0x52] =	vst v2  }
0x5f8: {  	[tilespmem:s0+$0x52] =	vst v63;
	v2 =	vld [tilespmem:s2+$0xFFFFFFC0]  }
0x5f9: {  	v52 =	vld [tilespmem:s2+$0xFFFFFF40];
	[tilespmem:s13+$0x52] =	vst v0  }
0x5fa: {  	[tilespmem:s10+$0x52] =	vst v1;
	v0 =	vld [tilespmem:s15+$0xFFFFFFC0]  }
0x5fb: {  	v1 =	vld [tilespmem:s15+$0xFFFFFF40];
	_ =	sdelay $0x1  }
0x5fc: {  	[tilespmem:s28+$0x62] =	vst v2  }
0x5fd: {  	[tilespmem:s0+$0x62] =	vst v52;
	v2 =	vld [tilespmem:s2+$0xFFFFFFCE]  }
0x5fe: {  	v52 =	vld [tilespmem:s2+$0xFFFFFF4E];
	[tilespmem:s13+$0x62] =	vst v0  }
0x5ff: {  	[tilespmem:s10+$0x62] =	vst v1;
	v0 =	vld [tilespmem:s15+$0xFFFFFFCE]  }
0x600: {  	v1 =	vld [tilespmem:s15+$0xFFFFFF4E];
	_ =	sdelay $0x1  }
0x601: {  	[tilespmem:s28+$0x70] =	vst v2  }
0x602: {  	[tilespmem:s0+$0x70] =	vst v52;
	v2 =	vld [tilespmem:s2+$0xFFFFFFDE]  }
0x603: {  	v52 =	vld [tilespmem:s2+$0xFFFFFF5E];
	[tilespmem:s13+$0x70] =	vst v0  }
0x604: {  	[tilespmem:s10+$0x70] =	vst v1;
	v0 =	vld [tilespmem:s15+$0xFFFFFFDE]  }
0x605: {  	s17 =	sadd.s32 $0x18380, s7;
	v1 =	vld [tilespmem:s15+$0xFFFFFF5E]  }
0x606: {  	s19 =	sadd.s32 s19, s17  }
0x607: {  	s22 =	sadd.s32 $0x18380, s23;
	s0 =	sadd.s32 s8, s17;
	[tilespmem:s19+$0x0] =	vst v2  }
0x608: {  	s23 =	sadd.s32 s20, s22;
	[tilespmem:s0+$0x0] =	vst v52;
	v2 =	vld [tilespmem:s2+$0xFFFFFFEE]  }
0x609: {  	s7 =	sadd.s32 s21, s22;
	v52 =	vld [tilespmem:s2+$0xFFFFFF6E];
	[tilespmem:s23+$0x0] =	vst v0  }
0x60a: {  	[tilespmem:s7+$0x0] =	vst v1;
	v0 =	vld [tilespmem:s15+$0xFFFFFFEE]  }
0x60b: {  	v1 =	vld [tilespmem:s15+$0xFFFFFF6E];
	_ =	sdelay $0x1  }
0x60c: {  	[tilespmem:s19+$0x10] =	vst v2  }
0x60d: {  	[tilespmem:s0+$0x10] =	vst v52;
	v2 =	vld [tilespmem:s2+$0xFFFFFFFE]  }
0x60e: {  	v52 =	vld [tilespmem:s24+$0xFFFFFF7E];
	[tilespmem:s23+$0x10] =	vst v0  }
0x60f: {  	[tilespmem:s7+$0x10] =	vst v1;
	v0 =	vld [tilespmem:s15+$0xFFFFFFFE]  }
0x610: {  	v1 =	vld [tilespmem:s15+$0xFFFFFF7E];
	_ =	sdelay $0x1  }
0x611: {  	[tilespmem:s19+$0x20] =	vst v2  }
0x612: {  	[tilespmem:s0+$0x20] =	vst v52;
	v2 =	vld [tilespmem:s24+$0x0]  }
0x613: {  	v52 =	vld [tilespmem:s24+$0xFFFFFF80];
	[tilespmem:s23+$0x20] =	vst v0  }
0x614: {  	[tilespmem:s7+$0x20] =	vst v1;
	v0 =	vld [tilespmem:s15+$0x0]  }
0x615: {  	[tilespmem:s5+$0x22] =	vst v51;
	v1 =	vld [tilespmem:s15+$0xFFFFFF80]  }
0x616: {  	[tilespmem:s9+$0x22] =	vst v50  }
0x617: {  	[tilespmem:s19+$0x22] =	vst v2  }
0x618: {  	[tilespmem:s0+$0x22] =	vst v52  }
.Ltmp6:
0x619: {  	s1 =	sshrl.u32 s1, $0x3;
	[tilespmem:s23+$0x22] =	vst v0;
	(pc) =	sbr.rel @p0 .LBB2_14-.Ltmp6, $4  }
0x61a: {  	s25 =	smul.u32 $0x180, s1;
	[tilespmem:s7+$0x22] =	vst v1  }
0x61b: {  	s26 =	rddreg [dreg:$0xc]  }
0x61c: {  	s28 =	simm.s32 $0x17B80;
	s0 =	simm.s32 $0x0;
	s1 =	sadd.s32 s26, s25  }
0x61d: {  	v63 =	vld [tilespmem:$0x1FFA0];
	[hbm4b:s1+s0] =	stream.linear.scatter [tilespmem:s28], [sflag:$0x6], $0x7800, $0x38  }
0x61e: {  	s1 =	simm.s32 $0x4E80  }
0x61f: {  	v0 =	vld [tilespmem:s1+$0x0];
	_ =	sdelay $0x4  }
0x620: {  	v0 =	vmul.u32 $0x5, v0  }
0x621: {  	v1 =	vmov s0  }
0x622: {  	v1 =	vmul.u32 $0x32, v1;
	_ =	sdelay $0x1  }
0x623: {  	v50 =	vbroadcast v1, $0x0;
	_ =	sdelay $0x1  }
0x624: {  	v2 =	vadd.s32 v63, v50;
	v1 =	vld.idx.msk [tilespmem:v0+s11+$0x0], $0xffff;
	_ =	sdelay $0x2  }
0x625: {  	s24 =	simm.s32 $0x4F80  }
0x626: {  	s25 =	simm.s32 $0x5080;
	v52 =	vld [tilespmem:s24+$0x0]  }
0x627: {  	v53 =	vld [tilespmem:s25+$0x0];
	[tilespmem:v2+s16+$0x0] =	vst.idx.msk $0xffff, v1  }
0x628: {  	v51 =	vadd.s32 $0x1, v0;
	v4 =	vld [tilespmem:$0x1FF90];
	_ =	sdelay $0x4  }
0x629: {  	v1 =	vld.idx.msk [tilespmem:v51+s11+$0x0], $0xffff;
	v2 =	vadd.s32 v4, v50  }
0x62a: {  	v55 =	vadd.s32 $0x2, v0;
	_ =	sdelay $0x3  }
0x62b: {  	[tilespmem:v2+s16+$0x0] =	vst.idx.msk $0xffff, v1  }
0x62c: {  	v2 =	vadd.s32 v5, v50;
	v1 =	vld.idx.msk [tilespmem:v55+s11+$0x0], $0xffff  }
0x62d: {  	v56 =	vadd.s32 $0x3, v0;
	_ =	sdelay $0x3  }
0x62e: {  	v11 =	vmov v6;
	[tilespmem:v2+s16+$0x0] =	vst.idx.msk $0xffff, v1  }
0x62f: {  	v2 =	vadd.s32 v11, v50;
	v1 =	vld.idx.msk [tilespmem:v56+s11+$0x0], $0xffff  }
0x630: {  	v0 =	vadd.s32 $0x4, v0;
	_ =	sdelay $0x3  }
0x631: {  	[tilespmem:v2+s16+$0x0] =	vst.idx.msk $0xffff, v1  }
0x632: {  	v2 =	vadd.s32 v62, v50;
	v0 =	vld.idx.msk [tilespmem:v0+s11+$0x0], $0xffff;
	_ =	sdelay $0x4  }
0x633: {  	v1 =	vmul.u32 $0x5, v52;
	[tilespmem:v2+s16+$0x0] =	vst.idx.msk $0xffff, v0  }
0x634: {  	v7 =	vld [tilespmem:$0x1FDD0];
	_ =	sdelay $0x4  }
0x635: {  	v0 =	vld.idx.msk [tilespmem:v1+s30+$0x0], $0xffff;
	v2 =	vadd.s32 v7, v50;
	_ =	sdelay $0x4  }
0x636: {  	[tilespmem:v2+s16+$0x0] =	vst.idx.msk $0xffff, v0  }
0x637: {  	v57 =	vadd.s32 $0x1, v1;
	v10 =	vld [tilespmem:$0x1FDE0];
	_ =	sdelay $0x4  }
0x638: {  	v0 =	vld.idx.msk [tilespmem:v57+s30+$0x0], $0xffff;
	v2 =	vadd.s32 v10, v50;
	_ =	sdelay $0x4  }
0x639: {  	[tilespmem:v2+s16+$0x0] =	vst.idx.msk $0xffff, v0  }
0x63a: {  	v58 =	vadd.s32 $0x2, v1;
	v28 =	vld [tilespmem:$0x1FDF0];
	_ =	sdelay $0x4  }
0x63b: {  	v0 =	vld.idx.msk [tilespmem:v58+s30+$0x0], $0xffff;
	v2 =	vadd.s32 v28, v50;
	_ =	sdelay $0x4  }
0x63c: {  	[tilespmem:v2+s16+$0x0] =	vst.idx.msk $0xffff, v0  }
0x63d: {  	v59 =	vadd.s32 $0x3, v1;
	v12 =	vld [tilespmem:$0x1FE00];
	_ =	sdelay $0x4  }
0x63e: {  	v0 =	vld.idx.msk [tilespmem:v59+s30+$0x0], $0xffff;
	v2 =	vadd.s32 v12, v50;
	_ =	sdelay $0x4  }
0x63f: {  	[tilespmem:v2+s16+$0x0] =	vst.idx.msk $0xffff, v0  }
0x640: {  	v1 =	vadd.s32 $0x4, v1;
	v30 =	vld [tilespmem:$0x1FE10];
	_ =	sdelay $0x4  }
0x641: {  	v0 =	vld.idx.msk [tilespmem:v1+s30+$0x0], $0xffff;
	v1 =	vadd.s32 v30, v50;
	_ =	sdelay $0x4  }
0x642: {  	v51 =	vmul.u32 $0x28, v53;
	[tilespmem:v1+s16+$0x0] =	vst.idx.msk $0xffff, v0  }
0x643: {  	v31 =	vld [tilespmem:$0x1FE20];
	_ =	sdelay $0x4  }
0x644: {  	v0 =	vld.idx.msk [tilespmem:v51+s31+$0x0], $0xffff;
	v1 =	vadd.s32 v31, v50;
	_ =	sdelay $0x4  }
0x645: {  	[tilespmem:v1+s16+$0x0] =	vst.idx.msk $0xffff, v0  }
0x646: {  	v2 =	vor.u32 $0x1, v51;
	v32 =	vld [tilespmem:$0x1FE30];
	_ =	sdelay $0x4  }
0x647: {  	v0 =	vld.idx.msk [tilespmem:v2+s31+$0x0], $0xffff;
	v1 =	vadd.s32 v32, v50;
	_ =	sdelay $0x4  }
0x648: {  	[tilespmem:v1+s16+$0x0] =	vst.idx.msk $0xffff, v0  }
0x649: {  	v2 =	vor.u32 $0x2, v51;
	v15 =	vld [tilespmem:$0x1FE40];
	_ =	sdelay $0x4  }
0x64a: {  	v0 =	vld.idx.msk [tilespmem:v2+s31+$0x0], $0xffff;
	v1 =	vadd.s32 v15, v50;
	_ =	sdelay $0x4  }
0x64b: {  	[tilespmem:v1+s16+$0x0] =	vst.idx.msk $0xffff, v0  }
0x64c: {  	v2 =	vor.u32 $0x3, v51;
	v16 =	vld [tilespmem:$0x1FE50];
	_ =	sdelay $0x4  }
0x64d: {  	v0 =	vld.idx.msk [tilespmem:v2+s31+$0x0], $0xffff;
	v1 =	vadd.s32 v16, v50;
	_ =	sdelay $0x4  }
0x64e: {  	[tilespmem:v1+s16+$0x0] =	vst.idx.msk $0xffff, v0  }
0x64f: {  	v2 =	vor.u32 $0x4, v51;
	v17 =	vld [tilespmem:$0x1FE60];
	_ =	sdelay $0x4  }
0x650: {  	v0 =	vld.idx.msk [tilespmem:v2+s31+$0x0], $0xffff;
	v1 =	vadd.s32 v17, v50;
	_ =	sdelay $0x4  }
0x651: {  	[tilespmem:v1+s16+$0x0] =	vst.idx.msk $0xffff, v0  }
0x652: {  	v2 =	vor.u32 $0x5, v51;
	v18 =	vld [tilespmem:$0x1FE70];
	_ =	sdelay $0x4  }
0x653: {  	v0 =	vld.idx.msk [tilespmem:v2+s31+$0x0], $0xffff;
	v1 =	vadd.s32 v18, v50;
	_ =	sdelay $0x4  }
0x654: {  	[tilespmem:v1+s16+$0x0] =	vst.idx.msk $0xffff, v0  }
0x655: {  	v2 =	vor.u32 $0x6, v51;
	v19 =	vld [tilespmem:$0x1FE80];
	_ =	sdelay $0x2  }
0x656: {  	s26 =	simm.s32 $0x4E90  }
0x657: {  	v60 =	vld [tilespmem:s26+$0x0]  }
0x658: {  	v0 =	vld.idx.msk [tilespmem:v2+s31+$0x0], $0xffff;
	v1 =	vadd.s32 v19, v50;
	_ =	sdelay $0x3  }
0x659: {  	s28 =	simm.s32 $0x10;
	v2 =	vmul.u32 $0x5, v60  }
0x65a: {  	v61 =	vmov s28;
	[tilespmem:v1+s16+$0x0] =	vst.idx.msk $0xffff, v0  }
0x65b: {  	v53 =	vor.u32 $0x7, v51;
	v52 =	vmul.u32 $0x32, v61;
	v20 =	vld [tilespmem:$0x1FE90];
	_ =	sdelay $0x1  }
0x65c: {  	v52 =	vbroadcast v52, $0x0;
	_ =	sdelay $0x1  }
0x65d: {  	v54 =	vadd.s32 v63, v52;
	v33 =	vld.idx.msk [tilespmem:v2+s11+$0x0], $0xffff  }
0x65e: {  	v0 =	vld.idx.msk [tilespmem:v53+s31+$0x0], $0xffff;
	v1 =	vadd.s32 v20, v50;
	_ =	sdelay $0x1  }
0x65f: {  	s7 =	simm.s32 $0x4F90  }
0x660: {  	s8 =	simm.s32 $0x5090;
	v57 =	vld [tilespmem:s7+$0x0]  }
0x661: {  	v58 =	vld [tilespmem:s8+$0x0];
	[tilespmem:v54+s16+$0x0] =	vst.idx.msk $0xffff, v33  }
0x662: {  	v56 =	vadd.s32 $0x1, v2;
	[tilespmem:v1+s16+$0x0] =	vst.idx.msk $0xffff, v0  }
0x663: {  	v55 =	vadd.s32 $0x8, v51;
	v21 =	vld [tilespmem:$0x1FEA0];
	_ =	sdelay $0x3  }
0x664: {  	v34 =	vadd.s32 v4, v52;
	v53 =	vld.idx.msk [tilespmem:v56+s11+$0x0], $0xffff  }
0x665: {  	v0 =	vld.idx.msk [tilespmem:v55+s31+$0x0], $0xffff;
	v1 =	vadd.s32 v21, v50;
	_ =	sdelay $0x3  }
0x666: {  	[tilespmem:v34+s16+$0x0] =	vst.idx.msk $0xffff, v53  }
0x667: {  	v36 =	vadd.s32 $0x2, v2;
	[tilespmem:v1+s16+$0x0] =	vst.idx.msk $0xffff, v0  }
0x668: {  	v35 =	vadd.s32 $0x9, v51;
	v22 =	vld [tilespmem:$0x1FEB0];
	_ =	sdelay $0x3  }
0x669: {  	v6 =	vmov v47;
	v47 =	vadd.s32 v5, v52;
	v53 =	vld.idx.msk [tilespmem:v36+s11+$0x0], $0xffff  }
0x66a: {  	v0 =	vld.idx.msk [tilespmem:v35+s31+$0x0], $0xffff;
	v1 =	vadd.s32 v22, v50;
	_ =	sdelay $0x3  }
0x66b: {  	[tilespmem:v47+s16+$0x0] =	vst.idx.msk $0xffff, v53  }
0x66c: {  	v13 =	vmov v49;
	v49 =	vadd.s32 $0x3, v2;
	[tilespmem:v1+s16+$0x0] =	vst.idx.msk $0xffff, v0  }
0x66d: {  	v14 =	vmov v48;
	v48 =	vadd.s32 $0xA, v51;
	v36 =	vld [tilespmem:$0x1FEC0];
	_ =	sdelay $0x3  }
0x66e: {  	v59 =	vadd.s32 v11, v52;
	v53 =	vld.idx.msk [tilespmem:v49+s11+$0x0], $0xffff  }
0x66f: {  	v0 =	vld.idx.msk [tilespmem:v48+s31+$0x0], $0xffff;
	v1 =	vadd.s32 v36, v50;
	_ =	sdelay $0x3  }
0x670: {  	[tilespmem:v59+s16+$0x0] =	vst.idx.msk $0xffff, v53  }
0x671: {  	v2 =	vadd.s32 $0x4, v2;
	[tilespmem:v1+s16+$0x0] =	vst.idx.msk $0xffff, v0  }
0x672: {  	v60 =	vadd.s32 $0xB, v51;
	v47 =	vld [tilespmem:$0x1FED0];
	_ =	sdelay $0x3  }
0x673: {  	v61 =	vadd.s32 v62, v52;
	v2 =	vld.idx.msk [tilespmem:v2+s11+$0x0], $0xffff  }
0x674: {  	v0 =	vld.idx.msk [tilespmem:v60+s31+$0x0], $0xffff;
	v1 =	vadd.s32 v47, v50;
	_ =	sdelay $0x3  }
0x675: {  	v53 =	vmul.u32 $0x5, v57;
	[tilespmem:v61+s16+$0x0] =	vst.idx.msk $0xffff, v2  }
0x676: {  	[tilespmem:v1+s16+$0x0] =	vst.idx.msk $0xffff, v0  }
0x677: {  	v33 =	vadd.s32 $0xC, v51;
	v26 =	vld [tilespmem:$0x1FEE0];
	_ =	sdelay $0x3  }
0x678: {  	v34 =	vadd.s32 v7, v52;
	v2 =	vld.idx.msk [tilespmem:v53+s30+$0x0], $0xffff  }
0x679: {  	v0 =	vld.idx.msk [tilespmem:v33+s31+$0x0], $0xffff;
	v1 =	vadd.s32 v26, v50;
	_ =	sdelay $0x3  }
0x67a: {  	[tilespmem:v34+s16+$0x0] =	vst.idx.msk $0xffff, v2  }
0x67b: {  	v48 =	vadd.s32 $0x1, v53;
	[tilespmem:v1+s16+$0x0] =	vst.idx.msk $0xffff, v0  }
0x67c: {  	v35 =	vadd.s32 $0xD, v51;
	v25 =	vld [tilespmem:$0x1FEF0];
	_ =	sdelay $0x3  }
0x67d: {  	v49 =	vadd.s32 v10, v52;
	v2 =	vld.idx.msk [tilespmem:v48+s30+$0x0], $0xffff  }
0x67e: {  	v0 =	vld.idx.msk [tilespmem:v35+s31+$0x0], $0xffff;
	v1 =	vadd.s32 v25, v50;
	_ =	sdelay $0x3  }
0x67f: {  	[tilespmem:v49+s16+$0x0] =	vst.idx.msk $0xffff, v2  }
0x680: {  	v61 =	vadd.s32 $0x2, v53;
	[tilespmem:v1+s16+$0x0] =	vst.idx.msk $0xffff, v0  }
0x681: {  	v60 =	vadd.s32 $0xE, v51;
	v48 =	vld [tilespmem:$0x1FF00];
	_ =	sdelay $0x3  }
0x682: {  	v33 =	vadd.s32 v28, v52;
	v2 =	vld.idx.msk [tilespmem:v61+s30+$0x0], $0xffff  }
0x683: {  	v0 =	vld.idx.msk [tilespmem:v60+s31+$0x0], $0xffff;
	v1 =	vadd.s32 v48, v50;
	_ =	sdelay $0x3  }
0x684: {  	[tilespmem:v33+s16+$0x0] =	vst.idx.msk $0xffff, v2  }
0x685: {  	v35 =	vadd.s32 $0x3, v53;
	[tilespmem:v1+s16+$0x0] =	vst.idx.msk $0xffff, v0  }
0x686: {  	v3 =	vmov v10;
	v10 =	vmov v28;
	v34 =	vadd.s32 $0xF, v51;
	v28 =	vld [tilespmem:$0x1FF10];
	_ =	sdelay $0x3  }
0x687: {  	v49 =	vadd.s32 v12, v52;
	v2 =	vld.idx.msk [tilespmem:v35+s30+$0x0], $0xffff  }
0x688: {  	v0 =	vld.idx.msk [tilespmem:v34+s31+$0x0], $0xffff;
	v1 =	vadd.s32 v28, v50;
	_ =	sdelay $0x3  }
0x689: {  	[tilespmem:v49+s16+$0x0] =	vst.idx.msk $0xffff, v2  }
0x68a: {  	v53 =	vadd.s32 $0x4, v53;
	[tilespmem:v1+s16+$0x0] =	vst.idx.msk $0xffff, v0  }
0x68b: {  	v57 =	vadd.s32 $0x10, v51;
	v49 =	vld [tilespmem:$0x1FF20];
	_ =	sdelay $0x3  }
0x68c: {  	v59 =	vadd.s32 v30, v52;
	v2 =	vld.idx.msk [tilespmem:v53+s30+$0x0], $0xffff  }
0x68d: {  	v0 =	vld.idx.msk [tilespmem:v57+s31+$0x0], $0xffff;
	v1 =	vadd.s32 v49, v50;
	_ =	sdelay $0x3  }
0x68e: {  	v53 =	vmul.u32 $0x28, v58;
	[tilespmem:v59+s16+$0x0] =	vst.idx.msk $0xffff, v2  }
0x68f: {  	[tilespmem:v1+s16+$0x0] =	vst.idx.msk $0xffff, v0  }
0x690: {  	v24 =	vmovc v11;
	v11 =	vmov v12;
	v12 =	vmov v30;
	v60 =	vadd.s32 $0x11, v51;
	v30 =	vld [tilespmem:$0x1FF30];
	_ =	sdelay $0x3  }
0x691: {  	v61 =	vadd.s32 v31, v52;
	v2 =	vld.idx.msk [tilespmem:v53+s31+$0x0], $0xffff  }
0x692: {  	v0 =	vld.idx.msk [tilespmem:v60+s31+$0x0], $0xffff;
	v1 =	vadd.s32 v30, v50;
	_ =	sdelay $0x3  }
0x693: {  	[tilespmem:v61+s16+$0x0] =	vst.idx.msk $0xffff, v2  }
0x694: {  	v34 =	vor.u32 $0x1, v53;
	[tilespmem:v1+s16+$0x0] =	vst.idx.msk $0xffff, v0  }
0x695: {  	v29 =	vmov v31;
	v33 =	vadd.s32 $0x12, v51;
	v31 =	vld [tilespmem:$0x1FF40];
	_ =	sdelay $0x3  }
0x696: {  	v35 =	vadd.s32 v32, v52;
	v2 =	vld.idx.msk [tilespmem:v34+s31+$0x0], $0xffff  }
0x697: {  	v0 =	vld.idx.msk [tilespmem:v33+s31+$0x0], $0xffff;
	v1 =	vadd.s32 v31, v50;
	_ =	sdelay $0x3  }
0x698: {  	[tilespmem:v35+s16+$0x0] =	vst.idx.msk $0xffff, v2  }
0x699: {  	v61 =	vor.u32 $0x2, v53;
	[tilespmem:v1+s16+$0x0] =	vst.idx.msk $0xffff, v0  }
0x69a: {  	v27 =	vmov v32;
	v60 =	vadd.s32 $0x13, v51;
	v32 =	vld [tilespmem:$0x1FF50];
	_ =	sdelay $0x3  }
0x69b: {  	v35 =	vadd.s32 v15, v52;
	v2 =	vld.idx.msk [tilespmem:v61+s31+$0x0], $0xffff  }
0x69c: {  	v0 =	vld.idx.msk [tilespmem:v60+s31+$0x0], $0xffff;
	v1 =	vadd.s32 v32, v50;
	_ =	sdelay $0x3  }
0x69d: {  	[tilespmem:v35+s16+$0x0] =	vst.idx.msk $0xffff, v2  }
0x69e: {  	v61 =	vor.u32 $0x3, v53;
	[tilespmem:v1+s16+$0x0] =	vst.idx.msk $0xffff, v0  }
0x69f: {  	v60 =	vadd.s32 $0x14, v51;
	v33 =	vld [tilespmem:$0x1FF60];
	_ =	sdelay $0x3  }
0x6a0: {  	v35 =	vadd.s32 v16, v52;
	v2 =	vld.idx.msk [tilespmem:v61+s31+$0x0], $0xffff  }
0x6a1: {  	v0 =	vld.idx.msk [tilespmem:v60+s31+$0x0], $0xffff;
	v1 =	vadd.s32 v33, v50;
	_ =	sdelay $0x3  }
0x6a2: {  	[tilespmem:v35+s16+$0x0] =	vst.idx.msk $0xffff, v2  }
0x6a3: {  	v61 =	vor.u32 $0x4, v53;
	[tilespmem:v1+s16+$0x0] =	vst.idx.msk $0xffff, v0  }
0x6a4: {  	v60 =	vadd.s32 $0x15, v51;
	v34 =	vld [tilespmem:$0x1FF70];
	_ =	sdelay $0x3  }
0x6a5: {  	v35 =	vadd.s32 v17, v52;
	v2 =	vld.idx.msk [tilespmem:v61+s31+$0x0], $0xffff  }
0x6a6: {  	v0 =	vld.idx.msk [tilespmem:v60+s31+$0x0], $0xffff;
	v1 =	vadd.s32 v34, v50;
	_ =	sdelay $0x3  }
0x6a7: {  	[tilespmem:v35+s16+$0x0] =	vst.idx.msk $0xffff, v2  }
0x6a8: {  	v61 =	vor.u32 $0x5, v53;
	[tilespmem:v1+s16+$0x0] =	vst.idx.msk $0xffff, v0  }
0x6a9: {  	v60 =	vadd.s32 $0x16, v51;
	v35 =	vld [tilespmem:$0x1FF80];
	_ =	sdelay $0x1  }
0x6aa: {  	s20 =	simm.s32 $0x4EA0  }
0x6ab: {  	v54 =	vld [tilespmem:s20+$0x0]  }
0x6ac: {  	s19 =	simm.s32 $0x20;
	v23 =	vmov v7;
	v58 =	vadd.s32 $0x17, v51;
	v59 =	vld.idx.msk [tilespmem:v61+s31+$0x0], $0xffff  }
0x6ad: {  	s21 =	simm.s32 $0x30;
	s9 =	simm.s32 $0x5200;
	s10 =	simm.s32 $0x5300;
	v7 =	vmovc v62;
	v61 =	vor.u32 $0x6, v53;
	v56 =	vld.idx.msk [tilespmem:v60+s31+$0x0], $0xffff;
	v60 =	vadd.s32 v18, v52;
	v57 =	vadd.s32 v35, v50  }
.LBB2_12:
0x6ae: {  	_ =	sdelay $0x3  }
0x6af: {  	[tilespmem:v57+s16+$0x0] =	vst.idx.msk $0xffff, v56  }
0x6b0: {  	[tilespmem:v60+s16+$0x0] =	vst.idx.msk $0xffff, v59  }
0x6b1: {  	v2 =	vadd.s32 v9, v50;
	v0 =	vld.idx.msk [tilespmem:v58+s31+$0x0], $0xffff  }
0x6b2: {  	v55 =	vadd.s32 v19, v52;
	v1 =	vld.idx.msk [tilespmem:v61+s31+$0x0], $0xffff  }
0x6b3: {  	v60 =	vadd.s32 $0x18, v51  }
0x6b4: {  	v57 =	vmul.u32 $0x5, v54;
	v61 =	vor.u32 $0x7, v53  }
0x6b5: {  	v62 =	vmov s19  }
0x6b6: {  	v54 =	vmul.u32 $0x32, v62;
	[tilespmem:v2+s16+$0x0] =	vst.idx.msk $0xffff, v0  }
0x6b7: {  	[tilespmem:v55+s16+$0x0] =	vst.idx.msk $0xffff, v1  }
0x6b8: {  	v54 =	vbroadcast v54, $0x0;
	v2 =	vadd.s32 v37, v50;
	v0 =	vld.idx.msk [tilespmem:v60+s31+$0x0], $0xffff  }
0x6b9: {  	v58 =	vadd.s32 v20, v52;
	v1 =	vld.idx.msk [tilespmem:v61+s31+$0x0], $0xffff  }
0x6ba: {  	v59 =	vadd.s32 $0x19, v51;
	v56 =	vld.idx.msk [tilespmem:v57+s11+$0x0], $0xffff;
	v60 =	vadd.s32 v63, v54  }
0x6bb: {  	s7 =	sadd.s32 $0x10, s7;
	v61 =	vadd.s32 $0x8, v53  }
0x6bc: {  	s8 =	sadd.s32 $0x10, s8;
	v62 =	vadd.s32 $0x1, v57;
	v63 =	vld [tilespmem:s7+$0x0]  }
0x6bd: {  	v55 =	vld [tilespmem:s8+$0x0];
	[tilespmem:v2+s16+$0x0] =	vst.idx.msk $0xffff, v0  }
0x6be: {  	[tilespmem:v58+s16+$0x0] =	vst.idx.msk $0xffff, v1  }
0x6bf: {  	v2 =	vadd.s32 v38, v50;
	v0 =	vld.idx.msk [tilespmem:v59+s31+$0x0], $0xffff;
	[tilespmem:v60+s16+$0x0] =	vst.idx.msk $0xffff, v56  }
0x6c0: {  	v58 =	vadd.s32 v21, v52;
	v1 =	vld.idx.msk [tilespmem:v61+s31+$0x0], $0xffff  }
0x6c1: {  	v59 =	vadd.s32 $0x1A, v51;
	v60 =	vadd.s32 v4, v54;
	v56 =	vld.idx.msk [tilespmem:v62+s11+$0x0], $0xffff  }
0x6c2: {  	v61 =	vadd.s32 $0x9, v53  }
0x6c3: {  	v62 =	vadd.s32 $0x2, v57  }
0x6c4: {  	[tilespmem:v2+s16+$0x0] =	vst.idx.msk $0xffff, v0  }
0x6c5: {  	[tilespmem:v58+s16+$0x0] =	vst.idx.msk $0xffff, v1  }
0x6c6: {  	v2 =	vadd.s32 v39, v50;
	v0 =	vld.idx.msk [tilespmem:v59+s31+$0x0], $0xffff;
	[tilespmem:v60+s16+$0x0] =	vst.idx.msk $0xffff, v56  }
0x6c7: {  	v58 =	vadd.s32 v22, v52;
	v1 =	vld.idx.msk [tilespmem:v61+s31+$0x0], $0xffff  }
0x6c8: {  	v59 =	vadd.s32 $0x1B, v51;
	v60 =	vadd.s32 v5, v54;
	v56 =	vld.idx.msk [tilespmem:v62+s11+$0x0], $0xffff  }
0x6c9: {  	v61 =	vadd.s32 $0xA, v53  }
0x6ca: {  	v62 =	vadd.s32 $0x3, v57  }
0x6cb: {  	[tilespmem:v2+s16+$0x0] =	vst.idx.msk $0xffff, v0  }
0x6cc: {  	[tilespmem:v58+s16+$0x0] =	vst.idx.msk $0xffff, v1  }
0x6cd: {  	v2 =	vadd.s32 v40, v50;
	v0 =	vld.idx.msk [tilespmem:v59+s31+$0x0], $0xffff;
	[tilespmem:v60+s16+$0x0] =	vst.idx.msk $0xffff, v56  }
0x6ce: {  	v58 =	vadd.s32 v36, v52;
	v1 =	vld.idx.msk [tilespmem:v61+s31+$0x0], $0xffff  }
0x6cf: {  	v59 =	vadd.s32 $0x1C, v51;
	v60 =	vadd.s32 v24, v54;
	v56 =	vld.idx.msk [tilespmem:v62+s11+$0x0], $0xffff  }
0x6d0: {  	v61 =	vadd.s32 $0xB, v53  }
0x6d1: {  	v57 =	vadd.s32 $0x4, v57  }
0x6d2: {  	[tilespmem:v2+s16+$0x0] =	vst.idx.msk $0xffff, v0  }
0x6d3: {  	[tilespmem:v58+s16+$0x0] =	vst.idx.msk $0xffff, v1  }
0x6d4: {  	v0 =	vld.idx.msk [tilespmem:v59+s31+$0x0], $0xffff;
	[tilespmem:v60+s16+$0x0] =	vst.idx.msk $0xffff, v56  }
0x6d5: {  	v2 =	vadd.s32 v41, v50;
	v1 =	vld.idx.msk [tilespmem:v61+s31+$0x0], $0xffff  }
0x6d6: {  	v56 =	vld.idx.msk [tilespmem:v57+s11+$0x0], $0xffff;
	v57 =	vadd.s32 v47, v52  }
0x6d7: {  	v58 =	vadd.s32 $0x1D, v51;
	v60 =	vadd.s32 v7, v54  }
0x6d8: {  	v59 =	vmul.u32 $0x5, v63;
	v61 =	vadd.s32 $0xC, v53;
	_ =	sdelay $0x1  }
0x6d9: {  	[tilespmem:v2+s16+$0x0] =	vst.idx.msk $0xffff, v0  }
0x6da: {  	[tilespmem:v57+s16+$0x0] =	vst.idx.msk $0xffff, v1  }
0x6db: {  	v2 =	vadd.s32 v42, v50;
	v0 =	vld.idx.msk [tilespmem:v58+s31+$0x0], $0xffff;
	[tilespmem:v60+s16+$0x0] =	vst.idx.msk $0xffff, v56  }
0x6dc: {  	v57 =	vadd.s32 v26, v52;
	v1 =	vld.idx.msk [tilespmem:v61+s31+$0x0], $0xffff  }
0x6dd: {  	v58 =	vadd.s32 $0x1E, v51;
	v60 =	vadd.s32 v23, v54;
	v56 =	vld.idx.msk [tilespmem:v59+s30+$0x0], $0xffff  }
0x6de: {  	v61 =	vadd.s32 $0xD, v53  }
0x6df: {  	v62 =	vadd.s32 $0x1, v59  }
0x6e0: {  	[tilespmem:v2+s16+$0x0] =	vst.idx.msk $0xffff, v0  }
0x6e1: {  	[tilespmem:v57+s16+$0x0] =	vst.idx.msk $0xffff, v1  }
0x6e2: {  	v2 =	vadd.s32 v43, v50;
	v0 =	vld.idx.msk [tilespmem:v58+s31+$0x0], $0xffff;
	[tilespmem:v60+s16+$0x0] =	vst.idx.msk $0xffff, v56  }
0x6e3: {  	v57 =	vadd.s32 v25, v52;
	v1 =	vld.idx.msk [tilespmem:v61+s31+$0x0], $0xffff  }
0x6e4: {  	v58 =	vadd.s32 $0x1F, v51;
	v60 =	vadd.s32 v3, v54;
	v56 =	vld.idx.msk [tilespmem:v62+s30+$0x0], $0xffff  }
0x6e5: {  	v61 =	vadd.s32 $0xE, v53  }
0x6e6: {  	v62 =	vadd.s32 $0x2, v59  }
0x6e7: {  	[tilespmem:v2+s16+$0x0] =	vst.idx.msk $0xffff, v0  }
0x6e8: {  	[tilespmem:v57+s16+$0x0] =	vst.idx.msk $0xffff, v1  }
0x6e9: {  	v2 =	vadd.s32 v44, v50;
	v0 =	vld.idx.msk [tilespmem:v58+s31+$0x0], $0xffff;
	[tilespmem:v60+s16+$0x0] =	vst.idx.msk $0xffff, v56  }
0x6ea: {  	v57 =	vadd.s32 v48, v52;
	v1 =	vld.idx.msk [tilespmem:v61+s31+$0x0], $0xffff  }
0x6eb: {  	v58 =	vadd.s32 $0x20, v51;
	v60 =	vadd.s32 v10, v54;
	v56 =	vld.idx.msk [tilespmem:v62+s30+$0x0], $0xffff  }
0x6ec: {  	v61 =	vadd.s32 $0xF, v53  }
0x6ed: {  	v62 =	vadd.s32 $0x3, v59  }
0x6ee: {  	[tilespmem:v2+s16+$0x0] =	vst.idx.msk $0xffff, v0  }
0x6ef: {  	[tilespmem:v57+s16+$0x0] =	vst.idx.msk $0xffff, v1  }
0x6f0: {  	v2 =	vadd.s32 v45, v50;
	v0 =	vld.idx.msk [tilespmem:v58+s31+$0x0], $0xffff;
	[tilespmem:v60+s16+$0x0] =	vst.idx.msk $0xffff, v56  }
0x6f1: {  	v57 =	vadd.s32 v28, v52;
	v1 =	vld.idx.msk [tilespmem:v61+s31+$0x0], $0xffff  }
0x6f2: {  	v58 =	vadd.s32 $0x21, v51;
	v60 =	vadd.s32 v11, v54;
	v56 =	vld.idx.msk [tilespmem:v62+s30+$0x0], $0xffff  }
0x6f3: {  	v61 =	vadd.s32 $0x10, v53  }
0x6f4: {  	v59 =	vadd.s32 $0x4, v59  }
0x6f5: {  	[tilespmem:v2+s16+$0x0] =	vst.idx.msk $0xffff, v0  }
0x6f6: {  	[tilespmem:v57+s16+$0x0] =	vst.idx.msk $0xffff, v1  }
0x6f7: {  	v2 =	vadd.s32 v46, v50;
	v0 =	vld.idx.msk [tilespmem:v58+s31+$0x0], $0xffff;
	[tilespmem:v60+s16+$0x0] =	vst.idx.msk $0xffff, v56  }
0x6f8: {  	v57 =	vadd.s32 v49, v52;
	v1 =	vld.idx.msk [tilespmem:v61+s31+$0x0], $0xffff  }
0x6f9: {  	v58 =	vadd.s32 $0x22, v51;
	v56 =	vld.idx.msk [tilespmem:v59+s30+$0x0], $0xffff;
	v59 =	vadd.s32 v12, v54  }
0x6fa: {  	v55 =	vmul.u32 $0x28, v55;
	v60 =	vadd.s32 $0x11, v53;
	_ =	sdelay $0x1  }
0x6fb: {  	[tilespmem:v2+s16+$0x0] =	vst.idx.msk $0xffff, v0  }
0x6fc: {  	[tilespmem:v57+s16+$0x0] =	vst.idx.msk $0xffff, v1  }
0x6fd: {  	v2 =	vadd.s32 v6, v50;
	v0 =	vld.idx.msk [tilespmem:v58+s31+$0x0], $0xffff;
	[tilespmem:v59+s16+$0x0] =	vst.idx.msk $0xffff, v56  }
0x6fe: {  	v57 =	vadd.s32 v30, v52;
	v1 =	vld.idx.msk [tilespmem:v60+s31+$0x0], $0xffff  }
0x6ff: {  	v58 =	vadd.s32 $0x23, v51;
	v59 =	vadd.s32 v29, v54;
	v56 =	vld.idx.msk [tilespmem:v55+s31+$0x0], $0xffff  }
0x700: {  	v60 =	vadd.s32 $0x12, v53  }
0x701: {  	v61 =	vor.u32 $0x1, v55  }
0x702: {  	[tilespmem:v2+s16+$0x0] =	vst.idx.msk $0xffff, v0  }
0x703: {  	[tilespmem:v57+s16+$0x0] =	vst.idx.msk $0xffff, v1  }
0x704: {  	v2 =	vadd.s32 v14, v50;
	v0 =	vld.idx.msk [tilespmem:v58+s31+$0x0], $0xffff;
	[tilespmem:v59+s16+$0x0] =	vst.idx.msk $0xffff, v56  }
0x705: {  	v57 =	vadd.s32 v31, v52;
	v1 =	vld.idx.msk [tilespmem:v60+s31+$0x0], $0xffff  }
0x706: {  	v58 =	vadd.s32 $0x24, v51;
	v59 =	vadd.s32 v27, v54;
	v56 =	vld.idx.msk [tilespmem:v61+s31+$0x0], $0xffff  }
0x707: {  	v60 =	vadd.s32 $0x13, v53;
	_ =	sdelay $0x1  }
0x708: {  	[tilespmem:v2+s16+$0x0] =	vst.idx.msk $0xffff, v0  }
0x709: {  	v61 =	vor.u32 $0x2, v55;
	[tilespmem:v57+s16+$0x0] =	vst.idx.msk $0xffff, v1  }
0x70a: {  	v2 =	vadd.s32 v13, v50;
	v0 =	vld.idx.msk [tilespmem:v58+s31+$0x0], $0xffff;
	[tilespmem:v59+s16+$0x0] =	vst.idx.msk $0xffff, v56  }
0x70b: {  	v57 =	vadd.s32 v32, v52;
	v1 =	vld.idx.msk [tilespmem:v60+s31+$0x0], $0xffff  }
0x70c: {  	v58 =	vadd.s32 $0x25, v51;
	_ =	sdelay $0x1  }
0x70d: {  	v59 =	vadd.s32 v15, v54;
	v56 =	vld.idx.msk [tilespmem:v61+s31+$0x0], $0xffff  }
0x70e: {  	v60 =	vadd.s32 $0x14, v53;
	[tilespmem:v2+s16+$0x0] =	vst.idx.msk $0xffff, v0  }
0x70f: {  	v61 =	vor.u32 $0x3, v55;
	[tilespmem:v57+s16+$0x0] =	vst.idx.msk $0xffff, v1  }
0x710: {  	v2 =	vadd.s32 v8, v50;
	v0 =	vld.idx.msk [tilespmem:v58+s31+$0x0], $0xffff;
	_ =	sdelay $0x1  }
0x711: {  	[tilespmem:v59+s16+$0x0] =	vst.idx.msk $0xffff, v56  }
0x712: {  	v1 =	vld.idx.msk [tilespmem:v60+s31+$0x0], $0xffff  }
0x713: {  	v57 =	vadd.s32 v33, v52;
	v56 =	vld.idx.msk [tilespmem:v61+s31+$0x0], $0xffff  }
0x714: {  	v58 =	vadd.s32 $0x26, v51;
	v59 =	vadd.s32 v16, v54;
	[tilespmem:v2+s16+$0x0] =	vst.idx.msk $0xffff, v0;
	v2 =	vld [tilespmem:$0x1FFB0]  }
0x715: {  	v60 =	vadd.s32 $0x15, v53;
	_ =	sdelay $0x2  }
0x716: {  	[tilespmem:v57+s16+$0x0] =	vst.idx.msk $0xffff, v1  }
0x717: {  	v61 =	vor.u32 $0x4, v55;
	v0 =	vld.idx.msk [tilespmem:v58+s31+$0x0], $0xffff;
	[tilespmem:v59+s16+$0x0] =	vst.idx.msk $0xffff, v56;
	v2 =	vadd.s32 v2, v50  }
0x718: {  	v57 =	vadd.s32 v34, v52;
	v1 =	vld.idx.msk [tilespmem:v60+s31+$0x0], $0xffff;
	_ =	sdelay $0x3  }
0x719: {  	v56 =	vld.idx.msk [tilespmem:v61+s31+$0x0], $0xffff;
	[tilespmem:v2+s16+$0x0] =	vst.idx.msk $0xffff, v0  }
0x71a: {  	v58 =	vadd.s32 $0x27, v51;
	[tilespmem:v57+s16+$0x0] =	vst.idx.msk $0xffff, v1;
	v1 =	vld [tilespmem:$0x1FFC0];
	_ =	sdelay $0x1  }
0x71b: {  	v51 =	vmov v53;
	v53 =	vmov v55;
	v55 =	vadd.s32 v17, v54  }
0x71c: {  	v59 =	vadd.s32 $0x16, v51  }
0x71d: {  	v60 =	vor.u32 $0x5, v53  }
0x71e: {  	p0 =	sne.s32 s21, $0x40;
	v0 =	vld.idx.msk [tilespmem:v58+s31+$0x0], $0xffff;
	v1 =	vadd.s32 v1, v50  }
.Ltmp7:
0x71f: {  	_ = 	snop;
	(pc) =	sbr.rel @p0 .LBB2_12-.Ltmp7, $4  }
0x720: {  	v63 =	vld [tilespmem:$0x1FFA0];
	[tilespmem:v55+s16+$0x0] =	vst.idx.msk $0xffff, v56  }
0x721: {  	v56 =	vld.idx.msk [tilespmem:v59+s31+$0x0], $0xffff  }
0x722: {  	s20 =	sadd.s32 $0x10, s20;
	v61 =	vor.u32 $0x6, v53;
	v59 =	vld.idx.msk [tilespmem:v60+s31+$0x0], $0xffff;
	v50 =	vmov v52;
	v52 =	vmov v54  }
0x723: {  	s19 =	smov.u32 s21;
	s21 =	sadd.s32 $0x10, s21;
	v58 =	vadd.s32 $0x17, v51;
	v54 =	vld [tilespmem:s20+$0x0];
	v57 =	vadd.s32 v35, v50;
	v60 =	vadd.s32 v18, v52;
	[tilespmem:v1+s16+$0x0] =	vst.idx.msk $0xffff, v0  }
0x724: {  	_ =	sdelay $0x3  }
0x725: {  	v0 =	vmul.u32 $0x5, v54  }
0x726: {  	v1 =	vmov s19  }
0x727: {  	v1 =	vmul.u32 $0x32, v1;
	_ =	sdelay $0x1  }
0x728: {  	v54 =	vbroadcast v1, $0x0;
	_ =	sdelay $0x1  }
0x729: {  	v2 =	vadd.s32 v63, v54;
	v1 =	vld.idx.msk [tilespmem:v0+s11+$0x0], $0xffff  }
0x72a: {  	v55 =	vadd.s32 $0x1, v0;
	_ =	sdelay $0x1  }
0x72b: {  	s0 =	sadd.s32 $0x10, s7  }
0x72c: {  	s20 =	sadd.s32 $0x10, s8;
	v62 =	vld [tilespmem:s0+$0x0]  }
0x72d: {  	v63 =	vld [tilespmem:s20+$0x0];
	[tilespmem:v2+s16+$0x0] =	vst.idx.msk $0xffff, v1  }
0x72e: {  	v2 =	vadd.s32 v4, v54;
	v1 =	vld.idx.msk [tilespmem:v55+s11+$0x0], $0xffff  }
0x72f: {  	v55 =	vadd.s32 $0x2, v0;
	_ =	sdelay $0x3  }
0x730: {  	[tilespmem:v2+s16+$0x0] =	vst.idx.msk $0xffff, v1  }
0x731: {  	v2 =	vadd.s32 v5, v54;
	v1 =	vld.idx.msk [tilespmem:v55+s11+$0x0], $0xffff  }
0x732: {  	v55 =	vadd.s32 $0x3, v0;
	_ =	sdelay $0x3  }
0x733: {  	[tilespmem:v2+s16+$0x0] =	vst.idx.msk $0xffff, v1  }
0x734: {  	v2 =	vadd.s32 v24, v54;
	v1 =	vld.idx.msk [tilespmem:v55+s11+$0x0], $0xffff  }
0x735: {  	v0 =	vadd.s32 $0x4, v0;
	_ =	sdelay $0x3  }
0x736: {  	[tilespmem:v2+s16+$0x0] =	vst.idx.msk $0xffff, v1  }
0x737: {  	v1 =	vmul.u32 $0x5, v62;
	v2 =	vadd.s32 v7, v54;
	v0 =	vld.idx.msk [tilespmem:v0+s11+$0x0], $0xffff;
	_ =	sdelay $0x4  }
0x738: {  	[tilespmem:v2+s16+$0x0] =	vst.idx.msk $0xffff, v0  }
0x739: {  	v2 =	vadd.s32 v23, v54;
	v0 =	vld.idx.msk [tilespmem:v1+s30+$0x0], $0xffff  }
0x73a: {  	v62 =	vadd.s32 $0x1, v1;
	_ =	sdelay $0x3  }
0x73b: {  	[tilespmem:v2+s16+$0x0] =	vst.idx.msk $0xffff, v0  }
0x73c: {  	v2 =	vadd.s32 v3, v54;
	v0 =	vld.idx.msk [tilespmem:v62+s30+$0x0], $0xffff  }
0x73d: {  	v62 =	vadd.s32 $0x2, v1;
	_ =	sdelay $0x3  }
0x73e: {  	[tilespmem:v2+s16+$0x0] =	vst.idx.msk $0xffff, v0  }
0x73f: {  	v2 =	vadd.s32 v10, v54;
	v0 =	vld.idx.msk [tilespmem:v62+s30+$0x0], $0xffff  }
0x740: {  	v62 =	vadd.s32 $0x3, v1;
	_ =	sdelay $0x3  }
0x741: {  	[tilespmem:v2+s16+$0x0] =	vst.idx.msk $0xffff, v0  }
0x742: {  	v2 =	vadd.s32 v11, v54;
	v0 =	vld.idx.msk [tilespmem:v62+s30+$0x0], $0xffff  }
0x743: {  	v1 =	vadd.s32 $0x4, v1;
	_ =	sdelay $0x3  }
0x744: {  	[tilespmem:v2+s16+$0x0] =	vst.idx.msk $0xffff, v0  }
0x745: {  	v55 =	vmul.u32 $0x28, v63;
	v0 =	vld.idx.msk [tilespmem:v1+s30+$0x0], $0xffff;
	v1 =	vadd.s32 v12, v54;
	_ =	sdelay $0x4  }
0x746: {  	[tilespmem:v1+s16+$0x0] =	vst.idx.msk $0xffff, v0  }
0x747: {  	v1 =	vadd.s32 v29, v54;
	v0 =	vld.idx.msk [tilespmem:v55+s31+$0x0], $0xffff  }
0x748: {  	v2 =	vor.u32 $0x1, v55;
	_ =	sdelay $0x3  }
0x749: {  	[tilespmem:v1+s16+$0x0] =	vst.idx.msk $0xffff, v0  }
0x74a: {  	v1 =	vadd.s32 v27, v54;
	v0 =	vld.idx.msk [tilespmem:v2+s31+$0x0], $0xffff  }
0x74b: {  	v2 =	vor.u32 $0x2, v55;
	_ =	sdelay $0x3  }
0x74c: {  	[tilespmem:v1+s16+$0x0] =	vst.idx.msk $0xffff, v0  }
0x74d: {  	v1 =	vadd.s32 v15, v54;
	v0 =	vld.idx.msk [tilespmem:v2+s31+$0x0], $0xffff  }
0x74e: {  	v2 =	vor.u32 $0x3, v55;
	_ =	sdelay $0x3  }
0x74f: {  	[tilespmem:v1+s16+$0x0] =	vst.idx.msk $0xffff, v0  }
0x750: {  	v1 =	vadd.s32 v16, v54;
	v0 =	vld.idx.msk [tilespmem:v2+s31+$0x0], $0xffff  }
0x751: {  	v2 =	vor.u32 $0x4, v55;
	_ =	sdelay $0x3  }
0x752: {  	[tilespmem:v1+s16+$0x0] =	vst.idx.msk $0xffff, v0  }
0x753: {  	v1 =	vadd.s32 v17, v54;
	v0 =	vld.idx.msk [tilespmem:v2+s31+$0x0], $0xffff  }
0x754: {  	v2 =	vor.u32 $0x5, v55;
	_ =	sdelay $0x3  }
0x755: {  	[tilespmem:v1+s16+$0x0] =	vst.idx.msk $0xffff, v0  }
0x756: {  	v1 =	vadd.s32 v18, v54;
	v0 =	vld.idx.msk [tilespmem:v2+s31+$0x0], $0xffff  }
0x757: {  	v2 =	vor.u32 $0x6, v55;
	_ =	sdelay $0x1  }
0x758: {  	[tilespmem:v60+s16+$0x0] =	vst.idx.msk $0xffff, v59  }
0x759: {  	v60 =	vadd.s32 v19, v52;
	v59 =	vld.idx.msk [tilespmem:v61+s31+$0x0], $0xffff  }
0x75a: {  	[tilespmem:v1+s16+$0x0] =	vst.idx.msk $0xffff, v0;
	v0 =	vor.u32 $0x7, v53  }
0x75b: {  	v1 =	vld.idx.msk [tilespmem:v2+s31+$0x0], $0xffff;
	v2 =	vadd.s32 v19, v54  }
0x75c: {  	v61 =	vor.u32 $0x7, v55;
	_ =	sdelay $0x1  }
0x75d: {  	[tilespmem:v60+s16+$0x0] =	vst.idx.msk $0xffff, v59  }
0x75e: {  	v59 =	vadd.s32 v20, v52;
	v0 =	vld.idx.msk [tilespmem:v0+s31+$0x0], $0xffff  }
0x75f: {  	[tilespmem:v2+s16+$0x0] =	vst.idx.msk $0xffff, v1;
	v1 =	vadd.s32 $0x8, v53  }
0x760: {  	v60 =	vadd.s32 v20, v54;
	v2 =	vld.idx.msk [tilespmem:v61+s31+$0x0], $0xffff;
	_ =	sdelay $0x2  }
0x761: {  	v61 =	vadd.s32 $0x8, v55;
	[tilespmem:v59+s16+$0x0] =	vst.idx.msk $0xffff, v0  }
0x762: {  	v0 =	vld.idx.msk [tilespmem:v1+s31+$0x0], $0xffff;
	v1 =	vadd.s32 v21, v52  }
0x763: {  	[tilespmem:v60+s16+$0x0] =	vst.idx.msk $0xffff, v2;
	v2 =	vadd.s32 $0x9, v53;
	_ =	sdelay $0x2  }
0x764: {  	v60 =	vadd.s32 v21, v54;
	v59 =	vld.idx.msk [tilespmem:v61+s31+$0x0], $0xffff  }
0x765: {  	v61 =	vadd.s32 $0x9, v55;
	[tilespmem:v1+s16+$0x0] =	vst.idx.msk $0xffff, v0  }
0x766: {  	v1 =	vadd.s32 v22, v52;
	v0 =	vld.idx.msk [tilespmem:v2+s31+$0x0], $0xffff  }
0x767: {  	v2 =	vadd.s32 $0xA, v53;
	_ =	sdelay $0x1  }
0x768: {  	[tilespmem:v60+s16+$0x0] =	vst.idx.msk $0xffff, v59  }
0x769: {  	v60 =	vadd.s32 v22, v54;
	v59 =	vld.idx.msk [tilespmem:v61+s31+$0x0], $0xffff  }
0x76a: {  	v61 =	vadd.s32 $0xA, v55;
	[tilespmem:v1+s16+$0x0] =	vst.idx.msk $0xffff, v0  }
0x76b: {  	v1 =	vadd.s32 v36, v52;
	v0 =	vld.idx.msk [tilespmem:v2+s31+$0x0], $0xffff  }
0x76c: {  	v2 =	vadd.s32 $0xB, v53;
	_ =	sdelay $0x1  }
0x76d: {  	[tilespmem:v60+s16+$0x0] =	vst.idx.msk $0xffff, v59  }
0x76e: {  	v60 =	vadd.s32 v36, v54;
	v59 =	vld.idx.msk [tilespmem:v61+s31+$0x0], $0xffff  }
0x76f: {  	v61 =	vadd.s32 $0xB, v55;
	[tilespmem:v1+s16+$0x0] =	vst.idx.msk $0xffff, v0  }
0x770: {  	v1 =	vadd.s32 v47, v52;
	v0 =	vld.idx.msk [tilespmem:v2+s31+$0x0], $0xffff  }
0x771: {  	v2 =	vadd.s32 $0xC, v53;
	_ =	sdelay $0x1  }
0x772: {  	[tilespmem:v60+s16+$0x0] =	vst.idx.msk $0xffff, v59  }
0x773: {  	v60 =	vadd.s32 v47, v54;
	v59 =	vld.idx.msk [tilespmem:v61+s31+$0x0], $0xffff  }
0x774: {  	v61 =	vadd.s32 $0xC, v55;
	[tilespmem:v1+s16+$0x0] =	vst.idx.msk $0xffff, v0  }
0x775: {  	v1 =	vadd.s32 v26, v52;
	v0 =	vld.idx.msk [tilespmem:v2+s31+$0x0], $0xffff  }
0x776: {  	v2 =	vadd.s32 $0xD, v53;
	_ =	sdelay $0x1  }
0x777: {  	[tilespmem:v60+s16+$0x0] =	vst.idx.msk $0xffff, v59  }
0x778: {  	v60 =	vadd.s32 v26, v54;
	v59 =	vld.idx.msk [tilespmem:v61+s31+$0x0], $0xffff  }
0x779: {  	v61 =	vadd.s32 $0xD, v55;
	[tilespmem:v1+s16+$0x0] =	vst.idx.msk $0xffff, v0  }
0x77a: {  	v1 =	vadd.s32 v25, v52;
	v0 =	vld.idx.msk [tilespmem:v2+s31+$0x0], $0xffff  }
0x77b: {  	v2 =	vadd.s32 $0xE, v53;
	_ =	sdelay $0x1  }
0x77c: {  	[tilespmem:v60+s16+$0x0] =	vst.idx.msk $0xffff, v59  }
0x77d: {  	v60 =	vadd.s32 v25, v54;
	v59 =	vld.idx.msk [tilespmem:v61+s31+$0x0], $0xffff  }
0x77e: {  	v61 =	vadd.s32 $0xE, v55;
	[tilespmem:v1+s16+$0x0] =	vst.idx.msk $0xffff, v0  }
0x77f: {  	v1 =	vadd.s32 v48, v52;
	v0 =	vld.idx.msk [tilespmem:v2+s31+$0x0], $0xffff  }
0x780: {  	v2 =	vadd.s32 $0xF, v53;
	_ =	sdelay $0x1  }
0x781: {  	[tilespmem:v60+s16+$0x0] =	vst.idx.msk $0xffff, v59  }
0x782: {  	v60 =	vadd.s32 v48, v54;
	v59 =	vld.idx.msk [tilespmem:v61+s31+$0x0], $0xffff  }
0x783: {  	v61 =	vadd.s32 $0xF, v55;
	[tilespmem:v1+s16+$0x0] =	vst.idx.msk $0xffff, v0  }
0x784: {  	v1 =	vadd.s32 v28, v52;
	v0 =	vld.idx.msk [tilespmem:v2+s31+$0x0], $0xffff  }
0x785: {  	v2 =	vadd.s32 $0x10, v53;
	_ =	sdelay $0x1  }
0x786: {  	[tilespmem:v60+s16+$0x0] =	vst.idx.msk $0xffff, v59  }
0x787: {  	v60 =	vadd.s32 v28, v54;
	v59 =	vld.idx.msk [tilespmem:v61+s31+$0x0], $0xffff  }
0x788: {  	v61 =	vadd.s32 $0x10, v55;
	[tilespmem:v1+s16+$0x0] =	vst.idx.msk $0xffff, v0  }
0x789: {  	v1 =	vadd.s32 v49, v52;
	v0 =	vld.idx.msk [tilespmem:v2+s31+$0x0], $0xffff  }
0x78a: {  	v2 =	vadd.s32 $0x11, v53;
	_ =	sdelay $0x1  }
0x78b: {  	[tilespmem:v60+s16+$0x0] =	vst.idx.msk $0xffff, v59  }
0x78c: {  	v60 =	vadd.s32 v49, v54;
	v59 =	vld.idx.msk [tilespmem:v61+s31+$0x0], $0xffff  }
0x78d: {  	v61 =	vadd.s32 $0x11, v55;
	[tilespmem:v1+s16+$0x0] =	vst.idx.msk $0xffff, v0  }
0x78e: {  	v1 =	vadd.s32 v30, v52;
	v0 =	vld.idx.msk [tilespmem:v2+s31+$0x0], $0xffff  }
0x78f: {  	v2 =	vadd.s32 $0x12, v53;
	_ =	sdelay $0x1  }
0x790: {  	[tilespmem:v60+s16+$0x0] =	vst.idx.msk $0xffff, v59  }
0x791: {  	v60 =	vadd.s32 v30, v54;
	v59 =	vld.idx.msk [tilespmem:v61+s31+$0x0], $0xffff  }
0x792: {  	v61 =	vadd.s32 $0x12, v55;
	[tilespmem:v1+s16+$0x0] =	vst.idx.msk $0xffff, v0  }
0x793: {  	v1 =	vadd.s32 v31, v52;
	v0 =	vld.idx.msk [tilespmem:v2+s31+$0x0], $0xffff  }
0x794: {  	v2 =	vadd.s32 $0x13, v53;
	_ =	sdelay $0x1  }
0x795: {  	[tilespmem:v60+s16+$0x0] =	vst.idx.msk $0xffff, v59  }
0x796: {  	v60 =	vadd.s32 v31, v54;
	v59 =	vld.idx.msk [tilespmem:v61+s31+$0x0], $0xffff  }
0x797: {  	v61 =	vadd.s32 $0x13, v55;
	[tilespmem:v1+s16+$0x0] =	vst.idx.msk $0xffff, v0  }
0x798: {  	v1 =	vadd.s32 v32, v52;
	v0 =	vld.idx.msk [tilespmem:v2+s31+$0x0], $0xffff  }
0x799: {  	v2 =	vadd.s32 $0x14, v53;
	_ =	sdelay $0x1  }
0x79a: {  	[tilespmem:v60+s16+$0x0] =	vst.idx.msk $0xffff, v59  }
0x79b: {  	v60 =	vadd.s32 v32, v54;
	v59 =	vld.idx.msk [tilespmem:v61+s31+$0x0], $0xffff  }
0x79c: {  	v61 =	vadd.s32 $0x14, v55;
	[tilespmem:v1+s16+$0x0] =	vst.idx.msk $0xffff, v0  }
0x79d: {  	v1 =	vadd.s32 v33, v52;
	v0 =	vld.idx.msk [tilespmem:v2+s31+$0x0], $0xffff  }
0x79e: {  	v2 =	vadd.s32 $0x15, v53;
	_ =	sdelay $0x1  }
0x79f: {  	[tilespmem:v60+s16+$0x0] =	vst.idx.msk $0xffff, v59  }
0x7a0: {  	v60 =	vadd.s32 v33, v54;
	v59 =	vld.idx.msk [tilespmem:v61+s31+$0x0], $0xffff  }
0x7a1: {  	v61 =	vadd.s32 $0x15, v55;
	[tilespmem:v1+s16+$0x0] =	vst.idx.msk $0xffff, v0  }
0x7a2: {  	v1 =	vadd.s32 v34, v52;
	v0 =	vld.idx.msk [tilespmem:v2+s31+$0x0], $0xffff  }
0x7a3: {  	v2 =	vadd.s32 $0x16, v53;
	_ =	sdelay $0x1  }
0x7a4: {  	[tilespmem:v60+s16+$0x0] =	vst.idx.msk $0xffff, v59  }
0x7a5: {  	v60 =	vadd.s32 v34, v54;
	v59 =	vld.idx.msk [tilespmem:v61+s31+$0x0], $0xffff  }
0x7a6: {  	v61 =	vadd.s32 $0x16, v55;
	[tilespmem:v1+s16+$0x0] =	vst.idx.msk $0xffff, v0  }
0x7a7: {  	v1 =	vadd.s32 v35, v52;
	v0 =	vld.idx.msk [tilespmem:v2+s31+$0x0], $0xffff  }
0x7a8: {  	v2 =	vadd.s32 $0x17, v53;
	_ =	sdelay $0x1  }
0x7a9: {  	[tilespmem:v60+s16+$0x0] =	vst.idx.msk $0xffff, v59  }
0x7aa: {  	[tilespmem:v57+s16+$0x0] =	vst.idx.msk $0xffff, v56;
	v60 =	vadd.s32 v35, v54;
	v59 =	vld.idx.msk [tilespmem:v61+s31+$0x0], $0xffff  }
0x7ab: {  	v57 =	vadd.s32 v9, v50;
	v56 =	vld.idx.msk [tilespmem:v58+s31+$0x0], $0xffff;
	v61 =	vadd.s32 $0x17, v55;
	[tilespmem:v1+s16+$0x0] =	vst.idx.msk $0xffff, v0  }
0x7ac: {  	v0 =	vadd.s32 $0x18, v51;
	v1 =	vld.idx.msk [tilespmem:v2+s31+$0x0], $0xffff;
	v2 =	vadd.s32 v9, v52  }
0x7ad: {  	v58 =	vadd.s32 $0x18, v53;
	_ =	sdelay $0x1  }
0x7ae: {  	[tilespmem:v60+s16+$0x0] =	vst.idx.msk $0xffff, v59  }
0x7af: {  	[tilespmem:v57+s16+$0x0] =	vst.idx.msk $0xffff, v56;
	v60 =	vadd.s32 v9, v54;
	v59 =	vld.idx.msk [tilespmem:v61+s31+$0x0], $0xffff  }
0x7b0: {  	v56 =	vadd.s32 v37, v50;
	v61 =	vadd.s32 $0x18, v55;
	v0 =	vld.idx.msk [tilespmem:v0+s31+$0x0], $0xffff;
	[tilespmem:v2+s16+$0x0] =	vst.idx.msk $0xffff, v1  }
0x7b1: {  	v57 =	vadd.s32 v37, v52;
	v1 =	vadd.s32 $0x19, v51;
	v2 =	vld.idx.msk [tilespmem:v58+s31+$0x0], $0xffff  }
0x7b2: {  	v58 =	vadd.s32 $0x19, v53;
	_ =	sdelay $0x1  }
0x7b3: {  	[tilespmem:v60+s16+$0x0] =	vst.idx.msk $0xffff, v59  }
0x7b4: {  	v60 =	vadd.s32 v37, v54;
	v59 =	vld.idx.msk [tilespmem:v61+s31+$0x0], $0xffff;
	[tilespmem:v56+s16+$0x0] =	vst.idx.msk $0xffff, v0  }
0x7b5: {  	v61 =	vadd.s32 $0x19, v55;
	v0 =	vld.idx.msk [tilespmem:v1+s31+$0x0], $0xffff;
	v1 =	vadd.s32 v38, v50;
	[tilespmem:v57+s16+$0x0] =	vst.idx.msk $0xffff, v2  }
0x7b6: {  	v2 =	vadd.s32 $0x1A, v51;
	v57 =	vadd.s32 v38, v52;
	v56 =	vld.idx.msk [tilespmem:v58+s31+$0x0], $0xffff  }
0x7b7: {  	v58 =	vadd.s32 $0x1A, v53;
	_ =	sdelay $0x1  }
0x7b8: {  	[tilespmem:v60+s16+$0x0] =	vst.idx.msk $0xffff, v59  }
0x7b9: {  	v60 =	vadd.s32 v38, v54;
	v59 =	vld.idx.msk [tilespmem:v61+s31+$0x0], $0xffff;
	[tilespmem:v1+s16+$0x0] =	vst.idx.msk $0xffff, v0  }
0x7ba: {  	v61 =	vadd.s32 $0x1A, v55;
	v1 =	vadd.s32 v39, v50;
	v0 =	vld.idx.msk [tilespmem:v2+s31+$0x0], $0xffff;
	[tilespmem:v57+s16+$0x0] =	vst.idx.msk $0xffff, v56  }
0x7bb: {  	v2 =	vadd.s32 $0x1B, v51;
	v57 =	vadd.s32 v39, v52;
	v56 =	vld.idx.msk [tilespmem:v58+s31+$0x0], $0xffff  }
0x7bc: {  	v58 =	vadd.s32 $0x1B, v53;
	_ =	sdelay $0x1  }
0x7bd: {  	[tilespmem:v60+s16+$0x0] =	vst.idx.msk $0xffff, v59  }
0x7be: {  	v60 =	vadd.s32 v39, v54;
	v59 =	vld.idx.msk [tilespmem:v61+s31+$0x0], $0xffff;
	[tilespmem:v1+s16+$0x0] =	vst.idx.msk $0xffff, v0  }
0x7bf: {  	v61 =	vadd.s32 $0x1B, v55;
	v1 =	vadd.s32 v40, v50;
	v0 =	vld.idx.msk [tilespmem:v2+s31+$0x0], $0xffff;
	[tilespmem:v57+s16+$0x0] =	vst.idx.msk $0xffff, v56  }
0x7c0: {  	v2 =	vadd.s32 $0x1C, v51;
	v57 =	vadd.s32 v40, v52;
	v56 =	vld.idx.msk [tilespmem:v58+s31+$0x0], $0xffff  }
0x7c1: {  	v58 =	vadd.s32 $0x1C, v53;
	_ =	sdelay $0x1  }
0x7c2: {  	[tilespmem:v60+s16+$0x0] =	vst.idx.msk $0xffff, v59  }
0x7c3: {  	v60 =	vadd.s32 v40, v54;
	v59 =	vld.idx.msk [tilespmem:v61+s31+$0x0], $0xffff;
	[tilespmem:v1+s16+$0x0] =	vst.idx.msk $0xffff, v0  }
0x7c4: {  	v61 =	vadd.s32 $0x1C, v55;
	v1 =	vadd.s32 v41, v50;
	v0 =	vld.idx.msk [tilespmem:v2+s31+$0x0], $0xffff;
	[tilespmem:v57+s16+$0x0] =	vst.idx.msk $0xffff, v56  }
0x7c5: {  	v2 =	vadd.s32 $0x1D, v51;
	v57 =	vadd.s32 v41, v52;
	v56 =	vld.idx.msk [tilespmem:v58+s31+$0x0], $0xffff  }
0x7c6: {  	v58 =	vadd.s32 $0x1D, v53;
	_ =	sdelay $0x1  }
0x7c7: {  	[tilespmem:v60+s16+$0x0] =	vst.idx.msk $0xffff, v59  }
0x7c8: {  	v60 =	vadd.s32 v41, v54;
	v59 =	vld.idx.msk [tilespmem:v61+s31+$0x0], $0xffff;
	[tilespmem:v1+s16+$0x0] =	vst.idx.msk $0xffff, v0  }
0x7c9: {  	v61 =	vadd.s32 $0x1D, v55;
	v1 =	vadd.s32 v42, v50;
	v0 =	vld.idx.msk [tilespmem:v2+s31+$0x0], $0xffff;
	[tilespmem:v57+s16+$0x0] =	vst.idx.msk $0xffff, v56  }
0x7ca: {  	v2 =	vadd.s32 $0x1E, v51;
	v57 =	vadd.s32 v42, v52;
	v56 =	vld.idx.msk [tilespmem:v58+s31+$0x0], $0xffff  }
0x7cb: {  	v58 =	vadd.s32 $0x1E, v53;
	_ =	sdelay $0x1  }
0x7cc: {  	[tilespmem:v60+s16+$0x0] =	vst.idx.msk $0xffff, v59  }
0x7cd: {  	v60 =	vadd.s32 v42, v54;
	v59 =	vld.idx.msk [tilespmem:v61+s31+$0x0], $0xffff;
	[tilespmem:v1+s16+$0x0] =	vst.idx.msk $0xffff, v0  }
0x7ce: {  	v61 =	vadd.s32 $0x1E, v55;
	v1 =	vadd.s32 v43, v50;
	v0 =	vld.idx.msk [tilespmem:v2+s31+$0x0], $0xffff;
	[tilespmem:v57+s16+$0x0] =	vst.idx.msk $0xffff, v56  }
0x7cf: {  	v2 =	vadd.s32 $0x1F, v51;
	v57 =	vadd.s32 v43, v52;
	v56 =	vld.idx.msk [tilespmem:v58+s31+$0x0], $0xffff  }
0x7d0: {  	v58 =	vadd.s32 $0x1F, v53;
	_ =	sdelay $0x1  }
0x7d1: {  	[tilespmem:v60+s16+$0x0] =	vst.idx.msk $0xffff, v59  }
0x7d2: {  	v60 =	vadd.s32 v43, v54;
	v59 =	vld.idx.msk [tilespmem:v61+s31+$0x0], $0xffff;
	[tilespmem:v1+s16+$0x0] =	vst.idx.msk $0xffff, v0  }
0x7d3: {  	v61 =	vadd.s32 $0x1F, v55;
	v1 =	vadd.s32 v44, v50;
	v0 =	vld.idx.msk [tilespmem:v2+s31+$0x0], $0xffff;
	[tilespmem:v57+s16+$0x0] =	vst.idx.msk $0xffff, v56  }
0x7d4: {  	v2 =	vadd.s32 $0x20, v51;
	v57 =	vadd.s32 v44, v52;
	v56 =	vld.idx.msk [tilespmem:v58+s31+$0x0], $0xffff  }
0x7d5: {  	v58 =	vadd.s32 $0x20, v53;
	_ =	sdelay $0x1  }
0x7d6: {  	[tilespmem:v60+s16+$0x0] =	vst.idx.msk $0xffff, v59  }
0x7d7: {  	v60 =	vadd.s32 v44, v54;
	v59 =	vld.idx.msk [tilespmem:v61+s31+$0x0], $0xffff;
	[tilespmem:v1+s16+$0x0] =	vst.idx.msk $0xffff, v0  }
0x7d8: {  	v61 =	vadd.s32 $0x20, v55;
	v1 =	vadd.s32 v45, v50;
	v0 =	vld.idx.msk [tilespmem:v2+s31+$0x0], $0xffff;
	[tilespmem:v57+s16+$0x0] =	vst.idx.msk $0xffff, v56  }
0x7d9: {  	v2 =	vadd.s32 $0x21, v51;
	v57 =	vadd.s32 v45, v52;
	v56 =	vld.idx.msk [tilespmem:v58+s31+$0x0], $0xffff  }
0x7da: {  	v58 =	vadd.s32 $0x21, v53;
	_ =	sdelay $0x1  }
0x7db: {  	[tilespmem:v60+s16+$0x0] =	vst.idx.msk $0xffff, v59  }
0x7dc: {  	v60 =	vadd.s32 v45, v54;
	v59 =	vld.idx.msk [tilespmem:v61+s31+$0x0], $0xffff;
	[tilespmem:v1+s16+$0x0] =	vst.idx.msk $0xffff, v0  }
0x7dd: {  	v61 =	vadd.s32 $0x21, v55;
	v1 =	vadd.s32 v46, v50;
	v0 =	vld.idx.msk [tilespmem:v2+s31+$0x0], $0xffff;
	[tilespmem:v57+s16+$0x0] =	vst.idx.msk $0xffff, v56  }
0x7de: {  	v2 =	vadd.s32 $0x22, v51;
	v57 =	vadd.s32 v46, v52;
	v56 =	vld.idx.msk [tilespmem:v58+s31+$0x0], $0xffff  }
0x7df: {  	v58 =	vadd.s32 $0x22, v53;
	_ =	sdelay $0x1  }
0x7e0: {  	[tilespmem:v60+s16+$0x0] =	vst.idx.msk $0xffff, v59  }
0x7e1: {  	v60 =	vadd.s32 v46, v54;
	v59 =	vld.idx.msk [tilespmem:v61+s31+$0x0], $0xffff;
	[tilespmem:v1+s16+$0x0] =	vst.idx.msk $0xffff, v0  }
0x7e2: {  	v61 =	vadd.s32 $0x22, v55;
	v1 =	vadd.s32 v6, v50;
	v0 =	vld.idx.msk [tilespmem:v2+s31+$0x0], $0xffff;
	[tilespmem:v57+s16+$0x0] =	vst.idx.msk $0xffff, v56  }
0x7e3: {  	v2 =	vadd.s32 $0x23, v51;
	v57 =	vadd.s32 v6, v52;
	v56 =	vld.idx.msk [tilespmem:v58+s31+$0x0], $0xffff  }
0x7e4: {  	v58 =	vadd.s32 $0x23, v53;
	_ =	sdelay $0x1  }
0x7e5: {  	[tilespmem:v60+s16+$0x0] =	vst.idx.msk $0xffff, v59  }
0x7e6: {  	v60 =	vadd.s32 v6, v54;
	v59 =	vld.idx.msk [tilespmem:v61+s31+$0x0], $0xffff;
	[tilespmem:v1+s16+$0x0] =	vst.idx.msk $0xffff, v0  }
0x7e7: {  	v61 =	vadd.s32 $0x23, v55;
	v1 =	vadd.s32 v14, v50;
	v0 =	vld.idx.msk [tilespmem:v2+s31+$0x0], $0xffff;
	[tilespmem:v57+s16+$0x0] =	vst.idx.msk $0xffff, v56  }
0x7e8: {  	v2 =	vadd.s32 $0x24, v51;
	v57 =	vadd.s32 v14, v52;
	v56 =	vld.idx.msk [tilespmem:v58+s31+$0x0], $0xffff  }
0x7e9: {  	v58 =	vadd.s32 $0x24, v53;
	_ =	sdelay $0x1  }
0x7ea: {  	[tilespmem:v60+s16+$0x0] =	vst.idx.msk $0xffff, v59  }
0x7eb: {  	v60 =	vadd.s32 v14, v54;
	v59 =	vld.idx.msk [tilespmem:v61+s31+$0x0], $0xffff;
	[tilespmem:v1+s16+$0x0] =	vst.idx.msk $0xffff, v0  }
0x7ec: {  	v61 =	vadd.s32 $0x24, v55;
	v1 =	vadd.s32 v13, v50;
	v0 =	vld.idx.msk [tilespmem:v2+s31+$0x0], $0xffff;
	[tilespmem:v57+s16+$0x0] =	vst.idx.msk $0xffff, v56  }
0x7ed: {  	v2 =	vadd.s32 $0x25, v51;
	v57 =	vadd.s32 v13, v52;
	v56 =	vld.idx.msk [tilespmem:v58+s31+$0x0], $0xffff  }
0x7ee: {  	v58 =	vadd.s32 $0x25, v53;
	_ =	sdelay $0x1  }
0x7ef: {  	[tilespmem:v60+s16+$0x0] =	vst.idx.msk $0xffff, v59  }
0x7f0: {  	v60 =	vadd.s32 v13, v54;
	v59 =	vld.idx.msk [tilespmem:v61+s31+$0x0], $0xffff;
	[tilespmem:v1+s16+$0x0] =	vst.idx.msk $0xffff, v0  }
0x7f1: {  	v1 =	vadd.s32 v8, v50;
	v0 =	vld.idx.msk [tilespmem:v2+s31+$0x0], $0xffff;
	[tilespmem:v57+s16+$0x0] =	vst.idx.msk $0xffff, v56  }
0x7f2: {  	v57 =	vadd.s32 v8, v52;
	v56 =	vld.idx.msk [tilespmem:v58+s31+$0x0], $0xffff;
	_ =	sdelay $0x2  }
0x7f3: {  	[tilespmem:v60+s16+$0x0] =	vst.idx.msk $0xffff, v59  }
0x7f4: {  	[tilespmem:v1+s16+$0x0] =	vst.idx.msk $0xffff, v0  }
0x7f5: {  	v61 =	vadd.s32 $0x25, v55;
	[tilespmem:v57+s16+$0x0] =	vst.idx.msk $0xffff, v56  }
0x7f6: {  	v62 =	vmov v8;
	v2 =	vadd.s32 $0x26, v51;
	v60 =	vadd.s32 v8, v54;
	v8 =	vld [tilespmem:$0x1FFB0]  }
0x7f7: {  	v58 =	vadd.s32 $0x26, v53;
	_ =	sdelay $0x2  }
0x7f8: {  	v59 =	vld.idx.msk [tilespmem:v61+s31+$0x0], $0xffff  }
0x7f9: {  	v0 =	vld.idx.msk [tilespmem:v2+s31+$0x0], $0xffff;
	v1 =	vadd.s32 v8, v50  }
0x7fa: {  	v2 =	vadd.s32 $0x27, v51;
	v51 =	vld.idx.msk [tilespmem:v58+s31+$0x0], $0xffff;
	v56 =	vadd.s32 v8, v52;
	_ =	sdelay $0x2  }
0x7fb: {  	[tilespmem:v60+s16+$0x0] =	vst.idx.msk $0xffff, v59  }
0x7fc: {  	v61 =	vadd.s32 $0x26, v55;
	[tilespmem:v1+s16+$0x0] =	vst.idx.msk $0xffff, v0  }
0x7fd: {  	[tilespmem:v56+s16+$0x0] =	vst.idx.msk $0xffff, v51  }
0x7fe: {  	v5 =	vld [tilespmem:$0x1FFC0];
	_ =	sdelay $0x2  }
0x7ff: {  	v53 =	vadd.s32 $0x27, v53;
	v60 =	vld.idx.msk [tilespmem:v61+s31+$0x0], $0xffff;
	v61 =	vadd.s32 v8, v54  }
0x800: {  	v55 =	vadd.s32 $0x27, v55  }
0x801: {  	v0 =	vld.idx.msk [tilespmem:v2+s31+$0x0], $0xffff;
	v1 =	vadd.s32 v5, v50;
	_ =	sdelay $0x2  }
0x802: {  	[tilespmem:v61+s16+$0x0] =	vst.idx.msk $0xffff, v60;
	v2 =	vld.idx.msk [tilespmem:v53+s31+$0x0], $0xffff;
	v59 =	vadd.s32 v5, v52  }
0x803: {  	v60 =	vld.idx.msk [tilespmem:v55+s31+$0x0], $0xffff;
	v61 =	vadd.s32 v5, v54  }
0x804: {  	[tilespmem:v1+s16+$0x0] =	vst.idx.msk $0xffff, v0  }
0x805: {  	s21 =	rddreg [dreg:$0x1a]  }
0x806: {  	s0 =	sadd.s32 s6, s21  }
0x807: {  	s1 =	rddreg [dreg:$0x0];
	[tilespmem:v59+s16+$0x0] =	vst.idx.msk $0xffff, v2;
	s0 =	sshrl.u32 s0, $0x3  }
0x808: {  	s2 =	simm.s32 $0x4F00;
	s22 =	rddreg [dreg:$0x1];
	[tilespmem:v61+s16+$0x0] =	vst.idx.msk $0xffff, v60;
	s1 =	sadd.s32 s1, s0  }
0x809: {  	[tilespmem:s2], [sflag:$0x2] =	stream.linear.gather [hbm4b:s1+s11], $0x50, $0x38;
	[tilespmem:$0x1F380] =	vst v63  }
0x80a: {  	s23 =	simm.s32 $0x5000;
	s24 =	rddreg [dreg:$0x2];
	s1 =	sadd.s32 s22, s0  }
0x80b: {  	[tilespmem:s23], [sflag:$0x2] =	stream.linear.gather [hbm4b:s1+s11], $0x50, $0x38;
	[tilespmem:$0x1F380] =	vst v63  }
0x80c: {  	s25 =	simm.s32 $0x5100;
	s1 =	sadd.s32 s24, s0  }
0x80d: {  	[tilespmem:s25], [sflag:$0x2] =	stream.linear.gather [hbm4b:s1+s11], $0x50, $0x38;
	[tilespmem:$0x1F380] =	vst v63  }
.Ltmp8:
0x80e: {  	s26 =	rddreg [dreg:$0x3];
	(pc) =	sbr.rel .LBB2_4-.Ltmp8, $4  }
0x80f: {  	s28 =	rddreg [dreg:$0x4];
	v24 =	vmov v23;
	v23 =	vmov v3;
	v3 =	vmov v9;
	s1 =	sadd.s32 s26, s0  }
0x810: {  	v4 =	vmovc v14;
	v63 =	vmovc v13;
	v9 =	vmov v6;
	v14 =	vmov v27;
	v27 =	vmov v47;
	[tilespmem:s9], [sflag:$0x2] =	stream.linear.gather [hbm4b:s1+s11], $0x50, $0x38;
	[tilespmem:$0x1F380] =	vst v63  }
0x811: {  	s14 =	sadd.s32 $0x1, s14;
	v47 =	vmovc v9;
	v13 =	vmovc v29;
	v29 =	vmov v49;
	v49 =	vmov v63;
	v56 =	vmov v23;
	v5 =	vld [tilespmem:$0x1FFD0];
	s0 =	sadd.s32 s28, s0  }
0x812: {  	v23 =	vmovc v48;
	v48 =	vmovc v4;
	v60 =	vmov v36;
	v36 =	vmov v3;
	v3 =	vmov v62;
	v6 =	vld [tilespmem:$0x1FFE0];
	[tilespmem:s10], [sflag:$0x2] =	stream.linear.gather [hbm4b:s0+s11], $0x50, $0x38  }
.LBB2_15:
0x813: {  	_ =	sfence.sel $0x180000  }
0x814: {  	[bflag:$0x0] =	sbarrier.arrive $0xFFFF  }
0x815: {  	_ =	strace $0x90000047  }
0x816: {  	s0 =	stileid.u32;
	[bflag:$0x2] =	sbarrier.arrive $0xFFFF  }
0x817: {  	p0 =	sne.s32 s0, $0x0;
	s0 =	rddreg [dreg:$0xa]  }
0x818: {  	s0 =	sadd.s32 @!p0 $0x100000, s0  }
0x819: {  	[sflag:s0] =	ssyncadd.tile.s32 @!p0 $0x1;
	_ =	shalt  }
.Lfunc_end2:
_tile_overlayer_lowered:
.L_overlay_start_2:
0x81a: {  	(tag) =	ssettag $0x2  }
0x81b: {  	s0 =	rddreg [dreg:$0x0];
	s2 =	stileid.u32  }
0x81c: {  	s1 =	rddreg [dreg:$0x1];
	p0 =	sne.s32 s2, $0x0  }
0x81d: {  	s3 =	rddreg [dreg:$0x2];
	[bflag:$0x3] =	sbarrier.arrive $0xFFFF;
	s2 =	simm.s32 @!p0 $0x1C07  }
0x81e: {  	[timem:s3], [sflag:s2] =	dma.local @!p0 [hbm:s0], s1  }
0x81f: {  	s0 =	simm.s32 @!p0 $0x7  }
0x820: {  	_ =	swait.ge @!p0 [sflag:s0], s1  }
0x821: {  	s1 =	ssub.s32 @!p0 $0x0, s1;
	[sflag:s0] =	ssyncset.done @!p0 $0x0  }
0x822: {  	[sflag:s0] =	ssyncadd.s32 @!p0 s1  }
0x823: {  	[bflag:$0x3] =	sbarrier.arrive $0xFFFF  }
0x824: {  	_ =	shalt  }

</sc_bundles>
